<compile_context>
chip_gen: v7x
topology: tpu7x:2x2x1
jax: 0.10.2.dev20260603
libtpu: 0.0.44.dev20260713+nightly
codegen_flags: <defaults>
</compile_context>

<pallas_src>
import math
import functools

import jax
import jax.numpy as jnp
from jax import lax
from jax.experimental import pallas as pl
from jax.experimental.pallas import tpu as pltpu
from jax.experimental.pallas import tpu_sc as plsc

N_NODES_C = 10000
N_EDGES_C = 160000
N_GRAPHS_C = 16
TIME_DIM_C = 16

EDGE_BLOCK = 4000

_NC, _NS = 2, 16
_NW = _NC * _NS
_SUB = 128
_NBLK = N_EDGES_C // _SUB
_NPAD = 10240
_RPT = _NPAD // _NS
_ZROWS = 128
_ROWW = 72
_GATW = 40
_BPW = _NBLK // _NW + 1
_NBLK_PAD = _NW * _BPW

_sc_mesh = plsc.VectorSubcoreMesh(core_axis_name="c", subcore_axis_name="s")


def _silu(x):
    return x * jax.nn.sigmoid(x)


def _timestep_embedding(timesteps, dim, max_period=10000):
    half = dim // 2
    freqs = jnp.exp(-math.log(max_period) * jnp.arange(0, half, dtype=jnp.float32) / half)
    args = timesteps[:, None].astype(jnp.float32) * freqs[None]
    return jnp.concatenate([jnp.cos(args), jnp.sin(args)], axis=-1)



@functools.partial(
    pl.kernel,
    out_type=jax.ShapeDtypeStruct((_NC, _NPAD, _ROWW), jnp.float32),
    mesh=_sc_mesh,
    scratch_types=[
        pltpu.VMEM((_BPW, _SUB), jnp.int32),
        pltpu.VMEM((_SUB, _ROWW), jnp.float32),
        pltpu.VMEM((_SUB, _ROWW), jnp.float32),
        pltpu.VMEM((_ZROWS, _ROWW), jnp.float32),
        pltpu.VMEM_SHARED((_NPAD, _ROWW), jnp.float32),
        pltpu.SemaphoreType.DMA,
        pltpu.SemaphoreType.DMA,
    ],
    compiler_params=pltpu.CompilerParams(use_tc_tiling_on_sc=False),
)
def _sc_scatter(medge, row2, out, idx_v, dbuf0, dbuf1, zbuf, acc, sem0, sem1):
    cid = lax.axis_index("c")
    sid = lax.axis_index("s")
    wid = sid * _NC + cid

    def zrow(r, carry):
        for q in range(_ROWW // 16):
            zbuf[r, pl.ds(q * 16, 16)] = jnp.zeros((16,), jnp.float32)
        return carry
    lax.fori_loop(0, _ZROWS, zrow, 0)
    for q in range(_RPT // _ZROWS):
        pltpu.sync_copy(zbuf, acc.at[pl.ds(sid * _RPT + q * _ZROWS, _ZROWS)])
    plsc.subcore_barrier()

    startb = wid * (_NBLK // _NW) + jnp.minimum(wid, _NBLK % _NW)
    nb = (_NBLK // _NW) + jnp.where(wid < _NBLK % _NW, 1, 0)

    pltpu.sync_copy(row2.at[pl.ds(startb, _BPW)], idx_v)

    def fire(j, buf, sem):
        jl = jnp.minimum(j, nb - 1)
        pltpu.async_copy(medge.at[pl.ds((startb + jl) * _SUB, _SUB)], buf, sem)

    def drain_scatter(j, buf, sem):
        pltpu.make_async_copy(medge.at[pl.ds(0, _SUB)], buf, sem).wait()

        @pl.when(j < nb)
        def _():
            pltpu.sync_copy(buf, acc.at[idx_v.at[j]], add=True)

    fire(0, dbuf0, sem0)

    def pair(k, carry):
        fire(2 * k + 1, dbuf1, sem1)
        drain_scatter(2 * k, dbuf0, sem0)

        @pl.when(k < _BPW // 2 - 1)
        def _():
            fire(2 * k + 2, dbuf0, sem0)
        drain_scatter(2 * k + 1, dbuf1, sem1)
        return carry
    lax.fori_loop(0, _BPW // 2, pair, 0)
    plsc.subcore_barrier()

    for q in range(_RPT // _ZROWS):
        r0 = sid * _RPT + q * _ZROWS
        pltpu.sync_copy(acc.at[pl.ds(r0, _ZROWS)], out.at[cid, pl.ds(r0, _ZROWS)])



@functools.partial(
    pl.kernel,
    out_type=[jax.ShapeDtypeStruct((N_EDGES_C, _GATW), jnp.float32),
              jax.ShapeDtypeStruct((N_EDGES_C, _GATW), jnp.float32)],
    mesh=_sc_mesh,
    scratch_types=[
        pltpu.VMEM((_BPW, _SUB), jnp.int32),
        pltpu.VMEM((_BPW, _SUB), jnp.int32),
        pltpu.VMEM((_SUB, _GATW), jnp.float32),
        pltpu.VMEM((_SUB, _GATW), jnp.float32),
        pltpu.VMEM((_SUB, _GATW), jnp.float32),
        pltpu.VMEM((_SUB, _GATW), jnp.float32),
        pltpu.SemaphoreType.DMA,
        pltpu.SemaphoreType.DMA,
        pltpu.SemaphoreType.DMA,
        pltpu.SemaphoreType.DMA,
    ],
    compiler_params=pltpu.CompilerParams(use_tc_tiling_on_sc=False),
)
def _sc_gather(tab_a, tab_b, row2, col2, out_a, out_b,
               idxr, idxc, buf_a0, buf_b0, buf_a1, buf_b1,
               sem_a0, sem_b0, sem_a1, sem_b1):
    cid = lax.axis_index("c")
    sid = lax.axis_index("s")
    wid = sid * _NC + cid
    startb = wid * (_NBLK // _NW) + jnp.minimum(wid, _NBLK % _NW)
    nb = (_NBLK // _NW) + jnp.where(wid < _NBLK % _NW, 1, 0)

    pltpu.sync_copy(row2.at[pl.ds(startb, _BPW)], idxr)
    pltpu.sync_copy(col2.at[pl.ds(startb, _BPW)], idxc)

    def fire(j, ba, bb, sa, sb):
        jl = jnp.minimum(j, nb - 1)
        pltpu.async_copy(tab_a.at[idxr.at[jl]], ba, sa)
        pltpu.async_copy(tab_b.at[idxc.at[jl]], bb, sb)

    def drain_write(j, ba, bb, sa, sb):
        jl = jnp.minimum(j, nb - 1)
        pltpu.make_async_copy(tab_a.at[idxr.at[0]], ba, sa).wait()
        pltpu.make_async_copy(tab_b.at[idxc.at[0]], bb, sb).wait()
        off = (startb + jl) * _SUB
        pltpu.sync_copy(ba, out_a.at[pl.ds(off, _SUB)])
        pltpu.sync_copy(bb, out_b.at[pl.ds(off, _SUB)])

    fire(0, buf_a0, buf_b0, sem_a0, sem_b0)

    def pair(k, carry):
        fire(2 * k + 1, buf_a1, buf_b1, sem_a1, sem_b1)
        drain_write(2 * k, buf_a0, buf_b0, sem_a0, sem_b0)

        @pl.when(k < _BPW // 2 - 1)
        def _():
            fire(2 * k + 2, buf_a0, buf_b0, sem_a0, sem_b0)
        drain_write(2 * k + 1, buf_a1, buf_b1, sem_a1, sem_b1)
        return carry
    lax.fori_loop(0, _BPW // 2, pair, 0)



def _edge_block_kernel(ga_ref, gb_ref, eattr_ref,
                       w2_ref, b2_ref, wc0_ref, bc0_ref, wc1_ref, m4_ref,
                       medge_ref):
    ga = ga_ref[...]
    gb = gb_ref[...]
    eb = ga.shape[0]

    def _unpack(g):
        wi = jax.lax.bitcast_convert_type(g[:, :32], jnp.int32)
        hi = jax.lax.bitcast_convert_type(wi & jnp.int32(-65536), jnp.float32)
        lo = jax.lax.bitcast_convert_type(wi << 16, jnp.float32)
        return hi, lo

    ha_hi, ha_lo = _unpack(ga)
    hb_hi, hb_lo = _unpack(gb)
    hsum = jnp.concatenate([ha_hi + hb_hi, ha_lo + hb_lo], axis=1)
    cd = ga[:, 32:35] - gb[:, 32:35]
    radial = jnp.sum(cd * cd, axis=1, keepdims=True)
    ea = eattr_ref[...]
    with jax.default_matmul_precision("default"):
        pre1 = hsum + jnp.concatenate([ea, radial], axis=1) @ m4_ref[...]
        t1 = _silu(pre1)
        m = _silu(t1 @ w2_ref[...] + b2_ref[...])
        q = _silu(m @ wc0_ref[...] + bc0_ref[...])
    s = jnp.sum(q * wc1_ref[...], axis=1, keepdims=True)
    medge_ref[...] = jnp.concatenate(
        [m, cd * s, jnp.ones((eb, 1), jnp.float32),
         jnp.zeros((eb, _ROWW - 68), jnp.float32)], axis=1)


def _run_edge_block(ga, gb, eattr, w2, b2, wc0, bc0, wc1, m4):
    n_edges = ga.shape[0]
    grid = n_edges // EDGE_BLOCK
    eb = EDGE_BLOCK
    bs_e = lambda w: pl.BlockSpec((eb, w), lambda i: (i, 0))
    bs_c = lambda a, b: pl.BlockSpec((a, b), lambda i: (0, 0))
    medge = pl.pallas_call(
        _edge_block_kernel,
        grid=(grid,),
        in_specs=[bs_e(_GATW), bs_e(_GATW), bs_e(4),
                  bs_c(64, 64), bs_c(1, 64), bs_c(64, 64), bs_c(1, 64),
                  bs_c(1, 64), bs_c(5, 64)],
        out_specs=[bs_e(_ROWW)],
        out_shape=[jax.ShapeDtypeStruct((n_edges, _ROWW), jnp.float32)],
    )(ga, gb, eattr, w2, b2, wc0, bc0, wc1, m4)
    return medge[0]


def kernel(t, context, x, pos, eigvecs, edge_attr, params, edge_index, batch_ids):
    with jax.default_matmul_precision("float32"):
        return _forward_impl(t, context, x, pos, eigvecs, edge_attr, params,
                             edge_index, batch_ids)


def _forward_impl(t, context, x, pos, eigvecs, edge_attr, params, edge_index, batch_ids):
    f32 = jnp.float32
    pe = jnp.where(jnp.isnan(eigvecs), 0.0, eigvecs) @ params["pe_enc"]["W"] + params["pe_enc"]["b"]
    tg = _timestep_embedding(t, TIME_DIM_C)
    onehot_n = (batch_ids[:, None] == jnp.arange(N_GRAPHS_C)[None, :]).astype(f32)
    time_emb = onehot_n @ tg
    ctx = onehot_n @ (context @ params["context_emb"]["W"] + params["context_emb"]["b"])
    h_node = x @ params["node_emb"]["W"] + params["node_emb"]["b"]
    h = jnp.concatenate([h_node, pe, time_emb, ctx], axis=1)

    row = edge_index[0]
    col = edge_index[1]
    n = h.shape[0]
    ipad = jnp.zeros(((_NBLK_PAD - _NBLK) * _SUB,), row.dtype)
    row2 = jnp.concatenate([row, ipad]).reshape(_NBLK_PAD, _SUB)
    col2 = jnp.concatenate([col, ipad]).reshape(_NBLK_PAD, _SUB)
    zpad = jnp.zeros((n, _GATW - 35), f32)

    def _pack_tab(hmat, pp):
        hbits = jax.lax.bitcast_convert_type(hmat.astype(jnp.bfloat16), jnp.uint16)
        words = (hbits[:, :32].astype(jnp.uint32) << 16) | hbits[:, 32:].astype(jnp.uint32)
        hw = jax.lax.bitcast_convert_type(words, jnp.float32)
        return jnp.concatenate([hw, pp, zpad], axis=1)

    oh16 = (batch_ids[:N_GRAPHS_C, None] == jnp.arange(N_GRAPHS_C)[None, :]).astype(f32)
    ttab = oh16 @ tg

    we = params["edge_emb"]["W"]
    be = params["edge_emb"]["b"]

    conv = params["convs"][0]
    h = h @ conv["emb_in"]["W"] + conv["emb_in"]["b"]
    p = pos

    for gcl in conv["gcls"]:
        w1 = gcl["edge_mlp"][0]["W"]
        b1 = gcl["edge_mlp"][0]["b"]
        w1a, w1b = w1[0:64], w1[64:128]
        wr = w1[128:129]
        w1e = w1[129:177]
        w1t = w1[177:193]
        m4 = jnp.concatenate([we @ w1e, wr], axis=0)
        tvec = ttab @ w1t + (be @ w1e + b1)[None, :]
        hA = h @ w1a + onehot_n @ tvec
        hB = h @ w1b
        tab_a = _pack_tab(hA, p)
        tab_b = _pack_tab(hB, p)

        ga, gb = _sc_gather(tab_a, tab_b, row2, col2)

        w2, b2 = gcl["edge_mlp"][1]["W"], gcl["edge_mlp"][1]["b"]
        wc0, bc0 = gcl["coord_mlp"][0]["W"], gcl["coord_mlp"][0]["b"]
        wc1 = gcl["coord_mlp"][1]["W"].T
        medge = _run_edge_block(ga, gb, edge_attr, w2,
                                b2[None, :], wc0, bc0[None, :], wc1, m4)

        parts = _sc_scatter(medge, row2)
        tot = parts[0, :n] + parts[1, :n]
        agg = tot[:, :64]
        trans_sum = tot[:, 64:67]
        cnt = tot[:, 67:68]
        p = p + trans_sum / jnp.maximum(cnt, 1.0)

        wn0, bn0 = gcl["node_mlp"][0]["W"], gcl["node_mlp"][0]["b"]
        wn1, bn1 = gcl["node_mlp"][1]["W"], gcl["node_mlp"][1]["b"]
        hid = _silu(h @ wn0[:64] + agg @ wn0[64:] + bn0)
        h = h + (hid @ wn1 + bn1)

    h = h @ conv["emb_out"]["W"] + conv["emb_out"]["b"]

    hg = onehot_n.T @ h
    mlp = params["mlp"]
    out = jax.nn.relu(hg @ mlp[0]["W"] + mlp[0]["b"])
    out = jax.nn.relu(out @ mlp[1]["W"] + mlp[1]["b"])
    out = out @ mlp[2]["W"] + mlp[2]["b"]
    return out

# --- scband reference (transcript-rebuilt; emitter-appended) ---
"""Pipeline reference for scband-graph-model-19902878450289 (READ-ONLY COPY).

The authoritative reference and input builder live on the scoring server;
editing this copy changes nothing except your own understanding.
"""

import math
import jax, jax.numpy as jnp
import numpy as np

N_NODES = 10000
N_EDGES = 160000
N_GRAPHS = 16
CHANNELS = 64
PE_DIM = 8
MAX_FREQS = 8
TIME_DIM = 16
CTX_DIM = 8
HIDDEN = 64
N_INNER = 4  # egnn internal E_GCL layers (default n_layers=4)
NUM_LAYERS = 1  # GraphModel num_layers


def _lin(key, din, dout, bias=True):
    k1, k2 = jax.random.split(key)
    bound = 1.0 / math.sqrt(din)
    p = {"W": jax.random.uniform(k1, (din, dout), minval=-bound, maxval=bound, dtype=jnp.float32)}
    if bias:
        p["b"] = jax.random.uniform(k2, (dout,), minval=-bound, maxval=bound, dtype=jnp.float32)
    return p


def _linear(p, x):
    y = x @ p["W"]
    if "b" in p:
        y = y + p["b"]
    return y


def _silu(x):
    return x * jax.nn.sigmoid(x)


def _timestep_embedding(timesteps, dim, max_period=10000):
    half = dim // 2
    freqs = jnp.exp(-math.log(max_period) * jnp.arange(0, half, dtype=jnp.float32) / half)
    args = timesteps[:, None].astype(jnp.float32) * freqs[None]
    emb = jnp.concatenate([jnp.cos(args), jnp.sin(args)], axis=-1)
    if dim % 2:
        emb = jnp.concatenate([emb, jnp.zeros_like(emb[:, :1])], axis=-1)
    return emb


def _seg_sum(data, ids, n):
    return jax.ops.segment_sum(data, ids, num_segments=n)


def _seg_mean(data, ids, n):
    s = jax.ops.segment_sum(data, ids, num_segments=n)
    c = jax.ops.segment_sum(jnp.ones((data.shape[0], 1), data.dtype), ids, num_segments=n)
    return s / jnp.maximum(c, 1.0)


def _e_gcl(p, h, edge_index, coord, edge_attr):
    row, col = edge_index[0], edge_index[1]
    coord_diff = coord[row] - coord[col]
    radial = jnp.sum(coord_diff ** 2, axis=1, keepdims=True)
    e_in = jnp.concatenate([h[row], h[col], radial, edge_attr], axis=1)
    m = _silu(_linear(p["edge_mlp"][0], e_in))
    m = _silu(_linear(p["edge_mlp"][1], m))
    trans = coord_diff * _linear(p["coord_mlp"][1], _silu(_linear(p["coord_mlp"][0], m)))
    coord = coord + _seg_mean(trans, row, coord.shape[0])
    agg = _seg_sum(m, row, h.shape[0])
    out = _linear(p["node_mlp"][1], _silu(_linear(p["node_mlp"][0], jnp.concatenate([h, agg], axis=1))))
    h = h + out  # residual
    return h, coord


def _egnn(p, h, x, edge_index, edge_attr):
    h = _linear(p["emb_in"], h)
    for gcl in p["gcls"]:
        h, x = _e_gcl(gcl, h, edge_index, x, edge_attr)
    h = _linear(p["emb_out"], h)
    return h, x


def _forward(t, context, x, pos, eigvecs, edge_attr, params, edge_index, batch_ids):
    # EquivStableLapPENodeEncoder: nan-mask eigvecs then linear(max_freqs -> pe_dim)
    pe = _linear(params["pe_enc"], jnp.where(jnp.isnan(eigvecs), 0.0, eigvecs))
    time_emb = _timestep_embedding(t, TIME_DIM)
    time_emb = time_emb[batch_ids]  # per-node, as in original (reassigned)
    ctx = _linear(params["context_emb"], context)[batch_ids]
    h_node = _linear(params["node_emb"], x)
    h = jnp.concatenate([h_node, pe, time_emb, ctx], axis=1)
    ea = _linear(params["edge_emb"], edge_attr)
    edge_batch = batch_ids[edge_index[0]]
    # faithful to original: time_emb is per-node here, indexed by graph ids
    time_emb_edge = time_emb[edge_batch]
    ea = jnp.concatenate([ea, time_emb_edge], axis=-1)
    p = pos
    for conv in params["convs"]:
        h, p = _egnn(conv, h, p, edge_index, ea)
    hg = jax.ops.segment_sum(h, batch_ids, num_segments=N_GRAPHS)  # global_add_pool
    out = jax.nn.relu(_linear(params["mlp"][0], hg))
    out = jax.nn.relu(_linear(params["mlp"][1], out))
    out = _linear(params["mlp"][2], out)
    return out


def _make_params(key):
    pk = jax.random.split(key, 8)
    params = {
        "pe_enc": _lin(pk[0], MAX_FREQS, PE_DIM),
        "node_emb": _lin(pk[1], 74, CHANNELS - PE_DIM - TIME_DIM - CTX_DIM),
        "context_emb": _lin(pk[2], 74, CTX_DIM),
        "edge_emb": _lin(pk[3], 4, CHANNELS - TIME_DIM),
        "mlp": [_lin(pk[4], CHANNELS, CHANNELS // 2), _lin(pk[5], CHANNELS // 2, CHANNELS // 4), _lin(pk[6], CHANNELS // 4, 1)],
        "convs": [],
    }
    ck = jax.random.split(pk[7], NUM_LAYERS)
    for i in range(NUM_LAYERS):
        lk = jax.random.split(ck[i], 2 + N_INNER)
        egnn_p = {"emb_in": _lin(lk[0], CHANNELS, HIDDEN), "emb_out": _lin(lk[1], HIDDEN, CHANNELS), "gcls": []}
        for j in range(N_INNER):
            gk = jax.random.split(lk[2 + j], 6)
            egnn_p["gcls"].append({
                "edge_mlp": [_lin(gk[0], 2 * HIDDEN + 1 + CHANNELS, HIDDEN), _lin(gk[1], HIDDEN, HIDDEN)],
                "node_mlp": [_lin(gk[2], HIDDEN + HIDDEN, HIDDEN), _lin(gk[3], HIDDEN, HIDDEN)],
                "coord_mlp": [_lin(gk[4], HIDDEN, HIDDEN), _lin(gk[5], HIDDEN, 1, bias=False)],
            })
        params["convs"].append(egnn_p)
    return params


def setup_inputs(seed: int = 0):
    key = jax.random.key(seed)
    ks = jax.random.split(key, 12)
    t = jax.random.uniform(ks[0], (N_GRAPHS,), dtype=jnp.float32)
    context = jax.random.normal(ks[1], (N_GRAPHS, 74), dtype=jnp.float32)
    x = jax.random.normal(ks[2], (N_NODES, 74), dtype=jnp.float32)
    pos = jax.random.normal(ks[3], (N_NODES, 3), dtype=jnp.float32)
    eigvecs = jax.random.normal(ks[4], (N_NODES, MAX_FREQS), dtype=jnp.float32)
    edge_attr = jax.random.normal(ks[5], (N_EDGES, 4), dtype=jnp.float32)
    edge_index = jax.random.randint(ks[6], (2, N_EDGES), 0, N_NODES)
    batch_ids = jnp.sort(jax.random.randint(ks[7], (N_NODES,), 0, N_GRAPHS))
    params = _make_params(ks[8])
    return {"t": t, "context": context, "x": x, "pos": pos, "eigvecs": eigvecs,
            "edge_attr": edge_attr, "params": params, "edge_index": edge_index, "batch_ids": batch_ids}


def reference(t, context, x, pos, eigvecs, edge_attr, params, edge_index, batch_ids):
    return _forward(t, context, x, pos, eigvecs, edge_attr, params, edge_index, batch_ids)

if __name__ == "__main__":
    import jax
    _d = setup_inputs()
    print(jax.jit(kernel)(*tuple(_d.values())))

</pallas_src>

<mosaic_0001>
#map = affine_map<(d0, d1) -> (0, 0)>
#map1 = affine_map<(d0, d1) -> (0, 0, 0)>
module attributes {stable_mosaic.version = 14 : i64} {
  func.func @_sc_scatter(%arg0: i32, %arg1: i32, %arg2: memref<160000x72xf32, #tpu.memory_space<hbm>>, %arg3: memref<1280x128xi32, #tpu.memory_space<hbm>>, %arg4: memref<2x10240x72xf32, #tpu.memory_space<hbm>>, %arg5: memref<40x128xi32, #tpu.memory_space<vmem>>, %arg6: memref<128x72xf32, #tpu.memory_space<vmem>>, %arg7: memref<128x72xf32, #tpu.memory_space<vmem>>, %arg8: memref<128x72xf32, #tpu.memory_space<vmem>>, %arg9: memref<10240x72xf32, #tpu.memory_space<vmem_shared>>, %arg10: memref<!tpu.dma_semaphore, #tpu.memory_space<semaphore_mem>>, %arg11: memref<!tpu.dma_semaphore, #tpu.memory_space<semaphore_mem>>) attributes {dimension_semantics = [#tpu.dimension_semantics<core_parallel>, #tpu.dimension_semantics<subcore_parallel>], iteration_bounds = array<i64: 2, 16>, scalar_prefetch = 0 : i64, scratch_operands = 7 : i64, tpu.core_type = #tpu.core_type<sc_vector_subcore>, window_params = [{transform_indices = #map}, {transform_indices = #map}, {transform_indices = #map1}]} {
    %mul3A = arith.constant 2 : i32
    %mul3A_0 = arith.muli %arg1, %mul3A : i32
    %add3A = arith.addi %mul3A_0, %arg0 : i32
    %scan3A = arith.constant 0 : i32
    %scan3A_1 = arith.constant 0 : i32
    %scan3A_2 = arith.constant 128 : i32
    %scan3A_3 = arith.addi %scan3A_1, %scan3A_2 : i32
    %scan3A_4 = arith.constant 1 : i32
    scf.for %scan3A_70 = %scan3A_1 to %scan3A_3 step %scan3A_4  : i32 {
      %broadcast_in_dim3A = arith.constant 0.000000e+00 : f32
      %broadcast_in_dim3A_71 = vector.broadcast %broadcast_in_dim3A : f32 to vector<16xf32>
      %swap3A = arith.index_cast %scan3A_70 : i32 to index
      %swap3A_72 = arith.constant 0 : index
      %swap3A_73 = tpu.vector_load %arg8[%swap3A, %swap3A_72] {strides = array<i32>} : memref<128x72xf32, #tpu.memory_space<vmem>>, vector<1x16xf32>,
      %swap3A_74 = vector.shape_cast %swap3A_73 : vector<1x16xf32> to vector<16xf32>
      %swap3A_75 = vector.shape_cast %broadcast_in_dim3A_71 : vector<16xf32> to vector<1x16xf32>
      tpu.vector_store %arg8[%swap3A, %swap3A_72], %swap3A_75 {strides = array<i32>} : memref<128x72xf32, #tpu.memory_space<vmem>>, vector<1x16xf32>,
      %broadcast_in_dim3A_76 = arith.constant 0.000000e+00 : f32
      %broadcast_in_dim3A_77 = vector.broadcast %broadcast_in_dim3A_76 : f32 to vector<16xf32>
      %swap3A_78 = arith.index_cast %scan3A_70 : i32 to index
      %swap3A_79 = arith.constant 16 : index
      %swap3A_80 = tpu.vector_load %arg8[%swap3A_78, %swap3A_79] {strides = array<i32>} : memref<128x72xf32, #tpu.memory_space<vmem>>, vector<1x16xf32>,
      %swap3A_81 = vector.shape_cast %swap3A_80 : vector<1x16xf32> to vector<16xf32>
      %swap3A_82 = vector.shape_cast %broadcast_in_dim3A_77 : vector<16xf32> to vector<1x16xf32>
      tpu.vector_store %arg8[%swap3A_78, %swap3A_79], %swap3A_82 {strides = array<i32>} : memref<128x72xf32, #tpu.memory_space<vmem>>, vector<1x16xf32>,
      %broadcast_in_dim3A_83 = arith.constant 0.000000e+00 : f32
      %broadcast_in_dim3A_84 = vector.broadcast %broadcast_in_dim3A_83 : f32 to vector<16xf32>
      %swap3A_85 = arith.index_cast %scan3A_70 : i32 to index
      %swap3A_86 = arith.constant 32 : index
      %swap3A_87 = tpu.vector_load %arg8[%swap3A_85, %swap3A_86] {strides = array<i32>} : memref<128x72xf32, #tpu.memory_space<vmem>>, vector<1x16xf32>,
      %swap3A_88 = vector.shape_cast %swap3A_87 : vector<1x16xf32> to vector<16xf32>
      %swap3A_89 = vector.shape_cast %broadcast_in_dim3A_84 : vector<16xf32> to vector<1x16xf32>
      tpu.vector_store %arg8[%swap3A_85, %swap3A_86], %swap3A_89 {strides = array<i32>} : memref<128x72xf32, #tpu.memory_space<vmem>>, vector<1x16xf32>,
      %broadcast_in_dim3A_90 = arith.constant 0.000000e+00 : f32
      %broadcast_in_dim3A_91 = vector.broadcast %broadcast_in_dim3A_90 : f32 to vector<16xf32>
      %swap3A_92 = arith.index_cast %scan3A_70 : i32 to index
      %swap3A_93 = arith.constant 48 : index
      %swap3A_94 = tpu.vector_load %arg8[%swap3A_92, %swap3A_93] {strides = array<i32>} : memref<128x72xf32, #tpu.memory_space<vmem>>, vector<1x16xf32>,
      %swap3A_95 = vector.shape_cast %swap3A_94 : vector<1x16xf32> to vector<16xf32>
      %swap3A_96 = vector.shape_cast %broadcast_in_dim3A_91 : vector<16xf32> to vector<1x16xf32>
      tpu.vector_store %arg8[%swap3A_92, %swap3A_93], %swap3A_96 {strides = array<i32>} : memref<128x72xf32, #tpu.memory_space<vmem>>, vector<1x16xf32>,
    }
    %scan3A_5 = arith.constant 128 : i32
    %mul3A_6 = arith.constant 640 : i32
    %mul3A_7 = arith.muli %arg1, %mul3A_6 : i32
    %add3A_8 = arith.constant 0 : i32
    %add3A_9 = arith.addi %mul3A_7, %add3A_8 : i32
    "tpu.region"() ({
      %run_scoped3A = tpu.sem_alloc : memref<!tpu.dma_semaphore, #tpu.memory_space<semaphore_mem>>
      %dma_start3A_70 = arith.constant 0 : i32
      %dma_start3A_71 = tpu.memref_slice %arg9[%add3A_9, %dma_start3A_70] : memref<10240x72xf32, #tpu.memory_space<vmem_shared>> -> memref<128x72xf32, #tpu.memory_space<vmem_shared>>
      %dma_start3A_72 = arith.constant 0 : i32
      %dma_start3A_73 = tpu.memref_slice %arg9[%add3A_9, %dma_start3A_72] : memref<10240x72xf32, #tpu.memory_space<vmem_shared>> -> memref<128x72xf32, #tpu.memory_space<vmem_shared>>
      tpu.enqueue_dma source(%arg8 : memref<128x72xf32, #tpu.memory_space<vmem>>) target(%dma_start3A_73 : memref<128x72xf32, #tpu.memory_space<vmem_shared>>) target_semaphore(%run_scoped3A : memref<!tpu.dma_semaphore, #tpu.memory_space<semaphore_mem>>)
      %dma_wait3A = arith.constant 0 : i32
      %dma_wait3A_74 = tpu.memref_slice %arg9[%add3A_9, %dma_wait3A] : memref<10240x72xf32, #tpu.memory_space<vmem_shared>> -> memref<128x72xf32, #tpu.memory_space<vmem_shared>>
      %dma_wait3A_75 = arith.constant 0 : i32
      %dma_wait3A_76 = tpu.memref_slice %arg9[%add3A_9, %dma_wait3A_75] : memref<10240x72xf32, #tpu.memory_space<vmem_shared>> -> memref<128x72xf32, #tpu.memory_space<vmem_shared>>
      tpu.wait_dma2 semaphore(%run_scoped3A : memref<!tpu.dma_semaphore, #tpu.memory_space<semaphore_mem>>) src(%arg8 : memref<128x72xf32, #tpu.memory_space<vmem>>) dst(%dma_wait3A_76 : memref<128x72xf32, #tpu.memory_space<vmem_shared>>)
      tpu.yield
    }) : () -> ()
    %mul3A_10 = arith.constant 640 : i32
    %mul3A_11 = arith.muli %arg1, %mul3A_10 : i32
    %add3A_12 = arith.constant 128 : i32
    %add3A_13 = arith.addi %mul3A_11, %add3A_12 : i32
    "tpu.region"() ({
      %run_scoped3A = tpu.sem_alloc : memref<!tpu.dma_semaphore, #tpu.memory_space<semaphore_mem>>
      %dma_start3A_70 = arith.constant 0 : i32
      %dma_start3A_71 = tpu.memref_slice %arg9[%add3A_13, %dma_start3A_70] : memref<10240x72xf32, #tpu.memory_space<vmem_shared>> -> memref<128x72xf32, #tpu.memory_space<vmem_shared>>
      %dma_start3A_72 = arith.constant 0 : i32
      %dma_start3A_73 = tpu.memref_slice %arg9[%add3A_13, %dma_start3A_72] : memref<10240x72xf32, #tpu.memory_space<vmem_shared>> -> memref<128x72xf32, #tpu.memory_space<vmem_shared>>
      tpu.enqueue_dma source(%arg8 : memref<128x72xf32, #tpu.memory_space<vmem>>) target(%dma_start3A_73 : memref<128x72xf32, #tpu.memory_space<vmem_shared>>) target_semaphore(%run_scoped3A : memref<!tpu.dma_semaphore, #tpu.memory_space<semaphore_mem>>)
      %dma_wait3A = arith.constant 0 : i32
      %dma_wait3A_74 = tpu.memref_slice %arg9[%add3A_13, %dma_wait3A] : memref<10240x72xf32, #tpu.memory_space<vmem_shared>> -> memref<128x72xf32, #tpu.memory_space<vmem_shared>>
      %dma_wait3A_75 = arith.constant 0 : i32
      %dma_wait3A_76 = tpu.memref_slice %arg9[%add3A_13, %dma_wait3A_75] : memref<10240x72xf32, #tpu.memory_space<vmem_shared>> -> memref<128x72xf32, #tpu.memory_space<vmem_shared>>
      tpu.wait_dma2 semaphore(%run_scoped3A : memref<!tpu.dma_semaphore, #tpu.memory_space<semaphore_mem>>) src(%arg8 : memref<128x72xf32, #tpu.memory_space<vmem>>) dst(%dma_wait3A_76 : memref<128x72xf32, #tpu.memory_space<vmem_shared>>)
      tpu.yield
    }) : () -> ()
    %mul3A_14 = arith.constant 640 : i32
    %mul3A_15 = arith.muli %arg1, %mul3A_14 : i32
    %add3A_16 = arith.constant 256 : i32
    %add3A_17 = arith.addi %mul3A_15, %add3A_16 : i32
    "tpu.region"() ({
      %run_scoped3A = tpu.sem_alloc : memref<!tpu.dma_semaphore, #tpu.memory_space<semaphore_mem>>
      %dma_start3A_70 = arith.constant 0 : i32
      %dma_start3A_71 = tpu.memref_slice %arg9[%add3A_17, %dma_start3A_70] : memref<10240x72xf32, #tpu.memory_space<vmem_shared>> -> memref<128x72xf32, #tpu.memory_space<vmem_shared>>
      %dma_start3A_72 = arith.constant 0 : i32
      %dma_start3A_73 = tpu.memref_slice %arg9[%add3A_17, %dma_start3A_72] : memref<10240x72xf32, #tpu.memory_space<vmem_shared>> -> memref<128x72xf32, #tpu.memory_space<vmem_shared>>
      tpu.enqueue_dma source(%arg8 : memref<128x72xf32, #tpu.memory_space<vmem>>) target(%dma_start3A_73 : memref<128x72xf32, #tpu.memory_space<vmem_shared>>) target_semaphore(%run_scoped3A : memref<!tpu.dma_semaphore, #tpu.memory_space<semaphore_mem>>)
      %dma_wait3A = arith.constant 0 : i32
      %dma_wait3A_74 = tpu.memref_slice %arg9[%add3A_17, %dma_wait3A] : memref<10240x72xf32, #tpu.memory_space<vmem_shared>> -> memref<128x72xf32, #tpu.memory_space<vmem_shared>>
      %dma_wait3A_75 = arith.constant 0 : i32
      %dma_wait3A_76 = tpu.memref_slice %arg9[%add3A_17, %dma_wait3A_75] : memref<10240x72xf32, #tpu.memory_space<vmem_shared>> -> memref<128x72xf32, #tpu.memory_space<vmem_shared>>
      tpu.wait_dma2 semaphore(%run_scoped3A : memref<!tpu.dma_semaphore, #tpu.memory_space<semaphore_mem>>) src(%arg8 : memref<128x72xf32, #tpu.memory_space<vmem>>) dst(%dma_wait3A_76 : memref<128x72xf32, #tpu.memory_space<vmem_shared>>)
      tpu.yield
    }) : () -> ()
    %mul3A_18 = arith.constant 640 : i32
    %mul3A_19 = arith.muli %arg1, %mul3A_18 : i32
    %add3A_20 = arith.constant 384 : i32
    %add3A_21 = arith.addi %mul3A_19, %add3A_20 : i32
    "tpu.region"() ({
      %run_scoped3A = tpu.sem_alloc : memref<!tpu.dma_semaphore, #tpu.memory_space<semaphore_mem>>
      %dma_start3A_70 = arith.constant 0 : i32
      %dma_start3A_71 = tpu.memref_slice %arg9[%add3A_21, %dma_start3A_70] : memref<10240x72xf32, #tpu.memory_space<vmem_shared>> -> memref<128x72xf32, #tpu.memory_space<vmem_shared>>
      %dma_start3A_72 = arith.constant 0 : i32
      %dma_start3A_73 = tpu.memref_slice %arg9[%add3A_21, %dma_start3A_72] : memref<10240x72xf32, #tpu.memory_space<vmem_shared>> -> memref<128x72xf32, #tpu.memory_space<vmem_shared>>
      tpu.enqueue_dma source(%arg8 : memref<128x72xf32, #tpu.memory_space<vmem>>) target(%dma_start3A_73 : memref<128x72xf32, #tpu.memory_space<vmem_shared>>) target_semaphore(%run_scoped3A : memref<!tpu.dma_semaphore, #tpu.memory_space<semaphore_mem>>)
      %dma_wait3A = arith.constant 0 : i32
      %dma_wait3A_74 = tpu.memref_slice %arg9[%add3A_21, %dma_wait3A] : memref<10240x72xf32, #tpu.memory_space<vmem_shared>> -> memref<128x72xf32, #tpu.memory_space<vmem_shared>>
      %dma_wait3A_75 = arith.constant 0 : i32
      %dma_wait3A_76 = tpu.memref_slice %arg9[%add3A_21, %dma_wait3A_75] : memref<10240x72xf32, #tpu.memory_space<vmem_shared>> -> memref<128x72xf32, #tpu.memory_space<vmem_shared>>
      tpu.wait_dma2 semaphore(%run_scoped3A : memref<!tpu.dma_semaphore, #tpu.memory_space<semaphore_mem>>) src(%arg8 : memref<128x72xf32, #tpu.memory_space<vmem>>) dst(%dma_wait3A_76 : memref<128x72xf32, #tpu.memory_space<vmem_shared>>)
      tpu.yield
    }) : () -> ()
    %mul3A_22 = arith.constant 640 : i32
    %mul3A_23 = arith.muli %arg1, %mul3A_22 : i32
    %add3A_24 = arith.constant 512 : i32
    %add3A_25 = arith.addi %mul3A_23, %add3A_24 : i32
    "tpu.region"() ({
      %run_scoped3A = tpu.sem_alloc : memref<!tpu.dma_semaphore, #tpu.memory_space<semaphore_mem>>
      %dma_start3A_70 = arith.constant 0 : i32
      %dma_start3A_71 = tpu.memref_slice %arg9[%add3A_25, %dma_start3A_70] : memref<10240x72xf32, #tpu.memory_space<vmem_shared>> -> memref<128x72xf32, #tpu.memory_space<vmem_shared>>
      %dma_start3A_72 = arith.constant 0 : i32
      %dma_start3A_73 = tpu.memref_slice %arg9[%add3A_25, %dma_start3A_72] : memref<10240x72xf32, #tpu.memory_space<vmem_shared>> -> memref<128x72xf32, #tpu.memory_space<vmem_shared>>
      tpu.enqueue_dma source(%arg8 : memref<128x72xf32, #tpu.memory_space<vmem>>) target(%dma_start3A_73 : memref<128x72xf32, #tpu.memory_space<vmem_shared>>) target_semaphore(%run_scoped3A : memref<!tpu.dma_semaphore, #tpu.memory_space<semaphore_mem>>)
      %dma_wait3A = arith.constant 0 : i32
      %dma_wait3A_74 = tpu.memref_slice %arg9[%add3A_25, %dma_wait3A] : memref<10240x72xf32, #tpu.memory_space<vmem_shared>> -> memref<128x72xf32, #tpu.memory_space<vmem_shared>>
      %dma_wait3A_75 = arith.constant 0 : i32
      %dma_wait3A_76 = tpu.memref_slice %arg9[%add3A_25, %dma_wait3A_75] : memref<10240x72xf32, #tpu.memory_space<vmem_shared>> -> memref<128x72xf32, #tpu.memory_space<vmem_shared>>
      tpu.wait_dma2 semaphore(%run_scoped3A : memref<!tpu.dma_semaphore, #tpu.memory_space<semaphore_mem>>) src(%arg8 : memref<128x72xf32, #tpu.memory_space<vmem>>) dst(%dma_wait3A_76 : memref<128x72xf32, #tpu.memory_space<vmem_shared>>)
      tpu.yield
    }) : () -> ()
    %barrier3A = arith.constant 0 : index
    tpu.barrier barrier_id(%barrier3A)
    %mul3A_26 = arith.constant 39 : i32
    %mul3A_27 = arith.muli %add3A, %mul3A_26 : i32
    %min3A = arith.constant 2 : i32
    %min3A_28 = arith.minsi %add3A, %min3A : i32
    %add3A_29 = arith.addi %mul3A_27, %min3A_28 : i32
    %lt3A = arith.constant 2 : i32
    %lt3A_30 = arith.cmpi slt, %add3A, %lt3A : i32
    %jit3A = arith.constant 1 : i32
    %jit3A_31 = arith.constant 0 : i32
    %select_n3A = arith.select %lt3A_30, %jit3A, %jit3A_31 : i32
    %add3A_32 = arith.constant 39 : i32
    %add3A_33 = arith.addi %add3A_32, %select_n3A : i32
    "tpu.region"() ({
      %run_scoped3A = tpu.sem_alloc : memref<!tpu.dma_semaphore, #tpu.memory_space<semaphore_mem>>
      %dma_start3A_70 = arith.constant 0 : i32
      %dma_start3A_71 = tpu.memref_slice %arg3[%add3A_29, %dma_start3A_70] : memref<1280x128xi32, #tpu.memory_space<hbm>> -> memref<40x128xi32, #tpu.memory_space<hbm>>
      %dma_start3A_72 = arith.constant 0 : i32
      %dma_start3A_73 = tpu.memref_slice %arg3[%add3A_29, %dma_start3A_72] : memref<1280x128xi32, #tpu.memory_space<hbm>> -> memref<40x128xi32, #tpu.memory_space<hbm>>
      tpu.enqueue_dma source(%dma_start3A_73 : memref<40x128xi32, #tpu.memory_space<hbm>>) target(%arg5 : memref<40x128xi32, #tpu.memory_space<vmem>>) target_semaphore(%run_scoped3A : memref<!tpu.dma_semaphore, #tpu.memory_space<semaphore_mem>>)
      %dma_wait3A = arith.constant 0 : i32
      %dma_wait3A_74 = tpu.memref_slice %arg3[%add3A_29, %dma_wait3A] : memref<1280x128xi32, #tpu.memory_space<hbm>> -> memref<40x128xi32, #tpu.memory_space<hbm>>
      %dma_wait3A_75 = arith.constant 0 : i32
      %dma_wait3A_76 = tpu.memref_slice %arg3[%add3A_29, %dma_wait3A_75] : memref<1280x128xi32, #tpu.memory_space<hbm>> -> memref<40x128xi32, #tpu.memory_space<hbm>>
      tpu.wait_dma2 semaphore(%run_scoped3A : memref<!tpu.dma_semaphore, #tpu.memory_space<semaphore_mem>>) src(%dma_wait3A_76 : memref<40x128xi32, #tpu.memory_space<hbm>>) dst(%arg5 : memref<40x128xi32, #tpu.memory_space<vmem>>)
      tpu.yield
    }) : () -> ()
    %sub3A = arith.constant 1 : i32
    %sub3A_34 = arith.subi %add3A_33, %sub3A : i32
    %min3A_35 = arith.constant 0 : i32
    %min3A_36 = arith.minsi %min3A_35, %sub3A_34 : i32
    %add3A_37 = arith.addi %add3A_29, %min3A_36 : i32
    %mul3A_38 = arith.constant 128 : i32
    %mul3A_39 = arith.muli %add3A_37, %mul3A_38 : i32
    %dma_start3A = arith.constant 0 : i32
    %dma_start3A_40 = tpu.memref_slice %arg2[%mul3A_39, %dma_start3A] : memref<160000x72xf32, #tpu.memory_space<hbm>> -> memref<128x72xf32, #tpu.memory_space<hbm>>
    %dma_start3A_41 = arith.constant 0 : i32
    %dma_start3A_42 = tpu.memref_slice %arg2[%mul3A_39, %dma_start3A_41] : memref<160000x72xf32, #tpu.memory_space<hbm>> -> memref<128x72xf32, #tpu.memory_space<hbm>>
    tpu.enqueue_dma source(%dma_start3A_42 : memref<128x72xf32, #tpu.memory_space<hbm>>) target(%arg6 : memref<128x72xf32, #tpu.memory_space<vmem>>) target_semaphore(%arg10 : memref<!tpu.dma_semaphore, #tpu.memory_space<semaphore_mem>>)
    %scan3A_43 = arith.constant 0 : i32
    %scan3A_44 = arith.constant 0 : i32
    %scan3A_45 = arith.constant 20 : i32
    %scan3A_46 = arith.addi %scan3A_44, %scan3A_45 : i32
    %scan3A_47 = arith.constant 1 : i32
    scf.for %scan3A_70 = %scan3A_44 to %scan3A_46 step %scan3A_47  : i32 {
      %mul3A_71 = arith.constant 2 : i32
      %mul3A_72 = arith.muli %mul3A_71, %scan3A_70 : i32
      %add3A_73 = arith.constant 1 : i32
      %add3A_74 = arith.addi %mul3A_72, %add3A_73 : i32
      %sub3A_75 = arith.constant 1 : i32
      %sub3A_76 = arith.subi %add3A_33, %sub3A_75 : i32
      %min3A_77 = arith.minsi %add3A_74, %sub3A_76 : i32
      %add3A_78 = arith.addi %add3A_29, %min3A_77 : i32
      %mul3A_79 = arith.constant 128 : i32
      %mul3A_80 = arith.muli %add3A_78, %mul3A_79 : i32
      %dma_start3A_81 = arith.constant 0 : i32
      %dma_start3A_82 = tpu.memref_slice %arg2[%mul3A_80, %dma_start3A_81] : memref<160000x72xf32, #tpu.memory_space<hbm>> -> memref<128x72xf32, #tpu.memory_space<hbm>>
      %dma_start3A_83 = arith.constant 0 : i32
      %dma_start3A_84 = tpu.memref_slice %arg2[%mul3A_80, %dma_start3A_83] : memref<160000x72xf32, #tpu.memory_space<hbm>> -> memref<128x72xf32, #tpu.memory_space<hbm>>
      tpu.enqueue_dma source(%dma_start3A_84 : memref<128x72xf32, #tpu.memory_space<hbm>>) target(%arg7 : memref<128x72xf32, #tpu.memory_space<vmem>>) target_semaphore(%arg11 : memref<!tpu.dma_semaphore, #tpu.memory_space<semaphore_mem>>)
      %mul3A_85 = arith.constant 2 : i32
      %mul3A_86 = arith.muli %mul3A_85, %scan3A_70 : i32
      %dma_wait3A = arith.constant 0 : i32
      %dma_wait3A_87 = arith.constant 0 : i32
      %dma_wait3A_88 = tpu.memref_slice %arg2[%dma_wait3A, %dma_wait3A_87] : memref<160000x72xf32, #tpu.memory_space<hbm>> -> memref<128x72xf32, #tpu.memory_space<hbm>>
      %dma_wait3A_89 = arith.constant 0 : i32
      %dma_wait3A_90 = arith.constant 0 : i32
      %dma_wait3A_91 = tpu.memref_slice %arg2[%dma_wait3A_89, %dma_wait3A_90] : memref<160000x72xf32, #tpu.memory_space<hbm>> -> memref<128x72xf32, #tpu.memory_space<hbm>>
      tpu.wait_dma2 semaphore(%arg10 : memref<!tpu.dma_semaphore, #tpu.memory_space<semaphore_mem>>) src(%dma_wait3A_91 : memref<128x72xf32, #tpu.memory_space<hbm>>) dst(%arg6 : memref<128x72xf32, #tpu.memory_space<vmem>>)
      %lt3A_92 = arith.cmpi slt, %mul3A_86, %add3A_33 : i32
      %convert_element_type3A = arith.extui %lt3A_92 : i1 to i32
      %cond3A = arith.constant 0 : i32
      %cond3A_93 = arith.cmpi ne, %convert_element_type3A, %cond3A : i32
      scf.if %cond3A_93 {
        "tpu.region"() ({
          %run_scoped3A = tpu.sem_alloc : memref<!tpu.dma_semaphore, #tpu.memory_space<semaphore_mem>>
          %dma_start3A_113 = arith.constant 0 : i32
          %dma_start3A_114 = tpu.memref_slice %arg5[%mul3A_86, %dma_start3A_113] : memref<40x128xi32, #tpu.memory_space<vmem>> -> memref<1x128xi32, #tpu.memory_space<vmem>>
          %dma_start3A_115 = tpu.memref_squeeze %dma_start3A_114 : memref<1x128xi32, #tpu.memory_space<vmem>> -> memref<128xi32, #tpu.memory_space<vmem>>
          %dma_start3A_116 = arith.constant 0 : i32
          %dma_start3A_117 = arith.constant 0 : i32
          %dma_start3A_118 = tpu.memref_slice %arg9[%dma_start3A_116, %dma_start3A_117] : memref<10240x72xf32, #tpu.memory_space<vmem_shared>> -> memref<10240x72xf32, #tpu.memory_space<vmem_shared>>
          tpu.enqueue_indirect_dma source(%arg6 : memref<128x72xf32, #tpu.memory_space<vmem>>) target(%dma_start3A_118 : memref<10240x72xf32, #tpu.memory_space<vmem_shared>>) offsets(%dma_start3A_115 : memref<128xi32, #tpu.memory_space<vmem>>) semaphore(%run_scoped3A : memref<!tpu.dma_semaphore, #tpu.memory_space<semaphore_mem>>) {add = true}
          %dma_wait3A_119 = arith.constant 0 : i32
          %dma_wait3A_120 = tpu.memref_slice %arg5[%mul3A_86, %dma_wait3A_119] : memref<40x128xi32, #tpu.memory_space<vmem>> -> memref<1x128xi32, #tpu.memory_space<vmem>>
          %dma_wait3A_121 = tpu.memref_squeeze %dma_wait3A_120 : memref<1x128xi32, #tpu.memory_space<vmem>> -> memref<128xi32, #tpu.memory_space<vmem>>
          %dma_wait3A_122 = arith.constant 0 : i32
          %dma_wait3A_123 = arith.constant 0 : i32
          %dma_wait3A_124 = tpu.memref_slice %arg9[%dma_wait3A_122, %dma_wait3A_123] : memref<10240x72xf32, #tpu.memory_space<vmem_shared>> -> memref<10240x72xf32, #tpu.memory_space<vmem_shared>>
          tpu.wait_indirect_dma semaphore(%run_scoped3A : memref<!tpu.dma_semaphore, #tpu.memory_space<semaphore_mem>>) src(%arg6 : memref<128x72xf32, #tpu.memory_space<vmem>>) dst(%dma_wait3A_124 : memref<10240x72xf32, #tpu.memory_space<vmem_shared>>)
          tpu.yield
        }) : () -> ()
      } else {
      }
      %lt3A_94 = arith.constant 19 : i32
      %lt3A_95 = arith.cmpi slt, %scan3A_70, %lt3A_94 : i32
      %convert_element_type3A_96 = arith.extui %lt3A_95 : i1 to i32
      %cond3A_97 = arith.constant 0 : i32
      %cond3A_98 = arith.cmpi ne, %convert_element_type3A_96, %cond3A_97 : i32
      scf.if %cond3A_98 {
        %mul3A_113 = arith.constant 2 : i32
        %mul3A_114 = arith.muli %mul3A_113, %scan3A_70 : i32
        %add3A_115 = arith.constant 2 : i32
        %add3A_116 = arith.addi %mul3A_114, %add3A_115 : i32
        %sub3A_117 = arith.constant 1 : i32
        %sub3A_118 = arith.subi %add3A_33, %sub3A_117 : i32
        %min3A_119 = arith.minsi %add3A_116, %sub3A_118 : i32
        %add3A_120 = arith.addi %add3A_29, %min3A_119 : i32
        %mul3A_121 = arith.constant 128 : i32
        %mul3A_122 = arith.muli %add3A_120, %mul3A_121 : i32
        %dma_start3A_123 = arith.constant 0 : i32
        %dma_start3A_124 = tpu.memref_slice %arg2[%mul3A_122, %dma_start3A_123] : memref<160000x72xf32, #tpu.memory_space<hbm>> -> memref<128x72xf32, #tpu.memory_space<hbm>>
        %dma_start3A_125 = arith.constant 0 : i32
        %dma_start3A_126 = tpu.memref_slice %arg2[%mul3A_122, %dma_start3A_125] : memref<160000x72xf32, #tpu.memory_space<hbm>> -> memref<128x72xf32, #tpu.memory_space<hbm>>
        tpu.enqueue_dma source(%dma_start3A_126 : memref<128x72xf32, #tpu.memory_space<hbm>>) target(%arg6 : memref<128x72xf32, #tpu.memory_space<vmem>>) target_semaphore(%arg10 : memref<!tpu.dma_semaphore, #tpu.memory_space<semaphore_mem>>)
      } else {
      }
      %mul3A_99 = arith.constant 2 : i32
      %mul3A_100 = arith.muli %mul3A_99, %scan3A_70 : i32
      %add3A_101 = arith.constant 1 : i32
      %add3A_102 = arith.addi %mul3A_100, %add3A_101 : i32
      %dma_wait3A_103 = arith.constant 0 : i32
      %dma_wait3A_104 = arith.constant 0 : i32
      %dma_wait3A_105 = tpu.memref_slice %arg2[%dma_wait3A_103, %dma_wait3A_104] : memref<160000x72xf32, #tpu.memory_space<hbm>> -> memref<128x72xf32, #tpu.memory_space<hbm>>
      %dma_wait3A_106 = arith.constant 0 : i32
      %dma_wait3A_107 = arith.constant 0 : i32
      %dma_wait3A_108 = tpu.memref_slice %arg2[%dma_wait3A_106, %dma_wait3A_107] : memref<160000x72xf32, #tpu.memory_space<hbm>> -> memref<128x72xf32, #tpu.memory_space<hbm>>
      tpu.wait_dma2 semaphore(%arg11 : memref<!tpu.dma_semaphore, #tpu.memory_space<semaphore_mem>>) src(%dma_wait3A_108 : memref<128x72xf32, #tpu.memory_space<hbm>>) dst(%arg7 : memref<128x72xf32, #tpu.memory_space<vmem>>)
      %lt3A_109 = arith.cmpi slt, %add3A_102, %add3A_33 : i32
      %convert_element_type3A_110 = arith.extui %lt3A_109 : i1 to i32
      %cond3A_111 = arith.constant 0 : i32
      %cond3A_112 = arith.cmpi ne, %convert_element_type3A_110, %cond3A_111 : i32
      scf.if %cond3A_112 {
        "tpu.region"() ({
          %run_scoped3A = tpu.sem_alloc : memref<!tpu.dma_semaphore, #tpu.memory_space<semaphore_mem>>
          %dma_start3A_113 = arith.constant 0 : i32
          %dma_start3A_114 = tpu.memref_slice %arg5[%add3A_102, %dma_start3A_113] : memref<40x128xi32, #tpu.memory_space<vmem>> -> memref<1x128xi32, #tpu.memory_space<vmem>>
          %dma_start3A_115 = tpu.memref_squeeze %dma_start3A_114 : memref<1x128xi32, #tpu.memory_space<vmem>> -> memref<128xi32, #tpu.memory_space<vmem>>
          %dma_start3A_116 = arith.constant 0 : i32
          %dma_start3A_117 = arith.constant 0 : i32
          %dma_start3A_118 = tpu.memref_slice %arg9[%dma_start3A_116, %dma_start3A_117] : memref<10240x72xf32, #tpu.memory_space<vmem_shared>> -> memref<10240x72xf32, #tpu.memory_space<vmem_shared>>
          tpu.enqueue_indirect_dma source(%arg7 : memref<128x72xf32, #tpu.memory_space<vmem>>) target(%dma_start3A_118 : memref<10240x72xf32, #tpu.memory_space<vmem_shared>>) offsets(%dma_start3A_115 : memref<128xi32, #tpu.memory_space<vmem>>) semaphore(%run_scoped3A : memref<!tpu.dma_semaphore, #tpu.memory_space<semaphore_mem>>) {add = true}
          %dma_wait3A_119 = arith.constant 0 : i32
          %dma_wait3A_120 = tpu.memref_slice %arg5[%add3A_102, %dma_wait3A_119] : memref<40x128xi32, #tpu.memory_space<vmem>> -> memref<1x128xi32, #tpu.memory_space<vmem>>
          %dma_wait3A_121 = tpu.memref_squeeze %dma_wait3A_120 : memref<1x128xi32, #tpu.memory_space<vmem>> -> memref<128xi32, #tpu.memory_space<vmem>>
          %dma_wait3A_122 = arith.constant 0 : i32
          %dma_wait3A_123 = arith.constant 0 : i32
          %dma_wait3A_124 = tpu.memref_slice %arg9[%dma_wait3A_122, %dma_wait3A_123] : memref<10240x72xf32, #tpu.memory_space<vmem_shared>> -> memref<10240x72xf32, #tpu.memory_space<vmem_shared>>
          tpu.wait_indirect_dma semaphore(%run_scoped3A : memref<!tpu.dma_semaphore, #tpu.memory_space<semaphore_mem>>) src(%arg7 : memref<128x72xf32, #tpu.memory_space<vmem>>) dst(%dma_wait3A_124 : memref<10240x72xf32, #tpu.memory_space<vmem_shared>>)
          tpu.yield
        }) : () -> ()
      } else {
      }
    }
    %scan3A_48 = arith.constant 20 : i32
    %barrier3A_49 = arith.constant 0 : index
    tpu.barrier barrier_id(%barrier3A_49)
    %mul3A_50 = arith.constant 640 : i32
    %mul3A_51 = arith.muli %arg1, %mul3A_50 : i32
    %add3A_52 = arith.constant 0 : i32
    %add3A_53 = arith.addi %mul3A_51, %add3A_52 : i32
    "tpu.region"() ({
      %run_scoped3A = tpu.sem_alloc : memref<!tpu.dma_semaphore, #tpu.memory_space<semaphore_mem>>
      %dma_start3A_70 = arith.constant 0 : i32
      %dma_start3A_71 = tpu.memref_slice %arg4[%arg0, %add3A_53, %dma_start3A_70] : memref<2x10240x72xf32, #tpu.memory_space<hbm>> -> memref<1x128x72xf32, #tpu.memory_space<hbm>>
      %dma_start3A_72 = tpu.memref_squeeze %dma_start3A_71 : memref<1x128x72xf32, #tpu.memory_space<hbm>> -> memref<128x72xf32, #tpu.memory_space<hbm>>
      %dma_start3A_73 = arith.constant 0 : i32
      %dma_start3A_74 = tpu.memref_slice %arg9[%add3A_53, %dma_start3A_73] : memref<10240x72xf32, #tpu.memory_space<vmem_shared>> -> memref<128x72xf32, #tpu.memory_space<vmem_shared>>
      tpu.enqueue_dma source(%dma_start3A_74 : memref<128x72xf32, #tpu.memory_space<vmem_shared>>) target(%dma_start3A_72 : memref<128x72xf32, #tpu.memory_space<hbm>>) target_semaphore(%run_scoped3A : memref<!tpu.dma_semaphore, #tpu.memory_space<semaphore_mem>>)
      %dma_wait3A = arith.constant 0 : i32
      %dma_wait3A_75 = tpu.memref_slice %arg4[%arg0, %add3A_53, %dma_wait3A] : memref<2x10240x72xf32, #tpu.memory_space<hbm>> -> memref<1x128x72xf32, #tpu.memory_space<hbm>>
      %dma_wait3A_76 = tpu.memref_squeeze %dma_wait3A_75 : memref<1x128x72xf32, #tpu.memory_space<hbm>> -> memref<128x72xf32, #tpu.memory_space<hbm>>
      %dma_wait3A_77 = arith.constant 0 : i32
      %dma_wait3A_78 = tpu.memref_slice %arg9[%add3A_53, %dma_wait3A_77] : memref<10240x72xf32, #tpu.memory_space<vmem_shared>> -> memref<128x72xf32, #tpu.memory_space<vmem_shared>>
      tpu.wait_dma2 semaphore(%run_scoped3A : memref<!tpu.dma_semaphore, #tpu.memory_space<semaphore_mem>>) src(%dma_wait3A_78 : memref<128x72xf32, #tpu.memory_space<vmem_shared>>) dst(%dma_wait3A_76 : memref<128x72xf32, #tpu.memory_space<hbm>>)
      tpu.yield
    }) : () -> ()
    %mul3A_54 = arith.constant 640 : i32
    %mul3A_55 = arith.muli %arg1, %mul3A_54 : i32
    %add3A_56 = arith.constant 128 : i32
    %add3A_57 = arith.addi %mul3A_55, %add3A_56 : i32
    "tpu.region"() ({
      %run_scoped3A = tpu.sem_alloc : memref<!tpu.dma_semaphore, #tpu.memory_space<semaphore_mem>>
      %dma_start3A_70 = arith.constant 0 : i32
      %dma_start3A_71 = tpu.memref_slice %arg4[%arg0, %add3A_57, %dma_start3A_70] : memref<2x10240x72xf32, #tpu.memory_space<hbm>> -> memref<1x128x72xf32, #tpu.memory_space<hbm>>
      %dma_start3A_72 = tpu.memref_squeeze %dma_start3A_71 : memref<1x128x72xf32, #tpu.memory_space<hbm>> -> memref<128x72xf32, #tpu.memory_space<hbm>>
      %dma_start3A_73 = arith.constant 0 : i32
      %dma_start3A_74 = tpu.memref_slice %arg9[%add3A_57, %dma_start3A_73] : memref<10240x72xf32, #tpu.memory_space<vmem_shared>> -> memref<128x72xf32, #tpu.memory_space<vmem_shared>>
      tpu.enqueue_dma source(%dma_start3A_74 : memref<128x72xf32, #tpu.memory_space<vmem_shared>>) target(%dma_start3A_72 : memref<128x72xf32, #tpu.memory_space<hbm>>) target_semaphore(%run_scoped3A : memref<!tpu.dma_semaphore, #tpu.memory_space<semaphore_mem>>)
      %dma_wait3A = arith.constant 0 : i32
      %dma_wait3A_75 = tpu.memref_slice %arg4[%arg0, %add3A_57, %dma_wait3A] : memref<2x10240x72xf32, #tpu.memory_space<hbm>> -> memref<1x128x72xf32, #tpu.memory_space<hbm>>
      %dma_wait3A_76 = tpu.memref_squeeze %dma_wait3A_75 : memref<1x128x72xf32, #tpu.memory_space<hbm>> -> memref<128x72xf32, #tpu.memory_space<hbm>>
      %dma_wait3A_77 = arith.constant 0 : i32
      %dma_wait3A_78 = tpu.memref_slice %arg9[%add3A_57, %dma_wait3A_77] : memref<10240x72xf32, #tpu.memory_space<vmem_shared>> -> memref<128x72xf32, #tpu.memory_space<vmem_shared>>
      tpu.wait_dma2 semaphore(%run_scoped3A : memref<!tpu.dma_semaphore, #tpu.memory_space<semaphore_mem>>) src(%dma_wait3A_78 : memref<128x72xf32, #tpu.memory_space<vmem_shared>>) dst(%dma_wait3A_76 : memref<128x72xf32, #tpu.memory_space<hbm>>)
      tpu.yield
    }) : () -> ()
    %mul3A_58 = arith.constant 640 : i32
    %mul3A_59 = arith.muli %arg1, %mul3A_58 : i32
    %add3A_60 = arith.constant 256 : i32
    %add3A_61 = arith.addi %mul3A_59, %add3A_60 : i32
    "tpu.region"() ({
      %run_scoped3A = tpu.sem_alloc : memref<!tpu.dma_semaphore, #tpu.memory_space<semaphore_mem>>
      %dma_start3A_70 = arith.constant 0 : i32
      %dma_start3A_71 = tpu.memref_slice %arg4[%arg0, %add3A_61, %dma_start3A_70] : memref<2x10240x72xf32, #tpu.memory_space<hbm>> -> memref<1x128x72xf32, #tpu.memory_space<hbm>>
      %dma_start3A_72 = tpu.memref_squeeze %dma_start3A_71 : memref<1x128x72xf32, #tpu.memory_space<hbm>> -> memref<128x72xf32, #tpu.memory_space<hbm>>
      %dma_start3A_73 = arith.constant 0 : i32
      %dma_start3A_74 = tpu.memref_slice %arg9[%add3A_61, %dma_start3A_73] : memref<10240x72xf32, #tpu.memory_space<vmem_shared>> -> memref<128x72xf32, #tpu.memory_space<vmem_shared>>
      tpu.enqueue_dma source(%dma_start3A_74 : memref<128x72xf32, #tpu.memory_space<vmem_shared>>) target(%dma_start3A_72 : memref<128x72xf32, #tpu.memory_space<hbm>>) target_semaphore(%run_scoped3A : memref<!tpu.dma_semaphore, #tpu.memory_space<semaphore_mem>>)
      %dma_wait3A = arith.constant 0 : i32
      %dma_wait3A_75 = tpu.memref_slice %arg4[%arg0, %add3A_61, %dma_wait3A] : memref<2x10240x72xf32, #tpu.memory_space<hbm>> -> memref<1x128x72xf32, #tpu.memory_space<hbm>>
      %dma_wait3A_76 = tpu.memref_squeeze %dma_wait3A_75 : memref<1x128x72xf32, #tpu.memory_space<hbm>> -> memref<128x72xf32, #tpu.memory_space<hbm>>
      %dma_wait3A_77 = arith.constant 0 : i32
      %dma_wait3A_78 = tpu.memref_slice %arg9[%add3A_61, %dma_wait3A_77] : memref<10240x72xf32, #tpu.memory_space<vmem_shared>> -> memref<128x72xf32, #tpu.memory_space<vmem_shared>>
      tpu.wait_dma2 semaphore(%run_scoped3A : memref<!tpu.dma_semaphore, #tpu.memory_space<semaphore_mem>>) src(%dma_wait3A_78 : memref<128x72xf32, #tpu.memory_space<vmem_shared>>) dst(%dma_wait3A_76 : memref<128x72xf32, #tpu.memory_space<hbm>>)
      tpu.yield
    }) : () -> ()
    %mul3A_62 = arith.constant 640 : i32
    %mul3A_63 = arith.muli %arg1, %mul3A_62 : i32
    %add3A_64 = arith.constant 384 : i32
    %add3A_65 = arith.addi %mul3A_63, %add3A_64 : i32
    "tpu.region"() ({
      %run_scoped3A = tpu.sem_alloc : memref<!tpu.dma_semaphore, #tpu.memory_space<semaphore_mem>>
      %dma_start3A_70 = arith.constant 0 : i32
      %dma_start3A_71 = tpu.memref_slice %arg4[%arg0, %add3A_65, %dma_start3A_70] : memref<2x10240x72xf32, #tpu.memory_space<hbm>> -> memref<1x128x72xf32, #tpu.memory_space<hbm>>
      %dma_start3A_72 = tpu.memref_squeeze %dma_start3A_71 : memref<1x128x72xf32, #tpu.memory_space<hbm>> -> memref<128x72xf32, #tpu.memory_space<hbm>>
      %dma_start3A_73 = arith.constant 0 : i32
      %dma_start3A_74 = tpu.memref_slice %arg9[%add3A_65, %dma_start3A_73] : memref<10240x72xf32, #tpu.memory_space<vmem_shared>> -> memref<128x72xf32, #tpu.memory_space<vmem_shared>>
      tpu.enqueue_dma source(%dma_start3A_74 : memref<128x72xf32, #tpu.memory_space<vmem_shared>>) target(%dma_start3A_72 : memref<128x72xf32, #tpu.memory_space<hbm>>) target_semaphore(%run_scoped3A : memref<!tpu.dma_semaphore, #tpu.memory_space<semaphore_mem>>)
      %dma_wait3A = arith.constant 0 : i32
      %dma_wait3A_75 = tpu.memref_slice %arg4[%arg0, %add3A_65, %dma_wait3A] : memref<2x10240x72xf32, #tpu.memory_space<hbm>> -> memref<1x128x72xf32, #tpu.memory_space<hbm>>
      %dma_wait3A_76 = tpu.memref_squeeze %dma_wait3A_75 : memref<1x128x72xf32, #tpu.memory_space<hbm>> -> memref<128x72xf32, #tpu.memory_space<hbm>>
      %dma_wait3A_77 = arith.constant 0 : i32
      %dma_wait3A_78 = tpu.memref_slice %arg9[%add3A_65, %dma_wait3A_77] : memref<10240x72xf32, #tpu.memory_space<vmem_shared>> -> memref<128x72xf32, #tpu.memory_space<vmem_shared>>
      tpu.wait_dma2 semaphore(%run_scoped3A : memref<!tpu.dma_semaphore, #tpu.memory_space<semaphore_mem>>) src(%dma_wait3A_78 : memref<128x72xf32, #tpu.memory_space<vmem_shared>>) dst(%dma_wait3A_76 : memref<128x72xf32, #tpu.memory_space<hbm>>)
      tpu.yield
    }) : () -> ()
    %mul3A_66 = arith.constant 640 : i32
    %mul3A_67 = arith.muli %arg1, %mul3A_66 : i32
    %add3A_68 = arith.constant 512 : i32
    %add3A_69 = arith.addi %mul3A_67, %add3A_68 : i32
    "tpu.region"() ({
      %run_scoped3A = tpu.sem_alloc : memref<!tpu.dma_semaphore, #tpu.memory_space<semaphore_mem>>
      %dma_start3A_70 = arith.constant 0 : i32
      %dma_start3A_71 = tpu.memref_slice %arg4[%arg0, %add3A_69, %dma_start3A_70] : memref<2x10240x72xf32, #tpu.memory_space<hbm>> -> memref<1x128x72xf32, #tpu.memory_space<hbm>>
      %dma_start3A_72 = tpu.memref_squeeze %dma_start3A_71 : memref<1x128x72xf32, #tpu.memory_space<hbm>> -> memref<128x72xf32, #tpu.memory_space<hbm>>
      %dma_start3A_73 = arith.constant 0 : i32
      %dma_start3A_74 = tpu.memref_slice %arg9[%add3A_69, %dma_start3A_73] : memref<10240x72xf32, #tpu.memory_space<vmem_shared>> -> memref<128x72xf32, #tpu.memory_space<vmem_shared>>
      tpu.enqueue_dma source(%dma_start3A_74 : memref<128x72xf32, #tpu.memory_space<vmem_shared>>) target(%dma_start3A_72 : memref<128x72xf32, #tpu.memory_space<hbm>>) target_semaphore(%run_scoped3A : memref<!tpu.dma_semaphore, #tpu.memory_space<semaphore_mem>>)
      %dma_wait3A = arith.constant 0 : i32
      %dma_wait3A_75 = tpu.memref_slice %arg4[%arg0, %add3A_69, %dma_wait3A] : memref<2x10240x72xf32, #tpu.memory_space<hbm>> -> memref<1x128x72xf32, #tpu.memory_space<hbm>>
      %dma_wait3A_76 = tpu.memref_squeeze %dma_wait3A_75 : memref<1x128x72xf32, #tpu.memory_space<hbm>> -> memref<128x72xf32, #tpu.memory_space<hbm>>
      %dma_wait3A_77 = arith.constant 0 : i32
      %dma_wait3A_78 = tpu.memref_slice %arg9[%add3A_69, %dma_wait3A_77] : memref<10240x72xf32, #tpu.memory_space<vmem_shared>> -> memref<128x72xf32, #tpu.memory_space<vmem_shared>>
      tpu.wait_dma2 semaphore(%run_scoped3A : memref<!tpu.dma_semaphore, #tpu.memory_space<semaphore_mem>>) src(%dma_wait3A_78 : memref<128x72xf32, #tpu.memory_space<vmem_shared>>) dst(%dma_wait3A_76 : memref<128x72xf32, #tpu.memory_space<hbm>>)
      tpu.yield
    }) : () -> ()
    return
  }
}

#map = affine_map<(d0, d1) -> (0, 0)>
module attributes {stable_mosaic.version = 14 : i64} {
  func.func @_sc_gather(%arg0: i32, %arg1: i32, %arg2: memref<10000x40xf32, #tpu.memory_space<hbm>>, %arg3: memref<10000x40xf32, #tpu.memory_space<hbm>>, %arg4: memref<1280x128xi32, #tpu.memory_space<hbm>>, %arg5: memref<1280x128xi32, #tpu.memory_space<hbm>>, %arg6: memref<160000x40xf32, #tpu.memory_space<hbm>>, %arg7: memref<160000x40xf32, #tpu.memory_space<hbm>>, %arg8: memref<40x128xi32, #tpu.memory_space<vmem>>, %arg9: memref<40x128xi32, #tpu.memory_space<vmem>>, %arg10: memref<128x40xf32, #tpu.memory_space<vmem>>, %arg11: memref<128x40xf32, #tpu.memory_space<vmem>>, %arg12: memref<128x40xf32, #tpu.memory_space<vmem>>, %arg13: memref<128x40xf32, #tpu.memory_space<vmem>>, %arg14: memref<!tpu.dma_semaphore, #tpu.memory_space<semaphore_mem>>, %arg15: memref<!tpu.dma_semaphore, #tpu.memory_space<semaphore_mem>>, %arg16: memref<!tpu.dma_semaphore, #tpu.memory_space<semaphore_mem>>, %arg17: memref<!tpu.dma_semaphore, #tpu.memory_space<semaphore_mem>>) attributes {dimension_semantics = [#tpu.dimension_semantics<core_parallel>, #tpu.dimension_semantics<subcore_parallel>], iteration_bounds = array<i64: 2, 16>, scalar_prefetch = 0 : i64, scratch_operands = 10 : i64, tpu.core_type = #tpu.core_type<sc_vector_subcore>, window_params = [{transform_indices = #map}, {transform_indices = #map}, {transform_indices = #map}, {transform_indices = #map}, {transform_indices = #map}, {transform_indices = #map}]} {
    %mul3A = arith.constant 2 : i32
    %mul3A_0 = arith.muli %arg1, %mul3A : i32
    %add3A = arith.addi %mul3A_0, %arg0 : i32
    %mul3A_1 = arith.constant 39 : i32
    %mul3A_2 = arith.muli %add3A, %mul3A_1 : i32
    %min3A = arith.constant 2 : i32
    %min3A_3 = arith.minsi %add3A, %min3A : i32
    %add3A_4 = arith.addi %mul3A_2, %min3A_3 : i32
    %lt3A = arith.constant 2 : i32
    %lt3A_5 = arith.cmpi slt, %add3A, %lt3A : i32
    %jit3A = arith.constant 1 : i32
    %jit3A_6 = arith.constant 0 : i32
    %select_n3A = arith.select %lt3A_5, %jit3A, %jit3A_6 : i32
    %add3A_7 = arith.constant 39 : i32
    %add3A_8 = arith.addi %add3A_7, %select_n3A : i32
    "tpu.region"() ({
      %run_scoped3A = tpu.sem_alloc : memref<!tpu.dma_semaphore, #tpu.memory_space<semaphore_mem>>
      %dma_start3A_28 = arith.constant 0 : i32
      %dma_start3A_29 = tpu.memref_slice %arg4[%add3A_4, %dma_start3A_28] : memref<1280x128xi32, #tpu.memory_space<hbm>> -> memref<40x128xi32, #tpu.memory_space<hbm>>
      %dma_start3A_30 = arith.constant 0 : i32
      %dma_start3A_31 = tpu.memref_slice %arg4[%add3A_4, %dma_start3A_30] : memref<1280x128xi32, #tpu.memory_space<hbm>> -> memref<40x128xi32, #tpu.memory_space<hbm>>
      tpu.enqueue_dma source(%dma_start3A_31 : memref<40x128xi32, #tpu.memory_space<hbm>>) target(%arg8 : memref<40x128xi32, #tpu.memory_space<vmem>>) target_semaphore(%run_scoped3A : memref<!tpu.dma_semaphore, #tpu.memory_space<semaphore_mem>>)
      %dma_wait3A = arith.constant 0 : i32
      %dma_wait3A_32 = tpu.memref_slice %arg4[%add3A_4, %dma_wait3A] : memref<1280x128xi32, #tpu.memory_space<hbm>> -> memref<40x128xi32, #tpu.memory_space<hbm>>
      %dma_wait3A_33 = arith.constant 0 : i32
      %dma_wait3A_34 = tpu.memref_slice %arg4[%add3A_4, %dma_wait3A_33] : memref<1280x128xi32, #tpu.memory_space<hbm>> -> memref<40x128xi32, #tpu.memory_space<hbm>>
      tpu.wait_dma2 semaphore(%run_scoped3A : memref<!tpu.dma_semaphore, #tpu.memory_space<semaphore_mem>>) src(%dma_wait3A_34 : memref<40x128xi32, #tpu.memory_space<hbm>>) dst(%arg8 : memref<40x128xi32, #tpu.memory_space<vmem>>)
      tpu.yield
    }) : () -> ()
    "tpu.region"() ({
      %run_scoped3A = tpu.sem_alloc : memref<!tpu.dma_semaphore, #tpu.memory_space<semaphore_mem>>
      %dma_start3A_28 = arith.constant 0 : i32
      %dma_start3A_29 = tpu.memref_slice %arg5[%add3A_4, %dma_start3A_28] : memref<1280x128xi32, #tpu.memory_space<hbm>> -> memref<40x128xi32, #tpu.memory_space<hbm>>
      %dma_start3A_30 = arith.constant 0 : i32
      %dma_start3A_31 = tpu.memref_slice %arg5[%add3A_4, %dma_start3A_30] : memref<1280x128xi32, #tpu.memory_space<hbm>> -> memref<40x128xi32, #tpu.memory_space<hbm>>
      tpu.enqueue_dma source(%dma_start3A_31 : memref<40x128xi32, #tpu.memory_space<hbm>>) target(%arg9 : memref<40x128xi32, #tpu.memory_space<vmem>>) target_semaphore(%run_scoped3A : memref<!tpu.dma_semaphore, #tpu.memory_space<semaphore_mem>>)
      %dma_wait3A = arith.constant 0 : i32
      %dma_wait3A_32 = tpu.memref_slice %arg5[%add3A_4, %dma_wait3A] : memref<1280x128xi32, #tpu.memory_space<hbm>> -> memref<40x128xi32, #tpu.memory_space<hbm>>
      %dma_wait3A_33 = arith.constant 0 : i32
      %dma_wait3A_34 = tpu.memref_slice %arg5[%add3A_4, %dma_wait3A_33] : memref<1280x128xi32, #tpu.memory_space<hbm>> -> memref<40x128xi32, #tpu.memory_space<hbm>>
      tpu.wait_dma2 semaphore(%run_scoped3A : memref<!tpu.dma_semaphore, #tpu.memory_space<semaphore_mem>>) src(%dma_wait3A_34 : memref<40x128xi32, #tpu.memory_space<hbm>>) dst(%arg9 : memref<40x128xi32, #tpu.memory_space<vmem>>)
      tpu.yield
    }) : () -> ()
    %sub3A = arith.constant 1 : i32
    %sub3A_9 = arith.subi %add3A_8, %sub3A : i32
    %min3A_10 = arith.constant 0 : i32
    %min3A_11 = arith.minsi %min3A_10, %sub3A_9 : i32
    %dma_start3A = arith.constant 0 : i32
    %dma_start3A_12 = tpu.memref_slice %arg8[%min3A_11, %dma_start3A] : memref<40x128xi32, #tpu.memory_space<vmem>> -> memref<1x128xi32, #tpu.memory_space<vmem>>
    %dma_start3A_13 = tpu.memref_squeeze %dma_start3A_12 : memref<1x128xi32, #tpu.memory_space<vmem>> -> memref<128xi32, #tpu.memory_space<vmem>>
    %dma_start3A_14 = arith.constant 0 : i32
    %dma_start3A_15 = arith.constant 0 : i32
    %dma_start3A_16 = tpu.memref_slice %arg2[%dma_start3A_14, %dma_start3A_15] : memref<10000x40xf32, #tpu.memory_space<hbm>> -> memref<10000x40xf32, #tpu.memory_space<hbm>>
    tpu.enqueue_indirect_dma source(%dma_start3A_16 : memref<10000x40xf32, #tpu.memory_space<hbm>>) target(%arg10 : memref<128x40xf32, #tpu.memory_space<vmem>>) offsets(%dma_start3A_13 : memref<128xi32, #tpu.memory_space<vmem>>) semaphore(%arg14 : memref<!tpu.dma_semaphore, #tpu.memory_space<semaphore_mem>>)
    %dma_start3A_17 = arith.constant 0 : i32
    %dma_start3A_18 = tpu.memref_slice %arg9[%min3A_11, %dma_start3A_17] : memref<40x128xi32, #tpu.memory_space<vmem>> -> memref<1x128xi32, #tpu.memory_space<vmem>>
    %dma_start3A_19 = tpu.memref_squeeze %dma_start3A_18 : memref<1x128xi32, #tpu.memory_space<vmem>> -> memref<128xi32, #tpu.memory_space<vmem>>
    %dma_start3A_20 = arith.constant 0 : i32
    %dma_start3A_21 = arith.constant 0 : i32
    %dma_start3A_22 = tpu.memref_slice %arg3[%dma_start3A_20, %dma_start3A_21] : memref<10000x40xf32, #tpu.memory_space<hbm>> -> memref<10000x40xf32, #tpu.memory_space<hbm>>
    tpu.enqueue_indirect_dma source(%dma_start3A_22 : memref<10000x40xf32, #tpu.memory_space<hbm>>) target(%arg11 : memref<128x40xf32, #tpu.memory_space<vmem>>) offsets(%dma_start3A_19 : memref<128xi32, #tpu.memory_space<vmem>>) semaphore(%arg15 : memref<!tpu.dma_semaphore, #tpu.memory_space<semaphore_mem>>)
    %scan3A = arith.constant 0 : i32
    %scan3A_23 = arith.constant 0 : i32
    %scan3A_24 = arith.constant 20 : i32
    %scan3A_25 = arith.addi %scan3A_23, %scan3A_24 : i32
    %scan3A_26 = arith.constant 1 : i32
    scf.for %scan3A_28 = %scan3A_23 to %scan3A_25 step %scan3A_26  : i32 {
      %mul3A_29 = arith.constant 2 : i32
      %mul3A_30 = arith.muli %mul3A_29, %scan3A_28 : i32
      %add3A_31 = arith.constant 1 : i32
      %add3A_32 = arith.addi %mul3A_30, %add3A_31 : i32
      %sub3A_33 = arith.constant 1 : i32
      %sub3A_34 = arith.subi %add3A_8, %sub3A_33 : i32
      %min3A_35 = arith.minsi %add3A_32, %sub3A_34 : i32
      %dma_start3A_36 = arith.constant 0 : i32
      %dma_start3A_37 = tpu.memref_slice %arg8[%min3A_35, %dma_start3A_36] : memref<40x128xi32, #tpu.memory_space<vmem>> -> memref<1x128xi32, #tpu.memory_space<vmem>>
      %dma_start3A_38 = tpu.memref_squeeze %dma_start3A_37 : memref<1x128xi32, #tpu.memory_space<vmem>> -> memref<128xi32, #tpu.memory_space<vmem>>
      %dma_start3A_39 = arith.constant 0 : i32
      %dma_start3A_40 = arith.constant 0 : i32
      %dma_start3A_41 = tpu.memref_slice %arg2[%dma_start3A_39, %dma_start3A_40] : memref<10000x40xf32, #tpu.memory_space<hbm>> -> memref<10000x40xf32, #tpu.memory_space<hbm>>
      tpu.enqueue_indirect_dma source(%dma_start3A_41 : memref<10000x40xf32, #tpu.memory_space<hbm>>) target(%arg12 : memref<128x40xf32, #tpu.memory_space<vmem>>) offsets(%dma_start3A_38 : memref<128xi32, #tpu.memory_space<vmem>>) semaphore(%arg16 : memref<!tpu.dma_semaphore, #tpu.memory_space<semaphore_mem>>)
      %dma_start3A_42 = arith.constant 0 : i32
      %dma_start3A_43 = tpu.memref_slice %arg9[%min3A_35, %dma_start3A_42] : memref<40x128xi32, #tpu.memory_space<vmem>> -> memref<1x128xi32, #tpu.memory_space<vmem>>
      %dma_start3A_44 = tpu.memref_squeeze %dma_start3A_43 : memref<1x128xi32, #tpu.memory_space<vmem>> -> memref<128xi32, #tpu.memory_space<vmem>>
      %dma_start3A_45 = arith.constant 0 : i32
      %dma_start3A_46 = arith.constant 0 : i32
      %dma_start3A_47 = tpu.memref_slice %arg3[%dma_start3A_45, %dma_start3A_46] : memref<10000x40xf32, #tpu.memory_space<hbm>> -> memref<10000x40xf32, #tpu.memory_space<hbm>>
      tpu.enqueue_indirect_dma source(%dma_start3A_47 : memref<10000x40xf32, #tpu.memory_space<hbm>>) target(%arg13 : memref<128x40xf32, #tpu.memory_space<vmem>>) offsets(%dma_start3A_44 : memref<128xi32, #tpu.memory_space<vmem>>) semaphore(%arg17 : memref<!tpu.dma_semaphore, #tpu.memory_space<semaphore_mem>>)
      %mul3A_48 = arith.constant 2 : i32
      %mul3A_49 = arith.muli %mul3A_48, %scan3A_28 : i32
      %sub3A_50 = arith.constant 1 : i32
      %sub3A_51 = arith.subi %add3A_8, %sub3A_50 : i32
      %min3A_52 = arith.minsi %mul3A_49, %sub3A_51 : i32
      %dma_wait3A = arith.constant 0 : i32
      %dma_wait3A_53 = arith.constant 0 : i32
      %dma_wait3A_54 = tpu.memref_slice %arg8[%dma_wait3A, %dma_wait3A_53] : memref<40x128xi32, #tpu.memory_space<vmem>> -> memref<1x128xi32, #tpu.memory_space<vmem>>
      %dma_wait3A_55 = tpu.memref_squeeze %dma_wait3A_54 : memref<1x128xi32, #tpu.memory_space<vmem>> -> memref<128xi32, #tpu.memory_space<vmem>>
      %dma_wait3A_56 = arith.constant 0 : i32
      %dma_wait3A_57 = arith.constant 0 : i32
      %dma_wait3A_58 = tpu.memref_slice %arg2[%dma_wait3A_56, %dma_wait3A_57] : memref<10000x40xf32, #tpu.memory_space<hbm>> -> memref<10000x40xf32, #tpu.memory_space<hbm>>
      tpu.wait_indirect_dma semaphore(%arg14 : memref<!tpu.dma_semaphore, #tpu.memory_space<semaphore_mem>>) src(%dma_wait3A_58 : memref<10000x40xf32, #tpu.memory_space<hbm>>) dst(%arg10 : memref<128x40xf32, #tpu.memory_space<vmem>>)
      %dma_wait3A_59 = arith.constant 0 : i32
      %dma_wait3A_60 = arith.constant 0 : i32
      %dma_wait3A_61 = tpu.memref_slice %arg9[%dma_wait3A_59, %dma_wait3A_60] : memref<40x128xi32, #tpu.memory_space<vmem>> -> memref<1x128xi32, #tpu.memory_space<vmem>>
      %dma_wait3A_62 = tpu.memref_squeeze %dma_wait3A_61 : memref<1x128xi32, #tpu.memory_space<vmem>> -> memref<128xi32, #tpu.memory_space<vmem>>
      %dma_wait3A_63 = arith.constant 0 : i32
      %dma_wait3A_64 = arith.constant 0 : i32
      %dma_wait3A_65 = tpu.memref_slice %arg3[%dma_wait3A_63, %dma_wait3A_64] : memref<10000x40xf32, #tpu.memory_space<hbm>> -> memref<10000x40xf32, #tpu.memory_space<hbm>>
      tpu.wait_indirect_dma semaphore(%arg15 : memref<!tpu.dma_semaphore, #tpu.memory_space<semaphore_mem>>) src(%dma_wait3A_65 : memref<10000x40xf32, #tpu.memory_space<hbm>>) dst(%arg11 : memref<128x40xf32, #tpu.memory_space<vmem>>)
      %add3A_66 = arith.addi %add3A_4, %min3A_52 : i32
      %mul3A_67 = arith.constant 128 : i32
      %mul3A_68 = arith.muli %add3A_66, %mul3A_67 : i32
      "tpu.region"() ({
        %run_scoped3A = tpu.sem_alloc : memref<!tpu.dma_semaphore, #tpu.memory_space<semaphore_mem>>
        %dma_start3A_96 = arith.constant 0 : i32
        %dma_start3A_97 = tpu.memref_slice %arg6[%mul3A_68, %dma_start3A_96] : memref<160000x40xf32, #tpu.memory_space<hbm>> -> memref<128x40xf32, #tpu.memory_space<hbm>>
        %dma_start3A_98 = arith.constant 0 : i32
        %dma_start3A_99 = tpu.memref_slice %arg6[%mul3A_68, %dma_start3A_98] : memref<160000x40xf32, #tpu.memory_space<hbm>> -> memref<128x40xf32, #tpu.memory_space<hbm>>
        tpu.enqueue_dma source(%arg10 : memref<128x40xf32, #tpu.memory_space<vmem>>) target(%dma_start3A_99 : memref<128x40xf32, #tpu.memory_space<hbm>>) target_semaphore(%run_scoped3A : memref<!tpu.dma_semaphore, #tpu.memory_space<semaphore_mem>>)
        %dma_wait3A_100 = arith.constant 0 : i32
        %dma_wait3A_101 = tpu.memref_slice %arg6[%mul3A_68, %dma_wait3A_100] : memref<160000x40xf32, #tpu.memory_space<hbm>> -> memref<128x40xf32, #tpu.memory_space<hbm>>
        %dma_wait3A_102 = arith.constant 0 : i32
        %dma_wait3A_103 = tpu.memref_slice %arg6[%mul3A_68, %dma_wait3A_102] : memref<160000x40xf32, #tpu.memory_space<hbm>> -> memref<128x40xf32, #tpu.memory_space<hbm>>
        tpu.wait_dma2 semaphore(%run_scoped3A : memref<!tpu.dma_semaphore, #tpu.memory_space<semaphore_mem>>) src(%arg10 : memref<128x40xf32, #tpu.memory_space<vmem>>) dst(%dma_wait3A_103 : memref<128x40xf32, #tpu.memory_space<hbm>>)
        tpu.yield
      }) : () -> ()
      "tpu.region"() ({
        %run_scoped3A = tpu.sem_alloc : memref<!tpu.dma_semaphore, #tpu.memory_space<semaphore_mem>>
        %dma_start3A_96 = arith.constant 0 : i32
        %dma_start3A_97 = tpu.memref_slice %arg7[%mul3A_68, %dma_start3A_96] : memref<160000x40xf32, #tpu.memory_space<hbm>> -> memref<128x40xf32, #tpu.memory_space<hbm>>
        %dma_start3A_98 = arith.constant 0 : i32
        %dma_start3A_99 = tpu.memref_slice %arg7[%mul3A_68, %dma_start3A_98] : memref<160000x40xf32, #tpu.memory_space<hbm>> -> memref<128x40xf32, #tpu.memory_space<hbm>>
        tpu.enqueue_dma source(%arg11 : memref<128x40xf32, #tpu.memory_space<vmem>>) target(%dma_start3A_99 : memref<128x40xf32, #tpu.memory_space<hbm>>) target_semaphore(%run_scoped3A : memref<!tpu.dma_semaphore, #tpu.memory_space<semaphore_mem>>)
        %dma_wait3A_100 = arith.constant 0 : i32
        %dma_wait3A_101 = tpu.memref_slice %arg7[%mul3A_68, %dma_wait3A_100] : memref<160000x40xf32, #tpu.memory_space<hbm>> -> memref<128x40xf32, #tpu.memory_space<hbm>>
        %dma_wait3A_102 = arith.constant 0 : i32
        %dma_wait3A_103 = tpu.memref_slice %arg7[%mul3A_68, %dma_wait3A_102] : memref<160000x40xf32, #tpu.memory_space<hbm>> -> memref<128x40xf32, #tpu.memory_space<hbm>>
        tpu.wait_dma2 semaphore(%run_scoped3A : memref<!tpu.dma_semaphore, #tpu.memory_space<semaphore_mem>>) src(%arg11 : memref<128x40xf32, #tpu.memory_space<vmem>>) dst(%dma_wait3A_103 : memref<128x40xf32, #tpu.memory_space<hbm>>)
        tpu.yield
      }) : () -> ()
      %lt3A_69 = arith.constant 19 : i32
      %lt3A_70 = arith.cmpi slt, %scan3A_28, %lt3A_69 : i32
      %convert_element_type3A = arith.extui %lt3A_70 : i1 to i32
      %cond3A = arith.constant 0 : i32
      %cond3A_71 = arith.cmpi ne, %convert_element_type3A, %cond3A : i32
      scf.if %cond3A_71 {
        %mul3A_96 = arith.constant 2 : i32
        %mul3A_97 = arith.muli %mul3A_96, %scan3A_28 : i32
        %add3A_98 = arith.constant 2 : i32
        %add3A_99 = arith.addi %mul3A_97, %add3A_98 : i32
        %sub3A_100 = arith.constant 1 : i32
        %sub3A_101 = arith.subi %add3A_8, %sub3A_100 : i32
        %min3A_102 = arith.minsi %add3A_99, %sub3A_101 : i32
        %dma_start3A_103 = arith.constant 0 : i32
        %dma_start3A_104 = tpu.memref_slice %arg8[%min3A_102, %dma_start3A_103] : memref<40x128xi32, #tpu.memory_space<vmem>> -> memref<1x128xi32, #tpu.memory_space<vmem>>
        %dma_start3A_105 = tpu.memref_squeeze %dma_start3A_104 : memref<1x128xi32, #tpu.memory_space<vmem>> -> memref<128xi32, #tpu.memory_space<vmem>>
        %dma_start3A_106 = arith.constant 0 : i32
        %dma_start3A_107 = arith.constant 0 : i32
        %dma_start3A_108 = tpu.memref_slice %arg2[%dma_start3A_106, %dma_start3A_107] : memref<10000x40xf32, #tpu.memory_space<hbm>> -> memref<10000x40xf32, #tpu.memory_space<hbm>>
        tpu.enqueue_indirect_dma source(%dma_start3A_108 : memref<10000x40xf32, #tpu.memory_space<hbm>>) target(%arg10 : memref<128x40xf32, #tpu.memory_space<vmem>>) offsets(%dma_start3A_105 : memref<128xi32, #tpu.memory_space<vmem>>) semaphore(%arg14 : memref<!tpu.dma_semaphore, #tpu.memory_space<semaphore_mem>>)
        %dma_start3A_109 = arith.constant 0 : i32
        %dma_start3A_110 = tpu.memref_slice %arg9[%min3A_102, %dma_start3A_109] : memref<40x128xi32, #tpu.memory_space<vmem>> -> memref<1x128xi32, #tpu.memory_space<vmem>>
        %dma_start3A_111 = tpu.memref_squeeze %dma_start3A_110 : memref<1x128xi32, #tpu.memory_space<vmem>> -> memref<128xi32, #tpu.memory_space<vmem>>
        %dma_start3A_112 = arith.constant 0 : i32
        %dma_start3A_113 = arith.constant 0 : i32
        %dma_start3A_114 = tpu.memref_slice %arg3[%dma_start3A_112, %dma_start3A_113] : memref<10000x40xf32, #tpu.memory_space<hbm>> -> memref<10000x40xf32, #tpu.memory_space<hbm>>
        tpu.enqueue_indirect_dma source(%dma_start3A_114 : memref<10000x40xf32, #tpu.memory_space<hbm>>) target(%arg11 : memref<128x40xf32, #tpu.memory_space<vmem>>) offsets(%dma_start3A_111 : memref<128xi32, #tpu.memory_space<vmem>>) semaphore(%arg15 : memref<!tpu.dma_semaphore, #tpu.memory_space<semaphore_mem>>)
      } else {
      }
      %mul3A_72 = arith.constant 2 : i32
      %mul3A_73 = arith.muli %mul3A_72, %scan3A_28 : i32
      %add3A_74 = arith.constant 1 : i32
      %add3A_75 = arith.addi %mul3A_73, %add3A_74 : i32
      %sub3A_76 = arith.constant 1 : i32
      %sub3A_77 = arith.subi %add3A_8, %sub3A_76 : i32
      %min3A_78 = arith.minsi %add3A_75, %sub3A_77 : i32
      %dma_wait3A_79 = arith.constant 0 : i32
      %dma_wait3A_80 = arith.constant 0 : i32
      %dma_wait3A_81 = tpu.memref_slice %arg8[%dma_wait3A_79, %dma_wait3A_80] : memref<40x128xi32, #tpu.memory_space<vmem>> -> memref<1x128xi32, #tpu.memory_space<vmem>>
      %dma_wait3A_82 = tpu.memref_squeeze %dma_wait3A_81 : memref<1x128xi32, #tpu.memory_space<vmem>> -> memref<128xi32, #tpu.memory_space<vmem>>
      %dma_wait3A_83 = arith.constant 0 : i32
      %dma_wait3A_84 = arith.constant 0 : i32
      %dma_wait3A_85 = tpu.memref_slice %arg2[%dma_wait3A_83, %dma_wait3A_84] : memref<10000x40xf32, #tpu.memory_space<hbm>> -> memref<10000x40xf32, #tpu.memory_space<hbm>>
      tpu.wait_indirect_dma semaphore(%arg16 : memref<!tpu.dma_semaphore, #tpu.memory_space<semaphore_mem>>) src(%dma_wait3A_85 : memref<10000x40xf32, #tpu.memory_space<hbm>>) dst(%arg12 : memref<128x40xf32, #tpu.memory_space<vmem>>)
      %dma_wait3A_86 = arith.constant 0 : i32
      %dma_wait3A_87 = arith.constant 0 : i32
      %dma_wait3A_88 = tpu.memref_slice %arg9[%dma_wait3A_86, %dma_wait3A_87] : memref<40x128xi32, #tpu.memory_space<vmem>> -> memref<1x128xi32, #tpu.memory_space<vmem>>
      %dma_wait3A_89 = tpu.memref_squeeze %dma_wait3A_88 : memref<1x128xi32, #tpu.memory_space<vmem>> -> memref<128xi32, #tpu.memory_space<vmem>>
      %dma_wait3A_90 = arith.constant 0 : i32
      %dma_wait3A_91 = arith.constant 0 : i32
      %dma_wait3A_92 = tpu.memref_slice %arg3[%dma_wait3A_90, %dma_wait3A_91] : memref<10000x40xf32, #tpu.memory_space<hbm>> -> memref<10000x40xf32, #tpu.memory_space<hbm>>
      tpu.wait_indirect_dma semaphore(%arg17 : memref<!tpu.dma_semaphore, #tpu.memory_space<semaphore_mem>>) src(%dma_wait3A_92 : memref<10000x40xf32, #tpu.memory_space<hbm>>) dst(%arg13 : memref<128x40xf32, #tpu.memory_space<vmem>>)
      %add3A_93 = arith.addi %add3A_4, %min3A_78 : i32
      %mul3A_94 = arith.constant 128 : i32
      %mul3A_95 = arith.muli %add3A_93, %mul3A_94 : i32
      "tpu.region"() ({
        %run_scoped3A = tpu.sem_alloc : memref<!tpu.dma_semaphore, #tpu.memory_space<semaphore_mem>>
        %dma_start3A_96 = arith.constant 0 : i32
        %dma_start3A_97 = tpu.memref_slice %arg6[%mul3A_95, %dma_start3A_96] : memref<160000x40xf32, #tpu.memory_space<hbm>> -> memref<128x40xf32, #tpu.memory_space<hbm>>
        %dma_start3A_98 = arith.constant 0 : i32
        %dma_start3A_99 = tpu.memref_slice %arg6[%mul3A_95, %dma_start3A_98] : memref<160000x40xf32, #tpu.memory_space<hbm>> -> memref<128x40xf32, #tpu.memory_space<hbm>>
        tpu.enqueue_dma source(%arg12 : memref<128x40xf32, #tpu.memory_space<vmem>>) target(%dma_start3A_99 : memref<128x40xf32, #tpu.memory_space<hbm>>) target_semaphore(%run_scoped3A : memref<!tpu.dma_semaphore, #tpu.memory_space<semaphore_mem>>)
        %dma_wait3A_100 = arith.constant 0 : i32
        %dma_wait3A_101 = tpu.memref_slice %arg6[%mul3A_95, %dma_wait3A_100] : memref<160000x40xf32, #tpu.memory_space<hbm>> -> memref<128x40xf32, #tpu.memory_space<hbm>>
        %dma_wait3A_102 = arith.constant 0 : i32
        %dma_wait3A_103 = tpu.memref_slice %arg6[%mul3A_95, %dma_wait3A_102] : memref<160000x40xf32, #tpu.memory_space<hbm>> -> memref<128x40xf32, #tpu.memory_space<hbm>>
        tpu.wait_dma2 semaphore(%run_scoped3A : memref<!tpu.dma_semaphore, #tpu.memory_space<semaphore_mem>>) src(%arg12 : memref<128x40xf32, #tpu.memory_space<vmem>>) dst(%dma_wait3A_103 : memref<128x40xf32, #tpu.memory_space<hbm>>)
        tpu.yield
      }) : () -> ()
      "tpu.region"() ({
        %run_scoped3A = tpu.sem_alloc : memref<!tpu.dma_semaphore, #tpu.memory_space<semaphore_mem>>
        %dma_start3A_96 = arith.constant 0 : i32
        %dma_start3A_97 = tpu.memref_slice %arg7[%mul3A_95, %dma_start3A_96] : memref<160000x40xf32, #tpu.memory_space<hbm>> -> memref<128x40xf32, #tpu.memory_space<hbm>>
        %dma_start3A_98 = arith.constant 0 : i32
        %dma_start3A_99 = tpu.memref_slice %arg7[%mul3A_95, %dma_start3A_98] : memref<160000x40xf32, #tpu.memory_space<hbm>> -> memref<128x40xf32, #tpu.memory_space<hbm>>
        tpu.enqueue_dma source(%arg13 : memref<128x40xf32, #tpu.memory_space<vmem>>) target(%dma_start3A_99 : memref<128x40xf32, #tpu.memory_space<hbm>>) target_semaphore(%run_scoped3A : memref<!tpu.dma_semaphore, #tpu.memory_space<semaphore_mem>>)
        %dma_wait3A_100 = arith.constant 0 : i32
        %dma_wait3A_101 = tpu.memref_slice %arg7[%mul3A_95, %dma_wait3A_100] : memref<160000x40xf32, #tpu.memory_space<hbm>> -> memref<128x40xf32, #tpu.memory_space<hbm>>
        %dma_wait3A_102 = arith.constant 0 : i32
        %dma_wait3A_103 = tpu.memref_slice %arg7[%mul3A_95, %dma_wait3A_102] : memref<160000x40xf32, #tpu.memory_space<hbm>> -> memref<128x40xf32, #tpu.memory_space<hbm>>
        tpu.wait_dma2 semaphore(%run_scoped3A : memref<!tpu.dma_semaphore, #tpu.memory_space<semaphore_mem>>) src(%arg13 : memref<128x40xf32, #tpu.memory_space<vmem>>) dst(%dma_wait3A_103 : memref<128x40xf32, #tpu.memory_space<hbm>>)
        tpu.yield
      }) : () -> ()
    }
    %scan3A_27 = arith.constant 20 : i32
    return
  }
}

#map = affine_map<(d0, d1) -> (0, 0)>
module attributes {stable_mosaic.version = 14 : i64} {
  func.func @_sc_gather(%arg0: i32, %arg1: i32, %arg2: memref<10000x40xf32, #tpu.memory_space<hbm>>, %arg3: memref<10000x40xf32, #tpu.memory_space<hbm>>, %arg4: memref<1280x128xi32, #tpu.memory_space<hbm>>, %arg5: memref<1280x128xi32, #tpu.memory_space<hbm>>, %arg6: memref<160000x40xf32, #tpu.memory_space<hbm>>, %arg7: memref<160000x40xf32, #tpu.memory_space<hbm>>, %arg8: memref<40x128xi32, #tpu.memory_space<vmem>>, %arg9: memref<40x128xi32, #tpu.memory_space<vmem>>, %arg10: memref<128x40xf32, #tpu.memory_space<vmem>>, %arg11: memref<128x40xf32, #tpu.memory_space<vmem>>, %arg12: memref<128x40xf32, #tpu.memory_space<vmem>>, %arg13: memref<128x40xf32, #tpu.memory_space<vmem>>, %arg14: memref<!tpu.dma_semaphore, #tpu.memory_space<semaphore_mem>>, %arg15: memref<!tpu.dma_semaphore, #tpu.memory_space<semaphore_mem>>, %arg16: memref<!tpu.dma_semaphore, #tpu.memory_space<semaphore_mem>>, %arg17: memref<!tpu.dma_semaphore, #tpu.memory_space<semaphore_mem>>) attributes {dimension_semantics = [#tpu.dimension_semantics<core_parallel>, #tpu.dimension_semantics<subcore_parallel>], iteration_bounds = array<i64: 2, 16>, scalar_prefetch = 0 : i64, scratch_operands = 10 : i64, tpu.core_type = #tpu.core_type<sc_vector_subcore>, window_params = [{transform_indices = #map}, {transform_indices = #map}, {transform_indices = #map}, {transform_indices = #map}, {transform_indices = #map}, {transform_indices = #map}]} {
    %mul3A = arith.constant 2 : i32
    %mul3A_0 = arith.muli %arg1, %mul3A : i32
    %add3A = arith.addi %mul3A_0, %arg0 : i32
    %mul3A_1 = arith.constant 39 : i32
    %mul3A_2 = arith.muli %add3A, %mul3A_1 : i32
    %min3A = arith.constant 2 : i32
    %min3A_3 = arith.minsi %add3A, %min3A : i32
    %add3A_4 = arith.addi %mul3A_2, %min3A_3 : i32
    %lt3A = arith.constant 2 : i32
    %lt3A_5 = arith.cmpi slt, %add3A, %lt3A : i32
    %jit3A = arith.constant 1 : i32
    %jit3A_6 = arith.constant 0 : i32
    %select_n3A = arith.select %lt3A_5, %jit3A, %jit3A_6 : i32
    %add3A_7 = arith.constant 39 : i32
    %add3A_8 = arith.addi %add3A_7, %select_n3A : i32
    "tpu.region"() ({
      %run_scoped3A = tpu.sem_alloc : memref<!tpu.dma_semaphore, #tpu.memory_space<semaphore_mem>>
      %dma_start3A_28 = arith.constant 0 : i32
      %dma_start3A_29 = tpu.memref_slice %arg4[%add3A_4, %dma_start3A_28] : memref<1280x128xi32, #tpu.memory_space<hbm>> -> memref<40x128xi32, #tpu.memory_space<hbm>>
      %dma_start3A_30 = arith.constant 0 : i32
      %dma_start3A_31 = tpu.memref_slice %arg4[%add3A_4, %dma_start3A_30] : memref<1280x128xi32, #tpu.memory_space<hbm>> -> memref<40x128xi32, #tpu.memory_space<hbm>>
      tpu.enqueue_dma source(%dma_start3A_31 : memref<40x128xi32, #tpu.memory_space<hbm>>) target(%arg8 : memref<40x128xi32, #tpu.memory_space<vmem>>) target_semaphore(%run_scoped3A : memref<!tpu.dma_semaphore, #tpu.memory_space<semaphore_mem>>)
      %dma_wait3A = arith.constant 0 : i32
      %dma_wait3A_32 = tpu.memref_slice %arg4[%add3A_4, %dma_wait3A] : memref<1280x128xi32, #tpu.memory_space<hbm>> -> memref<40x128xi32, #tpu.memory_space<hbm>>
      %dma_wait3A_33 = arith.constant 0 : i32
      %dma_wait3A_34 = tpu.memref_slice %arg4[%add3A_4, %dma_wait3A_33] : memref<1280x128xi32, #tpu.memory_space<hbm>> -> memref<40x128xi32, #tpu.memory_space<hbm>>
      tpu.wait_dma2 semaphore(%run_scoped3A : memref<!tpu.dma_semaphore, #tpu.memory_space<semaphore_mem>>) src(%dma_wait3A_34 : memref<40x128xi32, #tpu.memory_space<hbm>>) dst(%arg8 : memref<40x128xi32, #tpu.memory_space<vmem>>)
      tpu.yield
    }) : () -> ()
    "tpu.region"() ({
      %run_scoped3A = tpu.sem_alloc : memref<!tpu.dma_semaphore, #tpu.memory_space<semaphore_mem>>
      %dma_start3A_28 = arith.constant 0 : i32
      %dma_start3A_29 = tpu.memref_slice %arg5[%add3A_4, %dma_start3A_28] : memref<1280x128xi32, #tpu.memory_space<hbm>> -> memref<40x128xi32, #tpu.memory_space<hbm>>
      %dma_start3A_30 = arith.constant 0 : i32
      %dma_start3A_31 = tpu.memref_slice %arg5[%add3A_4, %dma_start3A_30] : memref<1280x128xi32, #tpu.memory_space<hbm>> -> memref<40x128xi32, #tpu.memory_space<hbm>>
      tpu.enqueue_dma source(%dma_start3A_31 : memref<40x128xi32, #tpu.memory_space<hbm>>) target(%arg9 : memref<40x128xi32, #tpu.memory_space<vmem>>) target_semaphore(%run_scoped3A : memref<!tpu.dma_semaphore, #tpu.memory_space<semaphore_mem>>)
      %dma_wait3A = arith.constant 0 : i32
      %dma_wait3A_32 = tpu.memref_slice %arg5[%add3A_4, %dma_wait3A] : memref<1280x128xi32, #tpu.memory_space<hbm>> -> memref<40x128xi32, #tpu.memory_space<hbm>>
      %dma_wait3A_33 = arith.constant 0 : i32
      %dma_wait3A_34 = tpu.memref_slice %arg5[%add3A_4, %dma_wait3A_33] : memref<1280x128xi32, #tpu.memory_space<hbm>> -> memref<40x128xi32, #tpu.memory_space<hbm>>
      tpu.wait_dma2 semaphore(%run_scoped3A : memref<!tpu.dma_semaphore, #tpu.memory_space<semaphore_mem>>) src(%dma_wait3A_34 : memref<40x128xi32, #tpu.memory_space<hbm>>) dst(%arg9 : memref<40x128xi32, #tpu.memory_space<vmem>>)
      tpu.yield
    }) : () -> ()
    %sub3A = arith.constant 1 : i32
    %sub3A_9 = arith.subi %add3A_8, %sub3A : i32
    %min3A_10 = arith.constant 0 : i32
    %min3A_11 = arith.minsi %min3A_10, %sub3A_9 : i32
    %dma_start3A = arith.constant 0 : i32
    %dma_start3A_12 = tpu.memref_slice %arg8[%min3A_11, %dma_start3A] : memref<40x128xi32, #tpu.memory_space<vmem>> -> memref<1x128xi32, #tpu.memory_space<vmem>>
    %dma_start3A_13 = tpu.memref_squeeze %dma_start3A_12 : memref<1x128xi32, #tpu.memory_space<vmem>> -> memref<128xi32, #tpu.memory_space<vmem>>
    %dma_start3A_14 = arith.constant 0 : i32
    %dma_start3A_15 = arith.constant 0 : i32
    %dma_start3A_16 = tpu.memref_slice %arg2[%dma_start3A_14, %dma_start3A_15] : memref<10000x40xf32, #tpu.memory_space<hbm>> -> memref<10000x40xf32, #tpu.memory_space<hbm>>
    tpu.enqueue_indirect_dma source(%dma_start3A_16 : memref<10000x40xf32, #tpu.memory_space<hbm>>) target(%arg10 : memref<128x40xf32, #tpu.memory_space<vmem>>) offsets(%dma_start3A_13 : memref<128xi32, #tpu.memory_space<vmem>>) semaphore(%arg14 : memref<!tpu.dma_semaphore, #tpu.memory_space<semaphore_mem>>)
    %dma_start3A_17 = arith.constant 0 : i32
    %dma_start3A_18 = tpu.memref_slice %arg9[%min3A_11, %dma_start3A_17] : memref<40x128xi32, #tpu.memory_space<vmem>> -> memref<1x128xi32, #tpu.memory_space<vmem>>
    %dma_start3A_19 = tpu.memref_squeeze %dma_start3A_18 : memref<1x128xi32, #tpu.memory_space<vmem>> -> memref<128xi32, #tpu.memory_space<vmem>>
    %dma_start3A_20 = arith.constant 0 : i32
    %dma_start3A_21 = arith.constant 0 : i32
    %dma_start3A_22 = tpu.memref_slice %arg3[%dma_start3A_20, %dma_start3A_21] : memref<10000x40xf32, #tpu.memory_space<hbm>> -> memref<10000x40xf32, #tpu.memory_space<hbm>>
    tpu.enqueue_indirect_dma source(%dma_start3A_22 : memref<10000x40xf32, #tpu.memory_space<hbm>>) target(%arg11 : memref<128x40xf32, #tpu.memory_space<vmem>>) offsets(%dma_start3A_19 : memref<128xi32, #tpu.memory_space<vmem>>) semaphore(%arg15 : memref<!tpu.dma_semaphore, #tpu.memory_space<semaphore_mem>>)
    %scan3A = arith.constant 0 : i32
    %scan3A_23 = arith.constant 0 : i32
    %scan3A_24 = arith.constant 20 : i32
    %scan3A_25 = arith.addi %scan3A_23, %scan3A_24 : i32
    %scan3A_26 = arith.constant 1 : i32
    scf.for %scan3A_28 = %scan3A_23 to %scan3A_25 step %scan3A_26  : i32 {
      %mul3A_29 = arith.constant 2 : i32
      %mul3A_30 = arith.muli %mul3A_29, %scan3A_28 : i32
      %add3A_31 = arith.constant 1 : i32
      %add3A_32 = arith.addi %mul3A_30, %add3A_31 : i32
      %sub3A_33 = arith.constant 1 : i32
      %sub3A_34 = arith.subi %add3A_8, %sub3A_33 : i32
      %min3A_35 = arith.minsi %add3A_32, %sub3A_34 : i32
      %dma_start3A_36 = arith.constant 0 : i32
      %dma_start3A_37 = tpu.memref_slice %arg8[%min3A_35, %dma_start3A_36] : memref<40x128xi32, #tpu.memory_space<vmem>> -> memref<1x128xi32, #tpu.memory_space<vmem>>
      %dma_start3A_38 = tpu.memref_squeeze %dma_start3A_37 : memref<1x128xi32, #tpu.memory_space<vmem>> -> memref<128xi32, #tpu.memory_space<vmem>>
      %dma_start3A_39 = arith.constant 0 : i32
      %dma_start3A_40 = arith.constant 0 : i32
      %dma_start3A_41 = tpu.memref_slice %arg2[%dma_start3A_39, %dma_start3A_40] : memref<10000x40xf32, #tpu.memory_space<hbm>> -> memref<10000x40xf32, #tpu.memory_space<hbm>>
      tpu.enqueue_indirect_dma source(%dma_start3A_41 : memref<10000x40xf32, #tpu.memory_space<hbm>>) target(%arg12 : memref<128x40xf32, #tpu.memory_space<vmem>>) offsets(%dma_start3A_38 : memref<128xi32, #tpu.memory_space<vmem>>) semaphore(%arg16 : memref<!tpu.dma_semaphore, #tpu.memory_space<semaphore_mem>>)
      %dma_start3A_42 = arith.constant 0 : i32
      %dma_start3A_43 = tpu.memref_slice %arg9[%min3A_35, %dma_start3A_42] : memref<40x128xi32, #tpu.memory_space<vmem>> -> memref<1x128xi32, #tpu.memory_space<vmem>>
      %dma_start3A_44 = tpu.memref_squeeze %dma_start3A_43 : memref<1x128xi32, #tpu.memory_space<vmem>> -> memref<128xi32, #tpu.memory_space<vmem>>
      %dma_start3A_45 = arith.constant 0 : i32
      %dma_start3A_46 = arith.constant 0 : i32
      %dma_start3A_47 = tpu.memref_slice %arg3[%dma_start3A_45, %dma_start3A_46] : memref<10000x40xf32, #tpu.memory_space<hbm>> -> memref<10000x40xf32, #tpu.memory_space<hbm>>
      tpu.enqueue_indirect_dma source(%dma_start3A_47 : memref<10000x40xf32, #tpu.memory_space<hbm>>) target(%arg13 : memref<128x40xf32, #tpu.memory_space<vmem>>) offsets(%dma_start3A_44 : memref<128xi32, #tpu.memory_space<vmem>>) semaphore(%arg17 : memref<!tpu.dma_semaphore, #tpu.memory_space<semaphore_mem>>)
      %mul3A_48 = arith.constant 2 : i32
      %mul3A_49 = arith.muli %mul3A_48, %scan3A_28 : i32
      %sub3A_50 = arith.constant 1 : i32
      %sub3A_51 = arith.subi %add3A_8, %sub3A_50 : i32
      %min3A_52 = arith.minsi %mul3A_49, %sub3A_51 : i32
      %dma_wait3A = arith.constant 0 : i32
      %dma_wait3A_53 = arith.constant 0 : i32
      %dma_wait3A_54 = tpu.memref_slice %arg8[%dma_wait3A, %dma_wait3A_53] : memref<40x128xi32, #tpu.memory_space<vmem>> -> memref<1x128xi32, #tpu.memory_space<vmem>>
      %dma_wait3A_55 = tpu.memref_squeeze %dma_wait3A_54 : memref<1x128xi32, #tpu.memory_space<vmem>> -> memref<128xi32, #tpu.memory_space<vmem>>
      %dma_wait3A_56 = arith.constant 0 : i32
      %dma_wait3A_57 = arith.constant 0 : i32
      %dma_wait3A_58 = tpu.memref_slice %arg2[%dma_wait3A_56, %dma_wait3A_57] : memref<10000x40xf32, #tpu.memory_space<hbm>> -> memref<10000x40xf32, #tpu.memory_space<hbm>>
      tpu.wait_indirect_dma semaphore(%arg14 : memref<!tpu.dma_semaphore, #tpu.memory_space<semaphore_mem>>) src(%dma_wait3A_58 : memref<10000x40xf32, #tpu.memory_space<hbm>>) dst(%arg10 : memref<128x40xf32, #tpu.memory_space<vmem>>)
      %dma_wait3A_59 = arith.constant 0 : i32
      %dma_wait3A_60 = arith.constant 0 : i32
      %dma_wait3A_61 = tpu.memref_slice %arg9[%dma_wait3A_59, %dma_wait3A_60] : memref<40x128xi32, #tpu.memory_space<vmem>> -> memref<1x128xi32, #tpu.memory_space<vmem>>
      %dma_wait3A_62 = tpu.memref_squeeze %dma_wait3A_61 : memref<1x128xi32, #tpu.memory_space<vmem>> -> memref<128xi32, #tpu.memory_space<vmem>>
      %dma_wait3A_63 = arith.constant 0 : i32
      %dma_wait3A_64 = arith.constant 0 : i32
      %dma_wait3A_65 = tpu.memref_slice %arg3[%dma_wait3A_63, %dma_wait3A_64] : memref<10000x40xf32, #tpu.memory_space<hbm>> -> memref<10000x40xf32, #tpu.memory_space<hbm>>
      tpu.wait_indirect_dma semaphore(%arg15 : memref<!tpu.dma_semaphore, #tpu.memory_space<semaphore_mem>>) src(%dma_wait3A_65 : memref<10000x40xf32, #tpu.memory_space<hbm>>) dst(%arg11 : memref<128x40xf32, #tpu.memory_space<vmem>>)
      %add3A_66 = arith.addi %add3A_4, %min3A_52 : i32
      %mul3A_67 = arith.constant 128 : i32
      %mul3A_68 = arith.muli %add3A_66, %mul3A_67 : i32
      "tpu.region"() ({
        %run_scoped3A = tpu.sem_alloc : memref<!tpu.dma_semaphore, #tpu.memory_space<semaphore_mem>>
        %dma_start3A_96 = arith.constant 0 : i32
        %dma_start3A_97 = tpu.memref_slice %arg6[%mul3A_68, %dma_start3A_96] : memref<160000x40xf32, #tpu.memory_space<hbm>> -> memref<128x40xf32, #tpu.memory_space<hbm>>
        %dma_start3A_98 = arith.constant 0 : i32
        %dma_start3A_99 = tpu.memref_slice %arg6[%mul3A_68, %dma_start3A_98] : memref<160000x40xf32, #tpu.memory_space<hbm>> -> memref<128x40xf32, #tpu.memory_space<hbm>>
        tpu.enqueue_dma source(%arg10 : memref<128x40xf32, #tpu.memory_space<vmem>>) target(%dma_start3A_99 : memref<128x40xf32, #tpu.memory_space<hbm>>) target_semaphore(%run_scoped3A : memref<!tpu.dma_semaphore, #tpu.memory_space<semaphore_mem>>)
        %dma_wait3A_100 = arith.constant 0 : i32
        %dma_wait3A_101 = tpu.memref_slice %arg6[%mul3A_68, %dma_wait3A_100] : memref<160000x40xf32, #tpu.memory_space<hbm>> -> memref<128x40xf32, #tpu.memory_space<hbm>>
        %dma_wait3A_102 = arith.constant 0 : i32
        %dma_wait3A_103 = tpu.memref_slice %arg6[%mul3A_68, %dma_wait3A_102] : memref<160000x40xf32, #tpu.memory_space<hbm>> -> memref<128x40xf32, #tpu.memory_space<hbm>>
        tpu.wait_dma2 semaphore(%run_scoped3A : memref<!tpu.dma_semaphore, #tpu.memory_space<semaphore_mem>>) src(%arg10 : memref<128x40xf32, #tpu.memory_space<vmem>>) dst(%dma_wait3A_103 : memref<128x40xf32, #tpu.memory_space<hbm>>)
        tpu.yield
      }) : () -> ()
      "tpu.region"() ({
        %run_scoped3A = tpu.sem_alloc : memref<!tpu.dma_semaphore, #tpu.memory_space<semaphore_mem>>
        %dma_start3A_96 = arith.constant 0 : i32
        %dma_start3A_97 = tpu.memref_slice %arg7[%mul3A_68, %dma_start3A_96] : memref<160000x40xf32, #tpu.memory_space<hbm>> -> memref<128x40xf32, #tpu.memory_space<hbm>>
        %dma_start3A_98 = arith.constant 0 : i32
        %dma_start3A_99 = tpu.memref_slice %arg7[%mul3A_68, %dma_start3A_98] : memref<160000x40xf32, #tpu.memory_space<hbm>> -> memref<128x40xf32, #tpu.memory_space<hbm>>
        tpu.enqueue_dma source(%arg11 : memref<128x40xf32, #tpu.memory_space<vmem>>) target(%dma_start3A_99 : memref<128x40xf32, #tpu.memory_space<hbm>>) target_semaphore(%run_scoped3A : memref<!tpu.dma_semaphore, #tpu.memory_space<semaphore_mem>>)
        %dma_wait3A_100 = arith.constant 0 : i32
        %dma_wait3A_101 = tpu.memref_slice %arg7[%mul3A_68, %dma_wait3A_100] : memref<160000x40xf32, #tpu.memory_space<hbm>> -> memref<128x40xf32, #tpu.memory_space<hbm>>
        %dma_wait3A_102 = arith.constant 0 : i32
        %dma_wait3A_103 = tpu.memref_slice %arg7[%mul3A_68, %dma_wait3A_102] : memref<160000x40xf32, #tpu.memory_space<hbm>> -> memref<128x40xf32, #tpu.memory_space<hbm>>
        tpu.wait_dma2 semaphore(%run_scoped3A : memref<!tpu.dma_semaphore, #tpu.memory_space<semaphore_mem>>) src(%arg11 : memref<128x40xf32, #tpu.memory_space<vmem>>) dst(%dma_wait3A_103 : memref<128x40xf32, #tpu.memory_space<hbm>>)
        tpu.yield
      }) : () -> ()
      %lt3A_69 = arith.constant 19 : i32
      %lt3A_70 = arith.cmpi slt, %scan3A_28, %lt3A_69 : i32
      %convert_element_type3A = arith.extui %lt3A_70 : i1 to i32
      %cond3A = arith.constant 0 : i32
      %cond3A_71 = arith.cmpi ne, %convert_element_type3A, %cond3A : i32
      scf.if %cond3A_71 {
        %mul3A_96 = arith.constant 2 : i32
        %mul3A_97 = arith.muli %mul3A_96, %scan3A_28 : i32
        %add3A_98 = arith.constant 2 : i32
        %add3A_99 = arith.addi %mul3A_97, %add3A_98 : i32
        %sub3A_100 = arith.constant 1 : i32
        %sub3A_101 = arith.subi %add3A_8, %sub3A_100 : i32
        %min3A_102 = arith.minsi %add3A_99, %sub3A_101 : i32
        %dma_start3A_103 = arith.constant 0 : i32
        %dma_start3A_104 = tpu.memref_slice %arg8[%min3A_102, %dma_start3A_103] : memref<40x128xi32, #tpu.memory_space<vmem>> -> memref<1x128xi32, #tpu.memory_space<vmem>>
        %dma_start3A_105 = tpu.memref_squeeze %dma_start3A_104 : memref<1x128xi32, #tpu.memory_space<vmem>> -> memref<128xi32, #tpu.memory_space<vmem>>
        %dma_start3A_106 = arith.constant 0 : i32
        %dma_start3A_107 = arith.constant 0 : i32
        %dma_start3A_108 = tpu.memref_slice %arg2[%dma_start3A_106, %dma_start3A_107] : memref<10000x40xf32, #tpu.memory_space<hbm>> -> memref<10000x40xf32, #tpu.memory_space<hbm>>
        tpu.enqueue_indirect_dma source(%dma_start3A_108 : memref<10000x40xf32, #tpu.memory_space<hbm>>) target(%arg10 : memref<128x40xf32, #tpu.memory_space<vmem>>) offsets(%dma_start3A_105 : memref<128xi32, #tpu.memory_space<vmem>>) semaphore(%arg14 : memref<!tpu.dma_semaphore, #tpu.memory_space<semaphore_mem>>)
        %dma_start3A_109 = arith.constant 0 : i32
        %dma_start3A_110 = tpu.memref_slice %arg9[%min3A_102, %dma_start3A_109] : memref<40x128xi32, #tpu.memory_space<vmem>> -> memref<1x128xi32, #tpu.memory_space<vmem>>
        %dma_start3A_111 = tpu.memref_squeeze %dma_start3A_110 : memref<1x128xi32, #tpu.memory_space<vmem>> -> memref<128xi32, #tpu.memory_space<vmem>>
        %dma_start3A_112 = arith.constant 0 : i32
        %dma_start3A_113 = arith.constant 0 : i32
        %dma_start3A_114 = tpu.memref_slice %arg3[%dma_start3A_112, %dma_start3A_113] : memref<10000x40xf32, #tpu.memory_space<hbm>> -> memref<10000x40xf32, #tpu.memory_space<hbm>>
        tpu.enqueue_indirect_dma source(%dma_start3A_114 : memref<10000x40xf32, #tpu.memory_space<hbm>>) target(%arg11 : memref<128x40xf32, #tpu.memory_space<vmem>>) offsets(%dma_start3A_111 : memref<128xi32, #tpu.memory_space<vmem>>) semaphore(%arg15 : memref<!tpu.dma_semaphore, #tpu.memory_space<semaphore_mem>>)
      } else {
      }
      %mul3A_72 = arith.constant 2 : i32
      %mul3A_73 = arith.muli %mul3A_72, %scan3A_28 : i32
      %add3A_74 = arith.constant 1 : i32
      %add3A_75 = arith.addi %mul3A_73, %add3A_74 : i32
      %sub3A_76 = arith.constant 1 : i32
      %sub3A_77 = arith.subi %add3A_8, %sub3A_76 : i32
      %min3A_78 = arith.minsi %add3A_75, %sub3A_77 : i32
      %dma_wait3A_79 = arith.constant 0 : i32
      %dma_wait3A_80 = arith.constant 0 : i32
      %dma_wait3A_81 = tpu.memref_slice %arg8[%dma_wait3A_79, %dma_wait3A_80] : memref<40x128xi32, #tpu.memory_space<vmem>> -> memref<1x128xi32, #tpu.memory_space<vmem>>
      %dma_wait3A_82 = tpu.memref_squeeze %dma_wait3A_81 : memref<1x128xi32, #tpu.memory_space<vmem>> -> memref<128xi32, #tpu.memory_space<vmem>>
      %dma_wait3A_83 = arith.constant 0 : i32
      %dma_wait3A_84 = arith.constant 0 : i32
      %dma_wait3A_85 = tpu.memref_slice %arg2[%dma_wait3A_83, %dma_wait3A_84] : memref<10000x40xf32, #tpu.memory_space<hbm>> -> memref<10000x40xf32, #tpu.memory_space<hbm>>
      tpu.wait_indirect_dma semaphore(%arg16 : memref<!tpu.dma_semaphore, #tpu.memory_space<semaphore_mem>>) src(%dma_wait3A_85 : memref<10000x40xf32, #tpu.memory_space<hbm>>) dst(%arg12 : memref<128x40xf32, #tpu.memory_space<vmem>>)
      %dma_wait3A_86 = arith.constant 0 : i32
      %dma_wait3A_87 = arith.constant 0 : i32
      %dma_wait3A_88 = tpu.memref_slice %arg9[%dma_wait3A_86, %dma_wait3A_87] : memref<40x128xi32, #tpu.memory_space<vmem>> -> memref<1x128xi32, #tpu.memory_space<vmem>>
      %dma_wait3A_89 = tpu.memref_squeeze %dma_wait3A_88 : memref<1x128xi32, #tpu.memory_space<vmem>> -> memref<128xi32, #tpu.memory_space<vmem>>
      %dma_wait3A_90 = arith.constant 0 : i32
      %dma_wait3A_91 = arith.constant 0 : i32
      %dma_wait3A_92 = tpu.memref_slice %arg3[%dma_wait3A_90, %dma_wait3A_91] : memref<10000x40xf32, #tpu.memory_space<hbm>> -> memref<10000x40xf32, #tpu.memory_space<hbm>>
      tpu.wait_indirect_dma semaphore(%arg17 : memref<!tpu.dma_semaphore, #tpu.memory_space<semaphore_mem>>) src(%dma_wait3A_92 : memref<10000x40xf32, #tpu.memory_space<hbm>>) dst(%arg13 : memref<128x40xf32, #tpu.memory_space<vmem>>)
      %add3A_93 = arith.addi %add3A_4, %min3A_78 : i32
      %mul3A_94 = arith.constant 128 : i32
      %mul3A_95 = arith.muli %add3A_93, %mul3A_94 : i32
      "tpu.region"() ({
        %run_scoped3A = tpu.sem_alloc : memref<!tpu.dma_semaphore, #tpu.memory_space<semaphore_mem>>
        %dma_start3A_96 = arith.constant 0 : i32
        %dma_start3A_97 = tpu.memref_slice %arg6[%mul3A_95, %dma_start3A_96] : memref<160000x40xf32, #tpu.memory_space<hbm>> -> memref<128x40xf32, #tpu.memory_space<hbm>>
        %dma_start3A_98 = arith.constant 0 : i32
        %dma_start3A_99 = tpu.memref_slice %arg6[%mul3A_95, %dma_start3A_98] : memref<160000x40xf32, #tpu.memory_space<hbm>> -> memref<128x40xf32, #tpu.memory_space<hbm>>
        tpu.enqueue_dma source(%arg12 : memref<128x40xf32, #tpu.memory_space<vmem>>) target(%dma_start3A_99 : memref<128x40xf32, #tpu.memory_space<hbm>>) target_semaphore(%run_scoped3A : memref<!tpu.dma_semaphore, #tpu.memory_space<semaphore_mem>>)
        %dma_wait3A_100 = arith.constant 0 : i32
        %dma_wait3A_101 = tpu.memref_slice %arg6[%mul3A_95, %dma_wait3A_100] : memref<160000x40xf32, #tpu.memory_space<hbm>> -> memref<128x40xf32, #tpu.memory_space<hbm>>
        %dma_wait3A_102 = arith.constant 0 : i32
        %dma_wait3A_103 = tpu.memref_slice %arg6[%mul3A_95, %dma_wait3A_102] : memref<160000x40xf32, #tpu.memory_space<hbm>> -> memref<128x40xf32, #tpu.memory_space<hbm>>
        tpu.wait_dma2 semaphore(%run_scoped3A : memref<!tpu.dma_semaphore, #tpu.memory_space<semaphore_mem>>) src(%arg12 : memref<128x40xf32, #tpu.memory_space<vmem>>) dst(%dma_wait3A_103 : memref<128x40xf32, #tpu.memory_space<hbm>>)
        tpu.yield
      }) : () -> ()
      "tpu.region"() ({
        %run_scoped3A = tpu.sem_alloc : memref<!tpu.dma_semaphore, #tpu.memory_space<semaphore_mem>>
        %dma_start3A_96 = arith.constant 0 : i32
        %dma_start3A_97 = tpu.memref_slice %arg7[%mul3A_95, %dma_start3A_96] : memref<160000x40xf32, #tpu.memory_space<hbm>> -> memref<128x40xf32, #tpu.memory_space<hbm>>
        %dma_start3A_98 = arith.constant 0 : i32
        %dma_start3A_99 = tpu.memref_slice %arg7[%mul3A_95, %dma_start3A_98] : memref<160000x40xf32, #tpu.memory_space<hbm>> -> memref<128x40xf32, #tpu.memory_space<hbm>>
        tpu.enqueue_dma source(%arg13 : memref<128x40xf32, #tpu.memory_space<vmem>>) target(%dma_start3A_99 : memref<128x40xf32, #tpu.memory_space<hbm>>) target_semaphore(%run_scoped3A : memref<!tpu.dma_semaphore, #tpu.memory_space<semaphore_mem>>)
        %dma_wait3A_100 = arith.constant 0 : i32
        %dma_wait3A_101 = tpu.memref_slice %arg7[%mul3A_95, %dma_wait3A_100] : memref<160000x40xf32, #tpu.memory_space<hbm>> -> memref<128x40xf32, #tpu.memory_space<hbm>>
        %dma_wait3A_102 = arith.constant 0 : i32
        %dma_wait3A_103 = tpu.memref_slice %arg7[%mul3A_95, %dma_wait3A_102] : memref<160000x40xf32, #tpu.memory_space<hbm>> -> memref<128x40xf32, #tpu.memory_space<hbm>>
        tpu.wait_dma2 semaphore(%run_scoped3A : memref<!tpu.dma_semaphore, #tpu.memory_space<semaphore_mem>>) src(%arg13 : memref<128x40xf32, #tpu.memory_space<vmem>>) dst(%dma_wait3A_103 : memref<128x40xf32, #tpu.memory_space<hbm>>)
        tpu.yield
      }) : () -> ()
    }
    %scan3A_27 = arith.constant 20 : i32
    return
  }
}

#map = affine_map<(d0, d1) -> (0, 0)>
#map1 = affine_map<(d0, d1) -> (0, 0, 0)>
module attributes {stable_mosaic.version = 14 : i64} {
  func.func @_sc_scatter(%arg0: i32, %arg1: i32, %arg2: memref<160000x72xf32, #tpu.memory_space<hbm>>, %arg3: memref<1280x128xi32, #tpu.memory_space<hbm>>, %arg4: memref<2x10240x72xf32, #tpu.memory_space<hbm>>, %arg5: memref<40x128xi32, #tpu.memory_space<vmem>>, %arg6: memref<128x72xf32, #tpu.memory_space<vmem>>, %arg7: memref<128x72xf32, #tpu.memory_space<vmem>>, %arg8: memref<128x72xf32, #tpu.memory_space<vmem>>, %arg9: memref<10240x72xf32, #tpu.memory_space<vmem_shared>>, %arg10: memref<!tpu.dma_semaphore, #tpu.memory_space<semaphore_mem>>, %arg11: memref<!tpu.dma_semaphore, #tpu.memory_space<semaphore_mem>>) attributes {dimension_semantics = [#tpu.dimension_semantics<core_parallel>, #tpu.dimension_semantics<subcore_parallel>], iteration_bounds = array<i64: 2, 16>, scalar_prefetch = 0 : i64, scratch_operands = 7 : i64, tpu.core_type = #tpu.core_type<sc_vector_subcore>, window_params = [{transform_indices = #map}, {transform_indices = #map}, {transform_indices = #map1}]} {
    %mul3A = arith.constant 2 : i32
    %mul3A_0 = arith.muli %arg1, %mul3A : i32
    %add3A = arith.addi %mul3A_0, %arg0 : i32
    %scan3A = arith.constant 0 : i32
    %scan3A_1 = arith.constant 0 : i32
    %scan3A_2 = arith.constant 128 : i32
    %scan3A_3 = arith.addi %scan3A_1, %scan3A_2 : i32
    %scan3A_4 = arith.constant 1 : i32
    scf.for %scan3A_70 = %scan3A_1 to %scan3A_3 step %scan3A_4  : i32 {
      %broadcast_in_dim3A = arith.constant 0.000000e+00 : f32
      %broadcast_in_dim3A_71 = vector.broadcast %broadcast_in_dim3A : f32 to vector<16xf32>
      %swap3A = arith.index_cast %scan3A_70 : i32 to index
      %swap3A_72 = arith.constant 0 : index
      %swap3A_73 = tpu.vector_load %arg8[%swap3A, %swap3A_72] {strides = array<i32>} : memref<128x72xf32, #tpu.memory_space<vmem>>, vector<1x16xf32>,
      %swap3A_74 = vector.shape_cast %swap3A_73 : vector<1x16xf32> to vector<16xf32>
      %swap3A_75 = vector.shape_cast %broadcast_in_dim3A_71 : vector<16xf32> to vector<1x16xf32>
      tpu.vector_store %arg8[%swap3A, %swap3A_72], %swap3A_75 {strides = array<i32>} : memref<128x72xf32, #tpu.memory_space<vmem>>, vector<1x16xf32>,
      %broadcast_in_dim3A_76 = arith.constant 0.000000e+00 : f32
      %broadcast_in_dim3A_77 = vector.broadcast %broadcast_in_dim3A_76 : f32 to vector<16xf32>
      %swap3A_78 = arith.index_cast %scan3A_70 : i32 to index
      %swap3A_79 = arith.constant 16 : index
      %swap3A_80 = tpu.vector_load %arg8[%swap3A_78, %swap3A_79] {strides = array<i32>} : memref<128x72xf32, #tpu.memory_space<vmem>>, vector<1x16xf32>,
      %swap3A_81 = vector.shape_cast %swap3A_80 : vector<1x16xf32> to vector<16xf32>
      %swap3A_82 = vector.shape_cast %broadcast_in_dim3A_77 : vector<16xf32> to vector<1x16xf32>
      tpu.vector_store %arg8[%swap3A_78, %swap3A_79], %swap3A_82 {strides = array<i32>} : memref<128x72xf32, #tpu.memory_space<vmem>>, vector<1x16xf32>,
      %broadcast_in_dim3A_83 = arith.constant 0.000000e+00 : f32
      %broadcast_in_dim3A_84 = vector.broadcast %broadcast_in_dim3A_83 : f32 to vector<16xf32>
      %swap3A_85 = arith.index_cast %scan3A_70 : i32 to index
      %swap3A_86 = arith.constant 32 : index
      %swap3A_87 = tpu.vector_load %arg8[%swap3A_85, %swap3A_86] {strides = array<i32>} : memref<128x72xf32, #tpu.memory_space<vmem>>, vector<1x16xf32>,
      %swap3A_88 = vector.shape_cast %swap3A_87 : vector<1x16xf32> to vector<16xf32>
      %swap3A_89 = vector.shape_cast %broadcast_in_dim3A_84 : vector<16xf32> to vector<1x16xf32>
      tpu.vector_store %arg8[%swap3A_85, %swap3A_86], %swap3A_89 {strides = array<i32>} : memref<128x72xf32, #tpu.memory_space<vmem>>, vector<1x16xf32>,
      %broadcast_in_dim3A_90 = arith.constant 0.000000e+00 : f32
      %broadcast_in_dim3A_91 = vector.broadcast %broadcast_in_dim3A_90 : f32 to vector<16xf32>
      %swap3A_92 = arith.index_cast %scan3A_70 : i32 to index
      %swap3A_93 = arith.constant 48 : index
      %swap3A_94 = tpu.vector_load %arg8[%swap3A_92, %swap3A_93] {strides = array<i32>} : memref<128x72xf32, #tpu.memory_space<vmem>>, vector<1x16xf32>,
      %swap3A_95 = vector.shape_cast %swap3A_94 : vector<1x16xf32> to vector<16xf32>
      %swap3A_96 = vector.shape_cast %broadcast_in_dim3A_91 : vector<16xf32> to vector<1x16xf32>
      tpu.vector_store %arg8[%swap3A_92, %swap3A_93], %swap3A_96 {strides = array<i32>} : memref<128x72xf32, #tpu.memory_space<vmem>>, vector<1x16xf32>,
    }
    %scan3A_5 = arith.constant 128 : i32
    %mul3A_6 = arith.constant 640 : i32
    %mul3A_7 = arith.muli %arg1, %mul3A_6 : i32
    %add3A_8 = arith.constant 0 : i32
    %add3A_9 = arith.addi %mul3A_7, %add3A_8 : i32
    "tpu.region"() ({
      %run_scoped3A = tpu.sem_alloc : memref<!tpu.dma_semaphore, #tpu.memory_space<semaphore_mem>>
      %dma_start3A_70 = arith.constant 0 : i32
      %dma_start3A_71 = tpu.memref_slice %arg9[%add3A_9, %dma_start3A_70] : memref<10240x72xf32, #tpu.memory_space<vmem_shared>> -> memref<128x72xf32, #tpu.memory_space<vmem_shared>>
      %dma_start3A_72 = arith.constant 0 : i32
      %dma_start3A_73 = tpu.memref_slice %arg9[%add3A_9, %dma_start3A_72] : memref<10240x72xf32, #tpu.memory_space<vmem_shared>> -> memref<128x72xf32, #tpu.memory_space<vmem_shared>>
      tpu.enqueue_dma source(%arg8 : memref<128x72xf32, #tpu.memory_space<vmem>>) target(%dma_start3A_73 : memref<128x72xf32, #tpu.memory_space<vmem_shared>>) target_semaphore(%run_scoped3A : memref<!tpu.dma_semaphore, #tpu.memory_space<semaphore_mem>>)
      %dma_wait3A = arith.constant 0 : i32
      %dma_wait3A_74 = tpu.memref_slice %arg9[%add3A_9, %dma_wait3A] : memref<10240x72xf32, #tpu.memory_space<vmem_shared>> -> memref<128x72xf32, #tpu.memory_space<vmem_shared>>
      %dma_wait3A_75 = arith.constant 0 : i32
      %dma_wait3A_76 = tpu.memref_slice %arg9[%add3A_9, %dma_wait3A_75] : memref<10240x72xf32, #tpu.memory_space<vmem_shared>> -> memref<128x72xf32, #tpu.memory_space<vmem_shared>>
      tpu.wait_dma2 semaphore(%run_scoped3A : memref<!tpu.dma_semaphore, #tpu.memory_space<semaphore_mem>>) src(%arg8 : memref<128x72xf32, #tpu.memory_space<vmem>>) dst(%dma_wait3A_76 : memref<128x72xf32, #tpu.memory_space<vmem_shared>>)
      tpu.yield
    }) : () -> ()
    %mul3A_10 = arith.constant 640 : i32
    %mul3A_11 = arith.muli %arg1, %mul3A_10 : i32
    %add3A_12 = arith.constant 128 : i32
    %add3A_13 = arith.addi %mul3A_11, %add3A_12 : i32
    "tpu.region"() ({
      %run_scoped3A = tpu.sem_alloc : memref<!tpu.dma_semaphore, #tpu.memory_space<semaphore_mem>>
      %dma_start3A_70 = arith.constant 0 : i32
      %dma_start3A_71 = tpu.memref_slice %arg9[%add3A_13, %dma_start3A_70] : memref<10240x72xf32, #tpu.memory_space<vmem_shared>> -> memref<128x72xf32, #tpu.memory_space<vmem_shared>>
      %dma_start3A_72 = arith.constant 0 : i32
      %dma_start3A_73 = tpu.memref_slice %arg9[%add3A_13, %dma_start3A_72] : memref<10240x72xf32, #tpu.memory_space<vmem_shared>> -> memref<128x72xf32, #tpu.memory_space<vmem_shared>>
      tpu.enqueue_dma source(%arg8 : memref<128x72xf32, #tpu.memory_space<vmem>>) target(%dma_start3A_73 : memref<128x72xf32, #tpu.memory_space<vmem_shared>>) target_semaphore(%run_scoped3A : memref<!tpu.dma_semaphore, #tpu.memory_space<semaphore_mem>>)
      %dma_wait3A = arith.constant 0 : i32
      %dma_wait3A_74 = tpu.memref_slice %arg9[%add3A_13, %dma_wait3A] : memref<10240x72xf32, #tpu.memory_space<vmem_shared>> -> memref<128x72xf32, #tpu.memory_space<vmem_shared>>
      %dma_wait3A_75 = arith.constant 0 : i32
      %dma_wait3A_76 = tpu.memref_slice %arg9[%add3A_13, %dma_wait3A_75] : memref<10240x72xf32, #tpu.memory_space<vmem_shared>> -> memref<128x72xf32, #tpu.memory_space<vmem_shared>>
      tpu.wait_dma2 semaphore(%run_scoped3A : memref<!tpu.dma_semaphore, #tpu.memory_space<semaphore_mem>>) src(%arg8 : memref<128x72xf32, #tpu.memory_space<vmem>>) dst(%dma_wait3A_76 : memref<128x72xf32, #tpu.memory_space<vmem_shared>>)
      tpu.yield
    }) : () -> ()
    %mul3A_14 = arith.constant 640 : i32
    %mul3A_15 = arith.muli %arg1, %mul3A_14 : i32
    %add3A_16 = arith.constant 256 : i32
    %add3A_17 = arith.addi %mul3A_15, %add3A_16 : i32
    "tpu.region"() ({
      %run_scoped3A = tpu.sem_alloc : memref<!tpu.dma_semaphore, #tpu.memory_space<semaphore_mem>>
      %dma_start3A_70 = arith.constant 0 : i32
      %dma_start3A_71 = tpu.memref_slice %arg9[%add3A_17, %dma_start3A_70] : memref<10240x72xf32, #tpu.memory_space<vmem_shared>> -> memref<128x72xf32, #tpu.memory_space<vmem_shared>>
      %dma_start3A_72 = arith.constant 0 : i32
      %dma_start3A_73 = tpu.memref_slice %arg9[%add3A_17, %dma_start3A_72] : memref<10240x72xf32, #tpu.memory_space<vmem_shared>> -> memref<128x72xf32, #tpu.memory_space<vmem_shared>>
      tpu.enqueue_dma source(%arg8 : memref<128x72xf32, #tpu.memory_space<vmem>>) target(%dma_start3A_73 : memref<128x72xf32, #tpu.memory_space<vmem_shared>>) target_semaphore(%run_scoped3A : memref<!tpu.dma_semaphore, #tpu.memory_space<semaphore_mem>>)
      %dma_wait3A = arith.constant 0 : i32
      %dma_wait3A_74 = tpu.memref_slice %arg9[%add3A_17, %dma_wait3A] : memref<10240x72xf32, #tpu.memory_space<vmem_shared>> -> memref<128x72xf32, #tpu.memory_space<vmem_shared>>
      %dma_wait3A_75 = arith.constant 0 : i32
      %dma_wait3A_76 = tpu.memref_slice %arg9[%add3A_17, %dma_wait3A_75] : memref<10240x72xf32, #tpu.memory_space<vmem_shared>> -> memref<128x72xf32, #tpu.memory_space<vmem_shared>>
      tpu.wait_dma2 semaphore(%run_scoped3A : memref<!tpu.dma_semaphore, #tpu.memory_space<semaphore_mem>>) src(%arg8 : memref<128x72xf32, #tpu.memory_space<vmem>>) dst(%dma_wait3A_76 : memref<128x72xf32, #tpu.memory_space<vmem_shared>>)
      tpu.yield
    }) : () -> ()
    %mul3A_18 = arith.constant 640 : i32
    %mul3A_19 = arith.muli %arg1, %mul3A_18 : i32
    %add3A_20 = arith.constant 384 : i32
    %add3A_21 = arith.addi %mul3A_19, %add3A_20 : i32
    "tpu.region"() ({
      %run_scoped3A = tpu.sem_alloc : memref<!tpu.dma_semaphore, #tpu.memory_space<semaphore_mem>>
      %dma_start3A_70 = arith.constant 0 : i32
      %dma_start3A_71 = tpu.memref_slice %arg9[%add3A_21, %dma_start3A_70] : memref<10240x72xf32, #tpu.memory_space<vmem_shared>> -> memref<128x72xf32, #tpu.memory_space<vmem_shared>>
      %dma_start3A_72 = arith.constant 0 : i32
      %dma_start3A_73 = tpu.memref_slice %arg9[%add3A_21, %dma_start3A_72] : memref<10240x72xf32, #tpu.memory_space<vmem_shared>> -> memref<128x72xf32, #tpu.memory_space<vmem_shared>>
      tpu.enqueue_dma source(%arg8 : memref<128x72xf32, #tpu.memory_space<vmem>>) target(%dma_start3A_73 : memref<128x72xf32, #tpu.memory_space<vmem_shared>>) target_semaphore(%run_scoped3A : memref<!tpu.dma_semaphore, #tpu.memory_space<semaphore_mem>>)
      %dma_wait3A = arith.constant 0 : i32
      %dma_wait3A_74 = tpu.memref_slice %arg9[%add3A_21, %dma_wait3A] : memref<10240x72xf32, #tpu.memory_space<vmem_shared>> -> memref<128x72xf32, #tpu.memory_space<vmem_shared>>
      %dma_wait3A_75 = arith.constant 0 : i32
      %dma_wait3A_76 = tpu.memref_slice %arg9[%add3A_21, %dma_wait3A_75] : memref<10240x72xf32, #tpu.memory_space<vmem_shared>> -> memref<128x72xf32, #tpu.memory_space<vmem_shared>>
      tpu.wait_dma2 semaphore(%run_scoped3A : memref<!tpu.dma_semaphore, #tpu.memory_space<semaphore_mem>>) src(%arg8 : memref<128x72xf32, #tpu.memory_space<vmem>>) dst(%dma_wait3A_76 : memref<128x72xf32, #tpu.memory_space<vmem_shared>>)
      tpu.yield
    }) : () -> ()
    %mul3A_22 = arith.constant 640 : i32
    %mul3A_23 = arith.muli %arg1, %mul3A_22 : i32
    %add3A_24 = arith.constant 512 : i32
    %add3A_25 = arith.addi %mul3A_23, %add3A_24 : i32
    "tpu.region"() ({
      %run_scoped3A = tpu.sem_alloc : memref<!tpu.dma_semaphore, #tpu.memory_space<semaphore_mem>>
      %dma_start3A_70 = arith.constant 0 : i32
      %dma_start3A_71 = tpu.memref_slice %arg9[%add3A_25, %dma_start3A_70] : memref<10240x72xf32, #tpu.memory_space<vmem_shared>> -> memref<128x72xf32, #tpu.memory_space<vmem_shared>>
      %dma_start3A_72 = arith.constant 0 : i32
      %dma_start3A_73 = tpu.memref_slice %arg9[%add3A_25, %dma_start3A_72] : memref<10240x72xf32, #tpu.memory_space<vmem_shared>> -> memref<128x72xf32, #tpu.memory_space<vmem_shared>>
      tpu.enqueue_dma source(%arg8 : memref<128x72xf32, #tpu.memory_space<vmem>>) target(%dma_start3A_73 : memref<128x72xf32, #tpu.memory_space<vmem_shared>>) target_semaphore(%run_scoped3A : memref<!tpu.dma_semaphore, #tpu.memory_space<semaphore_mem>>)
      %dma_wait3A = arith.constant 0 : i32
      %dma_wait3A_74 = tpu.memref_slice %arg9[%add3A_25, %dma_wait3A] : memref<10240x72xf32, #tpu.memory_space<vmem_shared>> -> memref<128x72xf32, #tpu.memory_space<vmem_shared>>
      %dma_wait3A_75 = arith.constant 0 : i32
      %dma_wait3A_76 = tpu.memref_slice %arg9[%add3A_25, %dma_wait3A_75] : memref<10240x72xf32, #tpu.memory_space<vmem_shared>> -> memref<128x72xf32, #tpu.memory_space<vmem_shared>>
      tpu.wait_dma2 semaphore(%run_scoped3A : memref<!tpu.dma_semaphore, #tpu.memory_space<semaphore_mem>>) src(%arg8 : memref<128x72xf32, #tpu.memory_space<vmem>>) dst(%dma_wait3A_76 : memref<128x72xf32, #tpu.memory_space<vmem_shared>>)
      tpu.yield
    }) : () -> ()
    %barrier3A = arith.constant 0 : index
    tpu.barrier barrier_id(%barrier3A)
    %mul3A_26 = arith.constant 39 : i32
    %mul3A_27 = arith.muli %add3A, %mul3A_26 : i32
    %min3A = arith.constant 2 : i32
    %min3A_28 = arith.minsi %add3A, %min3A : i32
    %add3A_29 = arith.addi %mul3A_27, %min3A_28 : i32
    %lt3A = arith.constant 2 : i32
    %lt3A_30 = arith.cmpi slt, %add3A, %lt3A : i32
    %jit3A = arith.constant 1 : i32
    %jit3A_31 = arith.constant 0 : i32
    %select_n3A = arith.select %lt3A_30, %jit3A, %jit3A_31 : i32
    %add3A_32 = arith.constant 39 : i32
    %add3A_33 = arith.addi %add3A_32, %select_n3A : i32
    "tpu.region"() ({
      %run_scoped3A = tpu.sem_alloc : memref<!tpu.dma_semaphore, #tpu.memory_space<semaphore_mem>>
      %dma_start3A_70 = arith.constant 0 : i32
      %dma_start3A_71 = tpu.memref_slice %arg3[%add3A_29, %dma_start3A_70] : memref<1280x128xi32, #tpu.memory_space<hbm>> -> memref<40x128xi32, #tpu.memory_space<hbm>>
      %dma_start3A_72 = arith.constant 0 : i32
      %dma_start3A_73 = tpu.memref_slice %arg3[%add3A_29, %dma_start3A_72] : memref<1280x128xi32, #tpu.memory_space<hbm>> -> memref<40x128xi32, #tpu.memory_space<hbm>>
      tpu.enqueue_dma source(%dma_start3A_73 : memref<40x128xi32, #tpu.memory_space<hbm>>) target(%arg5 : memref<40x128xi32, #tpu.memory_space<vmem>>) target_semaphore(%run_scoped3A : memref<!tpu.dma_semaphore, #tpu.memory_space<semaphore_mem>>)
      %dma_wait3A = arith.constant 0 : i32
      %dma_wait3A_74 = tpu.memref_slice %arg3[%add3A_29, %dma_wait3A] : memref<1280x128xi32, #tpu.memory_space<hbm>> -> memref<40x128xi32, #tpu.memory_space<hbm>>
      %dma_wait3A_75 = arith.constant 0 : i32
      %dma_wait3A_76 = tpu.memref_slice %arg3[%add3A_29, %dma_wait3A_75] : memref<1280x128xi32, #tpu.memory_space<hbm>> -> memref<40x128xi32, #tpu.memory_space<hbm>>
      tpu.wait_dma2 semaphore(%run_scoped3A : memref<!tpu.dma_semaphore, #tpu.memory_space<semaphore_mem>>) src(%dma_wait3A_76 : memref<40x128xi32, #tpu.memory_space<hbm>>) dst(%arg5 : memref<40x128xi32, #tpu.memory_space<vmem>>)
      tpu.yield
    }) : () -> ()
    %sub3A = arith.constant 1 : i32
    %sub3A_34 = arith.subi %add3A_33, %sub3A : i32
    %min3A_35 = arith.constant 0 : i32
    %min3A_36 = arith.minsi %min3A_35, %sub3A_34 : i32
    %add3A_37 = arith.addi %add3A_29, %min3A_36 : i32
    %mul3A_38 = arith.constant 128 : i32
    %mul3A_39 = arith.muli %add3A_37, %mul3A_38 : i32
    %dma_start3A = arith.constant 0 : i32
    %dma_start3A_40 = tpu.memref_slice %arg2[%mul3A_39, %dma_start3A] : memref<160000x72xf32, #tpu.memory_space<hbm>> -> memref<128x72xf32, #tpu.memory_space<hbm>>
    %dma_start3A_41 = arith.constant 0 : i32
    %dma_start3A_42 = tpu.memref_slice %arg2[%mul3A_39, %dma_start3A_41] : memref<160000x72xf32, #tpu.memory_space<hbm>> -> memref<128x72xf32, #tpu.memory_space<hbm>>
    tpu.enqueue_dma source(%dma_start3A_42 : memref<128x72xf32, #tpu.memory_space<hbm>>) target(%arg6 : memref<128x72xf32, #tpu.memory_space<vmem>>) target_semaphore(%arg10 : memref<!tpu.dma_semaphore, #tpu.memory_space<semaphore_mem>>)
    %scan3A_43 = arith.constant 0 : i32
    %scan3A_44 = arith.constant 0 : i32
    %scan3A_45 = arith.constant 20 : i32
    %scan3A_46 = arith.addi %scan3A_44, %scan3A_45 : i32
    %scan3A_47 = arith.constant 1 : i32
    scf.for %scan3A_70 = %scan3A_44 to %scan3A_46 step %scan3A_47  : i32 {
      %mul3A_71 = arith.constant 2 : i32
      %mul3A_72 = arith.muli %mul3A_71, %scan3A_70 : i32
      %add3A_73 = arith.constant 1 : i32
      %add3A_74 = arith.addi %mul3A_72, %add3A_73 : i32
      %sub3A_75 = arith.constant 1 : i32
      %sub3A_76 = arith.subi %add3A_33, %sub3A_75 : i32
      %min3A_77 = arith.minsi %add3A_74, %sub3A_76 : i32
      %add3A_78 = arith.addi %add3A_29, %min3A_77 : i32
      %mul3A_79 = arith.constant 128 : i32
      %mul3A_80 = arith.muli %add3A_78, %mul3A_79 : i32
      %dma_start3A_81 = arith.constant 0 : i32
      %dma_start3A_82 = tpu.memref_slice %arg2[%mul3A_80, %dma_start3A_81] : memref<160000x72xf32, #tpu.memory_space<hbm>> -> memref<128x72xf32, #tpu.memory_space<hbm>>
      %dma_start3A_83 = arith.constant 0 : i32
      %dma_start3A_84 = tpu.memref_slice %arg2[%mul3A_80, %dma_start3A_83] : memref<160000x72xf32, #tpu.memory_space<hbm>> -> memref<128x72xf32, #tpu.memory_space<hbm>>
      tpu.enqueue_dma source(%dma_start3A_84 : memref<128x72xf32, #tpu.memory_space<hbm>>) target(%arg7 : memref<128x72xf32, #tpu.memory_space<vmem>>) target_semaphore(%arg11 : memref<!tpu.dma_semaphore, #tpu.memory_space<semaphore_mem>>)
      %mul3A_85 = arith.constant 2 : i32
      %mul3A_86 = arith.muli %mul3A_85, %scan3A_70 : i32
      %dma_wait3A = arith.constant 0 : i32
      %dma_wait3A_87 = arith.constant 0 : i32
      %dma_wait3A_88 = tpu.memref_slice %arg2[%dma_wait3A, %dma_wait3A_87] : memref<160000x72xf32, #tpu.memory_space<hbm>> -> memref<128x72xf32, #tpu.memory_space<hbm>>
      %dma_wait3A_89 = arith.constant 0 : i32
      %dma_wait3A_90 = arith.constant 0 : i32
      %dma_wait3A_91 = tpu.memref_slice %arg2[%dma_wait3A_89, %dma_wait3A_90] : memref<160000x72xf32, #tpu.memory_space<hbm>> -> memref<128x72xf32, #tpu.memory_space<hbm>>
      tpu.wait_dma2 semaphore(%arg10 : memref<!tpu.dma_semaphore, #tpu.memory_space<semaphore_mem>>) src(%dma_wait3A_91 : memref<128x72xf32, #tpu.memory_space<hbm>>) dst(%arg6 : memref<128x72xf32, #tpu.memory_space<vmem>>)
      %lt3A_92 = arith.cmpi slt, %mul3A_86, %add3A_33 : i32
      %convert_element_type3A = arith.extui %lt3A_92 : i1 to i32
      %cond3A = arith.constant 0 : i32
      %cond3A_93 = arith.cmpi ne, %convert_element_type3A, %cond3A : i32
      scf.if %cond3A_93 {
        "tpu.region"() ({
          %run_scoped3A = tpu.sem_alloc : memref<!tpu.dma_semaphore, #tpu.memory_space<semaphore_mem>>
          %dma_start3A_113 = arith.constant 0 : i32
          %dma_start3A_114 = tpu.memref_slice %arg5[%mul3A_86, %dma_start3A_113] : memref<40x128xi32, #tpu.memory_space<vmem>> -> memref<1x128xi32, #tpu.memory_space<vmem>>
          %dma_start3A_115 = tpu.memref_squeeze %dma_start3A_114 : memref<1x128xi32, #tpu.memory_space<vmem>> -> memref<128xi32, #tpu.memory_space<vmem>>
          %dma_start3A_116 = arith.constant 0 : i32
          %dma_start3A_117 = arith.constant 0 : i32
          %dma_start3A_118 = tpu.memref_slice %arg9[%dma_start3A_116, %dma_start3A_117] : memref<10240x72xf32, #tpu.memory_space<vmem_shared>> -> memref<10240x72xf32, #tpu.memory_space<vmem_shared>>
          tpu.enqueue_indirect_dma source(%arg6 : memref<128x72xf32, #tpu.memory_space<vmem>>) target(%dma_start3A_118 : memref<10240x72xf32, #tpu.memory_space<vmem_shared>>) offsets(%dma_start3A_115 : memref<128xi32, #tpu.memory_space<vmem>>) semaphore(%run_scoped3A : memref<!tpu.dma_semaphore, #tpu.memory_space<semaphore_mem>>) {add = true}
          %dma_wait3A_119 = arith.constant 0 : i32
          %dma_wait3A_120 = tpu.memref_slice %arg5[%mul3A_86, %dma_wait3A_119] : memref<40x128xi32, #tpu.memory_space<vmem>> -> memref<1x128xi32, #tpu.memory_space<vmem>>
          %dma_wait3A_121 = tpu.memref_squeeze %dma_wait3A_120 : memref<1x128xi32, #tpu.memory_space<vmem>> -> memref<128xi32, #tpu.memory_space<vmem>>
          %dma_wait3A_122 = arith.constant 0 : i32
          %dma_wait3A_123 = arith.constant 0 : i32
          %dma_wait3A_124 = tpu.memref_slice %arg9[%dma_wait3A_122, %dma_wait3A_123] : memref<10240x72xf32, #tpu.memory_space<vmem_shared>> -> memref<10240x72xf32, #tpu.memory_space<vmem_shared>>
          tpu.wait_indirect_dma semaphore(%run_scoped3A : memref<!tpu.dma_semaphore, #tpu.memory_space<semaphore_mem>>) src(%arg6 : memref<128x72xf32, #tpu.memory_space<vmem>>) dst(%dma_wait3A_124 : memref<10240x72xf32, #tpu.memory_space<vmem_shared>>)
          tpu.yield
        }) : () -> ()
      } else {
      }
      %lt3A_94 = arith.constant 19 : i32
      %lt3A_95 = arith.cmpi slt, %scan3A_70, %lt3A_94 : i32
      %convert_element_type3A_96 = arith.extui %lt3A_95 : i1 to i32
      %cond3A_97 = arith.constant 0 : i32
      %cond3A_98 = arith.cmpi ne, %convert_element_type3A_96, %cond3A_97 : i32
      scf.if %cond3A_98 {
        %mul3A_113 = arith.constant 2 : i32
        %mul3A_114 = arith.muli %mul3A_113, %scan3A_70 : i32
        %add3A_115 = arith.constant 2 : i32
        %add3A_116 = arith.addi %mul3A_114, %add3A_115 : i32
        %sub3A_117 = arith.constant 1 : i32
        %sub3A_118 = arith.subi %add3A_33, %sub3A_117 : i32
        %min3A_119 = arith.minsi %add3A_116, %sub3A_118 : i32
        %add3A_120 = arith.addi %add3A_29, %min3A_119 : i32
        %mul3A_121 = arith.constant 128 : i32
        %mul3A_122 = arith.muli %add3A_120, %mul3A_121 : i32
        %dma_start3A_123 = arith.constant 0 : i32
        %dma_start3A_124 = tpu.memref_slice %arg2[%mul3A_122, %dma_start3A_123] : memref<160000x72xf32, #tpu.memory_space<hbm>> -> memref<128x72xf32, #tpu.memory_space<hbm>>
        %dma_start3A_125 = arith.constant 0 : i32
        %dma_start3A_126 = tpu.memref_slice %arg2[%mul3A_122, %dma_start3A_125] : memref<160000x72xf32, #tpu.memory_space<hbm>> -> memref<128x72xf32, #tpu.memory_space<hbm>>
        tpu.enqueue_dma source(%dma_start3A_126 : memref<128x72xf32, #tpu.memory_space<hbm>>) target(%arg6 : memref<128x72xf32, #tpu.memory_space<vmem>>) target_semaphore(%arg10 : memref<!tpu.dma_semaphore, #tpu.memory_space<semaphore_mem>>)
      } else {
      }
      %mul3A_99 = arith.constant 2 : i32
      %mul3A_100 = arith.muli %mul3A_99, %scan3A_70 : i32
      %add3A_101 = arith.constant 1 : i32
      %add3A_102 = arith.addi %mul3A_100, %add3A_101 : i32
      %dma_wait3A_103 = arith.constant 0 : i32
      %dma_wait3A_104 = arith.constant 0 : i32
      %dma_wait3A_105 = tpu.memref_slice %arg2[%dma_wait3A_103, %dma_wait3A_104] : memref<160000x72xf32, #tpu.memory_space<hbm>> -> memref<128x72xf32, #tpu.memory_space<hbm>>
      %dma_wait3A_106 = arith.constant 0 : i32
      %dma_wait3A_107 = arith.constant 0 : i32
      %dma_wait3A_108 = tpu.memref_slice %arg2[%dma_wait3A_106, %dma_wait3A_107] : memref<160000x72xf32, #tpu.memory_space<hbm>> -> memref<128x72xf32, #tpu.memory_space<hbm>>
      tpu.wait_dma2 semaphore(%arg11 : memref<!tpu.dma_semaphore, #tpu.memory_space<semaphore_mem>>) src(%dma_wait3A_108 : memref<128x72xf32, #tpu.memory_space<hbm>>) dst(%arg7 : memref<128x72xf32, #tpu.memory_space<vmem>>)
      %lt3A_109 = arith.cmpi slt, %add3A_102, %add3A_33 : i32
      %convert_element_type3A_110 = arith.extui %lt3A_109 : i1 to i32
      %cond3A_111 = arith.constant 0 : i32
      %cond3A_112 = arith.cmpi ne, %convert_element_type3A_110, %cond3A_111 : i32
      scf.if %cond3A_112 {
        "tpu.region"() ({
          %run_scoped3A = tpu.sem_alloc : memref<!tpu.dma_semaphore, #tpu.memory_space<semaphore_mem>>
          %dma_start3A_113 = arith.constant 0 : i32
          %dma_start3A_114 = tpu.memref_slice %arg5[%add3A_102, %dma_start3A_113] : memref<40x128xi32, #tpu.memory_space<vmem>> -> memref<1x128xi32, #tpu.memory_space<vmem>>
          %dma_start3A_115 = tpu.memref_squeeze %dma_start3A_114 : memref<1x128xi32, #tpu.memory_space<vmem>> -> memref<128xi32, #tpu.memory_space<vmem>>
          %dma_start3A_116 = arith.constant 0 : i32
          %dma_start3A_117 = arith.constant 0 : i32
          %dma_start3A_118 = tpu.memref_slice %arg9[%dma_start3A_116, %dma_start3A_117] : memref<10240x72xf32, #tpu.memory_space<vmem_shared>> -> memref<10240x72xf32, #tpu.memory_space<vmem_shared>>
          tpu.enqueue_indirect_dma source(%arg7 : memref<128x72xf32, #tpu.memory_space<vmem>>) target(%dma_start3A_118 : memref<10240x72xf32, #tpu.memory_space<vmem_shared>>) offsets(%dma_start3A_115 : memref<128xi32, #tpu.memory_space<vmem>>) semaphore(%run_scoped3A : memref<!tpu.dma_semaphore, #tpu.memory_space<semaphore_mem>>) {add = true}
          %dma_wait3A_119 = arith.constant 0 : i32
          %dma_wait3A_120 = tpu.memref_slice %arg5[%add3A_102, %dma_wait3A_119] : memref<40x128xi32, #tpu.memory_space<vmem>> -> memref<1x128xi32, #tpu.memory_space<vmem>>
          %dma_wait3A_121 = tpu.memref_squeeze %dma_wait3A_120 : memref<1x128xi32, #tpu.memory_space<vmem>> -> memref<128xi32, #tpu.memory_space<vmem>>
          %dma_wait3A_122 = arith.constant 0 : i32
          %dma_wait3A_123 = arith.constant 0 : i32
          %dma_wait3A_124 = tpu.memref_slice %arg9[%dma_wait3A_122, %dma_wait3A_123] : memref<10240x72xf32, #tpu.memory_space<vmem_shared>> -> memref<10240x72xf32, #tpu.memory_space<vmem_shared>>
          tpu.wait_indirect_dma semaphore(%run_scoped3A : memref<!tpu.dma_semaphore, #tpu.memory_space<semaphore_mem>>) src(%arg7 : memref<128x72xf32, #tpu.memory_space<vmem>>) dst(%dma_wait3A_124 : memref<10240x72xf32, #tpu.memory_space<vmem_shared>>)
          tpu.yield
        }) : () -> ()
      } else {
      }
    }
    %scan3A_48 = arith.constant 20 : i32
    %barrier3A_49 = arith.constant 0 : index
    tpu.barrier barrier_id(%barrier3A_49)
    %mul3A_50 = arith.constant 640 : i32
    %mul3A_51 = arith.muli %arg1, %mul3A_50 : i32
    %add3A_52 = arith.constant 0 : i32
    %add3A_53 = arith.addi %mul3A_51, %add3A_52 : i32
    "tpu.region"() ({
      %run_scoped3A = tpu.sem_alloc : memref<!tpu.dma_semaphore, #tpu.memory_space<semaphore_mem>>
      %dma_start3A_70 = arith.constant 0 : i32
      %dma_start3A_71 = tpu.memref_slice %arg4[%arg0, %add3A_53, %dma_start3A_70] : memref<2x10240x72xf32, #tpu.memory_space<hbm>> -> memref<1x128x72xf32, #tpu.memory_space<hbm>>
      %dma_start3A_72 = tpu.memref_squeeze %dma_start3A_71 : memref<1x128x72xf32, #tpu.memory_space<hbm>> -> memref<128x72xf32, #tpu.memory_space<hbm>>
      %dma_start3A_73 = arith.constant 0 : i32
      %dma_start3A_74 = tpu.memref_slice %arg9[%add3A_53, %dma_start3A_73] : memref<10240x72xf32, #tpu.memory_space<vmem_shared>> -> memref<128x72xf32, #tpu.memory_space<vmem_shared>>
      tpu.enqueue_dma source(%dma_start3A_74 : memref<128x72xf32, #tpu.memory_space<vmem_shared>>) target(%dma_start3A_72 : memref<128x72xf32, #tpu.memory_space<hbm>>) target_semaphore(%run_scoped3A : memref<!tpu.dma_semaphore, #tpu.memory_space<semaphore_mem>>)
      %dma_wait3A = arith.constant 0 : i32
      %dma_wait3A_75 = tpu.memref_slice %arg4[%arg0, %add3A_53, %dma_wait3A] : memref<2x10240x72xf32, #tpu.memory_space<hbm>> -> memref<1x128x72xf32, #tpu.memory_space<hbm>>
      %dma_wait3A_76 = tpu.memref_squeeze %dma_wait3A_75 : memref<1x128x72xf32, #tpu.memory_space<hbm>> -> memref<128x72xf32, #tpu.memory_space<hbm>>
      %dma_wait3A_77 = arith.constant 0 : i32
      %dma_wait3A_78 = tpu.memref_slice %arg9[%add3A_53, %dma_wait3A_77] : memref<10240x72xf32, #tpu.memory_space<vmem_shared>> -> memref<128x72xf32, #tpu.memory_space<vmem_shared>>
      tpu.wait_dma2 semaphore(%run_scoped3A : memref<!tpu.dma_semaphore, #tpu.memory_space<semaphore_mem>>) src(%dma_wait3A_78 : memref<128x72xf32, #tpu.memory_space<vmem_shared>>) dst(%dma_wait3A_76 : memref<128x72xf32, #tpu.memory_space<hbm>>)
      tpu.yield
    }) : () -> ()
    %mul3A_54 = arith.constant 640 : i32
    %mul3A_55 = arith.muli %arg1, %mul3A_54 : i32
    %add3A_56 = arith.constant 128 : i32
    %add3A_57 = arith.addi %mul3A_55, %add3A_56 : i32
    "tpu.region"() ({
      %run_scoped3A = tpu.sem_alloc : memref<!tpu.dma_semaphore, #tpu.memory_space<semaphore_mem>>
      %dma_start3A_70 = arith.constant 0 : i32
      %dma_start3A_71 = tpu.memref_slice %arg4[%arg0, %add3A_57, %dma_start3A_70] : memref<2x10240x72xf32, #tpu.memory_space<hbm>> -> memref<1x128x72xf32, #tpu.memory_space<hbm>>
      %dma_start3A_72 = tpu.memref_squeeze %dma_start3A_71 : memref<1x128x72xf32, #tpu.memory_space<hbm>> -> memref<128x72xf32, #tpu.memory_space<hbm>>
      %dma_start3A_73 = arith.constant 0 : i32
      %dma_start3A_74 = tpu.memref_slice %arg9[%add3A_57, %dma_start3A_73] : memref<10240x72xf32, #tpu.memory_space<vmem_shared>> -> memref<128x72xf32, #tpu.memory_space<vmem_shared>>
      tpu.enqueue_dma source(%dma_start3A_74 : memref<128x72xf32, #tpu.memory_space<vmem_shared>>) target(%dma_start3A_72 : memref<128x72xf32, #tpu.memory_space<hbm>>) target_semaphore(%run_scoped3A : memref<!tpu.dma_semaphore, #tpu.memory_space<semaphore_mem>>)
      %dma_wait3A = arith.constant 0 : i32
      %dma_wait3A_75 = tpu.memref_slice %arg4[%arg0, %add3A_57, %dma_wait3A] : memref<2x10240x72xf32, #tpu.memory_space<hbm>> -> memref<1x128x72xf32, #tpu.memory_space<hbm>>
      %dma_wait3A_76 = tpu.memref_squeeze %dma_wait3A_75 : memref<1x128x72xf32, #tpu.memory_space<hbm>> -> memref<128x72xf32, #tpu.memory_space<hbm>>
      %dma_wait3A_77 = arith.constant 0 : i32
      %dma_wait3A_78 = tpu.memref_slice %arg9[%add3A_57, %dma_wait3A_77] : memref<10240x72xf32, #tpu.memory_space<vmem_shared>> -> memref<128x72xf32, #tpu.memory_space<vmem_shared>>
      tpu.wait_dma2 semaphore(%run_scoped3A : memref<!tpu.dma_semaphore, #tpu.memory_space<semaphore_mem>>) src(%dma_wait3A_78 : memref<128x72xf32, #tpu.memory_space<vmem_shared>>) dst(%dma_wait3A_76 : memref<128x72xf32, #tpu.memory_space<hbm>>)
      tpu.yield
    }) : () -> ()
    %mul3A_58 = arith.constant 640 : i32
    %mul3A_59 = arith.muli %arg1, %mul3A_58 : i32
    %add3A_60 = arith.constant 256 : i32
    %add3A_61 = arith.addi %mul3A_59, %add3A_60 : i32
    "tpu.region"() ({
      %run_scoped3A = tpu.sem_alloc : memref<!tpu.dma_semaphore, #tpu.memory_space<semaphore_mem>>
      %dma_start3A_70 = arith.constant 0 : i32
      %dma_start3A_71 = tpu.memref_slice %arg4[%arg0, %add3A_61, %dma_start3A_70] : memref<2x10240x72xf32, #tpu.memory_space<hbm>> -> memref<1x128x72xf32, #tpu.memory_space<hbm>>
      %dma_start3A_72 = tpu.memref_squeeze %dma_start3A_71 : memref<1x128x72xf32, #tpu.memory_space<hbm>> -> memref<128x72xf32, #tpu.memory_space<hbm>>
      %dma_start3A_73 = arith.constant 0 : i32
      %dma_start3A_74 = tpu.memref_slice %arg9[%add3A_61, %dma_start3A_73] : memref<10240x72xf32, #tpu.memory_space<vmem_shared>> -> memref<128x72xf32, #tpu.memory_space<vmem_shared>>
      tpu.enqueue_dma source(%dma_start3A_74 : memref<128x72xf32, #tpu.memory_space<vmem_shared>>) target(%dma_start3A_72 : memref<128x72xf32, #tpu.memory_space<hbm>>) target_semaphore(%run_scoped3A : memref<!tpu.dma_semaphore, #tpu.memory_space<semaphore_mem>>)
      %dma_wait3A = arith.constant 0 : i32
      %dma_wait3A_75 = tpu.memref_slice %arg4[%arg0, %add3A_61, %dma_wait3A] : memref<2x10240x72xf32, #tpu.memory_space<hbm>> -> memref<1x128x72xf32, #tpu.memory_space<hbm>>
      %dma_wait3A_76 = tpu.memref_squeeze %dma_wait3A_75 : memref<1x128x72xf32, #tpu.memory_space<hbm>> -> memref<128x72xf32, #tpu.memory_space<hbm>>
      %dma_wait3A_77 = arith.constant 0 : i32
      %dma_wait3A_78 = tpu.memref_slice %arg9[%add3A_61, %dma_wait3A_77] : memref<10240x72xf32, #tpu.memory_space<vmem_shared>> -> memref<128x72xf32, #tpu.memory_space<vmem_shared>>
      tpu.wait_dma2 semaphore(%run_scoped3A : memref<!tpu.dma_semaphore, #tpu.memory_space<semaphore_mem>>) src(%dma_wait3A_78 : memref<128x72xf32, #tpu.memory_space<vmem_shared>>) dst(%dma_wait3A_76 : memref<128x72xf32, #tpu.memory_space<hbm>>)
      tpu.yield
    }) : () -> ()
    %mul3A_62 = arith.constant 640 : i32
    %mul3A_63 = arith.muli %arg1, %mul3A_62 : i32
    %add3A_64 = arith.constant 384 : i32
    %add3A_65 = arith.addi %mul3A_63, %add3A_64 : i32
    "tpu.region"() ({
      %run_scoped3A = tpu.sem_alloc : memref<!tpu.dma_semaphore, #tpu.memory_space<semaphore_mem>>
      %dma_start3A_70 = arith.constant 0 : i32
      %dma_start3A_71 = tpu.memref_slice %arg4[%arg0, %add3A_65, %dma_start3A_70] : memref<2x10240x72xf32, #tpu.memory_space<hbm>> -> memref<1x128x72xf32, #tpu.memory_space<hbm>>
      %dma_start3A_72 = tpu.memref_squeeze %dma_start3A_71 : memref<1x128x72xf32, #tpu.memory_space<hbm>> -> memref<128x72xf32, #tpu.memory_space<hbm>>
      %dma_start3A_73 = arith.constant 0 : i32
      %dma_start3A_74 = tpu.memref_slice %arg9[%add3A_65, %dma_start3A_73] : memref<10240x72xf32, #tpu.memory_space<vmem_shared>> -> memref<128x72xf32, #tpu.memory_space<vmem_shared>>
      tpu.enqueue_dma source(%dma_start3A_74 : memref<128x72xf32, #tpu.memory_space<vmem_shared>>) target(%dma_start3A_72 : memref<128x72xf32, #tpu.memory_space<hbm>>) target_semaphore(%run_scoped3A : memref<!tpu.dma_semaphore, #tpu.memory_space<semaphore_mem>>)
      %dma_wait3A = arith.constant 0 : i32
      %dma_wait3A_75 = tpu.memref_slice %arg4[%arg0, %add3A_65, %dma_wait3A] : memref<2x10240x72xf32, #tpu.memory_space<hbm>> -> memref<1x128x72xf32, #tpu.memory_space<hbm>>
      %dma_wait3A_76 = tpu.memref_squeeze %dma_wait3A_75 : memref<1x128x72xf32, #tpu.memory_space<hbm>> -> memref<128x72xf32, #tpu.memory_space<hbm>>
      %dma_wait3A_77 = arith.constant 0 : i32
      %dma_wait3A_78 = tpu.memref_slice %arg9[%add3A_65, %dma_wait3A_77] : memref<10240x72xf32, #tpu.memory_space<vmem_shared>> -> memref<128x72xf32, #tpu.memory_space<vmem_shared>>
      tpu.wait_dma2 semaphore(%run_scoped3A : memref<!tpu.dma_semaphore, #tpu.memory_space<semaphore_mem>>) src(%dma_wait3A_78 : memref<128x72xf32, #tpu.memory_space<vmem_shared>>) dst(%dma_wait3A_76 : memref<128x72xf32, #tpu.memory_space<hbm>>)
      tpu.yield
    }) : () -> ()
    %mul3A_66 = arith.constant 640 : i32
    %mul3A_67 = arith.muli %arg1, %mul3A_66 : i32
    %add3A_68 = arith.constant 512 : i32
    %add3A_69 = arith.addi %mul3A_67, %add3A_68 : i32
    "tpu.region"() ({
      %run_scoped3A = tpu.sem_alloc : memref<!tpu.dma_semaphore, #tpu.memory_space<semaphore_mem>>
      %dma_start3A_70 = arith.constant 0 : i32
      %dma_start3A_71 = tpu.memref_slice %arg4[%arg0, %add3A_69, %dma_start3A_70] : memref<2x10240x72xf32, #tpu.memory_space<hbm>> -> memref<1x128x72xf32, #tpu.memory_space<hbm>>
      %dma_start3A_72 = tpu.memref_squeeze %dma_start3A_71 : memref<1x128x72xf32, #tpu.memory_space<hbm>> -> memref<128x72xf32, #tpu.memory_space<hbm>>
      %dma_start3A_73 = arith.constant 0 : i32
      %dma_start3A_74 = tpu.memref_slice %arg9[%add3A_69, %dma_start3A_73] : memref<10240x72xf32, #tpu.memory_space<vmem_shared>> -> memref<128x72xf32, #tpu.memory_space<vmem_shared>>
      tpu.enqueue_dma source(%dma_start3A_74 : memref<128x72xf32, #tpu.memory_space<vmem_shared>>) target(%dma_start3A_72 : memref<128x72xf32, #tpu.memory_space<hbm>>) target_semaphore(%run_scoped3A : memref<!tpu.dma_semaphore, #tpu.memory_space<semaphore_mem>>)
      %dma_wait3A = arith.constant 0 : i32
      %dma_wait3A_75 = tpu.memref_slice %arg4[%arg0, %add3A_69, %dma_wait3A] : memref<2x10240x72xf32, #tpu.memory_space<hbm>> -> memref<1x128x72xf32, #tpu.memory_space<hbm>>
      %dma_wait3A_76 = tpu.memref_squeeze %dma_wait3A_75 : memref<1x128x72xf32, #tpu.memory_space<hbm>> -> memref<128x72xf32, #tpu.memory_space<hbm>>
      %dma_wait3A_77 = arith.constant 0 : i32
      %dma_wait3A_78 = tpu.memref_slice %arg9[%add3A_69, %dma_wait3A_77] : memref<10240x72xf32, #tpu.memory_space<vmem_shared>> -> memref<128x72xf32, #tpu.memory_space<vmem_shared>>
      tpu.wait_dma2 semaphore(%run_scoped3A : memref<!tpu.dma_semaphore, #tpu.memory_space<semaphore_mem>>) src(%dma_wait3A_78 : memref<128x72xf32, #tpu.memory_space<vmem_shared>>) dst(%dma_wait3A_76 : memref<128x72xf32, #tpu.memory_space<hbm>>)
      tpu.yield
    }) : () -> ()
    return
  }
}

#map = affine_map<(d0, d1) -> (0, 0)>
module attributes {stable_mosaic.version = 14 : i64} {
  func.func @_sc_gather(%arg0: i32, %arg1: i32, %arg2: memref<10000x40xf32, #tpu.memory_space<hbm>>, %arg3: memref<10000x40xf32, #tpu.memory_space<hbm>>, %arg4: memref<1280x128xi32, #tpu.memory_space<hbm>>, %arg5: memref<1280x128xi32, #tpu.memory_space<hbm>>, %arg6: memref<160000x40xf32, #tpu.memory_space<hbm>>, %arg7: memref<160000x40xf32, #tpu.memory_space<hbm>>, %arg8: memref<40x128xi32, #tpu.memory_space<vmem>>, %arg9: memref<40x128xi32, #tpu.memory_space<vmem>>, %arg10: memref<128x40xf32, #tpu.memory_space<vmem>>, %arg11: memref<128x40xf32, #tpu.memory_space<vmem>>, %arg12: memref<128x40xf32, #tpu.memory_space<vmem>>, %arg13: memref<128x40xf32, #tpu.memory_space<vmem>>, %arg14: memref<!tpu.dma_semaphore, #tpu.memory_space<semaphore_mem>>, %arg15: memref<!tpu.dma_semaphore, #tpu.memory_space<semaphore_mem>>, %arg16: memref<!tpu.dma_semaphore, #tpu.memory_space<semaphore_mem>>, %arg17: memref<!tpu.dma_semaphore, #tpu.memory_space<semaphore_mem>>) attributes {dimension_semantics = [#tpu.dimension_semantics<core_parallel>, #tpu.dimension_semantics<subcore_parallel>], iteration_bounds = array<i64: 2, 16>, scalar_prefetch = 0 : i64, scratch_operands = 10 : i64, tpu.core_type = #tpu.core_type<sc_vector_subcore>, window_params = [{transform_indices = #map}, {transform_indices = #map}, {transform_indices = #map}, {transform_indices = #map}, {transform_indices = #map}, {transform_indices = #map}]} {
    %mul3A = arith.constant 2 : i32
    %mul3A_0 = arith.muli %arg1, %mul3A : i32
    %add3A = arith.addi %mul3A_0, %arg0 : i32
    %mul3A_1 = arith.constant 39 : i32
    %mul3A_2 = arith.muli %add3A, %mul3A_1 : i32
    %min3A = arith.constant 2 : i32
    %min3A_3 = arith.minsi %add3A, %min3A : i32
    %add3A_4 = arith.addi %mul3A_2, %min3A_3 : i32
    %lt3A = arith.constant 2 : i32
    %lt3A_5 = arith.cmpi slt, %add3A, %lt3A : i32
    %jit3A = arith.constant 1 : i32
    %jit3A_6 = arith.constant 0 : i32
    %select_n3A = arith.select %lt3A_5, %jit3A, %jit3A_6 : i32
    %add3A_7 = arith.constant 39 : i32
    %add3A_8 = arith.addi %add3A_7, %select_n3A : i32
    "tpu.region"() ({
      %run_scoped3A = tpu.sem_alloc : memref<!tpu.dma_semaphore, #tpu.memory_space<semaphore_mem>>
      %dma_start3A_28 = arith.constant 0 : i32
      %dma_start3A_29 = tpu.memref_slice %arg4[%add3A_4, %dma_start3A_28] : memref<1280x128xi32, #tpu.memory_space<hbm>> -> memref<40x128xi32, #tpu.memory_space<hbm>>
      %dma_start3A_30 = arith.constant 0 : i32
      %dma_start3A_31 = tpu.memref_slice %arg4[%add3A_4, %dma_start3A_30] : memref<1280x128xi32, #tpu.memory_space<hbm>> -> memref<40x128xi32, #tpu.memory_space<hbm>>
      tpu.enqueue_dma source(%dma_start3A_31 : memref<40x128xi32, #tpu.memory_space<hbm>>) target(%arg8 : memref<40x128xi32, #tpu.memory_space<vmem>>) target_semaphore(%run_scoped3A : memref<!tpu.dma_semaphore, #tpu.memory_space<semaphore_mem>>)
      %dma_wait3A = arith.constant 0 : i32
      %dma_wait3A_32 = tpu.memref_slice %arg4[%add3A_4, %dma_wait3A] : memref<1280x128xi32, #tpu.memory_space<hbm>> -> memref<40x128xi32, #tpu.memory_space<hbm>>
      %dma_wait3A_33 = arith.constant 0 : i32
      %dma_wait3A_34 = tpu.memref_slice %arg4[%add3A_4, %dma_wait3A_33] : memref<1280x128xi32, #tpu.memory_space<hbm>> -> memref<40x128xi32, #tpu.memory_space<hbm>>
      tpu.wait_dma2 semaphore(%run_scoped3A : memref<!tpu.dma_semaphore, #tpu.memory_space<semaphore_mem>>) src(%dma_wait3A_34 : memref<40x128xi32, #tpu.memory_space<hbm>>) dst(%arg8 : memref<40x128xi32, #tpu.memory_space<vmem>>)
      tpu.yield
    }) : () -> ()
    "tpu.region"() ({
      %run_scoped3A = tpu.sem_alloc : memref<!tpu.dma_semaphore, #tpu.memory_space<semaphore_mem>>
      %dma_start3A_28 = arith.constant 0 : i32
      %dma_start3A_29 = tpu.memref_slice %arg5[%add3A_4, %dma_start3A_28] : memref<1280x128xi32, #tpu.memory_space<hbm>> -> memref<40x128xi32, #tpu.memory_space<hbm>>
      %dma_start3A_30 = arith.constant 0 : i32
      %dma_start3A_31 = tpu.memref_slice %arg5[%add3A_4, %dma_start3A_30] : memref<1280x128xi32, #tpu.memory_space<hbm>> -> memref<40x128xi32, #tpu.memory_space<hbm>>
      tpu.enqueue_dma source(%dma_start3A_31 : memref<40x128xi32, #tpu.memory_space<hbm>>) target(%arg9 : memref<40x128xi32, #tpu.memory_space<vmem>>) target_semaphore(%run_scoped3A : memref<!tpu.dma_semaphore, #tpu.memory_space<semaphore_mem>>)
      %dma_wait3A = arith.constant 0 : i32
      %dma_wait3A_32 = tpu.memref_slice %arg5[%add3A_4, %dma_wait3A] : memref<1280x128xi32, #tpu.memory_space<hbm>> -> memref<40x128xi32, #tpu.memory_space<hbm>>
      %dma_wait3A_33 = arith.constant 0 : i32
      %dma_wait3A_34 = tpu.memref_slice %arg5[%add3A_4, %dma_wait3A_33] : memref<1280x128xi32, #tpu.memory_space<hbm>> -> memref<40x128xi32, #tpu.memory_space<hbm>>
      tpu.wait_dma2 semaphore(%run_scoped3A : memref<!tpu.dma_semaphore, #tpu.memory_space<semaphore_mem>>) src(%dma_wait3A_34 : memref<40x128xi32, #tpu.memory_space<hbm>>) dst(%arg9 : memref<40x128xi32, #tpu.memory_space<vmem>>)
      tpu.yield
    }) : () -> ()
    %sub3A = arith.constant 1 : i32
    %sub3A_9 = arith.subi %add3A_8, %sub3A : i32
    %min3A_10 = arith.constant 0 : i32
    %min3A_11 = arith.minsi %min3A_10, %sub3A_9 : i32
    %dma_start3A = arith.constant 0 : i32
    %dma_start3A_12 = tpu.memref_slice %arg8[%min3A_11, %dma_start3A] : memref<40x128xi32, #tpu.memory_space<vmem>> -> memref<1x128xi32, #tpu.memory_space<vmem>>
    %dma_start3A_13 = tpu.memref_squeeze %dma_start3A_12 : memref<1x128xi32, #tpu.memory_space<vmem>> -> memref<128xi32, #tpu.memory_space<vmem>>
    %dma_start3A_14 = arith.constant 0 : i32
    %dma_start3A_15 = arith.constant 0 : i32
    %dma_start3A_16 = tpu.memref_slice %arg2[%dma_start3A_14, %dma_start3A_15] : memref<10000x40xf32, #tpu.memory_space<hbm>> -> memref<10000x40xf32, #tpu.memory_space<hbm>>
    tpu.enqueue_indirect_dma source(%dma_start3A_16 : memref<10000x40xf32, #tpu.memory_space<hbm>>) target(%arg10 : memref<128x40xf32, #tpu.memory_space<vmem>>) offsets(%dma_start3A_13 : memref<128xi32, #tpu.memory_space<vmem>>) semaphore(%arg14 : memref<!tpu.dma_semaphore, #tpu.memory_space<semaphore_mem>>)
    %dma_start3A_17 = arith.constant 0 : i32
    %dma_start3A_18 = tpu.memref_slice %arg9[%min3A_11, %dma_start3A_17] : memref<40x128xi32, #tpu.memory_space<vmem>> -> memref<1x128xi32, #tpu.memory_space<vmem>>
    %dma_start3A_19 = tpu.memref_squeeze %dma_start3A_18 : memref<1x128xi32, #tpu.memory_space<vmem>> -> memref<128xi32, #tpu.memory_space<vmem>>
    %dma_start3A_20 = arith.constant 0 : i32
    %dma_start3A_21 = arith.constant 0 : i32
    %dma_start3A_22 = tpu.memref_slice %arg3[%dma_start3A_20, %dma_start3A_21] : memref<10000x40xf32, #tpu.memory_space<hbm>> -> memref<10000x40xf32, #tpu.memory_space<hbm>>
    tpu.enqueue_indirect_dma source(%dma_start3A_22 : memref<10000x40xf32, #tpu.memory_space<hbm>>) target(%arg11 : memref<128x40xf32, #tpu.memory_space<vmem>>) offsets(%dma_start3A_19 : memref<128xi32, #tpu.memory_space<vmem>>) semaphore(%arg15 : memref<!tpu.dma_semaphore, #tpu.memory_space<semaphore_mem>>)
    %scan3A = arith.constant 0 : i32
    %scan3A_23 = arith.constant 0 : i32
    %scan3A_24 = arith.constant 20 : i32
    %scan3A_25 = arith.addi %scan3A_23, %scan3A_24 : i32
    %scan3A_26 = arith.constant 1 : i32
    scf.for %scan3A_28 = %scan3A_23 to %scan3A_25 step %scan3A_26  : i32 {
      %mul3A_29 = arith.constant 2 : i32
      %mul3A_30 = arith.muli %mul3A_29, %scan3A_28 : i32
      %add3A_31 = arith.constant 1 : i32
      %add3A_32 = arith.addi %mul3A_30, %add3A_31 : i32
      %sub3A_33 = arith.constant 1 : i32
      %sub3A_34 = arith.subi %add3A_8, %sub3A_33 : i32
      %min3A_35 = arith.minsi %add3A_32, %sub3A_34 : i32
      %dma_start3A_36 = arith.constant 0 : i32
      %dma_start3A_37 = tpu.memref_slice %arg8[%min3A_35, %dma_start3A_36] : memref<40x128xi32, #tpu.memory_space<vmem>> -> memref<1x128xi32, #tpu.memory_space<vmem>>
      %dma_start3A_38 = tpu.memref_squeeze %dma_start3A_37 : memref<1x128xi32, #tpu.memory_space<vmem>> -> memref<128xi32, #tpu.memory_space<vmem>>
      %dma_start3A_39 = arith.constant 0 : i32
      %dma_start3A_40 = arith.constant 0 : i32
      %dma_start3A_41 = tpu.memref_slice %arg2[%dma_start3A_39, %dma_start3A_40] : memref<10000x40xf32, #tpu.memory_space<hbm>> -> memref<10000x40xf32, #tpu.memory_space<hbm>>
      tpu.enqueue_indirect_dma source(%dma_start3A_41 : memref<10000x40xf32, #tpu.memory_space<hbm>>) target(%arg12 : memref<128x40xf32, #tpu.memory_space<vmem>>) offsets(%dma_start3A_38 : memref<128xi32, #tpu.memory_space<vmem>>) semaphore(%arg16 : memref<!tpu.dma_semaphore, #tpu.memory_space<semaphore_mem>>)
      %dma_start3A_42 = arith.constant 0 : i32
      %dma_start3A_43 = tpu.memref_slice %arg9[%min3A_35, %dma_start3A_42] : memref<40x128xi32, #tpu.memory_space<vmem>> -> memref<1x128xi32, #tpu.memory_space<vmem>>
      %dma_start3A_44 = tpu.memref_squeeze %dma_start3A_43 : memref<1x128xi32, #tpu.memory_space<vmem>> -> memref<128xi32, #tpu.memory_space<vmem>>
      %dma_start3A_45 = arith.constant 0 : i32
      %dma_start3A_46 = arith.constant 0 : i32
      %dma_start3A_47 = tpu.memref_slice %arg3[%dma_start3A_45, %dma_start3A_46] : memref<10000x40xf32, #tpu.memory_space<hbm>> -> memref<10000x40xf32, #tpu.memory_space<hbm>>
      tpu.enqueue_indirect_dma source(%dma_start3A_47 : memref<10000x40xf32, #tpu.memory_space<hbm>>) target(%arg13 : memref<128x40xf32, #tpu.memory_space<vmem>>) offsets(%dma_start3A_44 : memref<128xi32, #tpu.memory_space<vmem>>) semaphore(%arg17 : memref<!tpu.dma_semaphore, #tpu.memory_space<semaphore_mem>>)
      %mul3A_48 = arith.constant 2 : i32
      %mul3A_49 = arith.muli %mul3A_48, %scan3A_28 : i32
      %sub3A_50 = arith.constant 1 : i32
      %sub3A_51 = arith.subi %add3A_8, %sub3A_50 : i32
      %min3A_52 = arith.minsi %mul3A_49, %sub3A_51 : i32
      %dma_wait3A = arith.constant 0 : i32
      %dma_wait3A_53 = arith.constant 0 : i32
      %dma_wait3A_54 = tpu.memref_slice %arg8[%dma_wait3A, %dma_wait3A_53] : memref<40x128xi32, #tpu.memory_space<vmem>> -> memref<1x128xi32, #tpu.memory_space<vmem>>
      %dma_wait3A_55 = tpu.memref_squeeze %dma_wait3A_54 : memref<1x128xi32, #tpu.memory_space<vmem>> -> memref<128xi32, #tpu.memory_space<vmem>>
      %dma_wait3A_56 = arith.constant 0 : i32
      %dma_wait3A_57 = arith.constant 0 : i32
      %dma_wait3A_58 = tpu.memref_slice %arg2[%dma_wait3A_56, %dma_wait3A_57] : memref<10000x40xf32, #tpu.memory_space<hbm>> -> memref<10000x40xf32, #tpu.memory_space<hbm>>
      tpu.wait_indirect_dma semaphore(%arg14 : memref<!tpu.dma_semaphore, #tpu.memory_space<semaphore_mem>>) src(%dma_wait3A_58 : memref<10000x40xf32, #tpu.memory_space<hbm>>) dst(%arg10 : memref<128x40xf32, #tpu.memory_space<vmem>>)
      %dma_wait3A_59 = arith.constant 0 : i32
      %dma_wait3A_60 = arith.constant 0 : i32
      %dma_wait3A_61 = tpu.memref_slice %arg9[%dma_wait3A_59, %dma_wait3A_60] : memref<40x128xi32, #tpu.memory_space<vmem>> -> memref<1x128xi32, #tpu.memory_space<vmem>>
      %dma_wait3A_62 = tpu.memref_squeeze %dma_wait3A_61 : memref<1x128xi32, #tpu.memory_space<vmem>> -> memref<128xi32, #tpu.memory_space<vmem>>
      %dma_wait3A_63 = arith.constant 0 : i32
      %dma_wait3A_64 = arith.constant 0 : i32
      %dma_wait3A_65 = tpu.memref_slice %arg3[%dma_wait3A_63, %dma_wait3A_64] : memref<10000x40xf32, #tpu.memory_space<hbm>> -> memref<10000x40xf32, #tpu.memory_space<hbm>>
      tpu.wait_indirect_dma semaphore(%arg15 : memref<!tpu.dma_semaphore, #tpu.memory_space<semaphore_mem>>) src(%dma_wait3A_65 : memref<10000x40xf32, #tpu.memory_space<hbm>>) dst(%arg11 : memref<128x40xf32, #tpu.memory_space<vmem>>)
      %add3A_66 = arith.addi %add3A_4, %min3A_52 : i32
      %mul3A_67 = arith.constant 128 : i32
      %mul3A_68 = arith.muli %add3A_66, %mul3A_67 : i32
      "tpu.region"() ({
        %run_scoped3A = tpu.sem_alloc : memref<!tpu.dma_semaphore, #tpu.memory_space<semaphore_mem>>
        %dma_start3A_96 = arith.constant 0 : i32
        %dma_start3A_97 = tpu.memref_slice %arg6[%mul3A_68, %dma_start3A_96] : memref<160000x40xf32, #tpu.memory_space<hbm>> -> memref<128x40xf32, #tpu.memory_space<hbm>>
        %dma_start3A_98 = arith.constant 0 : i32
        %dma_start3A_99 = tpu.memref_slice %arg6[%mul3A_68, %dma_start3A_98] : memref<160000x40xf32, #tpu.memory_space<hbm>> -> memref<128x40xf32, #tpu.memory_space<hbm>>
        tpu.enqueue_dma source(%arg10 : memref<128x40xf32, #tpu.memory_space<vmem>>) target(%dma_start3A_99 : memref<128x40xf32, #tpu.memory_space<hbm>>) target_semaphore(%run_scoped3A : memref<!tpu.dma_semaphore, #tpu.memory_space<semaphore_mem>>)
        %dma_wait3A_100 = arith.constant 0 : i32
        %dma_wait3A_101 = tpu.memref_slice %arg6[%mul3A_68, %dma_wait3A_100] : memref<160000x40xf32, #tpu.memory_space<hbm>> -> memref<128x40xf32, #tpu.memory_space<hbm>>
        %dma_wait3A_102 = arith.constant 0 : i32
        %dma_wait3A_103 = tpu.memref_slice %arg6[%mul3A_68, %dma_wait3A_102] : memref<160000x40xf32, #tpu.memory_space<hbm>> -> memref<128x40xf32, #tpu.memory_space<hbm>>
        tpu.wait_dma2 semaphore(%run_scoped3A : memref<!tpu.dma_semaphore, #tpu.memory_space<semaphore_mem>>) src(%arg10 : memref<128x40xf32, #tpu.memory_space<vmem>>) dst(%dma_wait3A_103 : memref<128x40xf32, #tpu.memory_space<hbm>>)
        tpu.yield
      }) : () -> ()
      "tpu.region"() ({
        %run_scoped3A = tpu.sem_alloc : memref<!tpu.dma_semaphore, #tpu.memory_space<semaphore_mem>>
        %dma_start3A_96 = arith.constant 0 : i32
        %dma_start3A_97 = tpu.memref_slice %arg7[%mul3A_68, %dma_start3A_96] : memref<160000x40xf32, #tpu.memory_space<hbm>> -> memref<128x40xf32, #tpu.memory_space<hbm>>
        %dma_start3A_98 = arith.constant 0 : i32
        %dma_start3A_99 = tpu.memref_slice %arg7[%mul3A_68, %dma_start3A_98] : memref<160000x40xf32, #tpu.memory_space<hbm>> -> memref<128x40xf32, #tpu.memory_space<hbm>>
        tpu.enqueue_dma source(%arg11 : memref<128x40xf32, #tpu.memory_space<vmem>>) target(%dma_start3A_99 : memref<128x40xf32, #tpu.memory_space<hbm>>) target_semaphore(%run_scoped3A : memref<!tpu.dma_semaphore, #tpu.memory_space<semaphore_mem>>)
        %dma_wait3A_100 = arith.constant 0 : i32
        %dma_wait3A_101 = tpu.memref_slice %arg7[%mul3A_68, %dma_wait3A_100] : memref<160000x40xf32, #tpu.memory_space<hbm>> -> memref<128x40xf32, #tpu.memory_space<hbm>>
        %dma_wait3A_102 = arith.constant 0 : i32
        %dma_wait3A_103 = tpu.memref_slice %arg7[%mul3A_68, %dma_wait3A_102] : memref<160000x40xf32, #tpu.memory_space<hbm>> -> memref<128x40xf32, #tpu.memory_space<hbm>>
        tpu.wait_dma2 semaphore(%run_scoped3A : memref<!tpu.dma_semaphore, #tpu.memory_space<semaphore_mem>>) src(%arg11 : memref<128x40xf32, #tpu.memory_space<vmem>>) dst(%dma_wait3A_103 : memref<128x40xf32, #tpu.memory_space<hbm>>)
        tpu.yield
      }) : () -> ()
      %lt3A_69 = arith.constant 19 : i32
      %lt3A_70 = arith.cmpi slt, %scan3A_28, %lt3A_69 : i32
      %convert_element_type3A = arith.extui %lt3A_70 : i1 to i32
      %cond3A = arith.constant 0 : i32
      %cond3A_71 = arith.cmpi ne, %convert_element_type3A, %cond3A : i32
      scf.if %cond3A_71 {
        %mul3A_96 = arith.constant 2 : i32
        %mul3A_97 = arith.muli %mul3A_96, %scan3A_28 : i32
        %add3A_98 = arith.constant 2 : i32
        %add3A_99 = arith.addi %mul3A_97, %add3A_98 : i32
        %sub3A_100 = arith.constant 1 : i32
        %sub3A_101 = arith.subi %add3A_8, %sub3A_100 : i32
        %min3A_102 = arith.minsi %add3A_99, %sub3A_101 : i32
        %dma_start3A_103 = arith.constant 0 : i32
        %dma_start3A_104 = tpu.memref_slice %arg8[%min3A_102, %dma_start3A_103] : memref<40x128xi32, #tpu.memory_space<vmem>> -> memref<1x128xi32, #tpu.memory_space<vmem>>
        %dma_start3A_105 = tpu.memref_squeeze %dma_start3A_104 : memref<1x128xi32, #tpu.memory_space<vmem>> -> memref<128xi32, #tpu.memory_space<vmem>>
        %dma_start3A_106 = arith.constant 0 : i32
        %dma_start3A_107 = arith.constant 0 : i32
        %dma_start3A_108 = tpu.memref_slice %arg2[%dma_start3A_106, %dma_start3A_107] : memref<10000x40xf32, #tpu.memory_space<hbm>> -> memref<10000x40xf32, #tpu.memory_space<hbm>>
        tpu.enqueue_indirect_dma source(%dma_start3A_108 : memref<10000x40xf32, #tpu.memory_space<hbm>>) target(%arg10 : memref<128x40xf32, #tpu.memory_space<vmem>>) offsets(%dma_start3A_105 : memref<128xi32, #tpu.memory_space<vmem>>) semaphore(%arg14 : memref<!tpu.dma_semaphore, #tpu.memory_space<semaphore_mem>>)
        %dma_start3A_109 = arith.constant 0 : i32
        %dma_start3A_110 = tpu.memref_slice %arg9[%min3A_102, %dma_start3A_109] : memref<40x128xi32, #tpu.memory_space<vmem>> -> memref<1x128xi32, #tpu.memory_space<vmem>>
        %dma_start3A_111 = tpu.memref_squeeze %dma_start3A_110 : memref<1x128xi32, #tpu.memory_space<vmem>> -> memref<128xi32, #tpu.memory_space<vmem>>
        %dma_start3A_112 = arith.constant 0 : i32
        %dma_start3A_113 = arith.constant 0 : i32
        %dma_start3A_114 = tpu.memref_slice %arg3[%dma_start3A_112, %dma_start3A_113] : memref<10000x40xf32, #tpu.memory_space<hbm>> -> memref<10000x40xf32, #tpu.memory_space<hbm>>
        tpu.enqueue_indirect_dma source(%dma_start3A_114 : memref<10000x40xf32, #tpu.memory_space<hbm>>) target(%arg11 : memref<128x40xf32, #tpu.memory_space<vmem>>) offsets(%dma_start3A_111 : memref<128xi32, #tpu.memory_space<vmem>>) semaphore(%arg15 : memref<!tpu.dma_semaphore, #tpu.memory_space<semaphore_mem>>)
      } else {
      }
      %mul3A_72 = arith.constant 2 : i32
      %mul3A_73 = arith.muli %mul3A_72, %scan3A_28 : i32
      %add3A_74 = arith.constant 1 : i32
      %add3A_75 = arith.addi %mul3A_73, %add3A_74 : i32
      %sub3A_76 = arith.constant 1 : i32
      %sub3A_77 = arith.subi %add3A_8, %sub3A_76 : i32
      %min3A_78 = arith.minsi %add3A_75, %sub3A_77 : i32
      %dma_wait3A_79 = arith.constant 0 : i32
      %dma_wait3A_80 = arith.constant 0 : i32
      %dma_wait3A_81 = tpu.memref_slice %arg8[%dma_wait3A_79, %dma_wait3A_80] : memref<40x128xi32, #tpu.memory_space<vmem>> -> memref<1x128xi32, #tpu.memory_space<vmem>>
      %dma_wait3A_82 = tpu.memref_squeeze %dma_wait3A_81 : memref<1x128xi32, #tpu.memory_space<vmem>> -> memref<128xi32, #tpu.memory_space<vmem>>
      %dma_wait3A_83 = arith.constant 0 : i32
      %dma_wait3A_84 = arith.constant 0 : i32
      %dma_wait3A_85 = tpu.memref_slice %arg2[%dma_wait3A_83, %dma_wait3A_84] : memref<10000x40xf32, #tpu.memory_space<hbm>> -> memref<10000x40xf32, #tpu.memory_space<hbm>>
      tpu.wait_indirect_dma semaphore(%arg16 : memref<!tpu.dma_semaphore, #tpu.memory_space<semaphore_mem>>) src(%dma_wait3A_85 : memref<10000x40xf32, #tpu.memory_space<hbm>>) dst(%arg12 : memref<128x40xf32, #tpu.memory_space<vmem>>)
      %dma_wait3A_86 = arith.constant 0 : i32
      %dma_wait3A_87 = arith.constant 0 : i32
      %dma_wait3A_88 = tpu.memref_slice %arg9[%dma_wait3A_86, %dma_wait3A_87] : memref<40x128xi32, #tpu.memory_space<vmem>> -> memref<1x128xi32, #tpu.memory_space<vmem>>
      %dma_wait3A_89 = tpu.memref_squeeze %dma_wait3A_88 : memref<1x128xi32, #tpu.memory_space<vmem>> -> memref<128xi32, #tpu.memory_space<vmem>>
      %dma_wait3A_90 = arith.constant 0 : i32
      %dma_wait3A_91 = arith.constant 0 : i32
      %dma_wait3A_92 = tpu.memref_slice %arg3[%dma_wait3A_90, %dma_wait3A_91] : memref<10000x40xf32, #tpu.memory_space<hbm>> -> memref<10000x40xf32, #tpu.memory_space<hbm>>
      tpu.wait_indirect_dma semaphore(%arg17 : memref<!tpu.dma_semaphore, #tpu.memory_space<semaphore_mem>>) src(%dma_wait3A_92 : memref<10000x40xf32, #tpu.memory_space<hbm>>) dst(%arg13 : memref<128x40xf32, #tpu.memory_space<vmem>>)
      %add3A_93 = arith.addi %add3A_4, %min3A_78 : i32
      %mul3A_94 = arith.constant 128 : i32
      %mul3A_95 = arith.muli %add3A_93, %mul3A_94 : i32
      "tpu.region"() ({
        %run_scoped3A = tpu.sem_alloc : memref<!tpu.dma_semaphore, #tpu.memory_space<semaphore_mem>>
        %dma_start3A_96 = arith.constant 0 : i32
        %dma_start3A_97 = tpu.memref_slice %arg6[%mul3A_95, %dma_start3A_96] : memref<160000x40xf32, #tpu.memory_space<hbm>> -> memref<128x40xf32, #tpu.memory_space<hbm>>
        %dma_start3A_98 = arith.constant 0 : i32
        %dma_start3A_99 = tpu.memref_slice %arg6[%mul3A_95, %dma_start3A_98] : memref<160000x40xf32, #tpu.memory_space<hbm>> -> memref<128x40xf32, #tpu.memory_space<hbm>>
        tpu.enqueue_dma source(%arg12 : memref<128x40xf32, #tpu.memory_space<vmem>>) target(%dma_start3A_99 : memref<128x40xf32, #tpu.memory_space<hbm>>) target_semaphore(%run_scoped3A : memref<!tpu.dma_semaphore, #tpu.memory_space<semaphore_mem>>)
        %dma_wait3A_100 = arith.constant 0 : i32
        %dma_wait3A_101 = tpu.memref_slice %arg6[%mul3A_95, %dma_wait3A_100] : memref<160000x40xf32, #tpu.memory_space<hbm>> -> memref<128x40xf32, #tpu.memory_space<hbm>>
        %dma_wait3A_102 = arith.constant 0 : i32
        %dma_wait3A_103 = tpu.memref_slice %arg6[%mul3A_95, %dma_wait3A_102] : memref<160000x40xf32, #tpu.memory_space<hbm>> -> memref<128x40xf32, #tpu.memory_space<hbm>>
        tpu.wait_dma2 semaphore(%run_scoped3A : memref<!tpu.dma_semaphore, #tpu.memory_space<semaphore_mem>>) src(%arg12 : memref<128x40xf32, #tpu.memory_space<vmem>>) dst(%dma_wait3A_103 : memref<128x40xf32, #tpu.memory_space<hbm>>)
        tpu.yield
      }) : () -> ()
      "tpu.region"() ({
        %run_scoped3A = tpu.sem_alloc : memref<!tpu.dma_semaphore, #tpu.memory_space<semaphore_mem>>
        %dma_start3A_96 = arith.constant 0 : i32
        %dma_start3A_97 = tpu.memref_slice %arg7[%mul3A_95, %dma_start3A_96] : memref<160000x40xf32, #tpu.memory_space<hbm>> -> memref<128x40xf32, #tpu.memory_space<hbm>>
        %dma_start3A_98 = arith.constant 0 : i32
        %dma_start3A_99 = tpu.memref_slice %arg7[%mul3A_95, %dma_start3A_98] : memref<160000x40xf32, #tpu.memory_space<hbm>> -> memref<128x40xf32, #tpu.memory_space<hbm>>
        tpu.enqueue_dma source(%arg13 : memref<128x40xf32, #tpu.memory_space<vmem>>) target(%dma_start3A_99 : memref<128x40xf32, #tpu.memory_space<hbm>>) target_semaphore(%run_scoped3A : memref<!tpu.dma_semaphore, #tpu.memory_space<semaphore_mem>>)
        %dma_wait3A_100 = arith.constant 0 : i32
        %dma_wait3A_101 = tpu.memref_slice %arg7[%mul3A_95, %dma_wait3A_100] : memref<160000x40xf32, #tpu.memory_space<hbm>> -> memref<128x40xf32, #tpu.memory_space<hbm>>
        %dma_wait3A_102 = arith.constant 0 : i32
        %dma_wait3A_103 = tpu.memref_slice %arg7[%mul3A_95, %dma_wait3A_102] : memref<160000x40xf32, #tpu.memory_space<hbm>> -> memref<128x40xf32, #tpu.memory_space<hbm>>
        tpu.wait_dma2 semaphore(%run_scoped3A : memref<!tpu.dma_semaphore, #tpu.memory_space<semaphore_mem>>) src(%arg13 : memref<128x40xf32, #tpu.memory_space<vmem>>) dst(%dma_wait3A_103 : memref<128x40xf32, #tpu.memory_space<hbm>>)
        tpu.yield
      }) : () -> ()
    }
    %scan3A_27 = arith.constant 20 : i32
    return
  }
}

#map = affine_map<(d0, d1) -> (0, 0)>
#map1 = affine_map<(d0, d1) -> (0, 0, 0)>
module attributes {stable_mosaic.version = 14 : i64} {
  func.func @_sc_scatter(%arg0: i32, %arg1: i32, %arg2: memref<160000x72xf32, #tpu.memory_space<hbm>>, %arg3: memref<1280x128xi32, #tpu.memory_space<hbm>>, %arg4: memref<2x10240x72xf32, #tpu.memory_space<hbm>>, %arg5: memref<40x128xi32, #tpu.memory_space<vmem>>, %arg6: memref<128x72xf32, #tpu.memory_space<vmem>>, %arg7: memref<128x72xf32, #tpu.memory_space<vmem>>, %arg8: memref<128x72xf32, #tpu.memory_space<vmem>>, %arg9: memref<10240x72xf32, #tpu.memory_space<vmem_shared>>, %arg10: memref<!tpu.dma_semaphore, #tpu.memory_space<semaphore_mem>>, %arg11: memref<!tpu.dma_semaphore, #tpu.memory_space<semaphore_mem>>) attributes {dimension_semantics = [#tpu.dimension_semantics<core_parallel>, #tpu.dimension_semantics<subcore_parallel>], iteration_bounds = array<i64: 2, 16>, scalar_prefetch = 0 : i64, scratch_operands = 7 : i64, tpu.core_type = #tpu.core_type<sc_vector_subcore>, window_params = [{transform_indices = #map}, {transform_indices = #map}, {transform_indices = #map1}]} {
    %mul3A = arith.constant 2 : i32
    %mul3A_0 = arith.muli %arg1, %mul3A : i32
    %add3A = arith.addi %mul3A_0, %arg0 : i32
    %scan3A = arith.constant 0 : i32
    %scan3A_1 = arith.constant 0 : i32
    %scan3A_2 = arith.constant 128 : i32
    %scan3A_3 = arith.addi %scan3A_1, %scan3A_2 : i32
    %scan3A_4 = arith.constant 1 : i32
    scf.for %scan3A_70 = %scan3A_1 to %scan3A_3 step %scan3A_4  : i32 {
      %broadcast_in_dim3A = arith.constant 0.000000e+00 : f32
      %broadcast_in_dim3A_71 = vector.broadcast %broadcast_in_dim3A : f32 to vector<16xf32>
      %swap3A = arith.index_cast %scan3A_70 : i32 to index
      %swap3A_72 = arith.constant 0 : index
      %swap3A_73 = tpu.vector_load %arg8[%swap3A, %swap3A_72] {strides = array<i32>} : memref<128x72xf32, #tpu.memory_space<vmem>>, vector<1x16xf32>,
      %swap3A_74 = vector.shape_cast %swap3A_73 : vector<1x16xf32> to vector<16xf32>
      %swap3A_75 = vector.shape_cast %broadcast_in_dim3A_71 : vector<16xf32> to vector<1x16xf32>
      tpu.vector_store %arg8[%swap3A, %swap3A_72], %swap3A_75 {strides = array<i32>} : memref<128x72xf32, #tpu.memory_space<vmem>>, vector<1x16xf32>,
      %broadcast_in_dim3A_76 = arith.constant 0.000000e+00 : f32
      %broadcast_in_dim3A_77 = vector.broadcast %broadcast_in_dim3A_76 : f32 to vector<16xf32>
      %swap3A_78 = arith.index_cast %scan3A_70 : i32 to index
      %swap3A_79 = arith.constant 16 : index
      %swap3A_80 = tpu.vector_load %arg8[%swap3A_78, %swap3A_79] {strides = array<i32>} : memref<128x72xf32, #tpu.memory_space<vmem>>, vector<1x16xf32>,
      %swap3A_81 = vector.shape_cast %swap3A_80 : vector<1x16xf32> to vector<16xf32>
      %swap3A_82 = vector.shape_cast %broadcast_in_dim3A_77 : vector<16xf32> to vector<1x16xf32>
      tpu.vector_store %arg8[%swap3A_78, %swap3A_79], %swap3A_82 {strides = array<i32>} : memref<128x72xf32, #tpu.memory_space<vmem>>, vector<1x16xf32>,
      %broadcast_in_dim3A_83 = arith.constant 0.000000e+00 : f32
      %broadcast_in_dim3A_84 = vector.broadcast %broadcast_in_dim3A_83 : f32 to vector<16xf32>
      %swap3A_85 = arith.index_cast %scan3A_70 : i32 to index
      %swap3A_86 = arith.constant 32 : index
      %swap3A_87 = tpu.vector_load %arg8[%swap3A_85, %swap3A_86] {strides = array<i32>} : memref<128x72xf32, #tpu.memory_space<vmem>>, vector<1x16xf32>,
      %swap3A_88 = vector.shape_cast %swap3A_87 : vector<1x16xf32> to vector<16xf32>
      %swap3A_89 = vector.shape_cast %broadcast_in_dim3A_84 : vector<16xf32> to vector<1x16xf32>
      tpu.vector_store %arg8[%swap3A_85, %swap3A_86], %swap3A_89 {strides = array<i32>} : memref<128x72xf32, #tpu.memory_space<vmem>>, vector<1x16xf32>,
      %broadcast_in_dim3A_90 = arith.constant 0.000000e+00 : f32
      %broadcast_in_dim3A_91 = vector.broadcast %broadcast_in_dim3A_90 : f32 to vector<16xf32>
      %swap3A_92 = arith.index_cast %scan3A_70 : i32 to index
      %swap3A_93 = arith.constant 48 : index
      %swap3A_94 = tpu.vector_load %arg8[%swap3A_92, %swap3A_93] {strides = array<i32>} : memref<128x72xf32, #tpu.memory_space<vmem>>, vector<1x16xf32>,
      %swap3A_95 = vector.shape_cast %swap3A_94 : vector<1x16xf32> to vector<16xf32>
      %swap3A_96 = vector.shape_cast %broadcast_in_dim3A_91 : vector<16xf32> to vector<1x16xf32>
      tpu.vector_store %arg8[%swap3A_92, %swap3A_93], %swap3A_96 {strides = array<i32>} : memref<128x72xf32, #tpu.memory_space<vmem>>, vector<1x16xf32>,
    }
    %scan3A_5 = arith.constant 128 : i32
    %mul3A_6 = arith.constant 640 : i32
    %mul3A_7 = arith.muli %arg1, %mul3A_6 : i32
    %add3A_8 = arith.constant 0 : i32
    %add3A_9 = arith.addi %mul3A_7, %add3A_8 : i32
    "tpu.region"() ({
      %run_scoped3A = tpu.sem_alloc : memref<!tpu.dma_semaphore, #tpu.memory_space<semaphore_mem>>
      %dma_start3A_70 = arith.constant 0 : i32
      %dma_start3A_71 = tpu.memref_slice %arg9[%add3A_9, %dma_start3A_70] : memref<10240x72xf32, #tpu.memory_space<vmem_shared>> -> memref<128x72xf32, #tpu.memory_space<vmem_shared>>
      %dma_start3A_72 = arith.constant 0 : i32
      %dma_start3A_73 = tpu.memref_slice %arg9[%add3A_9, %dma_start3A_72] : memref<10240x72xf32, #tpu.memory_space<vmem_shared>> -> memref<128x72xf32, #tpu.memory_space<vmem_shared>>
      tpu.enqueue_dma source(%arg8 : memref<128x72xf32, #tpu.memory_space<vmem>>) target(%dma_start3A_73 : memref<128x72xf32, #tpu.memory_space<vmem_shared>>) target_semaphore(%run_scoped3A : memref<!tpu.dma_semaphore, #tpu.memory_space<semaphore_mem>>)
      %dma_wait3A = arith.constant 0 : i32
      %dma_wait3A_74 = tpu.memref_slice %arg9[%add3A_9, %dma_wait3A] : memref<10240x72xf32, #tpu.memory_space<vmem_shared>> -> memref<128x72xf32, #tpu.memory_space<vmem_shared>>
      %dma_wait3A_75 = arith.constant 0 : i32
      %dma_wait3A_76 = tpu.memref_slice %arg9[%add3A_9, %dma_wait3A_75] : memref<10240x72xf32, #tpu.memory_space<vmem_shared>> -> memref<128x72xf32, #tpu.memory_space<vmem_shared>>
      tpu.wait_dma2 semaphore(%run_scoped3A : memref<!tpu.dma_semaphore, #tpu.memory_space<semaphore_mem>>) src(%arg8 : memref<128x72xf32, #tpu.memory_space<vmem>>) dst(%dma_wait3A_76 : memref<128x72xf32, #tpu.memory_space<vmem_shared>>)
      tpu.yield
    }) : () -> ()
    %mul3A_10 = arith.constant 640 : i32
    %mul3A_11 = arith.muli %arg1, %mul3A_10 : i32
    %add3A_12 = arith.constant 128 : i32
    %add3A_13 = arith.addi %mul3A_11, %add3A_12 : i32
    "tpu.region"() ({
      %run_scoped3A = tpu.sem_alloc : memref<!tpu.dma_semaphore, #tpu.memory_space<semaphore_mem>>
      %dma_start3A_70 = arith.constant 0 : i32
      %dma_start3A_71 = tpu.memref_slice %arg9[%add3A_13, %dma_start3A_70] : memref<10240x72xf32, #tpu.memory_space<vmem_shared>> -> memref<128x72xf32, #tpu.memory_space<vmem_shared>>
      %dma_start3A_72 = arith.constant 0 : i32
      %dma_start3A_73 = tpu.memref_slice %arg9[%add3A_13, %dma_start3A_72] : memref<10240x72xf32, #tpu.memory_space<vmem_shared>> -> memref<128x72xf32, #tpu.memory_space<vmem_shared>>
      tpu.enqueue_dma source(%arg8 : memref<128x72xf32, #tpu.memory_space<vmem>>) target(%dma_start3A_73 : memref<128x72xf32, #tpu.memory_space<vmem_shared>>) target_semaphore(%run_scoped3A : memref<!tpu.dma_semaphore, #tpu.memory_space<semaphore_mem>>)
      %dma_wait3A = arith.constant 0 : i32
      %dma_wait3A_74 = tpu.memref_slice %arg9[%add3A_13, %dma_wait3A] : memref<10240x72xf32, #tpu.memory_space<vmem_shared>> -> memref<128x72xf32, #tpu.memory_space<vmem_shared>>
      %dma_wait3A_75 = arith.constant 0 : i32
      %dma_wait3A_76 = tpu.memref_slice %arg9[%add3A_13, %dma_wait3A_75] : memref<10240x72xf32, #tpu.memory_space<vmem_shared>> -> memref<128x72xf32, #tpu.memory_space<vmem_shared>>
      tpu.wait_dma2 semaphore(%run_scoped3A : memref<!tpu.dma_semaphore, #tpu.memory_space<semaphore_mem>>) src(%arg8 : memref<128x72xf32, #tpu.memory_space<vmem>>) dst(%dma_wait3A_76 : memref<128x72xf32, #tpu.memory_space<vmem_shared>>)
      tpu.yield
    }) : () -> ()
    %mul3A_14 = arith.constant 640 : i32
    %mul3A_15 = arith.muli %arg1, %mul3A_14 : i32
    %add3A_16 = arith.constant 256 : i32
    %add3A_17 = arith.addi %mul3A_15, %add3A_16 : i32
    "tpu.region"() ({
      %run_scoped3A = tpu.sem_alloc : memref<!tpu.dma_semaphore, #tpu.memory_space<semaphore_mem>>
      %dma_start3A_70 = arith.constant 0 : i32
      %dma_start3A_71 = tpu.memref_slice %arg9[%add3A_17, %dma_start3A_70] : memref<10240x72xf32, #tpu.memory_space<vmem_shared>> -> memref<128x72xf32, #tpu.memory_space<vmem_shared>>
      %dma_start3A_72 = arith.constant 0 : i32
      %dma_start3A_73 = tpu.memref_slice %arg9[%add3A_17, %dma_start3A_72] : memref<10240x72xf32, #tpu.memory_space<vmem_shared>> -> memref<128x72xf32, #tpu.memory_space<vmem_shared>>
      tpu.enqueue_dma source(%arg8 : memref<128x72xf32, #tpu.memory_space<vmem>>) target(%dma_start3A_73 : memref<128x72xf32, #tpu.memory_space<vmem_shared>>) target_semaphore(%run_scoped3A : memref<!tpu.dma_semaphore, #tpu.memory_space<semaphore_mem>>)
      %dma_wait3A = arith.constant 0 : i32
      %dma_wait3A_74 = tpu.memref_slice %arg9[%add3A_17, %dma_wait3A] : memref<10240x72xf32, #tpu.memory_space<vmem_shared>> -> memref<128x72xf32, #tpu.memory_space<vmem_shared>>
      %dma_wait3A_75 = arith.constant 0 : i32
      %dma_wait3A_76 = tpu.memref_slice %arg9[%add3A_17, %dma_wait3A_75] : memref<10240x72xf32, #tpu.memory_space<vmem_shared>> -> memref<128x72xf32, #tpu.memory_space<vmem_shared>>
      tpu.wait_dma2 semaphore(%run_scoped3A : memref<!tpu.dma_semaphore, #tpu.memory_space<semaphore_mem>>) src(%arg8 : memref<128x72xf32, #tpu.memory_space<vmem>>) dst(%dma_wait3A_76 : memref<128x72xf32, #tpu.memory_space<vmem_shared>>)
      tpu.yield
    }) : () -> ()
    %mul3A_18 = arith.constant 640 : i32
    %mul3A_19 = arith.muli %arg1, %mul3A_18 : i32
    %add3A_20 = arith.constant 384 : i32
    %add3A_21 = arith.addi %mul3A_19, %add3A_20 : i32
    "tpu.region"() ({
      %run_scoped3A = tpu.sem_alloc : memref<!tpu.dma_semaphore, #tpu.memory_space<semaphore_mem>>
      %dma_start3A_70 = arith.constant 0 : i32
      %dma_start3A_71 = tpu.memref_slice %arg9[%add3A_21, %dma_start3A_70] : memref<10240x72xf32, #tpu.memory_space<vmem_shared>> -> memref<128x72xf32, #tpu.memory_space<vmem_shared>>
      %dma_start3A_72 = arith.constant 0 : i32
      %dma_start3A_73 = tpu.memref_slice %arg9[%add3A_21, %dma_start3A_72] : memref<10240x72xf32, #tpu.memory_space<vmem_shared>> -> memref<128x72xf32, #tpu.memory_space<vmem_shared>>
      tpu.enqueue_dma source(%arg8 : memref<128x72xf32, #tpu.memory_space<vmem>>) target(%dma_start3A_73 : memref<128x72xf32, #tpu.memory_space<vmem_shared>>) target_semaphore(%run_scoped3A : memref<!tpu.dma_semaphore, #tpu.memory_space<semaphore_mem>>)
      %dma_wait3A = arith.constant 0 : i32
      %dma_wait3A_74 = tpu.memref_slice %arg9[%add3A_21, %dma_wait3A] : memref<10240x72xf32, #tpu.memory_space<vmem_shared>> -> memref<128x72xf32, #tpu.memory_space<vmem_shared>>
      %dma_wait3A_75 = arith.constant 0 : i32
      %dma_wait3A_76 = tpu.memref_slice %arg9[%add3A_21, %dma_wait3A_75] : memref<10240x72xf32, #tpu.memory_space<vmem_shared>> -> memref<128x72xf32, #tpu.memory_space<vmem_shared>>
      tpu.wait_dma2 semaphore(%run_scoped3A : memref<!tpu.dma_semaphore, #tpu.memory_space<semaphore_mem>>) src(%arg8 : memref<128x72xf32, #tpu.memory_space<vmem>>) dst(%dma_wait3A_76 : memref<128x72xf32, #tpu.memory_space<vmem_shared>>)
      tpu.yield
    }) : () -> ()
    %mul3A_22 = arith.constant 640 : i32
    %mul3A_23 = arith.muli %arg1, %mul3A_22 : i32
    %add3A_24 = arith.constant 512 : i32
    %add3A_25 = arith.addi %mul3A_23, %add3A_24 : i32
    "tpu.region"() ({
      %run_scoped3A = tpu.sem_alloc : memref<!tpu.dma_semaphore, #tpu.memory_space<semaphore_mem>>
      %dma_start3A_70 = arith.constant 0 : i32
      %dma_start3A_71 = tpu.memref_slice %arg9[%add3A_25, %dma_start3A_70] : memref<10240x72xf32, #tpu.memory_space<vmem_shared>> -> memref<128x72xf32, #tpu.memory_space<vmem_shared>>
      %dma_start3A_72 = arith.constant 0 : i32
      %dma_start3A_73 = tpu.memref_slice %arg9[%add3A_25, %dma_start3A_72] : memref<10240x72xf32, #tpu.memory_space<vmem_shared>> -> memref<128x72xf32, #tpu.memory_space<vmem_shared>>
      tpu.enqueue_dma source(%arg8 : memref<128x72xf32, #tpu.memory_space<vmem>>) target(%dma_start3A_73 : memref<128x72xf32, #tpu.memory_space<vmem_shared>>) target_semaphore(%run_scoped3A : memref<!tpu.dma_semaphore, #tpu.memory_space<semaphore_mem>>)
      %dma_wait3A = arith.constant 0 : i32
      %dma_wait3A_74 = tpu.memref_slice %arg9[%add3A_25, %dma_wait3A] : memref<10240x72xf32, #tpu.memory_space<vmem_shared>> -> memref<128x72xf32, #tpu.memory_space<vmem_shared>>
      %dma_wait3A_75 = arith.constant 0 : i32
      %dma_wait3A_76 = tpu.memref_slice %arg9[%add3A_25, %dma_wait3A_75] : memref<10240x72xf32, #tpu.memory_space<vmem_shared>> -> memref<128x72xf32, #tpu.memory_space<vmem_shared>>
      tpu.wait_dma2 semaphore(%run_scoped3A : memref<!tpu.dma_semaphore, #tpu.memory_space<semaphore_mem>>) src(%arg8 : memref<128x72xf32, #tpu.memory_space<vmem>>) dst(%dma_wait3A_76 : memref<128x72xf32, #tpu.memory_space<vmem_shared>>)
      tpu.yield
    }) : () -> ()
    %barrier3A = arith.constant 0 : index
    tpu.barrier barrier_id(%barrier3A)
    %mul3A_26 = arith.constant 39 : i32
    %mul3A_27 = arith.muli %add3A, %mul3A_26 : i32
    %min3A = arith.constant 2 : i32
    %min3A_28 = arith.minsi %add3A, %min3A : i32
    %add3A_29 = arith.addi %mul3A_27, %min3A_28 : i32
    %lt3A = arith.constant 2 : i32
    %lt3A_30 = arith.cmpi slt, %add3A, %lt3A : i32
    %jit3A = arith.constant 1 : i32
    %jit3A_31 = arith.constant 0 : i32
    %select_n3A = arith.select %lt3A_30, %jit3A, %jit3A_31 : i32
    %add3A_32 = arith.constant 39 : i32
    %add3A_33 = arith.addi %add3A_32, %select_n3A : i32
    "tpu.region"() ({
      %run_scoped3A = tpu.sem_alloc : memref<!tpu.dma_semaphore, #tpu.memory_space<semaphore_mem>>
      %dma_start3A_70 = arith.constant 0 : i32
      %dma_start3A_71 = tpu.memref_slice %arg3[%add3A_29, %dma_start3A_70] : memref<1280x128xi32, #tpu.memory_space<hbm>> -> memref<40x128xi32, #tpu.memory_space<hbm>>
      %dma_start3A_72 = arith.constant 0 : i32
      %dma_start3A_73 = tpu.memref_slice %arg3[%add3A_29, %dma_start3A_72] : memref<1280x128xi32, #tpu.memory_space<hbm>> -> memref<40x128xi32, #tpu.memory_space<hbm>>
      tpu.enqueue_dma source(%dma_start3A_73 : memref<40x128xi32, #tpu.memory_space<hbm>>) target(%arg5 : memref<40x128xi32, #tpu.memory_space<vmem>>) target_semaphore(%run_scoped3A : memref<!tpu.dma_semaphore, #tpu.memory_space<semaphore_mem>>)
      %dma_wait3A = arith.constant 0 : i32
      %dma_wait3A_74 = tpu.memref_slice %arg3[%add3A_29, %dma_wait3A] : memref<1280x128xi32, #tpu.memory_space<hbm>> -> memref<40x128xi32, #tpu.memory_space<hbm>>
      %dma_wait3A_75 = arith.constant 0 : i32
      %dma_wait3A_76 = tpu.memref_slice %arg3[%add3A_29, %dma_wait3A_75] : memref<1280x128xi32, #tpu.memory_space<hbm>> -> memref<40x128xi32, #tpu.memory_space<hbm>>
      tpu.wait_dma2 semaphore(%run_scoped3A : memref<!tpu.dma_semaphore, #tpu.memory_space<semaphore_mem>>) src(%dma_wait3A_76 : memref<40x128xi32, #tpu.memory_space<hbm>>) dst(%arg5 : memref<40x128xi32, #tpu.memory_space<vmem>>)
      tpu.yield
    }) : () -> ()
    %sub3A = arith.constant 1 : i32
    %sub3A_34 = arith.subi %add3A_33, %sub3A : i32
    %min3A_35 = arith.constant 0 : i32
    %min3A_36 = arith.minsi %min3A_35, %sub3A_34 : i32
    %add3A_37 = arith.addi %add3A_29, %min3A_36 : i32
    %mul3A_38 = arith.constant 128 : i32
    %mul3A_39 = arith.muli %add3A_37, %mul3A_38 : i32
    %dma_start3A = arith.constant 0 : i32
    %dma_start3A_40 = tpu.memref_slice %arg2[%mul3A_39, %dma_start3A] : memref<160000x72xf32, #tpu.memory_space<hbm>> -> memref<128x72xf32, #tpu.memory_space<hbm>>
    %dma_start3A_41 = arith.constant 0 : i32
    %dma_start3A_42 = tpu.memref_slice %arg2[%mul3A_39, %dma_start3A_41] : memref<160000x72xf32, #tpu.memory_space<hbm>> -> memref<128x72xf32, #tpu.memory_space<hbm>>
    tpu.enqueue_dma source(%dma_start3A_42 : memref<128x72xf32, #tpu.memory_space<hbm>>) target(%arg6 : memref<128x72xf32, #tpu.memory_space<vmem>>) target_semaphore(%arg10 : memref<!tpu.dma_semaphore, #tpu.memory_space<semaphore_mem>>)
    %scan3A_43 = arith.constant 0 : i32
    %scan3A_44 = arith.constant 0 : i32
    %scan3A_45 = arith.constant 20 : i32
    %scan3A_46 = arith.addi %scan3A_44, %scan3A_45 : i32
    %scan3A_47 = arith.constant 1 : i32
    scf.for %scan3A_70 = %scan3A_44 to %scan3A_46 step %scan3A_47  : i32 {
      %mul3A_71 = arith.constant 2 : i32
      %mul3A_72 = arith.muli %mul3A_71, %scan3A_70 : i32
      %add3A_73 = arith.constant 1 : i32
      %add3A_74 = arith.addi %mul3A_72, %add3A_73 : i32
      %sub3A_75 = arith.constant 1 : i32
      %sub3A_76 = arith.subi %add3A_33, %sub3A_75 : i32
      %min3A_77 = arith.minsi %add3A_74, %sub3A_76 : i32
      %add3A_78 = arith.addi %add3A_29, %min3A_77 : i32
      %mul3A_79 = arith.constant 128 : i32
      %mul3A_80 = arith.muli %add3A_78, %mul3A_79 : i32
      %dma_start3A_81 = arith.constant 0 : i32
      %dma_start3A_82 = tpu.memref_slice %arg2[%mul3A_80, %dma_start3A_81] : memref<160000x72xf32, #tpu.memory_space<hbm>> -> memref<128x72xf32, #tpu.memory_space<hbm>>
      %dma_start3A_83 = arith.constant 0 : i32
      %dma_start3A_84 = tpu.memref_slice %arg2[%mul3A_80, %dma_start3A_83] : memref<160000x72xf32, #tpu.memory_space<hbm>> -> memref<128x72xf32, #tpu.memory_space<hbm>>
      tpu.enqueue_dma source(%dma_start3A_84 : memref<128x72xf32, #tpu.memory_space<hbm>>) target(%arg7 : memref<128x72xf32, #tpu.memory_space<vmem>>) target_semaphore(%arg11 : memref<!tpu.dma_semaphore, #tpu.memory_space<semaphore_mem>>)
      %mul3A_85 = arith.constant 2 : i32
      %mul3A_86 = arith.muli %mul3A_85, %scan3A_70 : i32
      %dma_wait3A = arith.constant 0 : i32
      %dma_wait3A_87 = arith.constant 0 : i32
      %dma_wait3A_88 = tpu.memref_slice %arg2[%dma_wait3A, %dma_wait3A_87] : memref<160000x72xf32, #tpu.memory_space<hbm>> -> memref<128x72xf32, #tpu.memory_space<hbm>>
      %dma_wait3A_89 = arith.constant 0 : i32
      %dma_wait3A_90 = arith.constant 0 : i32
      %dma_wait3A_91 = tpu.memref_slice %arg2[%dma_wait3A_89, %dma_wait3A_90] : memref<160000x72xf32, #tpu.memory_space<hbm>> -> memref<128x72xf32, #tpu.memory_space<hbm>>
      tpu.wait_dma2 semaphore(%arg10 : memref<!tpu.dma_semaphore, #tpu.memory_space<semaphore_mem>>) src(%dma_wait3A_91 : memref<128x72xf32, #tpu.memory_space<hbm>>) dst(%arg6 : memref<128x72xf32, #tpu.memory_space<vmem>>)
      %lt3A_92 = arith.cmpi slt, %mul3A_86, %add3A_33 : i32
      %convert_element_type3A = arith.extui %lt3A_92 : i1 to i32
      %cond3A = arith.constant 0 : i32
      %cond3A_93 = arith.cmpi ne, %convert_element_type3A, %cond3A : i32
      scf.if %cond3A_93 {
        "tpu.region"() ({
          %run_scoped3A = tpu.sem_alloc : memref<!tpu.dma_semaphore, #tpu.memory_space<semaphore_mem>>
          %dma_start3A_113 = arith.constant 0 : i32
          %dma_start3A_114 = tpu.memref_slice %arg5[%mul3A_86, %dma_start3A_113] : memref<40x128xi32, #tpu.memory_space<vmem>> -> memref<1x128xi32, #tpu.memory_space<vmem>>
          %dma_start3A_115 = tpu.memref_squeeze %dma_start3A_114 : memref<1x128xi32, #tpu.memory_space<vmem>> -> memref<128xi32, #tpu.memory_space<vmem>>
          %dma_start3A_116 = arith.constant 0 : i32
          %dma_start3A_117 = arith.constant 0 : i32
          %dma_start3A_118 = tpu.memref_slice %arg9[%dma_start3A_116, %dma_start3A_117] : memref<10240x72xf32, #tpu.memory_space<vmem_shared>> -> memref<10240x72xf32, #tpu.memory_space<vmem_shared>>
          tpu.enqueue_indirect_dma source(%arg6 : memref<128x72xf32, #tpu.memory_space<vmem>>) target(%dma_start3A_118 : memref<10240x72xf32, #tpu.memory_space<vmem_shared>>) offsets(%dma_start3A_115 : memref<128xi32, #tpu.memory_space<vmem>>) semaphore(%run_scoped3A : memref<!tpu.dma_semaphore, #tpu.memory_space<semaphore_mem>>) {add = true}
          %dma_wait3A_119 = arith.constant 0 : i32
          %dma_wait3A_120 = tpu.memref_slice %arg5[%mul3A_86, %dma_wait3A_119] : memref<40x128xi32, #tpu.memory_space<vmem>> -> memref<1x128xi32, #tpu.memory_space<vmem>>
          %dma_wait3A_121 = tpu.memref_squeeze %dma_wait3A_120 : memref<1x128xi32, #tpu.memory_space<vmem>> -> memref<128xi32, #tpu.memory_space<vmem>>
          %dma_wait3A_122 = arith.constant 0 : i32
          %dma_wait3A_123 = arith.constant 0 : i32
          %dma_wait3A_124 = tpu.memref_slice %arg9[%dma_wait3A_122, %dma_wait3A_123] : memref<10240x72xf32, #tpu.memory_space<vmem_shared>> -> memref<10240x72xf32, #tpu.memory_space<vmem_shared>>
          tpu.wait_indirect_dma semaphore(%run_scoped3A : memref<!tpu.dma_semaphore, #tpu.memory_space<semaphore_mem>>) src(%arg6 : memref<128x72xf32, #tpu.memory_space<vmem>>) dst(%dma_wait3A_124 : memref<10240x72xf32, #tpu.memory_space<vmem_shared>>)
          tpu.yield
        }) : () -> ()
      } else {
      }
      %lt3A_94 = arith.constant 19 : i32
      %lt3A_95 = arith.cmpi slt, %scan3A_70, %lt3A_94 : i32
      %convert_element_type3A_96 = arith.extui %lt3A_95 : i1 to i32
      %cond3A_97 = arith.constant 0 : i32
      %cond3A_98 = arith.cmpi ne, %convert_element_type3A_96, %cond3A_97 : i32
      scf.if %cond3A_98 {
        %mul3A_113 = arith.constant 2 : i32
        %mul3A_114 = arith.muli %mul3A_113, %scan3A_70 : i32
        %add3A_115 = arith.constant 2 : i32
        %add3A_116 = arith.addi %mul3A_114, %add3A_115 : i32
        %sub3A_117 = arith.constant 1 : i32
        %sub3A_118 = arith.subi %add3A_33, %sub3A_117 : i32
        %min3A_119 = arith.minsi %add3A_116, %sub3A_118 : i32
        %add3A_120 = arith.addi %add3A_29, %min3A_119 : i32
        %mul3A_121 = arith.constant 128 : i32
        %mul3A_122 = arith.muli %add3A_120, %mul3A_121 : i32
        %dma_start3A_123 = arith.constant 0 : i32
        %dma_start3A_124 = tpu.memref_slice %arg2[%mul3A_122, %dma_start3A_123] : memref<160000x72xf32, #tpu.memory_space<hbm>> -> memref<128x72xf32, #tpu.memory_space<hbm>>
        %dma_start3A_125 = arith.constant 0 : i32
        %dma_start3A_126 = tpu.memref_slice %arg2[%mul3A_122, %dma_start3A_125] : memref<160000x72xf32, #tpu.memory_space<hbm>> -> memref<128x72xf32, #tpu.memory_space<hbm>>
        tpu.enqueue_dma source(%dma_start3A_126 : memref<128x72xf32, #tpu.memory_space<hbm>>) target(%arg6 : memref<128x72xf32, #tpu.memory_space<vmem>>) target_semaphore(%arg10 : memref<!tpu.dma_semaphore, #tpu.memory_space<semaphore_mem>>)
      } else {
      }
      %mul3A_99 = arith.constant 2 : i32
      %mul3A_100 = arith.muli %mul3A_99, %scan3A_70 : i32
      %add3A_101 = arith.constant 1 : i32
      %add3A_102 = arith.addi %mul3A_100, %add3A_101 : i32
      %dma_wait3A_103 = arith.constant 0 : i32
      %dma_wait3A_104 = arith.constant 0 : i32
      %dma_wait3A_105 = tpu.memref_slice %arg2[%dma_wait3A_103, %dma_wait3A_104] : memref<160000x72xf32, #tpu.memory_space<hbm>> -> memref<128x72xf32, #tpu.memory_space<hbm>>
      %dma_wait3A_106 = arith.constant 0 : i32
      %dma_wait3A_107 = arith.constant 0 : i32
      %dma_wait3A_108 = tpu.memref_slice %arg2[%dma_wait3A_106, %dma_wait3A_107] : memref<160000x72xf32, #tpu.memory_space<hbm>> -> memref<128x72xf32, #tpu.memory_space<hbm>>
      tpu.wait_dma2 semaphore(%arg11 : memref<!tpu.dma_semaphore, #tpu.memory_space<semaphore_mem>>) src(%dma_wait3A_108 : memref<128x72xf32, #tpu.memory_space<hbm>>) dst(%arg7 : memref<128x72xf32, #tpu.memory_space<vmem>>)
      %lt3A_109 = arith.cmpi slt, %add3A_102, %add3A_33 : i32
      %convert_element_type3A_110 = arith.extui %lt3A_109 : i1 to i32
      %cond3A_111 = arith.constant 0 : i32
      %cond3A_112 = arith.cmpi ne, %convert_element_type3A_110, %cond3A_111 : i32
      scf.if %cond3A_112 {
        "tpu.region"() ({
          %run_scoped3A = tpu.sem_alloc : memref<!tpu.dma_semaphore, #tpu.memory_space<semaphore_mem>>
          %dma_start3A_113 = arith.constant 0 : i32
          %dma_start3A_114 = tpu.memref_slice %arg5[%add3A_102, %dma_start3A_113] : memref<40x128xi32, #tpu.memory_space<vmem>> -> memref<1x128xi32, #tpu.memory_space<vmem>>
          %dma_start3A_115 = tpu.memref_squeeze %dma_start3A_114 : memref<1x128xi32, #tpu.memory_space<vmem>> -> memref<128xi32, #tpu.memory_space<vmem>>
          %dma_start3A_116 = arith.constant 0 : i32
          %dma_start3A_117 = arith.constant 0 : i32
          %dma_start3A_118 = tpu.memref_slice %arg9[%dma_start3A_116, %dma_start3A_117] : memref<10240x72xf32, #tpu.memory_space<vmem_shared>> -> memref<10240x72xf32, #tpu.memory_space<vmem_shared>>
          tpu.enqueue_indirect_dma source(%arg7 : memref<128x72xf32, #tpu.memory_space<vmem>>) target(%dma_start3A_118 : memref<10240x72xf32, #tpu.memory_space<vmem_shared>>) offsets(%dma_start3A_115 : memref<128xi32, #tpu.memory_space<vmem>>) semaphore(%run_scoped3A : memref<!tpu.dma_semaphore, #tpu.memory_space<semaphore_mem>>) {add = true}
          %dma_wait3A_119 = arith.constant 0 : i32
          %dma_wait3A_120 = tpu.memref_slice %arg5[%add3A_102, %dma_wait3A_119] : memref<40x128xi32, #tpu.memory_space<vmem>> -> memref<1x128xi32, #tpu.memory_space<vmem>>
          %dma_wait3A_121 = tpu.memref_squeeze %dma_wait3A_120 : memref<1x128xi32, #tpu.memory_space<vmem>> -> memref<128xi32, #tpu.memory_space<vmem>>
          %dma_wait3A_122 = arith.constant 0 : i32
          %dma_wait3A_123 = arith.constant 0 : i32
          %dma_wait3A_124 = tpu.memref_slice %arg9[%dma_wait3A_122, %dma_wait3A_123] : memref<10240x72xf32, #tpu.memory_space<vmem_shared>> -> memref<10240x72xf32, #tpu.memory_space<vmem_shared>>
          tpu.wait_indirect_dma semaphore(%run_scoped3A : memref<!tpu.dma_semaphore, #tpu.memory_space<semaphore_mem>>) src(%arg7 : memref<128x72xf32, #tpu.memory_space<vmem>>) dst(%dma_wait3A_124 : memref<10240x72xf32, #tpu.memory_space<vmem_shared>>)
          tpu.yield
        }) : () -> ()
      } else {
      }
    }
    %scan3A_48 = arith.constant 20 : i32
    %barrier3A_49 = arith.constant 0 : index
    tpu.barrier barrier_id(%barrier3A_49)
    %mul3A_50 = arith.constant 640 : i32
    %mul3A_51 = arith.muli %arg1, %mul3A_50 : i32
    %add3A_52 = arith.constant 0 : i32
    %add3A_53 = arith.addi %mul3A_51, %add3A_52 : i32
    "tpu.region"() ({
      %run_scoped3A = tpu.sem_alloc : memref<!tpu.dma_semaphore, #tpu.memory_space<semaphore_mem>>
      %dma_start3A_70 = arith.constant 0 : i32
      %dma_start3A_71 = tpu.memref_slice %arg4[%arg0, %add3A_53, %dma_start3A_70] : memref<2x10240x72xf32, #tpu.memory_space<hbm>> -> memref<1x128x72xf32, #tpu.memory_space<hbm>>
      %dma_start3A_72 = tpu.memref_squeeze %dma_start3A_71 : memref<1x128x72xf32, #tpu.memory_space<hbm>> -> memref<128x72xf32, #tpu.memory_space<hbm>>
      %dma_start3A_73 = arith.constant 0 : i32
      %dma_start3A_74 = tpu.memref_slice %arg9[%add3A_53, %dma_start3A_73] : memref<10240x72xf32, #tpu.memory_space<vmem_shared>> -> memref<128x72xf32, #tpu.memory_space<vmem_shared>>
      tpu.enqueue_dma source(%dma_start3A_74 : memref<128x72xf32, #tpu.memory_space<vmem_shared>>) target(%dma_start3A_72 : memref<128x72xf32, #tpu.memory_space<hbm>>) target_semaphore(%run_scoped3A : memref<!tpu.dma_semaphore, #tpu.memory_space<semaphore_mem>>)
      %dma_wait3A = arith.constant 0 : i32
      %dma_wait3A_75 = tpu.memref_slice %arg4[%arg0, %add3A_53, %dma_wait3A] : memref<2x10240x72xf32, #tpu.memory_space<hbm>> -> memref<1x128x72xf32, #tpu.memory_space<hbm>>
      %dma_wait3A_76 = tpu.memref_squeeze %dma_wait3A_75 : memref<1x128x72xf32, #tpu.memory_space<hbm>> -> memref<128x72xf32, #tpu.memory_space<hbm>>
      %dma_wait3A_77 = arith.constant 0 : i32
      %dma_wait3A_78 = tpu.memref_slice %arg9[%add3A_53, %dma_wait3A_77] : memref<10240x72xf32, #tpu.memory_space<vmem_shared>> -> memref<128x72xf32, #tpu.memory_space<vmem_shared>>
      tpu.wait_dma2 semaphore(%run_scoped3A : memref<!tpu.dma_semaphore, #tpu.memory_space<semaphore_mem>>) src(%dma_wait3A_78 : memref<128x72xf32, #tpu.memory_space<vmem_shared>>) dst(%dma_wait3A_76 : memref<128x72xf32, #tpu.memory_space<hbm>>)
      tpu.yield
    }) : () -> ()
    %mul3A_54 = arith.constant 640 : i32
    %mul3A_55 = arith.muli %arg1, %mul3A_54 : i32
    %add3A_56 = arith.constant 128 : i32
    %add3A_57 = arith.addi %mul3A_55, %add3A_56 : i32
    "tpu.region"() ({
      %run_scoped3A = tpu.sem_alloc : memref<!tpu.dma_semaphore, #tpu.memory_space<semaphore_mem>>
      %dma_start3A_70 = arith.constant 0 : i32
      %dma_start3A_71 = tpu.memref_slice %arg4[%arg0, %add3A_57, %dma_start3A_70] : memref<2x10240x72xf32, #tpu.memory_space<hbm>> -> memref<1x128x72xf32, #tpu.memory_space<hbm>>
      %dma_start3A_72 = tpu.memref_squeeze %dma_start3A_71 : memref<1x128x72xf32, #tpu.memory_space<hbm>> -> memref<128x72xf32, #tpu.memory_space<hbm>>
      %dma_start3A_73 = arith.constant 0 : i32
      %dma_start3A_74 = tpu.memref_slice %arg9[%add3A_57, %dma_start3A_73] : memref<10240x72xf32, #tpu.memory_space<vmem_shared>> -> memref<128x72xf32, #tpu.memory_space<vmem_shared>>
      tpu.enqueue_dma source(%dma_start3A_74 : memref<128x72xf32, #tpu.memory_space<vmem_shared>>) target(%dma_start3A_72 : memref<128x72xf32, #tpu.memory_space<hbm>>) target_semaphore(%run_scoped3A : memref<!tpu.dma_semaphore, #tpu.memory_space<semaphore_mem>>)
      %dma_wait3A = arith.constant 0 : i32
      %dma_wait3A_75 = tpu.memref_slice %arg4[%arg0, %add3A_57, %dma_wait3A] : memref<2x10240x72xf32, #tpu.memory_space<hbm>> -> memref<1x128x72xf32, #tpu.memory_space<hbm>>
      %dma_wait3A_76 = tpu.memref_squeeze %dma_wait3A_75 : memref<1x128x72xf32, #tpu.memory_space<hbm>> -> memref<128x72xf32, #tpu.memory_space<hbm>>
      %dma_wait3A_77 = arith.constant 0 : i32
      %dma_wait3A_78 = tpu.memref_slice %arg9[%add3A_57, %dma_wait3A_77] : memref<10240x72xf32, #tpu.memory_space<vmem_shared>> -> memref<128x72xf32, #tpu.memory_space<vmem_shared>>
      tpu.wait_dma2 semaphore(%run_scoped3A : memref<!tpu.dma_semaphore, #tpu.memory_space<semaphore_mem>>) src(%dma_wait3A_78 : memref<128x72xf32, #tpu.memory_space<vmem_shared>>) dst(%dma_wait3A_76 : memref<128x72xf32, #tpu.memory_space<hbm>>)
      tpu.yield
    }) : () -> ()
    %mul3A_58 = arith.constant 640 : i32
    %mul3A_59 = arith.muli %arg1, %mul3A_58 : i32
    %add3A_60 = arith.constant 256 : i32
    %add3A_61 = arith.addi %mul3A_59, %add3A_60 : i32
    "tpu.region"() ({
      %run_scoped3A = tpu.sem_alloc : memref<!tpu.dma_semaphore, #tpu.memory_space<semaphore_mem>>
      %dma_start3A_70 = arith.constant 0 : i32
      %dma_start3A_71 = tpu.memref_slice %arg4[%arg0, %add3A_61, %dma_start3A_70] : memref<2x10240x72xf32, #tpu.memory_space<hbm>> -> memref<1x128x72xf32, #tpu.memory_space<hbm>>
      %dma_start3A_72 = tpu.memref_squeeze %dma_start3A_71 : memref<1x128x72xf32, #tpu.memory_space<hbm>> -> memref<128x72xf32, #tpu.memory_space<hbm>>
      %dma_start3A_73 = arith.constant 0 : i32
      %dma_start3A_74 = tpu.memref_slice %arg9[%add3A_61, %dma_start3A_73] : memref<10240x72xf32, #tpu.memory_space<vmem_shared>> -> memref<128x72xf32, #tpu.memory_space<vmem_shared>>
      tpu.enqueue_dma source(%dma_start3A_74 : memref<128x72xf32, #tpu.memory_space<vmem_shared>>) target(%dma_start3A_72 : memref<128x72xf32, #tpu.memory_space<hbm>>) target_semaphore(%run_scoped3A : memref<!tpu.dma_semaphore, #tpu.memory_space<semaphore_mem>>)
      %dma_wait3A = arith.constant 0 : i32
      %dma_wait3A_75 = tpu.memref_slice %arg4[%arg0, %add3A_61, %dma_wait3A] : memref<2x10240x72xf32, #tpu.memory_space<hbm>> -> memref<1x128x72xf32, #tpu.memory_space<hbm>>
      %dma_wait3A_76 = tpu.memref_squeeze %dma_wait3A_75 : memref<1x128x72xf32, #tpu.memory_space<hbm>> -> memref<128x72xf32, #tpu.memory_space<hbm>>
      %dma_wait3A_77 = arith.constant 0 : i32
      %dma_wait3A_78 = tpu.memref_slice %arg9[%add3A_61, %dma_wait3A_77] : memref<10240x72xf32, #tpu.memory_space<vmem_shared>> -> memref<128x72xf32, #tpu.memory_space<vmem_shared>>
      tpu.wait_dma2 semaphore(%run_scoped3A : memref<!tpu.dma_semaphore, #tpu.memory_space<semaphore_mem>>) src(%dma_wait3A_78 : memref<128x72xf32, #tpu.memory_space<vmem_shared>>) dst(%dma_wait3A_76 : memref<128x72xf32, #tpu.memory_space<hbm>>)
      tpu.yield
    }) : () -> ()
    %mul3A_62 = arith.constant 640 : i32
    %mul3A_63 = arith.muli %arg1, %mul3A_62 : i32
    %add3A_64 = arith.constant 384 : i32
    %add3A_65 = arith.addi %mul3A_63, %add3A_64 : i32
    "tpu.region"() ({
      %run_scoped3A = tpu.sem_alloc : memref<!tpu.dma_semaphore, #tpu.memory_space<semaphore_mem>>
      %dma_start3A_70 = arith.constant 0 : i32
      %dma_start3A_71 = tpu.memref_slice %arg4[%arg0, %add3A_65, %dma_start3A_70] : memref<2x10240x72xf32, #tpu.memory_space<hbm>> -> memref<1x128x72xf32, #tpu.memory_space<hbm>>
      %dma_start3A_72 = tpu.memref_squeeze %dma_start3A_71 : memref<1x128x72xf32, #tpu.memory_space<hbm>> -> memref<128x72xf32, #tpu.memory_space<hbm>>
      %dma_start3A_73 = arith.constant 0 : i32
      %dma_start3A_74 = tpu.memref_slice %arg9[%add3A_65, %dma_start3A_73] : memref<10240x72xf32, #tpu.memory_space<vmem_shared>> -> memref<128x72xf32, #tpu.memory_space<vmem_shared>>
      tpu.enqueue_dma source(%dma_start3A_74 : memref<128x72xf32, #tpu.memory_space<vmem_shared>>) target(%dma_start3A_72 : memref<128x72xf32, #tpu.memory_space<hbm>>) target_semaphore(%run_scoped3A : memref<!tpu.dma_semaphore, #tpu.memory_space<semaphore_mem>>)
      %dma_wait3A = arith.constant 0 : i32
      %dma_wait3A_75 = tpu.memref_slice %arg4[%arg0, %add3A_65, %dma_wait3A] : memref<2x10240x72xf32, #tpu.memory_space<hbm>> -> memref<1x128x72xf32, #tpu.memory_space<hbm>>
      %dma_wait3A_76 = tpu.memref_squeeze %dma_wait3A_75 : memref<1x128x72xf32, #tpu.memory_space<hbm>> -> memref<128x72xf32, #tpu.memory_space<hbm>>
      %dma_wait3A_77 = arith.constant 0 : i32
      %dma_wait3A_78 = tpu.memref_slice %arg9[%add3A_65, %dma_wait3A_77] : memref<10240x72xf32, #tpu.memory_space<vmem_shared>> -> memref<128x72xf32, #tpu.memory_space<vmem_shared>>
      tpu.wait_dma2 semaphore(%run_scoped3A : memref<!tpu.dma_semaphore, #tpu.memory_space<semaphore_mem>>) src(%dma_wait3A_78 : memref<128x72xf32, #tpu.memory_space<vmem_shared>>) dst(%dma_wait3A_76 : memref<128x72xf32, #tpu.memory_space<hbm>>)
      tpu.yield
    }) : () -> ()
    %mul3A_66 = arith.constant 640 : i32
    %mul3A_67 = arith.muli %arg1, %mul3A_66 : i32
    %add3A_68 = arith.constant 512 : i32
    %add3A_69 = arith.addi %mul3A_67, %add3A_68 : i32
    "tpu.region"() ({
      %run_scoped3A = tpu.sem_alloc : memref<!tpu.dma_semaphore, #tpu.memory_space<semaphore_mem>>
      %dma_start3A_70 = arith.constant 0 : i32
      %dma_start3A_71 = tpu.memref_slice %arg4[%arg0, %add3A_69, %dma_start3A_70] : memref<2x10240x72xf32, #tpu.memory_space<hbm>> -> memref<1x128x72xf32, #tpu.memory_space<hbm>>
      %dma_start3A_72 = tpu.memref_squeeze %dma_start3A_71 : memref<1x128x72xf32, #tpu.memory_space<hbm>> -> memref<128x72xf32, #tpu.memory_space<hbm>>
      %dma_start3A_73 = arith.constant 0 : i32
      %dma_start3A_74 = tpu.memref_slice %arg9[%add3A_69, %dma_start3A_73] : memref<10240x72xf32, #tpu.memory_space<vmem_shared>> -> memref<128x72xf32, #tpu.memory_space<vmem_shared>>
      tpu.enqueue_dma source(%dma_start3A_74 : memref<128x72xf32, #tpu.memory_space<vmem_shared>>) target(%dma_start3A_72 : memref<128x72xf32, #tpu.memory_space<hbm>>) target_semaphore(%run_scoped3A : memref<!tpu.dma_semaphore, #tpu.memory_space<semaphore_mem>>)
      %dma_wait3A = arith.constant 0 : i32
      %dma_wait3A_75 = tpu.memref_slice %arg4[%arg0, %add3A_69, %dma_wait3A] : memref<2x10240x72xf32, #tpu.memory_space<hbm>> -> memref<1x128x72xf32, #tpu.memory_space<hbm>>
      %dma_wait3A_76 = tpu.memref_squeeze %dma_wait3A_75 : memref<1x128x72xf32, #tpu.memory_space<hbm>> -> memref<128x72xf32, #tpu.memory_space<hbm>>
      %dma_wait3A_77 = arith.constant 0 : i32
      %dma_wait3A_78 = tpu.memref_slice %arg9[%add3A_69, %dma_wait3A_77] : memref<10240x72xf32, #tpu.memory_space<vmem_shared>> -> memref<128x72xf32, #tpu.memory_space<vmem_shared>>
      tpu.wait_dma2 semaphore(%run_scoped3A : memref<!tpu.dma_semaphore, #tpu.memory_space<semaphore_mem>>) src(%dma_wait3A_78 : memref<128x72xf32, #tpu.memory_space<vmem_shared>>) dst(%dma_wait3A_76 : memref<128x72xf32, #tpu.memory_space<hbm>>)
      tpu.yield
    }) : () -> ()
    return
  }
}

#map = affine_map<(d0, d1) -> (0, 0)>
module attributes {stable_mosaic.version = 14 : i64} {
  func.func @_sc_gather(%arg0: i32, %arg1: i32, %arg2: memref<10000x40xf32, #tpu.memory_space<hbm>>, %arg3: memref<10000x40xf32, #tpu.memory_space<hbm>>, %arg4: memref<1280x128xi32, #tpu.memory_space<hbm>>, %arg5: memref<1280x128xi32, #tpu.memory_space<hbm>>, %arg6: memref<160000x40xf32, #tpu.memory_space<hbm>>, %arg7: memref<160000x40xf32, #tpu.memory_space<hbm>>, %arg8: memref<40x128xi32, #tpu.memory_space<vmem>>, %arg9: memref<40x128xi32, #tpu.memory_space<vmem>>, %arg10: memref<128x40xf32, #tpu.memory_space<vmem>>, %arg11: memref<128x40xf32, #tpu.memory_space<vmem>>, %arg12: memref<128x40xf32, #tpu.memory_space<vmem>>, %arg13: memref<128x40xf32, #tpu.memory_space<vmem>>, %arg14: memref<!tpu.dma_semaphore, #tpu.memory_space<semaphore_mem>>, %arg15: memref<!tpu.dma_semaphore, #tpu.memory_space<semaphore_mem>>, %arg16: memref<!tpu.dma_semaphore, #tpu.memory_space<semaphore_mem>>, %arg17: memref<!tpu.dma_semaphore, #tpu.memory_space<semaphore_mem>>) attributes {dimension_semantics = [#tpu.dimension_semantics<core_parallel>, #tpu.dimension_semantics<subcore_parallel>], iteration_bounds = array<i64: 2, 16>, scalar_prefetch = 0 : i64, scratch_operands = 10 : i64, tpu.core_type = #tpu.core_type<sc_vector_subcore>, window_params = [{transform_indices = #map}, {transform_indices = #map}, {transform_indices = #map}, {transform_indices = #map}, {transform_indices = #map}, {transform_indices = #map}]} {
    %mul3A = arith.constant 2 : i32
    %mul3A_0 = arith.muli %arg1, %mul3A : i32
    %add3A = arith.addi %mul3A_0, %arg0 : i32
    %mul3A_1 = arith.constant 39 : i32
    %mul3A_2 = arith.muli %add3A, %mul3A_1 : i32
    %min3A = arith.constant 2 : i32
    %min3A_3 = arith.minsi %add3A, %min3A : i32
    %add3A_4 = arith.addi %mul3A_2, %min3A_3 : i32
    %lt3A = arith.constant 2 : i32
    %lt3A_5 = arith.cmpi slt, %add3A, %lt3A : i32
    %jit3A = arith.constant 1 : i32
    %jit3A_6 = arith.constant 0 : i32
    %select_n3A = arith.select %lt3A_5, %jit3A, %jit3A_6 : i32
    %add3A_7 = arith.constant 39 : i32
    %add3A_8 = arith.addi %add3A_7, %select_n3A : i32
    "tpu.region"() ({
      %run_scoped3A = tpu.sem_alloc : memref<!tpu.dma_semaphore, #tpu.memory_space<semaphore_mem>>
      %dma_start3A_28 = arith.constant 0 : i32
      %dma_start3A_29 = tpu.memref_slice %arg4[%add3A_4, %dma_start3A_28] : memref<1280x128xi32, #tpu.memory_space<hbm>> -> memref<40x128xi32, #tpu.memory_space<hbm>>
      %dma_start3A_30 = arith.constant 0 : i32
      %dma_start3A_31 = tpu.memref_slice %arg4[%add3A_4, %dma_start3A_30] : memref<1280x128xi32, #tpu.memory_space<hbm>> -> memref<40x128xi32, #tpu.memory_space<hbm>>
      tpu.enqueue_dma source(%dma_start3A_31 : memref<40x128xi32, #tpu.memory_space<hbm>>) target(%arg8 : memref<40x128xi32, #tpu.memory_space<vmem>>) target_semaphore(%run_scoped3A : memref<!tpu.dma_semaphore, #tpu.memory_space<semaphore_mem>>)
      %dma_wait3A = arith.constant 0 : i32
      %dma_wait3A_32 = tpu.memref_slice %arg4[%add3A_4, %dma_wait3A] : memref<1280x128xi32, #tpu.memory_space<hbm>> -> memref<40x128xi32, #tpu.memory_space<hbm>>
      %dma_wait3A_33 = arith.constant 0 : i32
      %dma_wait3A_34 = tpu.memref_slice %arg4[%add3A_4, %dma_wait3A_33] : memref<1280x128xi32, #tpu.memory_space<hbm>> -> memref<40x128xi32, #tpu.memory_space<hbm>>
      tpu.wait_dma2 semaphore(%run_scoped3A : memref<!tpu.dma_semaphore, #tpu.memory_space<semaphore_mem>>) src(%dma_wait3A_34 : memref<40x128xi32, #tpu.memory_space<hbm>>) dst(%arg8 : memref<40x128xi32, #tpu.memory_space<vmem>>)
      tpu.yield
    }) : () -> ()
    "tpu.region"() ({
      %run_scoped3A = tpu.sem_alloc : memref<!tpu.dma_semaphore, #tpu.memory_space<semaphore_mem>>
      %dma_start3A_28 = arith.constant 0 : i32
      %dma_start3A_29 = tpu.memref_slice %arg5[%add3A_4, %dma_start3A_28] : memref<1280x128xi32, #tpu.memory_space<hbm>> -> memref<40x128xi32, #tpu.memory_space<hbm>>
      %dma_start3A_30 = arith.constant 0 : i32
      %dma_start3A_31 = tpu.memref_slice %arg5[%add3A_4, %dma_start3A_30] : memref<1280x128xi32, #tpu.memory_space<hbm>> -> memref<40x128xi32, #tpu.memory_space<hbm>>
      tpu.enqueue_dma source(%dma_start3A_31 : memref<40x128xi32, #tpu.memory_space<hbm>>) target(%arg9 : memref<40x128xi32, #tpu.memory_space<vmem>>) target_semaphore(%run_scoped3A : memref<!tpu.dma_semaphore, #tpu.memory_space<semaphore_mem>>)
      %dma_wait3A = arith.constant 0 : i32
      %dma_wait3A_32 = tpu.memref_slice %arg5[%add3A_4, %dma_wait3A] : memref<1280x128xi32, #tpu.memory_space<hbm>> -> memref<40x128xi32, #tpu.memory_space<hbm>>
      %dma_wait3A_33 = arith.constant 0 : i32
      %dma_wait3A_34 = tpu.memref_slice %arg5[%add3A_4, %dma_wait3A_33] : memref<1280x128xi32, #tpu.memory_space<hbm>> -> memref<40x128xi32, #tpu.memory_space<hbm>>
      tpu.wait_dma2 semaphore(%run_scoped3A : memref<!tpu.dma_semaphore, #tpu.memory_space<semaphore_mem>>) src(%dma_wait3A_34 : memref<40x128xi32, #tpu.memory_space<hbm>>) dst(%arg9 : memref<40x128xi32, #tpu.memory_space<vmem>>)
      tpu.yield
    }) : () -> ()
    %sub3A = arith.constant 1 : i32
    %sub3A_9 = arith.subi %add3A_8, %sub3A : i32
    %min3A_10 = arith.constant 0 : i32
    %min3A_11 = arith.minsi %min3A_10, %sub3A_9 : i32
    %dma_start3A = arith.constant 0 : i32
    %dma_start3A_12 = tpu.memref_slice %arg8[%min3A_11, %dma_start3A] : memref<40x128xi32, #tpu.memory_space<vmem>> -> memref<1x128xi32, #tpu.memory_space<vmem>>
    %dma_start3A_13 = tpu.memref_squeeze %dma_start3A_12 : memref<1x128xi32, #tpu.memory_space<vmem>> -> memref<128xi32, #tpu.memory_space<vmem>>
    %dma_start3A_14 = arith.constant 0 : i32
    %dma_start3A_15 = arith.constant 0 : i32
    %dma_start3A_16 = tpu.memref_slice %arg2[%dma_start3A_14, %dma_start3A_15] : memref<10000x40xf32, #tpu.memory_space<hbm>> -> memref<10000x40xf32, #tpu.memory_space<hbm>>
    tpu.enqueue_indirect_dma source(%dma_start3A_16 : memref<10000x40xf32, #tpu.memory_space<hbm>>) target(%arg10 : memref<128x40xf32, #tpu.memory_space<vmem>>) offsets(%dma_start3A_13 : memref<128xi32, #tpu.memory_space<vmem>>) semaphore(%arg14 : memref<!tpu.dma_semaphore, #tpu.memory_space<semaphore_mem>>)
    %dma_start3A_17 = arith.constant 0 : i32
    %dma_start3A_18 = tpu.memref_slice %arg9[%min3A_11, %dma_start3A_17] : memref<40x128xi32, #tpu.memory_space<vmem>> -> memref<1x128xi32, #tpu.memory_space<vmem>>
    %dma_start3A_19 = tpu.memref_squeeze %dma_start3A_18 : memref<1x128xi32, #tpu.memory_space<vmem>> -> memref<128xi32, #tpu.memory_space<vmem>>
    %dma_start3A_20 = arith.constant 0 : i32
    %dma_start3A_21 = arith.constant 0 : i32
    %dma_start3A_22 = tpu.memref_slice %arg3[%dma_start3A_20, %dma_start3A_21] : memref<10000x40xf32, #tpu.memory_space<hbm>> -> memref<10000x40xf32, #tpu.memory_space<hbm>>
    tpu.enqueue_indirect_dma source(%dma_start3A_22 : memref<10000x40xf32, #tpu.memory_space<hbm>>) target(%arg11 : memref<128x40xf32, #tpu.memory_space<vmem>>) offsets(%dma_start3A_19 : memref<128xi32, #tpu.memory_space<vmem>>) semaphore(%arg15 : memref<!tpu.dma_semaphore, #tpu.memory_space<semaphore_mem>>)
    %scan3A = arith.constant 0 : i32
    %scan3A_23 = arith.constant 0 : i32
    %scan3A_24 = arith.constant 20 : i32
    %scan3A_25 = arith.addi %scan3A_23, %scan3A_24 : i32
    %scan3A_26 = arith.constant 1 : i32
    scf.for %scan3A_28 = %scan3A_23 to %scan3A_25 step %scan3A_26  : i32 {
      %mul3A_29 = arith.constant 2 : i32
      %mul3A_30 = arith.muli %mul3A_29, %scan3A_28 : i32
      %add3A_31 = arith.constant 1 : i32
      %add3A_32 = arith.addi %mul3A_30, %add3A_31 : i32
      %sub3A_33 = arith.constant 1 : i32
      %sub3A_34 = arith.subi %add3A_8, %sub3A_33 : i32
      %min3A_35 = arith.minsi %add3A_32, %sub3A_34 : i32
      %dma_start3A_36 = arith.constant 0 : i32
      %dma_start3A_37 = tpu.memref_slice %arg8[%min3A_35, %dma_start3A_36] : memref<40x128xi32, #tpu.memory_space<vmem>> -> memref<1x128xi32, #tpu.memory_space<vmem>>
      %dma_start3A_38 = tpu.memref_squeeze %dma_start3A_37 : memref<1x128xi32, #tpu.memory_space<vmem>> -> memref<128xi32, #tpu.memory_space<vmem>>
      %dma_start3A_39 = arith.constant 0 : i32
      %dma_start3A_40 = arith.constant 0 : i32
      %dma_start3A_41 = tpu.memref_slice %arg2[%dma_start3A_39, %dma_start3A_40] : memref<10000x40xf32, #tpu.memory_space<hbm>> -> memref<10000x40xf32, #tpu.memory_space<hbm>>
      tpu.enqueue_indirect_dma source(%dma_start3A_41 : memref<10000x40xf32, #tpu.memory_space<hbm>>) target(%arg12 : memref<128x40xf32, #tpu.memory_space<vmem>>) offsets(%dma_start3A_38 : memref<128xi32, #tpu.memory_space<vmem>>) semaphore(%arg16 : memref<!tpu.dma_semaphore, #tpu.memory_space<semaphore_mem>>)
      %dma_start3A_42 = arith.constant 0 : i32
      %dma_start3A_43 = tpu.memref_slice %arg9[%min3A_35, %dma_start3A_42] : memref<40x128xi32, #tpu.memory_space<vmem>> -> memref<1x128xi32, #tpu.memory_space<vmem>>
      %dma_start3A_44 = tpu.memref_squeeze %dma_start3A_43 : memref<1x128xi32, #tpu.memory_space<vmem>> -> memref<128xi32, #tpu.memory_space<vmem>>
      %dma_start3A_45 = arith.constant 0 : i32
      %dma_start3A_46 = arith.constant 0 : i32
      %dma_start3A_47 = tpu.memref_slice %arg3[%dma_start3A_45, %dma_start3A_46] : memref<10000x40xf32, #tpu.memory_space<hbm>> -> memref<10000x40xf32, #tpu.memory_space<hbm>>
      tpu.enqueue_indirect_dma source(%dma_start3A_47 : memref<10000x40xf32, #tpu.memory_space<hbm>>) target(%arg13 : memref<128x40xf32, #tpu.memory_space<vmem>>) offsets(%dma_start3A_44 : memref<128xi32, #tpu.memory_space<vmem>>) semaphore(%arg17 : memref<!tpu.dma_semaphore, #tpu.memory_space<semaphore_mem>>)
      %mul3A_48 = arith.constant 2 : i32
      %mul3A_49 = arith.muli %mul3A_48, %scan3A_28 : i32
      %sub3A_50 = arith.constant 1 : i32
      %sub3A_51 = arith.subi %add3A_8, %sub3A_50 : i32
      %min3A_52 = arith.minsi %mul3A_49, %sub3A_51 : i32
      %dma_wait3A = arith.constant 0 : i32
      %dma_wait3A_53 = arith.constant 0 : i32
      %dma_wait3A_54 = tpu.memref_slice %arg8[%dma_wait3A, %dma_wait3A_53] : memref<40x128xi32, #tpu.memory_space<vmem>> -> memref<1x128xi32, #tpu.memory_space<vmem>>
      %dma_wait3A_55 = tpu.memref_squeeze %dma_wait3A_54 : memref<1x128xi32, #tpu.memory_space<vmem>> -> memref<128xi32, #tpu.memory_space<vmem>>
      %dma_wait3A_56 = arith.constant 0 : i32
      %dma_wait3A_57 = arith.constant 0 : i32
      %dma_wait3A_58 = tpu.memref_slice %arg2[%dma_wait3A_56, %dma_wait3A_57] : memref<10000x40xf32, #tpu.memory_space<hbm>> -> memref<10000x40xf32, #tpu.memory_space<hbm>>
      tpu.wait_indirect_dma semaphore(%arg14 : memref<!tpu.dma_semaphore, #tpu.memory_space<semaphore_mem>>) src(%dma_wait3A_58 : memref<10000x40xf32, #tpu.memory_space<hbm>>) dst(%arg10 : memref<128x40xf32, #tpu.memory_space<vmem>>)
      %dma_wait3A_59 = arith.constant 0 : i32
      %dma_wait3A_60 = arith.constant 0 : i32
      %dma_wait3A_61 = tpu.memref_slice %arg9[%dma_wait3A_59, %dma_wait3A_60] : memref<40x128xi32, #tpu.memory_space<vmem>> -> memref<1x128xi32, #tpu.memory_space<vmem>>
      %dma_wait3A_62 = tpu.memref_squeeze %dma_wait3A_61 : memref<1x128xi32, #tpu.memory_space<vmem>> -> memref<128xi32, #tpu.memory_space<vmem>>
      %dma_wait3A_63 = arith.constant 0 : i32
      %dma_wait3A_64 = arith.constant 0 : i32
      %dma_wait3A_65 = tpu.memref_slice %arg3[%dma_wait3A_63, %dma_wait3A_64] : memref<10000x40xf32, #tpu.memory_space<hbm>> -> memref<10000x40xf32, #tpu.memory_space<hbm>>
      tpu.wait_indirect_dma semaphore(%arg15 : memref<!tpu.dma_semaphore, #tpu.memory_space<semaphore_mem>>) src(%dma_wait3A_65 : memref<10000x40xf32, #tpu.memory_space<hbm>>) dst(%arg11 : memref<128x40xf32, #tpu.memory_space<vmem>>)
      %add3A_66 = arith.addi %add3A_4, %min3A_52 : i32
      %mul3A_67 = arith.constant 128 : i32
      %mul3A_68 = arith.muli %add3A_66, %mul3A_67 : i32
      "tpu.region"() ({
        %run_scoped3A = tpu.sem_alloc : memref<!tpu.dma_semaphore, #tpu.memory_space<semaphore_mem>>
        %dma_start3A_96 = arith.constant 0 : i32
        %dma_start3A_97 = tpu.memref_slice %arg6[%mul3A_68, %dma_start3A_96] : memref<160000x40xf32, #tpu.memory_space<hbm>> -> memref<128x40xf32, #tpu.memory_space<hbm>>
        %dma_start3A_98 = arith.constant 0 : i32
        %dma_start3A_99 = tpu.memref_slice %arg6[%mul3A_68, %dma_start3A_98] : memref<160000x40xf32, #tpu.memory_space<hbm>> -> memref<128x40xf32, #tpu.memory_space<hbm>>
        tpu.enqueue_dma source(%arg10 : memref<128x40xf32, #tpu.memory_space<vmem>>) target(%dma_start3A_99 : memref<128x40xf32, #tpu.memory_space<hbm>>) target_semaphore(%run_scoped3A : memref<!tpu.dma_semaphore, #tpu.memory_space<semaphore_mem>>)
        %dma_wait3A_100 = arith.constant 0 : i32
        %dma_wait3A_101 = tpu.memref_slice %arg6[%mul3A_68, %dma_wait3A_100] : memref<160000x40xf32, #tpu.memory_space<hbm>> -> memref<128x40xf32, #tpu.memory_space<hbm>>
        %dma_wait3A_102 = arith.constant 0 : i32
        %dma_wait3A_103 = tpu.memref_slice %arg6[%mul3A_68, %dma_wait3A_102] : memref<160000x40xf32, #tpu.memory_space<hbm>> -> memref<128x40xf32, #tpu.memory_space<hbm>>
        tpu.wait_dma2 semaphore(%run_scoped3A : memref<!tpu.dma_semaphore, #tpu.memory_space<semaphore_mem>>) src(%arg10 : memref<128x40xf32, #tpu.memory_space<vmem>>) dst(%dma_wait3A_103 : memref<128x40xf32, #tpu.memory_space<hbm>>)
        tpu.yield
      }) : () -> ()
      "tpu.region"() ({
        %run_scoped3A = tpu.sem_alloc : memref<!tpu.dma_semaphore, #tpu.memory_space<semaphore_mem>>
        %dma_start3A_96 = arith.constant 0 : i32
        %dma_start3A_97 = tpu.memref_slice %arg7[%mul3A_68, %dma_start3A_96] : memref<160000x40xf32, #tpu.memory_space<hbm>> -> memref<128x40xf32, #tpu.memory_space<hbm>>
        %dma_start3A_98 = arith.constant 0 : i32
        %dma_start3A_99 = tpu.memref_slice %arg7[%mul3A_68, %dma_start3A_98] : memref<160000x40xf32, #tpu.memory_space<hbm>> -> memref<128x40xf32, #tpu.memory_space<hbm>>
        tpu.enqueue_dma source(%arg11 : memref<128x40xf32, #tpu.memory_space<vmem>>) target(%dma_start3A_99 : memref<128x40xf32, #tpu.memory_space<hbm>>) target_semaphore(%run_scoped3A : memref<!tpu.dma_semaphore, #tpu.memory_space<semaphore_mem>>)
        %dma_wait3A_100 = arith.constant 0 : i32
        %dma_wait3A_101 = tpu.memref_slice %arg7[%mul3A_68, %dma_wait3A_100] : memref<160000x40xf32, #tpu.memory_space<hbm>> -> memref<128x40xf32, #tpu.memory_space<hbm>>
        %dma_wait3A_102 = arith.constant 0 : i32
        %dma_wait3A_103 = tpu.memref_slice %arg7[%mul3A_68, %dma_wait3A_102] : memref<160000x40xf32, #tpu.memory_space<hbm>> -> memref<128x40xf32, #tpu.memory_space<hbm>>
        tpu.wait_dma2 semaphore(%run_scoped3A : memref<!tpu.dma_semaphore, #tpu.memory_space<semaphore_mem>>) src(%arg11 : memref<128x40xf32, #tpu.memory_space<vmem>>) dst(%dma_wait3A_103 : memref<128x40xf32, #tpu.memory_space<hbm>>)
        tpu.yield
      }) : () -> ()
      %lt3A_69 = arith.constant 19 : i32
      %lt3A_70 = arith.cmpi slt, %scan3A_28, %lt3A_69 : i32
      %convert_element_type3A = arith.extui %lt3A_70 : i1 to i32
      %cond3A = arith.constant 0 : i32
      %cond3A_71 = arith.cmpi ne, %convert_element_type3A, %cond3A : i32
      scf.if %cond3A_71 {
        %mul3A_96 = arith.constant 2 : i32
        %mul3A_97 = arith.muli %mul3A_96, %scan3A_28 : i32
        %add3A_98 = arith.constant 2 : i32
        %add3A_99 = arith.addi %mul3A_97, %add3A_98 : i32
        %sub3A_100 = arith.constant 1 : i32
        %sub3A_101 = arith.subi %add3A_8, %sub3A_100 : i32
        %min3A_102 = arith.minsi %add3A_99, %sub3A_101 : i32
        %dma_start3A_103 = arith.constant 0 : i32
        %dma_start3A_104 = tpu.memref_slice %arg8[%min3A_102, %dma_start3A_103] : memref<40x128xi32, #tpu.memory_space<vmem>> -> memref<1x128xi32, #tpu.memory_space<vmem>>
        %dma_start3A_105 = tpu.memref_squeeze %dma_start3A_104 : memref<1x128xi32, #tpu.memory_space<vmem>> -> memref<128xi32, #tpu.memory_space<vmem>>
        %dma_start3A_106 = arith.constant 0 : i32
        %dma_start3A_107 = arith.constant 0 : i32
        %dma_start3A_108 = tpu.memref_slice %arg2[%dma_start3A_106, %dma_start3A_107] : memref<10000x40xf32, #tpu.memory_space<hbm>> -> memref<10000x40xf32, #tpu.memory_space<hbm>>
        tpu.enqueue_indirect_dma source(%dma_start3A_108 : memref<10000x40xf32, #tpu.memory_space<hbm>>) target(%arg10 : memref<128x40xf32, #tpu.memory_space<vmem>>) offsets(%dma_start3A_105 : memref<128xi32, #tpu.memory_space<vmem>>) semaphore(%arg14 : memref<!tpu.dma_semaphore, #tpu.memory_space<semaphore_mem>>)
        %dma_start3A_109 = arith.constant 0 : i32
        %dma_start3A_110 = tpu.memref_slice %arg9[%min3A_102, %dma_start3A_109] : memref<40x128xi32, #tpu.memory_space<vmem>> -> memref<1x128xi32, #tpu.memory_space<vmem>>
        %dma_start3A_111 = tpu.memref_squeeze %dma_start3A_110 : memref<1x128xi32, #tpu.memory_space<vmem>> -> memref<128xi32, #tpu.memory_space<vmem>>
        %dma_start3A_112 = arith.constant 0 : i32
        %dma_start3A_113 = arith.constant 0 : i32
        %dma_start3A_114 = tpu.memref_slice %arg3[%dma_start3A_112, %dma_start3A_113] : memref<10000x40xf32, #tpu.memory_space<hbm>> -> memref<10000x40xf32, #tpu.memory_space<hbm>>
        tpu.enqueue_indirect_dma source(%dma_start3A_114 : memref<10000x40xf32, #tpu.memory_space<hbm>>) target(%arg11 : memref<128x40xf32, #tpu.memory_space<vmem>>) offsets(%dma_start3A_111 : memref<128xi32, #tpu.memory_space<vmem>>) semaphore(%arg15 : memref<!tpu.dma_semaphore, #tpu.memory_space<semaphore_mem>>)
      } else {
      }
      %mul3A_72 = arith.constant 2 : i32
      %mul3A_73 = arith.muli %mul3A_72, %scan3A_28 : i32
      %add3A_74 = arith.constant 1 : i32
      %add3A_75 = arith.addi %mul3A_73, %add3A_74 : i32
      %sub3A_76 = arith.constant 1 : i32
      %sub3A_77 = arith.subi %add3A_8, %sub3A_76 : i32
      %min3A_78 = arith.minsi %add3A_75, %sub3A_77 : i32
      %dma_wait3A_79 = arith.constant 0 : i32
      %dma_wait3A_80 = arith.constant 0 : i32
      %dma_wait3A_81 = tpu.memref_slice %arg8[%dma_wait3A_79, %dma_wait3A_80] : memref<40x128xi32, #tpu.memory_space<vmem>> -> memref<1x128xi32, #tpu.memory_space<vmem>>
      %dma_wait3A_82 = tpu.memref_squeeze %dma_wait3A_81 : memref<1x128xi32, #tpu.memory_space<vmem>> -> memref<128xi32, #tpu.memory_space<vmem>>
      %dma_wait3A_83 = arith.constant 0 : i32
      %dma_wait3A_84 = arith.constant 0 : i32
      %dma_wait3A_85 = tpu.memref_slice %arg2[%dma_wait3A_83, %dma_wait3A_84] : memref<10000x40xf32, #tpu.memory_space<hbm>> -> memref<10000x40xf32, #tpu.memory_space<hbm>>
      tpu.wait_indirect_dma semaphore(%arg16 : memref<!tpu.dma_semaphore, #tpu.memory_space<semaphore_mem>>) src(%dma_wait3A_85 : memref<10000x40xf32, #tpu.memory_space<hbm>>) dst(%arg12 : memref<128x40xf32, #tpu.memory_space<vmem>>)
      %dma_wait3A_86 = arith.constant 0 : i32
      %dma_wait3A_87 = arith.constant 0 : i32
      %dma_wait3A_88 = tpu.memref_slice %arg9[%dma_wait3A_86, %dma_wait3A_87] : memref<40x128xi32, #tpu.memory_space<vmem>> -> memref<1x128xi32, #tpu.memory_space<vmem>>
      %dma_wait3A_89 = tpu.memref_squeeze %dma_wait3A_88 : memref<1x128xi32, #tpu.memory_space<vmem>> -> memref<128xi32, #tpu.memory_space<vmem>>
      %dma_wait3A_90 = arith.constant 0 : i32
      %dma_wait3A_91 = arith.constant 0 : i32
      %dma_wait3A_92 = tpu.memref_slice %arg3[%dma_wait3A_90, %dma_wait3A_91] : memref<10000x40xf32, #tpu.memory_space<hbm>> -> memref<10000x40xf32, #tpu.memory_space<hbm>>
      tpu.wait_indirect_dma semaphore(%arg17 : memref<!tpu.dma_semaphore, #tpu.memory_space<semaphore_mem>>) src(%dma_wait3A_92 : memref<10000x40xf32, #tpu.memory_space<hbm>>) dst(%arg13 : memref<128x40xf32, #tpu.memory_space<vmem>>)
      %add3A_93 = arith.addi %add3A_4, %min3A_78 : i32
      %mul3A_94 = arith.constant 128 : i32
      %mul3A_95 = arith.muli %add3A_93, %mul3A_94 : i32
      "tpu.region"() ({
        %run_scoped3A = tpu.sem_alloc : memref<!tpu.dma_semaphore, #tpu.memory_space<semaphore_mem>>
        %dma_start3A_96 = arith.constant 0 : i32
        %dma_start3A_97 = tpu.memref_slice %arg6[%mul3A_95, %dma_start3A_96] : memref<160000x40xf32, #tpu.memory_space<hbm>> -> memref<128x40xf32, #tpu.memory_space<hbm>>
        %dma_start3A_98 = arith.constant 0 : i32
        %dma_start3A_99 = tpu.memref_slice %arg6[%mul3A_95, %dma_start3A_98] : memref<160000x40xf32, #tpu.memory_space<hbm>> -> memref<128x40xf32, #tpu.memory_space<hbm>>
        tpu.enqueue_dma source(%arg12 : memref<128x40xf32, #tpu.memory_space<vmem>>) target(%dma_start3A_99 : memref<128x40xf32, #tpu.memory_space<hbm>>) target_semaphore(%run_scoped3A : memref<!tpu.dma_semaphore, #tpu.memory_space<semaphore_mem>>)
        %dma_wait3A_100 = arith.constant 0 : i32
        %dma_wait3A_101 = tpu.memref_slice %arg6[%mul3A_95, %dma_wait3A_100] : memref<160000x40xf32, #tpu.memory_space<hbm>> -> memref<128x40xf32, #tpu.memory_space<hbm>>
        %dma_wait3A_102 = arith.constant 0 : i32
        %dma_wait3A_103 = tpu.memref_slice %arg6[%mul3A_95, %dma_wait3A_102] : memref<160000x40xf32, #tpu.memory_space<hbm>> -> memref<128x40xf32, #tpu.memory_space<hbm>>
        tpu.wait_dma2 semaphore(%run_scoped3A : memref<!tpu.dma_semaphore, #tpu.memory_space<semaphore_mem>>) src(%arg12 : memref<128x40xf32, #tpu.memory_space<vmem>>) dst(%dma_wait3A_103 : memref<128x40xf32, #tpu.memory_space<hbm>>)
        tpu.yield
      }) : () -> ()
      "tpu.region"() ({
        %run_scoped3A = tpu.sem_alloc : memref<!tpu.dma_semaphore, #tpu.memory_space<semaphore_mem>>
        %dma_start3A_96 = arith.constant 0 : i32
        %dma_start3A_97 = tpu.memref_slice %arg7[%mul3A_95, %dma_start3A_96] : memref<160000x40xf32, #tpu.memory_space<hbm>> -> memref<128x40xf32, #tpu.memory_space<hbm>>
        %dma_start3A_98 = arith.constant 0 : i32
        %dma_start3A_99 = tpu.memref_slice %arg7[%mul3A_95, %dma_start3A_98] : memref<160000x40xf32, #tpu.memory_space<hbm>> -> memref<128x40xf32, #tpu.memory_space<hbm>>
        tpu.enqueue_dma source(%arg13 : memref<128x40xf32, #tpu.memory_space<vmem>>) target(%dma_start3A_99 : memref<128x40xf32, #tpu.memory_space<hbm>>) target_semaphore(%run_scoped3A : memref<!tpu.dma_semaphore, #tpu.memory_space<semaphore_mem>>)
        %dma_wait3A_100 = arith.constant 0 : i32
        %dma_wait3A_101 = tpu.memref_slice %arg7[%mul3A_95, %dma_wait3A_100] : memref<160000x40xf32, #tpu.memory_space<hbm>> -> memref<128x40xf32, #tpu.memory_space<hbm>>
        %dma_wait3A_102 = arith.constant 0 : i32
        %dma_wait3A_103 = tpu.memref_slice %arg7[%mul3A_95, %dma_wait3A_102] : memref<160000x40xf32, #tpu.memory_space<hbm>> -> memref<128x40xf32, #tpu.memory_space<hbm>>
        tpu.wait_dma2 semaphore(%run_scoped3A : memref<!tpu.dma_semaphore, #tpu.memory_space<semaphore_mem>>) src(%arg13 : memref<128x40xf32, #tpu.memory_space<vmem>>) dst(%dma_wait3A_103 : memref<128x40xf32, #tpu.memory_space<hbm>>)
        tpu.yield
      }) : () -> ()
    }
    %scan3A_27 = arith.constant 20 : i32
    return
  }
}

#map = affine_map<(d0, d1) -> (0, 0)>
#map1 = affine_map<(d0, d1) -> (0, 0, 0)>
module attributes {stable_mosaic.version = 14 : i64} {
  func.func @_sc_scatter(%arg0: i32, %arg1: i32, %arg2: memref<160000x72xf32, #tpu.memory_space<hbm>>, %arg3: memref<1280x128xi32, #tpu.memory_space<hbm>>, %arg4: memref<2x10240x72xf32, #tpu.memory_space<hbm>>, %arg5: memref<40x128xi32, #tpu.memory_space<vmem>>, %arg6: memref<128x72xf32, #tpu.memory_space<vmem>>, %arg7: memref<128x72xf32, #tpu.memory_space<vmem>>, %arg8: memref<128x72xf32, #tpu.memory_space<vmem>>, %arg9: memref<10240x72xf32, #tpu.memory_space<vmem_shared>>, %arg10: memref<!tpu.dma_semaphore, #tpu.memory_space<semaphore_mem>>, %arg11: memref<!tpu.dma_semaphore, #tpu.memory_space<semaphore_mem>>) attributes {dimension_semantics = [#tpu.dimension_semantics<core_parallel>, #tpu.dimension_semantics<subcore_parallel>], iteration_bounds = array<i64: 2, 16>, scalar_prefetch = 0 : i64, scratch_operands = 7 : i64, tpu.core_type = #tpu.core_type<sc_vector_subcore>, window_params = [{transform_indices = #map}, {transform_indices = #map}, {transform_indices = #map1}]} {
    %mul3A = arith.constant 2 : i32
    %mul3A_0 = arith.muli %arg1, %mul3A : i32
    %add3A = arith.addi %mul3A_0, %arg0 : i32
    %scan3A = arith.constant 0 : i32
    %scan3A_1 = arith.constant 0 : i32
    %scan3A_2 = arith.constant 128 : i32
    %scan3A_3 = arith.addi %scan3A_1, %scan3A_2 : i32
    %scan3A_4 = arith.constant 1 : i32
    scf.for %scan3A_70 = %scan3A_1 to %scan3A_3 step %scan3A_4  : i32 {
      %broadcast_in_dim3A = arith.constant 0.000000e+00 : f32
      %broadcast_in_dim3A_71 = vector.broadcast %broadcast_in_dim3A : f32 to vector<16xf32>
      %swap3A = arith.index_cast %scan3A_70 : i32 to index
      %swap3A_72 = arith.constant 0 : index
      %swap3A_73 = tpu.vector_load %arg8[%swap3A, %swap3A_72] {strides = array<i32>} : memref<128x72xf32, #tpu.memory_space<vmem>>, vector<1x16xf32>,
      %swap3A_74 = vector.shape_cast %swap3A_73 : vector<1x16xf32> to vector<16xf32>
      %swap3A_75 = vector.shape_cast %broadcast_in_dim3A_71 : vector<16xf32> to vector<1x16xf32>
      tpu.vector_store %arg8[%swap3A, %swap3A_72], %swap3A_75 {strides = array<i32>} : memref<128x72xf32, #tpu.memory_space<vmem>>, vector<1x16xf32>,
      %broadcast_in_dim3A_76 = arith.constant 0.000000e+00 : f32
      %broadcast_in_dim3A_77 = vector.broadcast %broadcast_in_dim3A_76 : f32 to vector<16xf32>
      %swap3A_78 = arith.index_cast %scan3A_70 : i32 to index
      %swap3A_79 = arith.constant 16 : index
      %swap3A_80 = tpu.vector_load %arg8[%swap3A_78, %swap3A_79] {strides = array<i32>} : memref<128x72xf32, #tpu.memory_space<vmem>>, vector<1x16xf32>,
      %swap3A_81 = vector.shape_cast %swap3A_80 : vector<1x16xf32> to vector<16xf32>
      %swap3A_82 = vector.shape_cast %broadcast_in_dim3A_77 : vector<16xf32> to vector<1x16xf32>
      tpu.vector_store %arg8[%swap3A_78, %swap3A_79], %swap3A_82 {strides = array<i32>} : memref<128x72xf32, #tpu.memory_space<vmem>>, vector<1x16xf32>,
      %broadcast_in_dim3A_83 = arith.constant 0.000000e+00 : f32
      %broadcast_in_dim3A_84 = vector.broadcast %broadcast_in_dim3A_83 : f32 to vector<16xf32>
      %swap3A_85 = arith.index_cast %scan3A_70 : i32 to index
      %swap3A_86 = arith.constant 32 : index
      %swap3A_87 = tpu.vector_load %arg8[%swap3A_85, %swap3A_86] {strides = array<i32>} : memref<128x72xf32, #tpu.memory_space<vmem>>, vector<1x16xf32>,
      %swap3A_88 = vector.shape_cast %swap3A_87 : vector<1x16xf32> to vector<16xf32>
      %swap3A_89 = vector.shape_cast %broadcast_in_dim3A_84 : vector<16xf32> to vector<1x16xf32>
      tpu.vector_store %arg8[%swap3A_85, %swap3A_86], %swap3A_89 {strides = array<i32>} : memref<128x72xf32, #tpu.memory_space<vmem>>, vector<1x16xf32>,
      %broadcast_in_dim3A_90 = arith.constant 0.000000e+00 : f32
      %broadcast_in_dim3A_91 = vector.broadcast %broadcast_in_dim3A_90 : f32 to vector<16xf32>
      %swap3A_92 = arith.index_cast %scan3A_70 : i32 to index
      %swap3A_93 = arith.constant 48 : index
      %swap3A_94 = tpu.vector_load %arg8[%swap3A_92, %swap3A_93] {strides = array<i32>} : memref<128x72xf32, #tpu.memory_space<vmem>>, vector<1x16xf32>,
      %swap3A_95 = vector.shape_cast %swap3A_94 : vector<1x16xf32> to vector<16xf32>
      %swap3A_96 = vector.shape_cast %broadcast_in_dim3A_91 : vector<16xf32> to vector<1x16xf32>
      tpu.vector_store %arg8[%swap3A_92, %swap3A_93], %swap3A_96 {strides = array<i32>} : memref<128x72xf32, #tpu.memory_space<vmem>>, vector<1x16xf32>,
    }
    %scan3A_5 = arith.constant 128 : i32
    %mul3A_6 = arith.constant 640 : i32
    %mul3A_7 = arith.muli %arg1, %mul3A_6 : i32
    %add3A_8 = arith.constant 0 : i32
    %add3A_9 = arith.addi %mul3A_7, %add3A_8 : i32
    "tpu.region"() ({
      %run_scoped3A = tpu.sem_alloc : memref<!tpu.dma_semaphore, #tpu.memory_space<semaphore_mem>>
      %dma_start3A_70 = arith.constant 0 : i32
      %dma_start3A_71 = tpu.memref_slice %arg9[%add3A_9, %dma_start3A_70] : memref<10240x72xf32, #tpu.memory_space<vmem_shared>> -> memref<128x72xf32, #tpu.memory_space<vmem_shared>>
      %dma_start3A_72 = arith.constant 0 : i32
      %dma_start3A_73 = tpu.memref_slice %arg9[%add3A_9, %dma_start3A_72] : memref<10240x72xf32, #tpu.memory_space<vmem_shared>> -> memref<128x72xf32, #tpu.memory_space<vmem_shared>>
      tpu.enqueue_dma source(%arg8 : memref<128x72xf32, #tpu.memory_space<vmem>>) target(%dma_start3A_73 : memref<128x72xf32, #tpu.memory_space<vmem_shared>>) target_semaphore(%run_scoped3A : memref<!tpu.dma_semaphore, #tpu.memory_space<semaphore_mem>>)
      %dma_wait3A = arith.constant 0 : i32
      %dma_wait3A_74 = tpu.memref_slice %arg9[%add3A_9, %dma_wait3A] : memref<10240x72xf32, #tpu.memory_space<vmem_shared>> -> memref<128x72xf32, #tpu.memory_space<vmem_shared>>
      %dma_wait3A_75 = arith.constant 0 : i32
      %dma_wait3A_76 = tpu.memref_slice %arg9[%add3A_9, %dma_wait3A_75] : memref<10240x72xf32, #tpu.memory_space<vmem_shared>> -> memref<128x72xf32, #tpu.memory_space<vmem_shared>>
      tpu.wait_dma2 semaphore(%run_scoped3A : memref<!tpu.dma_semaphore, #tpu.memory_space<semaphore_mem>>) src(%arg8 : memref<128x72xf32, #tpu.memory_space<vmem>>) dst(%dma_wait3A_76 : memref<128x72xf32, #tpu.memory_space<vmem_shared>>)
      tpu.yield
    }) : () -> ()
    %mul3A_10 = arith.constant 640 : i32
    %mul3A_11 = arith.muli %arg1, %mul3A_10 : i32
    %add3A_12 = arith.constant 128 : i32
    %add3A_13 = arith.addi %mul3A_11, %add3A_12 : i32
    "tpu.region"() ({
      %run_scoped3A = tpu.sem_alloc : memref<!tpu.dma_semaphore, #tpu.memory_space<semaphore_mem>>
      %dma_start3A_70 = arith.constant 0 : i32
      %dma_start3A_71 = tpu.memref_slice %arg9[%add3A_13, %dma_start3A_70] : memref<10240x72xf32, #tpu.memory_space<vmem_shared>> -> memref<128x72xf32, #tpu.memory_space<vmem_shared>>
      %dma_start3A_72 = arith.constant 0 : i32
      %dma_start3A_73 = tpu.memref_slice %arg9[%add3A_13, %dma_start3A_72] : memref<10240x72xf32, #tpu.memory_space<vmem_shared>> -> memref<128x72xf32, #tpu.memory_space<vmem_shared>>
      tpu.enqueue_dma source(%arg8 : memref<128x72xf32, #tpu.memory_space<vmem>>) target(%dma_start3A_73 : memref<128x72xf32, #tpu.memory_space<vmem_shared>>) target_semaphore(%run_scoped3A : memref<!tpu.dma_semaphore, #tpu.memory_space<semaphore_mem>>)
      %dma_wait3A = arith.constant 0 : i32
      %dma_wait3A_74 = tpu.memref_slice %arg9[%add3A_13, %dma_wait3A] : memref<10240x72xf32, #tpu.memory_space<vmem_shared>> -> memref<128x72xf32, #tpu.memory_space<vmem_shared>>
      %dma_wait3A_75 = arith.constant 0 : i32
      %dma_wait3A_76 = tpu.memref_slice %arg9[%add3A_13, %dma_wait3A_75] : memref<10240x72xf32, #tpu.memory_space<vmem_shared>> -> memref<128x72xf32, #tpu.memory_space<vmem_shared>>
      tpu.wait_dma2 semaphore(%run_scoped3A : memref<!tpu.dma_semaphore, #tpu.memory_space<semaphore_mem>>) src(%arg8 : memref<128x72xf32, #tpu.memory_space<vmem>>) dst(%dma_wait3A_76 : memref<128x72xf32, #tpu.memory_space<vmem_shared>>)
      tpu.yield
    }) : () -> ()
    %mul3A_14 = arith.constant 640 : i32
    %mul3A_15 = arith.muli %arg1, %mul3A_14 : i32
    %add3A_16 = arith.constant 256 : i32
    %add3A_17 = arith.addi %mul3A_15, %add3A_16 : i32
    "tpu.region"() ({
      %run_scoped3A = tpu.sem_alloc : memref<!tpu.dma_semaphore, #tpu.memory_space<semaphore_mem>>
      %dma_start3A_70 = arith.constant 0 : i32
      %dma_start3A_71 = tpu.memref_slice %arg9[%add3A_17, %dma_start3A_70] : memref<10240x72xf32, #tpu.memory_space<vmem_shared>> -> memref<128x72xf32, #tpu.memory_space<vmem_shared>>
      %dma_start3A_72 = arith.constant 0 : i32
      %dma_start3A_73 = tpu.memref_slice %arg9[%add3A_17, %dma_start3A_72] : memref<10240x72xf32, #tpu.memory_space<vmem_shared>> -> memref<128x72xf32, #tpu.memory_space<vmem_shared>>
      tpu.enqueue_dma source(%arg8 : memref<128x72xf32, #tpu.memory_space<vmem>>) target(%dma_start3A_73 : memref<128x72xf32, #tpu.memory_space<vmem_shared>>) target_semaphore(%run_scoped3A : memref<!tpu.dma_semaphore, #tpu.memory_space<semaphore_mem>>)
      %dma_wait3A = arith.constant 0 : i32
      %dma_wait3A_74 = tpu.memref_slice %arg9[%add3A_17, %dma_wait3A] : memref<10240x72xf32, #tpu.memory_space<vmem_shared>> -> memref<128x72xf32, #tpu.memory_space<vmem_shared>>
      %dma_wait3A_75 = arith.constant 0 : i32
      %dma_wait3A_76 = tpu.memref_slice %arg9[%add3A_17, %dma_wait3A_75] : memref<10240x72xf32, #tpu.memory_space<vmem_shared>> -> memref<128x72xf32, #tpu.memory_space<vmem_shared>>
      tpu.wait_dma2 semaphore(%run_scoped3A : memref<!tpu.dma_semaphore, #tpu.memory_space<semaphore_mem>>) src(%arg8 : memref<128x72xf32, #tpu.memory_space<vmem>>) dst(%dma_wait3A_76 : memref<128x72xf32, #tpu.memory_space<vmem_shared>>)
      tpu.yield
    }) : () -> ()
    %mul3A_18 = arith.constant 640 : i32
    %mul3A_19 = arith.muli %arg1, %mul3A_18 : i32
    %add3A_20 = arith.constant 384 : i32
    %add3A_21 = arith.addi %mul3A_19, %add3A_20 : i32
    "tpu.region"() ({
      %run_scoped3A = tpu.sem_alloc : memref<!tpu.dma_semaphore, #tpu.memory_space<semaphore_mem>>
      %dma_start3A_70 = arith.constant 0 : i32
      %dma_start3A_71 = tpu.memref_slice %arg9[%add3A_21, %dma_start3A_70] : memref<10240x72xf32, #tpu.memory_space<vmem_shared>> -> memref<128x72xf32, #tpu.memory_space<vmem_shared>>
      %dma_start3A_72 = arith.constant 0 : i32
      %dma_start3A_73 = tpu.memref_slice %arg9[%add3A_21, %dma_start3A_72] : memref<10240x72xf32, #tpu.memory_space<vmem_shared>> -> memref<128x72xf32, #tpu.memory_space<vmem_shared>>
      tpu.enqueue_dma source(%arg8 : memref<128x72xf32, #tpu.memory_space<vmem>>) target(%dma_start3A_73 : memref<128x72xf32, #tpu.memory_space<vmem_shared>>) target_semaphore(%run_scoped3A : memref<!tpu.dma_semaphore, #tpu.memory_space<semaphore_mem>>)
      %dma_wait3A = arith.constant 0 : i32
      %dma_wait3A_74 = tpu.memref_slice %arg9[%add3A_21, %dma_wait3A] : memref<10240x72xf32, #tpu.memory_space<vmem_shared>> -> memref<128x72xf32, #tpu.memory_space<vmem_shared>>
      %dma_wait3A_75 = arith.constant 0 : i32
      %dma_wait3A_76 = tpu.memref_slice %arg9[%add3A_21, %dma_wait3A_75] : memref<10240x72xf32, #tpu.memory_space<vmem_shared>> -> memref<128x72xf32, #tpu.memory_space<vmem_shared>>
      tpu.wait_dma2 semaphore(%run_scoped3A : memref<!tpu.dma_semaphore, #tpu.memory_space<semaphore_mem>>) src(%arg8 : memref<128x72xf32, #tpu.memory_space<vmem>>) dst(%dma_wait3A_76 : memref<128x72xf32, #tpu.memory_space<vmem_shared>>)
      tpu.yield
    }) : () -> ()
    %mul3A_22 = arith.constant 640 : i32
    %mul3A_23 = arith.muli %arg1, %mul3A_22 : i32
    %add3A_24 = arith.constant 512 : i32
    %add3A_25 = arith.addi %mul3A_23, %add3A_24 : i32
    "tpu.region"() ({
      %run_scoped3A = tpu.sem_alloc : memref<!tpu.dma_semaphore, #tpu.memory_space<semaphore_mem>>
      %dma_start3A_70 = arith.constant 0 : i32
      %dma_start3A_71 = tpu.memref_slice %arg9[%add3A_25, %dma_start3A_70] : memref<10240x72xf32, #tpu.memory_space<vmem_shared>> -> memref<128x72xf32, #tpu.memory_space<vmem_shared>>
      %dma_start3A_72 = arith.constant 0 : i32
      %dma_start3A_73 = tpu.memref_slice %arg9[%add3A_25, %dma_start3A_72] : memref<10240x72xf32, #tpu.memory_space<vmem_shared>> -> memref<128x72xf32, #tpu.memory_space<vmem_shared>>
      tpu.enqueue_dma source(%arg8 : memref<128x72xf32, #tpu.memory_space<vmem>>) target(%dma_start3A_73 : memref<128x72xf32, #tpu.memory_space<vmem_shared>>) target_semaphore(%run_scoped3A : memref<!tpu.dma_semaphore, #tpu.memory_space<semaphore_mem>>)
      %dma_wait3A = arith.constant 0 : i32
      %dma_wait3A_74 = tpu.memref_slice %arg9[%add3A_25, %dma_wait3A] : memref<10240x72xf32, #tpu.memory_space<vmem_shared>> -> memref<128x72xf32, #tpu.memory_space<vmem_shared>>
      %dma_wait3A_75 = arith.constant 0 : i32
      %dma_wait3A_76 = tpu.memref_slice %arg9[%add3A_25, %dma_wait3A_75] : memref<10240x72xf32, #tpu.memory_space<vmem_shared>> -> memref<128x72xf32, #tpu.memory_space<vmem_shared>>
      tpu.wait_dma2 semaphore(%run_scoped3A : memref<!tpu.dma_semaphore, #tpu.memory_space<semaphore_mem>>) src(%arg8 : memref<128x72xf32, #tpu.memory_space<vmem>>) dst(%dma_wait3A_76 : memref<128x72xf32, #tpu.memory_space<vmem_shared>>)
      tpu.yield
    }) : () -> ()
    %barrier3A = arith.constant 0 : index
    tpu.barrier barrier_id(%barrier3A)
    %mul3A_26 = arith.constant 39 : i32
    %mul3A_27 = arith.muli %add3A, %mul3A_26 : i32
    %min3A = arith.constant 2 : i32
    %min3A_28 = arith.minsi %add3A, %min3A : i32
    %add3A_29 = arith.addi %mul3A_27, %min3A_28 : i32
    %lt3A = arith.constant 2 : i32
    %lt3A_30 = arith.cmpi slt, %add3A, %lt3A : i32
    %jit3A = arith.constant 1 : i32
    %jit3A_31 = arith.constant 0 : i32
    %select_n3A = arith.select %lt3A_30, %jit3A, %jit3A_31 : i32
    %add3A_32 = arith.constant 39 : i32
    %add3A_33 = arith.addi %add3A_32, %select_n3A : i32
    "tpu.region"() ({
      %run_scoped3A = tpu.sem_alloc : memref<!tpu.dma_semaphore, #tpu.memory_space<semaphore_mem>>
      %dma_start3A_70 = arith.constant 0 : i32
      %dma_start3A_71 = tpu.memref_slice %arg3[%add3A_29, %dma_start3A_70] : memref<1280x128xi32, #tpu.memory_space<hbm>> -> memref<40x128xi32, #tpu.memory_space<hbm>>
      %dma_start3A_72 = arith.constant 0 : i32
      %dma_start3A_73 = tpu.memref_slice %arg3[%add3A_29, %dma_start3A_72] : memref<1280x128xi32, #tpu.memory_space<hbm>> -> memref<40x128xi32, #tpu.memory_space<hbm>>
      tpu.enqueue_dma source(%dma_start3A_73 : memref<40x128xi32, #tpu.memory_space<hbm>>) target(%arg5 : memref<40x128xi32, #tpu.memory_space<vmem>>) target_semaphore(%run_scoped3A : memref<!tpu.dma_semaphore, #tpu.memory_space<semaphore_mem>>)
      %dma_wait3A = arith.constant 0 : i32
      %dma_wait3A_74 = tpu.memref_slice %arg3[%add3A_29, %dma_wait3A] : memref<1280x128xi32, #tpu.memory_space<hbm>> -> memref<40x128xi32, #tpu.memory_space<hbm>>
      %dma_wait3A_75 = arith.constant 0 : i32
      %dma_wait3A_76 = tpu.memref_slice %arg3[%add3A_29, %dma_wait3A_75] : memref<1280x128xi32, #tpu.memory_space<hbm>> -> memref<40x128xi32, #tpu.memory_space<hbm>>
      tpu.wait_dma2 semaphore(%run_scoped3A : memref<!tpu.dma_semaphore, #tpu.memory_space<semaphore_mem>>) src(%dma_wait3A_76 : memref<40x128xi32, #tpu.memory_space<hbm>>) dst(%arg5 : memref<40x128xi32, #tpu.memory_space<vmem>>)
      tpu.yield
    }) : () -> ()
    %sub3A = arith.constant 1 : i32
    %sub3A_34 = arith.subi %add3A_33, %sub3A : i32
    %min3A_35 = arith.constant 0 : i32
    %min3A_36 = arith.minsi %min3A_35, %sub3A_34 : i32
    %add3A_37 = arith.addi %add3A_29, %min3A_36 : i32
    %mul3A_38 = arith.constant 128 : i32
    %mul3A_39 = arith.muli %add3A_37, %mul3A_38 : i32
    %dma_start3A = arith.constant 0 : i32
    %dma_start3A_40 = tpu.memref_slice %arg2[%mul3A_39, %dma_start3A] : memref<160000x72xf32, #tpu.memory_space<hbm>> -> memref<128x72xf32, #tpu.memory_space<hbm>>
    %dma_start3A_41 = arith.constant 0 : i32
    %dma_start3A_42 = tpu.memref_slice %arg2[%mul3A_39, %dma_start3A_41] : memref<160000x72xf32, #tpu.memory_space<hbm>> -> memref<128x72xf32, #tpu.memory_space<hbm>>
    tpu.enqueue_dma source(%dma_start3A_42 : memref<128x72xf32, #tpu.memory_space<hbm>>) target(%arg6 : memref<128x72xf32, #tpu.memory_space<vmem>>) target_semaphore(%arg10 : memref<!tpu.dma_semaphore, #tpu.memory_space<semaphore_mem>>)
    %scan3A_43 = arith.constant 0 : i32
    %scan3A_44 = arith.constant 0 : i32
    %scan3A_45 = arith.constant 20 : i32
    %scan3A_46 = arith.addi %scan3A_44, %scan3A_45 : i32
    %scan3A_47 = arith.constant 1 : i32
    scf.for %scan3A_70 = %scan3A_44 to %scan3A_46 step %scan3A_47  : i32 {
      %mul3A_71 = arith.constant 2 : i32
      %mul3A_72 = arith.muli %mul3A_71, %scan3A_70 : i32
      %add3A_73 = arith.constant 1 : i32
      %add3A_74 = arith.addi %mul3A_72, %add3A_73 : i32
      %sub3A_75 = arith.constant 1 : i32
      %sub3A_76 = arith.subi %add3A_33, %sub3A_75 : i32
      %min3A_77 = arith.minsi %add3A_74, %sub3A_76 : i32
      %add3A_78 = arith.addi %add3A_29, %min3A_77 : i32
      %mul3A_79 = arith.constant 128 : i32
      %mul3A_80 = arith.muli %add3A_78, %mul3A_79 : i32
      %dma_start3A_81 = arith.constant 0 : i32
      %dma_start3A_82 = tpu.memref_slice %arg2[%mul3A_80, %dma_start3A_81] : memref<160000x72xf32, #tpu.memory_space<hbm>> -> memref<128x72xf32, #tpu.memory_space<hbm>>
      %dma_start3A_83 = arith.constant 0 : i32
      %dma_start3A_84 = tpu.memref_slice %arg2[%mul3A_80, %dma_start3A_83] : memref<160000x72xf32, #tpu.memory_space<hbm>> -> memref<128x72xf32, #tpu.memory_space<hbm>>
      tpu.enqueue_dma source(%dma_start3A_84 : memref<128x72xf32, #tpu.memory_space<hbm>>) target(%arg7 : memref<128x72xf32, #tpu.memory_space<vmem>>) target_semaphore(%arg11 : memref<!tpu.dma_semaphore, #tpu.memory_space<semaphore_mem>>)
      %mul3A_85 = arith.constant 2 : i32
      %mul3A_86 = arith.muli %mul3A_85, %scan3A_70 : i32
      %dma_wait3A = arith.constant 0 : i32
      %dma_wait3A_87 = arith.constant 0 : i32
      %dma_wait3A_88 = tpu.memref_slice %arg2[%dma_wait3A, %dma_wait3A_87] : memref<160000x72xf32, #tpu.memory_space<hbm>> -> memref<128x72xf32, #tpu.memory_space<hbm>>
      %dma_wait3A_89 = arith.constant 0 : i32
      %dma_wait3A_90 = arith.constant 0 : i32
      %dma_wait3A_91 = tpu.memref_slice %arg2[%dma_wait3A_89, %dma_wait3A_90] : memref<160000x72xf32, #tpu.memory_space<hbm>> -> memref<128x72xf32, #tpu.memory_space<hbm>>
      tpu.wait_dma2 semaphore(%arg10 : memref<!tpu.dma_semaphore, #tpu.memory_space<semaphore_mem>>) src(%dma_wait3A_91 : memref<128x72xf32, #tpu.memory_space<hbm>>) dst(%arg6 : memref<128x72xf32, #tpu.memory_space<vmem>>)
      %lt3A_92 = arith.cmpi slt, %mul3A_86, %add3A_33 : i32
      %convert_element_type3A = arith.extui %lt3A_92 : i1 to i32
      %cond3A = arith.constant 0 : i32
      %cond3A_93 = arith.cmpi ne, %convert_element_type3A, %cond3A : i32
      scf.if %cond3A_93 {
        "tpu.region"() ({
          %run_scoped3A = tpu.sem_alloc : memref<!tpu.dma_semaphore, #tpu.memory_space<semaphore_mem>>
          %dma_start3A_113 = arith.constant 0 : i32
          %dma_start3A_114 = tpu.memref_slice %arg5[%mul3A_86, %dma_start3A_113] : memref<40x128xi32, #tpu.memory_space<vmem>> -> memref<1x128xi32, #tpu.memory_space<vmem>>
          %dma_start3A_115 = tpu.memref_squeeze %dma_start3A_114 : memref<1x128xi32, #tpu.memory_space<vmem>> -> memref<128xi32, #tpu.memory_space<vmem>>
          %dma_start3A_116 = arith.constant 0 : i32
          %dma_start3A_117 = arith.constant 0 : i32
          %dma_start3A_118 = tpu.memref_slice %arg9[%dma_start3A_116, %dma_start3A_117] : memref<10240x72xf32, #tpu.memory_space<vmem_shared>> -> memref<10240x72xf32, #tpu.memory_space<vmem_shared>>
          tpu.enqueue_indirect_dma source(%arg6 : memref<128x72xf32, #tpu.memory_space<vmem>>) target(%dma_start3A_118 : memref<10240x72xf32, #tpu.memory_space<vmem_shared>>) offsets(%dma_start3A_115 : memref<128xi32, #tpu.memory_space<vmem>>) semaphore(%run_scoped3A : memref<!tpu.dma_semaphore, #tpu.memory_space<semaphore_mem>>) {add = true}
          %dma_wait3A_119 = arith.constant 0 : i32
          %dma_wait3A_120 = tpu.memref_slice %arg5[%mul3A_86, %dma_wait3A_119] : memref<40x128xi32, #tpu.memory_space<vmem>> -> memref<1x128xi32, #tpu.memory_space<vmem>>
          %dma_wait3A_121 = tpu.memref_squeeze %dma_wait3A_120 : memref<1x128xi32, #tpu.memory_space<vmem>> -> memref<128xi32, #tpu.memory_space<vmem>>
          %dma_wait3A_122 = arith.constant 0 : i32
          %dma_wait3A_123 = arith.constant 0 : i32
          %dma_wait3A_124 = tpu.memref_slice %arg9[%dma_wait3A_122, %dma_wait3A_123] : memref<10240x72xf32, #tpu.memory_space<vmem_shared>> -> memref<10240x72xf32, #tpu.memory_space<vmem_shared>>
          tpu.wait_indirect_dma semaphore(%run_scoped3A : memref<!tpu.dma_semaphore, #tpu.memory_space<semaphore_mem>>) src(%arg6 : memref<128x72xf32, #tpu.memory_space<vmem>>) dst(%dma_wait3A_124 : memref<10240x72xf32, #tpu.memory_space<vmem_shared>>)
          tpu.yield
        }) : () -> ()
      } else {
      }
      %lt3A_94 = arith.constant 19 : i32
      %lt3A_95 = arith.cmpi slt, %scan3A_70, %lt3A_94 : i32
      %convert_element_type3A_96 = arith.extui %lt3A_95 : i1 to i32
      %cond3A_97 = arith.constant 0 : i32
      %cond3A_98 = arith.cmpi ne, %convert_element_type3A_96, %cond3A_97 : i32
      scf.if %cond3A_98 {
        %mul3A_113 = arith.constant 2 : i32
        %mul3A_114 = arith.muli %mul3A_113, %scan3A_70 : i32
        %add3A_115 = arith.constant 2 : i32
        %add3A_116 = arith.addi %mul3A_114, %add3A_115 : i32
        %sub3A_117 = arith.constant 1 : i32
        %sub3A_118 = arith.subi %add3A_33, %sub3A_117 : i32
        %min3A_119 = arith.minsi %add3A_116, %sub3A_118 : i32
        %add3A_120 = arith.addi %add3A_29, %min3A_119 : i32
        %mul3A_121 = arith.constant 128 : i32
        %mul3A_122 = arith.muli %add3A_120, %mul3A_121 : i32
        %dma_start3A_123 = arith.constant 0 : i32
        %dma_start3A_124 = tpu.memref_slice %arg2[%mul3A_122, %dma_start3A_123] : memref<160000x72xf32, #tpu.memory_space<hbm>> -> memref<128x72xf32, #tpu.memory_space<hbm>>
        %dma_start3A_125 = arith.constant 0 : i32
        %dma_start3A_126 = tpu.memref_slice %arg2[%mul3A_122, %dma_start3A_125] : memref<160000x72xf32, #tpu.memory_space<hbm>> -> memref<128x72xf32, #tpu.memory_space<hbm>>
        tpu.enqueue_dma source(%dma_start3A_126 : memref<128x72xf32, #tpu.memory_space<hbm>>) target(%arg6 : memref<128x72xf32, #tpu.memory_space<vmem>>) target_semaphore(%arg10 : memref<!tpu.dma_semaphore, #tpu.memory_space<semaphore_mem>>)
      } else {
      }
      %mul3A_99 = arith.constant 2 : i32
      %mul3A_100 = arith.muli %mul3A_99, %scan3A_70 : i32
      %add3A_101 = arith.constant 1 : i32
      %add3A_102 = arith.addi %mul3A_100, %add3A_101 : i32
      %dma_wait3A_103 = arith.constant 0 : i32
      %dma_wait3A_104 = arith.constant 0 : i32
      %dma_wait3A_105 = tpu.memref_slice %arg2[%dma_wait3A_103, %dma_wait3A_104] : memref<160000x72xf32, #tpu.memory_space<hbm>> -> memref<128x72xf32, #tpu.memory_space<hbm>>
      %dma_wait3A_106 = arith.constant 0 : i32
      %dma_wait3A_107 = arith.constant 0 : i32
      %dma_wait3A_108 = tpu.memref_slice %arg2[%dma_wait3A_106, %dma_wait3A_107] : memref<160000x72xf32, #tpu.memory_space<hbm>> -> memref<128x72xf32, #tpu.memory_space<hbm>>
      tpu.wait_dma2 semaphore(%arg11 : memref<!tpu.dma_semaphore, #tpu.memory_space<semaphore_mem>>) src(%dma_wait3A_108 : memref<128x72xf32, #tpu.memory_space<hbm>>) dst(%arg7 : memref<128x72xf32, #tpu.memory_space<vmem>>)
      %lt3A_109 = arith.cmpi slt, %add3A_102, %add3A_33 : i32
      %convert_element_type3A_110 = arith.extui %lt3A_109 : i1 to i32
      %cond3A_111 = arith.constant 0 : i32
      %cond3A_112 = arith.cmpi ne, %convert_element_type3A_110, %cond3A_111 : i32
      scf.if %cond3A_112 {
        "tpu.region"() ({
          %run_scoped3A = tpu.sem_alloc : memref<!tpu.dma_semaphore, #tpu.memory_space<semaphore_mem>>
          %dma_start3A_113 = arith.constant 0 : i32
          %dma_start3A_114 = tpu.memref_slice %arg5[%add3A_102, %dma_start3A_113] : memref<40x128xi32, #tpu.memory_space<vmem>> -> memref<1x128xi32, #tpu.memory_space<vmem>>
          %dma_start3A_115 = tpu.memref_squeeze %dma_start3A_114 : memref<1x128xi32, #tpu.memory_space<vmem>> -> memref<128xi32, #tpu.memory_space<vmem>>
          %dma_start3A_116 = arith.constant 0 : i32
          %dma_start3A_117 = arith.constant 0 : i32
          %dma_start3A_118 = tpu.memref_slice %arg9[%dma_start3A_116, %dma_start3A_117] : memref<10240x72xf32, #tpu.memory_space<vmem_shared>> -> memref<10240x72xf32, #tpu.memory_space<vmem_shared>>
          tpu.enqueue_indirect_dma source(%arg7 : memref<128x72xf32, #tpu.memory_space<vmem>>) target(%dma_start3A_118 : memref<10240x72xf32, #tpu.memory_space<vmem_shared>>) offsets(%dma_start3A_115 : memref<128xi32, #tpu.memory_space<vmem>>) semaphore(%run_scoped3A : memref<!tpu.dma_semaphore, #tpu.memory_space<semaphore_mem>>) {add = true}
          %dma_wait3A_119 = arith.constant 0 : i32
          %dma_wait3A_120 = tpu.memref_slice %arg5[%add3A_102, %dma_wait3A_119] : memref<40x128xi32, #tpu.memory_space<vmem>> -> memref<1x128xi32, #tpu.memory_space<vmem>>
          %dma_wait3A_121 = tpu.memref_squeeze %dma_wait3A_120 : memref<1x128xi32, #tpu.memory_space<vmem>> -> memref<128xi32, #tpu.memory_space<vmem>>
          %dma_wait3A_122 = arith.constant 0 : i32
          %dma_wait3A_123 = arith.constant 0 : i32
          %dma_wait3A_124 = tpu.memref_slice %arg9[%dma_wait3A_122, %dma_wait3A_123] : memref<10240x72xf32, #tpu.memory_space<vmem_shared>> -> memref<10240x72xf32, #tpu.memory_space<vmem_shared>>
          tpu.wait_indirect_dma semaphore(%run_scoped3A : memref<!tpu.dma_semaphore, #tpu.memory_space<semaphore_mem>>) src(%arg7 : memref<128x72xf32, #tpu.memory_space<vmem>>) dst(%dma_wait3A_124 : memref<10240x72xf32, #tpu.memory_space<vmem_shared>>)
          tpu.yield
        }) : () -> ()
      } else {
      }
    }
    %scan3A_48 = arith.constant 20 : i32
    %barrier3A_49 = arith.constant 0 : index
    tpu.barrier barrier_id(%barrier3A_49)
    %mul3A_50 = arith.constant 640 : i32
    %mul3A_51 = arith.muli %arg1, %mul3A_50 : i32
    %add3A_52 = arith.constant 0 : i32
    %add3A_53 = arith.addi %mul3A_51, %add3A_52 : i32
    "tpu.region"() ({
      %run_scoped3A = tpu.sem_alloc : memref<!tpu.dma_semaphore, #tpu.memory_space<semaphore_mem>>
      %dma_start3A_70 = arith.constant 0 : i32
      %dma_start3A_71 = tpu.memref_slice %arg4[%arg0, %add3A_53, %dma_start3A_70] : memref<2x10240x72xf32, #tpu.memory_space<hbm>> -> memref<1x128x72xf32, #tpu.memory_space<hbm>>
      %dma_start3A_72 = tpu.memref_squeeze %dma_start3A_71 : memref<1x128x72xf32, #tpu.memory_space<hbm>> -> memref<128x72xf32, #tpu.memory_space<hbm>>
      %dma_start3A_73 = arith.constant 0 : i32
      %dma_start3A_74 = tpu.memref_slice %arg9[%add3A_53, %dma_start3A_73] : memref<10240x72xf32, #tpu.memory_space<vmem_shared>> -> memref<128x72xf32, #tpu.memory_space<vmem_shared>>
      tpu.enqueue_dma source(%dma_start3A_74 : memref<128x72xf32, #tpu.memory_space<vmem_shared>>) target(%dma_start3A_72 : memref<128x72xf32, #tpu.memory_space<hbm>>) target_semaphore(%run_scoped3A : memref<!tpu.dma_semaphore, #tpu.memory_space<semaphore_mem>>)
      %dma_wait3A = arith.constant 0 : i32
      %dma_wait3A_75 = tpu.memref_slice %arg4[%arg0, %add3A_53, %dma_wait3A] : memref<2x10240x72xf32, #tpu.memory_space<hbm>> -> memref<1x128x72xf32, #tpu.memory_space<hbm>>
      %dma_wait3A_76 = tpu.memref_squeeze %dma_wait3A_75 : memref<1x128x72xf32, #tpu.memory_space<hbm>> -> memref<128x72xf32, #tpu.memory_space<hbm>>
      %dma_wait3A_77 = arith.constant 0 : i32
      %dma_wait3A_78 = tpu.memref_slice %arg9[%add3A_53, %dma_wait3A_77] : memref<10240x72xf32, #tpu.memory_space<vmem_shared>> -> memref<128x72xf32, #tpu.memory_space<vmem_shared>>
      tpu.wait_dma2 semaphore(%run_scoped3A : memref<!tpu.dma_semaphore, #tpu.memory_space<semaphore_mem>>) src(%dma_wait3A_78 : memref<128x72xf32, #tpu.memory_space<vmem_shared>>) dst(%dma_wait3A_76 : memref<128x72xf32, #tpu.memory_space<hbm>>)
      tpu.yield
    }) : () -> ()
    %mul3A_54 = arith.constant 640 : i32
    %mul3A_55 = arith.muli %arg1, %mul3A_54 : i32
    %add3A_56 = arith.constant 128 : i32
    %add3A_57 = arith.addi %mul3A_55, %add3A_56 : i32
    "tpu.region"() ({
      %run_scoped3A = tpu.sem_alloc : memref<!tpu.dma_semaphore, #tpu.memory_space<semaphore_mem>>
      %dma_start3A_70 = arith.constant 0 : i32
      %dma_start3A_71 = tpu.memref_slice %arg4[%arg0, %add3A_57, %dma_start3A_70] : memref<2x10240x72xf32, #tpu.memory_space<hbm>> -> memref<1x128x72xf32, #tpu.memory_space<hbm>>
      %dma_start3A_72 = tpu.memref_squeeze %dma_start3A_71 : memref<1x128x72xf32, #tpu.memory_space<hbm>> -> memref<128x72xf32, #tpu.memory_space<hbm>>
      %dma_start3A_73 = arith.constant 0 : i32
      %dma_start3A_74 = tpu.memref_slice %arg9[%add3A_57, %dma_start3A_73] : memref<10240x72xf32, #tpu.memory_space<vmem_shared>> -> memref<128x72xf32, #tpu.memory_space<vmem_shared>>
      tpu.enqueue_dma source(%dma_start3A_74 : memref<128x72xf32, #tpu.memory_space<vmem_shared>>) target(%dma_start3A_72 : memref<128x72xf32, #tpu.memory_space<hbm>>) target_semaphore(%run_scoped3A : memref<!tpu.dma_semaphore, #tpu.memory_space<semaphore_mem>>)
      %dma_wait3A = arith.constant 0 : i32
      %dma_wait3A_75 = tpu.memref_slice %arg4[%arg0, %add3A_57, %dma_wait3A] : memref<2x10240x72xf32, #tpu.memory_space<hbm>> -> memref<1x128x72xf32, #tpu.memory_space<hbm>>
      %dma_wait3A_76 = tpu.memref_squeeze %dma_wait3A_75 : memref<1x128x72xf32, #tpu.memory_space<hbm>> -> memref<128x72xf32, #tpu.memory_space<hbm>>
      %dma_wait3A_77 = arith.constant 0 : i32
      %dma_wait3A_78 = tpu.memref_slice %arg9[%add3A_57, %dma_wait3A_77] : memref<10240x72xf32, #tpu.memory_space<vmem_shared>> -> memref<128x72xf32, #tpu.memory_space<vmem_shared>>
      tpu.wait_dma2 semaphore(%run_scoped3A : memref<!tpu.dma_semaphore, #tpu.memory_space<semaphore_mem>>) src(%dma_wait3A_78 : memref<128x72xf32, #tpu.memory_space<vmem_shared>>) dst(%dma_wait3A_76 : memref<128x72xf32, #tpu.memory_space<hbm>>)
      tpu.yield
    }) : () -> ()
    %mul3A_58 = arith.constant 640 : i32
    %mul3A_59 = arith.muli %arg1, %mul3A_58 : i32
    %add3A_60 = arith.constant 256 : i32
    %add3A_61 = arith.addi %mul3A_59, %add3A_60 : i32
    "tpu.region"() ({
      %run_scoped3A = tpu.sem_alloc : memref<!tpu.dma_semaphore, #tpu.memory_space<semaphore_mem>>
      %dma_start3A_70 = arith.constant 0 : i32
      %dma_start3A_71 = tpu.memref_slice %arg4[%arg0, %add3A_61, %dma_start3A_70] : memref<2x10240x72xf32, #tpu.memory_space<hbm>> -> memref<1x128x72xf32, #tpu.memory_space<hbm>>
      %dma_start3A_72 = tpu.memref_squeeze %dma_start3A_71 : memref<1x128x72xf32, #tpu.memory_space<hbm>> -> memref<128x72xf32, #tpu.memory_space<hbm>>
      %dma_start3A_73 = arith.constant 0 : i32
      %dma_start3A_74 = tpu.memref_slice %arg9[%add3A_61, %dma_start3A_73] : memref<10240x72xf32, #tpu.memory_space<vmem_shared>> -> memref<128x72xf32, #tpu.memory_space<vmem_shared>>
      tpu.enqueue_dma source(%dma_start3A_74 : memref<128x72xf32, #tpu.memory_space<vmem_shared>>) target(%dma_start3A_72 : memref<128x72xf32, #tpu.memory_space<hbm>>) target_semaphore(%run_scoped3A : memref<!tpu.dma_semaphore, #tpu.memory_space<semaphore_mem>>)
      %dma_wait3A = arith.constant 0 : i32
      %dma_wait3A_75 = tpu.memref_slice %arg4[%arg0, %add3A_61, %dma_wait3A] : memref<2x10240x72xf32, #tpu.memory_space<hbm>> -> memref<1x128x72xf32, #tpu.memory_space<hbm>>
      %dma_wait3A_76 = tpu.memref_squeeze %dma_wait3A_75 : memref<1x128x72xf32, #tpu.memory_space<hbm>> -> memref<128x72xf32, #tpu.memory_space<hbm>>
      %dma_wait3A_77 = arith.constant 0 : i32
      %dma_wait3A_78 = tpu.memref_slice %arg9[%add3A_61, %dma_wait3A_77] : memref<10240x72xf32, #tpu.memory_space<vmem_shared>> -> memref<128x72xf32, #tpu.memory_space<vmem_shared>>
      tpu.wait_dma2 semaphore(%run_scoped3A : memref<!tpu.dma_semaphore, #tpu.memory_space<semaphore_mem>>) src(%dma_wait3A_78 : memref<128x72xf32, #tpu.memory_space<vmem_shared>>) dst(%dma_wait3A_76 : memref<128x72xf32, #tpu.memory_space<hbm>>)
      tpu.yield
    }) : () -> ()
    %mul3A_62 = arith.constant 640 : i32
    %mul3A_63 = arith.muli %arg1, %mul3A_62 : i32
    %add3A_64 = arith.constant 384 : i32
    %add3A_65 = arith.addi %mul3A_63, %add3A_64 : i32
    "tpu.region"() ({
      %run_scoped3A = tpu.sem_alloc : memref<!tpu.dma_semaphore, #tpu.memory_space<semaphore_mem>>
      %dma_start3A_70 = arith.constant 0 : i32
      %dma_start3A_71 = tpu.memref_slice %arg4[%arg0, %add3A_65, %dma_start3A_70] : memref<2x10240x72xf32, #tpu.memory_space<hbm>> -> memref<1x128x72xf32, #tpu.memory_space<hbm>>
      %dma_start3A_72 = tpu.memref_squeeze %dma_start3A_71 : memref<1x128x72xf32, #tpu.memory_space<hbm>> -> memref<128x72xf32, #tpu.memory_space<hbm>>
      %dma_start3A_73 = arith.constant 0 : i32
      %dma_start3A_74 = tpu.memref_slice %arg9[%add3A_65, %dma_start3A_73] : memref<10240x72xf32, #tpu.memory_space<vmem_shared>> -> memref<128x72xf32, #tpu.memory_space<vmem_shared>>
      tpu.enqueue_dma source(%dma_start3A_74 : memref<128x72xf32, #tpu.memory_space<vmem_shared>>) target(%dma_start3A_72 : memref<128x72xf32, #tpu.memory_space<hbm>>) target_semaphore(%run_scoped3A : memref<!tpu.dma_semaphore, #tpu.memory_space<semaphore_mem>>)
      %dma_wait3A = arith.constant 0 : i32
      %dma_wait3A_75 = tpu.memref_slice %arg4[%arg0, %add3A_65, %dma_wait3A] : memref<2x10240x72xf32, #tpu.memory_space<hbm>> -> memref<1x128x72xf32, #tpu.memory_space<hbm>>
      %dma_wait3A_76 = tpu.memref_squeeze %dma_wait3A_75 : memref<1x128x72xf32, #tpu.memory_space<hbm>> -> memref<128x72xf32, #tpu.memory_space<hbm>>
      %dma_wait3A_77 = arith.constant 0 : i32
      %dma_wait3A_78 = tpu.memref_slice %arg9[%add3A_65, %dma_wait3A_77] : memref<10240x72xf32, #tpu.memory_space<vmem_shared>> -> memref<128x72xf32, #tpu.memory_space<vmem_shared>>
      tpu.wait_dma2 semaphore(%run_scoped3A : memref<!tpu.dma_semaphore, #tpu.memory_space<semaphore_mem>>) src(%dma_wait3A_78 : memref<128x72xf32, #tpu.memory_space<vmem_shared>>) dst(%dma_wait3A_76 : memref<128x72xf32, #tpu.memory_space<hbm>>)
      tpu.yield
    }) : () -> ()
    %mul3A_66 = arith.constant 640 : i32
    %mul3A_67 = arith.muli %arg1, %mul3A_66 : i32
    %add3A_68 = arith.constant 512 : i32
    %add3A_69 = arith.addi %mul3A_67, %add3A_68 : i32
    "tpu.region"() ({
      %run_scoped3A = tpu.sem_alloc : memref<!tpu.dma_semaphore, #tpu.memory_space<semaphore_mem>>
      %dma_start3A_70 = arith.constant 0 : i32
      %dma_start3A_71 = tpu.memref_slice %arg4[%arg0, %add3A_69, %dma_start3A_70] : memref<2x10240x72xf32, #tpu.memory_space<hbm>> -> memref<1x128x72xf32, #tpu.memory_space<hbm>>
      %dma_start3A_72 = tpu.memref_squeeze %dma_start3A_71 : memref<1x128x72xf32, #tpu.memory_space<hbm>> -> memref<128x72xf32, #tpu.memory_space<hbm>>
      %dma_start3A_73 = arith.constant 0 : i32
      %dma_start3A_74 = tpu.memref_slice %arg9[%add3A_69, %dma_start3A_73] : memref<10240x72xf32, #tpu.memory_space<vmem_shared>> -> memref<128x72xf32, #tpu.memory_space<vmem_shared>>
      tpu.enqueue_dma source(%dma_start3A_74 : memref<128x72xf32, #tpu.memory_space<vmem_shared>>) target(%dma_start3A_72 : memref<128x72xf32, #tpu.memory_space<hbm>>) target_semaphore(%run_scoped3A : memref<!tpu.dma_semaphore, #tpu.memory_space<semaphore_mem>>)
      %dma_wait3A = arith.constant 0 : i32
      %dma_wait3A_75 = tpu.memref_slice %arg4[%arg0, %add3A_69, %dma_wait3A] : memref<2x10240x72xf32, #tpu.memory_space<hbm>> -> memref<1x128x72xf32, #tpu.memory_space<hbm>>
      %dma_wait3A_76 = tpu.memref_squeeze %dma_wait3A_75 : memref<1x128x72xf32, #tpu.memory_space<hbm>> -> memref<128x72xf32, #tpu.memory_space<hbm>>
      %dma_wait3A_77 = arith.constant 0 : i32
      %dma_wait3A_78 = tpu.memref_slice %arg9[%add3A_69, %dma_wait3A_77] : memref<10240x72xf32, #tpu.memory_space<vmem_shared>> -> memref<128x72xf32, #tpu.memory_space<vmem_shared>>
      tpu.wait_dma2 semaphore(%run_scoped3A : memref<!tpu.dma_semaphore, #tpu.memory_space<semaphore_mem>>) src(%dma_wait3A_78 : memref<128x72xf32, #tpu.memory_space<vmem_shared>>) dst(%dma_wait3A_76 : memref<128x72xf32, #tpu.memory_space<hbm>>)
      tpu.yield
    }) : () -> ()
    return
  }
}

module attributes {stable_mosaic.version = 14 : i64} {
  func.func @_edge_block_kernel(%arg0: i32, %arg1: memref<4000x40xf32, #tpu.memory_space<vmem>>, %arg2: memref<4000x40xf32, #tpu.memory_space<vmem>>, %arg3: memref<4000x4xf32, #tpu.memory_space<vmem>>, %arg4: memref<64x64xf32, #tpu.memory_space<vmem>>, %arg5: memref<1x64xf32, #tpu.memory_space<vmem>>, %arg6: memref<64x64xf32, #tpu.memory_space<vmem>>, %arg7: memref<1x64xf32, #tpu.memory_space<vmem>>, %arg8: memref<1x64xf32, #tpu.memory_space<vmem>>, %arg9: memref<5x64xf32, #tpu.memory_space<vmem>>, %arg10: memref<4000x72xf32, #tpu.memory_space<vmem>>) attributes {dimension_semantics = [#tpu.dimension_semantics<arbitrary>], iteration_bounds = array<i64: 40>, scalar_prefetch = 0 : i64, scratch_operands = 0 : i64, tpu.core_type = #tpu.core_type<tc>, window_params = [{transform_indices = @transform_0, window_bounds = array<i64: 4000, 40>}, {transform_indices = @transform_1, window_bounds = array<i64: 4000, 40>}, {transform_indices = @transform_2, window_bounds = array<i64: 4000, 4>}, {pipeline_mode = #tpu.pipeline_mode<synchronous>, transform_indices = @transform_3, window_bounds = array<i64: 64, 64>}, {pipeline_mode = #tpu.pipeline_mode<synchronous>, transform_indices = @transform_4, window_bounds = array<i64: 1, 64>}, {pipeline_mode = #tpu.pipeline_mode<synchronous>, transform_indices = @transform_5, window_bounds = array<i64: 64, 64>}, {pipeline_mode = #tpu.pipeline_mode<synchronous>, transform_indices = @transform_6, window_bounds = array<i64: 1, 64>}, {pipeline_mode = #tpu.pipeline_mode<synchronous>, transform_indices = @transform_7, window_bounds = array<i64: 1, 64>}, {pipeline_mode = #tpu.pipeline_mode<synchronous>, transform_indices = @transform_8, window_bounds = array<i64: 5, 64>}, {transform_indices = @transform_9, window_bounds = array<i64: 4000, 72>}]} {
    %get3A = arith.constant 0 : index
    %get3A_0 = arith.constant 0 : index
    %get3A_1 = vector.load %arg1[%get3A, %get3A_0] : memref<4000x40xf32, #tpu.memory_space<vmem>>, vector<4000x40xf32>
    %get3A_2 = arith.constant 0 : index
    %get3A_3 = arith.constant 0 : index
    %get3A_4 = vector.load %arg2[%get3A_2, %get3A_3] : memref<4000x40xf32, #tpu.memory_space<vmem>>, vector<4000x40xf32>
    %slice3A = vector.extract_strided_slice %get3A_1 {offsets = [0, 0], sizes = [4000, 32], strides = [1, 1]} : vector<4000x40xf32> to vector<4000x32xf32>
    %bitcast_convert_type3A = tpu.bitcast %slice3A : vector<4000x32xf32> -> vector<4000x32xi32>
    %and3A = arith.constant -65536 : i32
    %and3A_5 = vector.broadcast %and3A : i32 to vector<4000x32xi32>
    %and3A_6 = arith.andi %bitcast_convert_type3A, %and3A_5 : vector<4000x32xi32>
    %bitcast_convert_type3A_7 = tpu.bitcast %and3A_6 : vector<4000x32xi32> -> vector<4000x32xf32>
    %shift_left3A = arith.constant 16 : i32
    %shift_left3A_8 = vector.broadcast %shift_left3A : i32 to vector<4000x32xi32>
    %shift_left3A_9 = arith.shli %bitcast_convert_type3A, %shift_left3A_8 : vector<4000x32xi32>
    %bitcast_convert_type3A_10 = tpu.bitcast %shift_left3A_9 : vector<4000x32xi32> -> vector<4000x32xf32>
    %slice3A_11 = vector.extract_strided_slice %get3A_4 {offsets = [0, 0], sizes = [4000, 32], strides = [1, 1]} : vector<4000x40xf32> to vector<4000x32xf32>
    %bitcast_convert_type3A_12 = tpu.bitcast %slice3A_11 : vector<4000x32xf32> -> vector<4000x32xi32>
    %and3A_13 = arith.constant -65536 : i32
    %and3A_14 = vector.broadcast %and3A_13 : i32 to vector<4000x32xi32>
    %and3A_15 = arith.andi %bitcast_convert_type3A_12, %and3A_14 : vector<4000x32xi32>
    %bitcast_convert_type3A_16 = tpu.bitcast %and3A_15 : vector<4000x32xi32> -> vector<4000x32xf32>
    %shift_left3A_17 = arith.constant 16 : i32
    %shift_left3A_18 = vector.broadcast %shift_left3A_17 : i32 to vector<4000x32xi32>
    %shift_left3A_19 = arith.shli %bitcast_convert_type3A_12, %shift_left3A_18 : vector<4000x32xi32>
    %bitcast_convert_type3A_20 = tpu.bitcast %shift_left3A_19 : vector<4000x32xi32> -> vector<4000x32xf32>
    %add3A = arith.addf %bitcast_convert_type3A_7, %bitcast_convert_type3A_16 : vector<4000x32xf32>
    %add3A_21 = arith.addf %bitcast_convert_type3A_10, %bitcast_convert_type3A_20 : vector<4000x32xf32>
    %concatenate3A = tpu.concatenate %add3A, %add3A_21 in 1 : vector<4000x32xf32>, vector<4000x32xf32> -> vector<4000x64xf32>
    %slice3A_22 = vector.extract_strided_slice %get3A_1 {offsets = [0, 32], sizes = [4000, 3], strides = [1, 1]} : vector<4000x40xf32> to vector<4000x3xf32>
    %slice3A_23 = vector.extract_strided_slice %get3A_4 {offsets = [0, 32], sizes = [4000, 3], strides = [1, 1]} : vector<4000x40xf32> to vector<4000x3xf32>
    %sub3A = arith.subf %slice3A_22, %slice3A_23 : vector<4000x3xf32>
    %mul3A = arith.mulf %sub3A, %sub3A : vector<4000x3xf32>
    %reduce_sum3A = arith.constant dense<0.000000e+00> : vector<4000xf32>
    %reduce_sum3A_24 = vector.multi_reduction <add>, %mul3A, %reduce_sum3A [1] : vector<4000x3xf32> to vector<4000xf32>
    %broadcast_in_dim3A = vector.shape_cast %reduce_sum3A_24 : vector<4000xf32> to vector<4000x1xf32>
    %get3A_25 = arith.constant 0 : index
    %get3A_26 = arith.constant 0 : index
    %get3A_27 = vector.load %arg3[%get3A_25, %get3A_26] : memref<4000x4xf32, #tpu.memory_space<vmem>>, vector<4000x4xf32>
    %concatenate3A_28 = tpu.concatenate %get3A_27, %broadcast_in_dim3A in 1 : vector<4000x4xf32>, vector<4000x1xf32> -> vector<4000x5xf32>
    %get3A_29 = arith.constant 0 : index
    %get3A_30 = arith.constant 0 : index
    %get3A_31 = vector.load %arg9[%get3A_29, %get3A_30] : memref<5x64xf32, #tpu.memory_space<vmem>>, vector<5x64xf32>
    %dot_general3A = arith.constant dense<0.000000e+00> : vector<4000x64xf32>
    %dot_general3A_32 = tpu.matmul %concatenate3A_28, %get3A_31, %dot_general3A {dimension_numbers = #tpu.dot_dimension_numbers<[1], [0], [0], [1], [0, 0, 1, 1], [], []>, transpose_lhs_hint = false} : vector<4000x5xf32>, vector<5x64xf32>, vector<4000x64xf32> -> vector<4000x64xf32>
    %add3A_33 = arith.addf %concatenate3A, %dot_general3A_32 : vector<4000x64xf32>
    %logistic3A = arith.negf %add3A_33 : vector<4000x64xf32>
    %logistic3A_34 = math.exp %logistic3A : vector<4000x64xf32>
    %logistic3A_35 = arith.constant 1.000000e+00 : f32
    %logistic3A_36 = vector.broadcast %logistic3A_35 : f32 to vector<4000x64xf32>
    %logistic3A_37 = arith.addf %logistic3A_36, %logistic3A_34 : vector<4000x64xf32>
    %logistic3A_38 = arith.divf %logistic3A_36, %logistic3A_37 : vector<4000x64xf32>
    %mul3A_39 = arith.mulf %add3A_33, %logistic3A_38 : vector<4000x64xf32>
    %get3A_40 = arith.constant 0 : index
    %get3A_41 = arith.constant 0 : index
    %get3A_42 = vector.load %arg4[%get3A_40, %get3A_41] : memref<64x64xf32, #tpu.memory_space<vmem>>, vector<64x64xf32>
    %dot_general3A_43 = arith.constant dense<0.000000e+00> : vector<4000x64xf32>
    %dot_general3A_44 = tpu.matmul %mul3A_39, %get3A_42, %dot_general3A_43 {dimension_numbers = #tpu.dot_dimension_numbers<[1], [0], [0], [1], [0, 0, 1, 1], [], []>, transpose_lhs_hint = false} : vector<4000x64xf32>, vector<64x64xf32>, vector<4000x64xf32> -> vector<4000x64xf32>
    %get3A_45 = arith.constant 0 : index
    %get3A_46 = arith.constant 0 : index
    %get3A_47 = vector.load %arg5[%get3A_45, %get3A_46] : memref<1x64xf32, #tpu.memory_space<vmem>>, vector<1x64xf32>
    %add3A_48 = vector.broadcast %get3A_47 : vector<1x64xf32> to vector<4000x64xf32>
    %add3A_49 = arith.addf %dot_general3A_44, %add3A_48 : vector<4000x64xf32>
    %logistic3A_50 = arith.negf %add3A_49 : vector<4000x64xf32>
    %logistic3A_51 = math.exp %logistic3A_50 : vector<4000x64xf32>
    %logistic3A_52 = arith.constant 1.000000e+00 : f32
    %logistic3A_53 = vector.broadcast %logistic3A_52 : f32 to vector<4000x64xf32>
    %logistic3A_54 = arith.addf %logistic3A_53, %logistic3A_51 : vector<4000x64xf32>
    %logistic3A_55 = arith.divf %logistic3A_53, %logistic3A_54 : vector<4000x64xf32>
    %mul3A_56 = arith.mulf %add3A_49, %logistic3A_55 : vector<4000x64xf32>
    %get3A_57 = arith.constant 0 : index
    %get3A_58 = arith.constant 0 : index
    %get3A_59 = vector.load %arg6[%get3A_57, %get3A_58] : memref<64x64xf32, #tpu.memory_space<vmem>>, vector<64x64xf32>
    %dot_general3A_60 = arith.constant dense<0.000000e+00> : vector<4000x64xf32>
    %dot_general3A_61 = tpu.matmul %mul3A_56, %get3A_59, %dot_general3A_60 {dimension_numbers = #tpu.dot_dimension_numbers<[1], [0], [0], [1], [0, 0, 1, 1], [], []>, transpose_lhs_hint = false} : vector<4000x64xf32>, vector<64x64xf32>, vector<4000x64xf32> -> vector<4000x64xf32>
    %get3A_62 = arith.constant 0 : index
    %get3A_63 = arith.constant 0 : index
    %get3A_64 = vector.load %arg7[%get3A_62, %get3A_63] : memref<1x64xf32, #tpu.memory_space<vmem>>, vector<1x64xf32>
    %add3A_65 = vector.broadcast %get3A_64 : vector<1x64xf32> to vector<4000x64xf32>
    %add3A_66 = arith.addf %dot_general3A_61, %add3A_65 : vector<4000x64xf32>
    %logistic3A_67 = arith.negf %add3A_66 : vector<4000x64xf32>
    %logistic3A_68 = math.exp %logistic3A_67 : vector<4000x64xf32>
    %logistic3A_69 = arith.constant 1.000000e+00 : f32
    %logistic3A_70 = vector.broadcast %logistic3A_69 : f32 to vector<4000x64xf32>
    %logistic3A_71 = arith.addf %logistic3A_70, %logistic3A_68 : vector<4000x64xf32>
    %logistic3A_72 = arith.divf %logistic3A_70, %logistic3A_71 : vector<4000x64xf32>
    %mul3A_73 = arith.mulf %add3A_66, %logistic3A_72 : vector<4000x64xf32>
    %get3A_74 = arith.constant 0 : index
    %get3A_75 = arith.constant 0 : index
    %get3A_76 = vector.load %arg8[%get3A_74, %get3A_75] : memref<1x64xf32, #tpu.memory_space<vmem>>, vector<1x64xf32>
    %mul3A_77 = vector.broadcast %get3A_76 : vector<1x64xf32> to vector<4000x64xf32>
    %mul3A_78 = arith.mulf %mul3A_73, %mul3A_77 : vector<4000x64xf32>
    %reduce_sum3A_79 = arith.constant dense<0.000000e+00> : vector<4000xf32>
    %reduce_sum3A_80 = vector.multi_reduction <add>, %mul3A_78, %reduce_sum3A_79 [1] : vector<4000x64xf32> to vector<4000xf32>
    %broadcast_in_dim3A_81 = vector.shape_cast %reduce_sum3A_80 : vector<4000xf32> to vector<4000x1xf32>
    %mul3A_82 = vector.broadcast %broadcast_in_dim3A_81 : vector<4000x1xf32> to vector<4000x3xf32>
    %mul3A_83 = arith.mulf %sub3A, %mul3A_82 : vector<4000x3xf32>
    %broadcast_in_dim3A_84 = arith.constant 1.000000e+00 : f32
    %broadcast_in_dim3A_85 = vector.broadcast %broadcast_in_dim3A_84 : f32 to vector<4000x1xf32>
    %broadcast_in_dim3A_86 = arith.constant 0.000000e+00 : f32
    %broadcast_in_dim3A_87 = vector.broadcast %broadcast_in_dim3A_86 : f32 to vector<4000x4xf32>
    %concatenate3A_88 = tpu.concatenate %mul3A_56, %mul3A_83, %broadcast_in_dim3A_85, %broadcast_in_dim3A_87 in 1 : vector<4000x64xf32>, vector<4000x3xf32>, vector<4000x1xf32>, vector<4000x4xf32> -> vector<4000x72xf32>
    %swap3A = arith.constant 0 : index
    %swap3A_89 = arith.constant 0 : index
    %swap3A_90 = vector.load %arg10[%swap3A, %swap3A_89] : memref<4000x72xf32, #tpu.memory_space<vmem>>, vector<4000x72xf32>
    tpu.vector_store %arg10[%swap3A, %swap3A_89], %concatenate3A_88 {strides = array<i32>} : memref<4000x72xf32, #tpu.memory_space<vmem>>, vector<4000x72xf32>,
    return
  }
  func.func @transform_0(%arg0: i32) -> (i32, i32) {
    %c0_i32 = arith.constant 0 : i32
    %c0_i32_0 = arith.constant 0 : i32
    return %arg0, %c0_i32 : i32, i32
  }
  func.func @transform_1(%arg0: i32) -> (i32, i32) {
    %c0_i32 = arith.constant 0 : i32
    %c0_i32_0 = arith.constant 0 : i32
    return %arg0, %c0_i32 : i32, i32
  }
  func.func @transform_2(%arg0: i32) -> (i32, i32) {
    %c0_i32 = arith.constant 0 : i32
    %c0_i32_0 = arith.constant 0 : i32
    return %arg0, %c0_i32 : i32, i32
  }
  func.func @transform_3(%arg0: i32) -> (i32, i32) {
    %c0_i32 = arith.constant 0 : i32
    %c0_i32_0 = arith.constant 0 : i32
    %c0_i32_1 = arith.constant 0 : i32
    return %c0_i32, %c0_i32_0 : i32, i32
  }
  func.func @transform_4(%arg0: i32) -> (i32, i32) {
    %c0_i32 = arith.constant 0 : i32
    %c0_i32_0 = arith.constant 0 : i32
    %c0_i32_1 = arith.constant 0 : i32
    return %c0_i32, %c0_i32_0 : i32, i32
  }
  func.func @transform_5(%arg0: i32) -> (i32, i32) {
    %c0_i32 = arith.constant 0 : i32
    %c0_i32_0 = arith.constant 0 : i32
    %c0_i32_1 = arith.constant 0 : i32
    return %c0_i32, %c0_i32_0 : i32, i32
  }
  func.func @transform_6(%arg0: i32) -> (i32, i32) {
    %c0_i32 = arith.constant 0 : i32
    %c0_i32_0 = arith.constant 0 : i32
    %c0_i32_1 = arith.constant 0 : i32
    return %c0_i32, %c0_i32_0 : i32, i32
  }
  func.func @transform_7(%arg0: i32) -> (i32, i32) {
    %c0_i32 = arith.constant 0 : i32
    %c0_i32_0 = arith.constant 0 : i32
    %c0_i32_1 = arith.constant 0 : i32
    return %c0_i32, %c0_i32_0 : i32, i32
  }
  func.func @transform_8(%arg0: i32) -> (i32, i32) {
    %c0_i32 = arith.constant 0 : i32
    %c0_i32_0 = arith.constant 0 : i32
    %c0_i32_1 = arith.constant 0 : i32
    return %c0_i32, %c0_i32_0 : i32, i32
  }
  func.func @transform_9(%arg0: i32) -> (i32, i32) {
    %c0_i32 = arith.constant 0 : i32
    %c0_i32_0 = arith.constant 0 : i32
    return %arg0, %c0_i32 : i32, i32
  }
}

</mosaic_0001>

<sc_bundles>
// kernel: kernel.14.cloned.1.call-start
scs
__scs_entry_jumppad:
0x0: {  	(pc) =	sbr.rel $0x88, $3  }
0x1: {  	(tag) =	ssettag $0x0;
	lr =	simm.s32 $0x1  }
0x2: {  	[smem:$0x3F5B] =	sst lr;
	_ =	strace $0xD0000000  }
0x3: {  	_ = 	snop  }
0x4: {  	_ = 	snop  }
0x5: {  	_ = 	snop  }
0x6: {  	_ = 	snop  }
0x7: {  	_ = 	snop  }
__scs_overlays_trampoline_lowered:
0x8: {  	[smem:$0x3F6A] =	sst s0  }
0x9: {  	[smem:$0x3F6B] =	sst s1  }
0xa: {  	[smem:$0x3F6C] =	sst s2  }
0xb: {  	[smem:$0x3F6D] =	sst s3  }
0xc: {  	[smem:$0x3F6E] =	sst s4  }
0xd: {  	[smem:$0x3F6F] =	sst s5  }
0xe: {  	[smem:$0x3F70] =	sst s6  }
0xf: {  	[smem:$0x3F71] =	sst s7  }
0x10: {  	[smem:$0x3F72] =	sst s8  }
0x11: {  	[smem:$0x3F73] =	sst s9;
	s0 =	simm.s32 @!p0 $0x0  }
0x12: {  	s1 =	sld [smem:$0x3F59];
	s0 =	simm.s32 @p0 $0x1  }
0x13: {  	[smem:$0x3F74] =	sst s0;
	s0 =	simm.s32 @!p1 $0x0  }
0x14: {  	s2 =	sld [smem:$0x3F58];
	s0 =	simm.s32 @p1 $0x1  }
0x15: {  	[smem:$0x3F75] =	sst s0;
	s0 =	simm.s32 @!p2 $0x0  }
0x16: {  	s3 =	sld [smem:$0x3FDB];
	s0 =	simm.s32 @p2 $0x1  }
0x17: {  	s4 =	simm.s32 $0x1BF5;
	[smem:$0x3F77] =	sst s0  }
0x18: {  	s0 =	sld [smem:$0x3F5A];
	_ =	swait.ge [sflag:s4], $0x0  }
0x19: {  	s7 =	sld [smem:$0x3F5B]  }
0x1a: {  	s8 =	sadd.s32 $0xFFFFE003, lr  }
0x1b: {  	s9 =	sadd.s32 $0xFFFFFEF7, lr;
	s5 =	simm.s32 $0xFFFFFFFF;
	p2 =	slt.u32 s8, $0xFFFFF086  }
0x1c: {  	p1 =	slt.u32 s9, $0xF7A;
	s5 =	simm.s32 @!p2 $0x0  }
0x1d: {  	s5 =	simm.s32 @p1 $0x1;
	p0 =	seq.s32 s7, s2  }
0x1e: {  	s7 =	smul.u32 @!p0 $0xF7A, s2;
	p2 =	seq.s32 @!p0 s5, $0x0  }
0x1f: {  	s9 =	smul.u32 $0xF7A, s1;
	s8 =	simm.s32 @!p0 $0x1BF5;
	p2 =	por !p2, p0  }
0x20: {  	[sflag:s8] =	ssyncset.s32 @!p0 $0xFFFFF086;
	s6 =	sadd.s32 @!p0 s3, s7;
	s7 =	simm.s32 @!p0 $0x108  }
0x21: {  	s3 =	sadd.s32 s3, s9;
	s6 =	sadd.s32 @!p0 $0x88, s6;
	s7 =	simm.s32 @p2 $0x1082  }
0x22: {  	[simem:s7], [sflag:s8] =	dma.local @!p0 [hbm:s6], $0xF7A  }
0x23: {  	s9 =	sor.u32 $0xD0000000, s2;
	s6 =	simm.s32 $0x108;
	_ =	swait.ge @!p0 [sflag:s8], $0x0  }
0x24: {  	s3 =	sadd.s32 $0x88, s3;
	s6 =	simm.s32 @!p1 $0x1082;
	[sflag:s4] =	ssyncset.s32 $0xFFFFF086  }
0x25: {  	[simem:s6], [sflag:s4] =	dma.local [hbm:s3], $0xF7A  }
0x26: {  	[smem:$0x3F5B] =	sst s1;
	(tag) =	ssettag s2;
	_ =	strace s9  }
0x27: {  	s1 =	sld [smem:$0x3F6B]  }
0x28: {  	s2 =	sld [smem:$0x3F6C]  }
0x29: {  	s4 =	sld [smem:$0x3F6E]  }
0x2a: {  	p0 =	seq.s32 s5, $0x0;
	s5 =	sld [smem:$0x3F6F]  }
0x2b: {  	s6 =	sld [smem:$0x3F70]  }
0x2c: {  	s7 =	sld [smem:$0x3F71]  }
0x2d: {  	s3 =	simm.s32 $0x108;
	s8 =	sld [smem:$0x3F72]  }
0x2e: {  	s3 =	simm.s32 @!p0 $0x1082;
	s9 =	sld [smem:$0x3F73]  }
0x2f: {  	lr =	sadd.s32 s0, s3;
	s0 =	sld [smem:$0x3F6A]  }
0x30: {  	s3 =	sld [smem:$0x3F6D]  }
0x31: {  	[smem:$0x3F76] =	sst s10  }
0x32: {  	s10 =	sld [smem:$0x3F74];
	_ =	sdelay $0x3  }
0x33: {  	p0 =	seq.s32 s10, $0x1;
	s10 =	sld [smem:$0x3F76];
	_ =	sdelay $0x3  }
0x34: {  	[smem:$0x3F76] =	sst s10  }
0x35: {  	s10 =	sld [smem:$0x3F75];
	_ =	sdelay $0x3  }
0x36: {  	p1 =	seq.s32 s10, $0x1;
	s10 =	sld [smem:$0x3F76];
	_ =	sdelay $0x3  }
0x37: {  	[smem:$0x3F76] =	sst s10  }
0x38: {  	s10 =	sld [smem:$0x3F77]  }
0x39: {  	_ = 	snop;
	(pc) =	sbr.ind lr, $3  }
0x3a: {  	_ = 	snop  }
0x3b: {  	_ = 	snop  }
0x3c: {  	p2 =	seq.s32 s10, $0x1;
	s10 =	sld [smem:$0x3F76]  }
0x3d: {  	_ =	shalt  }
0x3e: {  	_ =	shalt  }
0x3f: {  	_ =	shalt  }
0x40: {  	_ =	shalt  }
0x41: {  	_ =	shalt  }
0x42: {  	_ =	shalt  }
0x43: {  	_ =	shalt  }
0x44: {  	_ =	shalt  }
0x45: {  	_ =	shalt  }
0x46: {  	_ =	shalt  }
0x47: {  	_ =	shalt  }
0x48: {  	_ =	shalt  }
0x49: {  	_ =	shalt  }
0x4a: {  	_ =	shalt  }
0x4b: {  	_ =	shalt  }
0x4c: {  	_ =	shalt  }
0x4d: {  	_ =	shalt  }
0x4e: {  	_ =	shalt  }
0x4f: {  	_ =	shalt  }
0x50: {  	_ =	shalt  }
0x51: {  	_ =	shalt  }
0x52: {  	_ =	shalt  }
0x53: {  	_ =	shalt  }
0x54: {  	_ =	shalt  }
0x55: {  	_ =	shalt  }
0x56: {  	_ =	shalt  }
0x57: {  	_ =	shalt  }
0x58: {  	_ =	shalt  }
0x59: {  	_ =	shalt  }
0x5a: {  	_ =	shalt  }
0x5b: {  	_ =	shalt  }
0x5c: {  	_ =	shalt  }
0x5d: {  	_ =	shalt  }
0x5e: {  	_ =	shalt  }
0x5f: {  	_ =	shalt  }
0x60: {  	_ =	shalt  }
0x61: {  	_ =	shalt  }
0x62: {  	_ =	shalt  }
0x63: {  	_ =	shalt  }
0x64: {  	_ =	shalt  }
0x65: {  	_ =	shalt  }
0x66: {  	_ =	shalt  }
0x67: {  	_ =	shalt  }
0x68: {  	_ =	shalt  }
0x69: {  	_ =	shalt  }
0x6a: {  	_ =	shalt  }
0x6b: {  	_ =	shalt  }
0x6c: {  	_ =	shalt  }
0x6d: {  	_ =	shalt  }
0x6e: {  	_ =	shalt  }
0x6f: {  	_ =	shalt  }
0x70: {  	_ =	shalt  }
0x71: {  	_ =	shalt  }
0x72: {  	_ =	shalt  }
0x73: {  	_ =	shalt  }
0x74: {  	_ =	shalt  }
0x75: {  	_ =	shalt  }
0x76: {  	_ =	shalt  }
0x77: {  	_ =	shalt  }
0x78: {  	_ =	shalt  }
0x79: {  	_ =	shalt  }
0x7a: {  	_ =	shalt  }
0x7b: {  	_ =	shalt  }
0x7c: {  	_ =	shalt  }
0x7d: {  	_ =	shalt  }
0x7e: {  	_ =	shalt  }
0x7f: {  	_ =	shalt  }
0x80: {  	_ =	shalt  }
0x81: {  	_ =	shalt  }
0x82: {  	_ =	shalt  }
0x83: {  	_ =	shalt  }
0x84: {  	_ =	shalt  }
0x85: {  	_ =	shalt  }
0x86: {  	_ =	shalt  }
0x87: {  	_ =	shalt  }
.Lfunc_end0:
.L_simem_size_0:
called_computation_lowered:
.L_overlay_start_0:
0x88: {  	s2 =	sld [smem:$0x3FD9]  }
0x89: {  	s3 =	sld [smem:$0x3FFE];
	_ =	sdelay $0x1  }
0x8a: {  	s1 =	srdreg.scid  }
0x8b: {  	s0 =	sand.u32 $0x1, s1  }
0x8c: {  	s16 =	sshll.u32 s0, $0xA;
	s2 =	sadd.s32 s3, s2  }
0x8d: {  	s2 =	sadd.s32 s2, s16  }
0x8e: {  	[smem:$0x3F82] =	sst s2  }
0x8f: {  	_ = 	snop  }
0x90: {  	(tm) =	ssettm $0x1  }
0x91: {  	s17 =	sld [smem:$0x3FFB];
	_ =	sdelay $0x3  }
0x92: {  	_ =	strace s17  }
0x93: {  	s2 =	sld [smem:$0x3FFC];
	_ =	sdelay $0x3  }
0x94: {  	_ =	strace s2  }
0x95: {  	s2 =	sld [smem:$0x3FFD];
	_ =	sdelay $0x3  }
0x96: {  	_ =	strace s2  }
0x97: {  	_ =	strace $0x8FFFFFFF  }
0x98: {  	s18 =	sld [smem:$0x3FDB];
	_ =	sdelay $0x1  }
0x99: {  	s19 =	simm.s32 $_scs_section_size  }
0x9a: {  	s4 =	simm.s32 $_size__tile_overlayer_lowered;
	s5 =	simm.s32 $_tile_overlayer_lowered  }
0x9b: {  	s22 =	simm.s32 $0x1BFF;
	s21 =	sshll.u32 s5, $0x1;
	s2 =	sadd.s32 s19, s18  }
0x9c: {  	s6 =	simm.s32 $0x0;
	s20 =	sshll.u32 s4, $0x1;
	s4 =	sadd.s32 s21, s2  }
0x9d: {  	[timem:s6], [sflag:s22] =	dma.local [hbm:s4], s20  }
0x9e: {  	_ =	swait.ge [sflag:s22], s20  }
0x9f: {  	s3 =	ssub.s32 $0x0, s20;
	[sflag:s22] =	ssyncset.done $0x0  }
0xa0: {  	[sflag:s22] =	ssyncadd.s32 s3;
	_ =	sdelay $0x1  }
0xa1: {  	s23 =	simm.s32 $0x1B8B  }
0xa2: {  	_ =	swait.ge [sflag:s23], $0x1  }
0xa3: {  	[sflag:s23] =	ssyncset.done $0x0  }
0xa4: {  	s25 =	simm.s32 $0x1B8E;
	s24 =	sld [smem:$0x3FFE];
	[sflag:s23] =	ssyncadd.s32 $0xFFFFFFFF  }
0xa5: {  	s26 =	simm.s32 $execute0_lowered;
	[smem:$0x3FD2] =	sst s25  }
0xa6: {  	s4 =	sshll.u32 s26, $0x1;
	_ =	strace $0x80000046;
	[dreg:$0x1] =	wrdreg $0xFFFFFFFF  }
0xa7: {  	s28 =	simm.s32 $_size_execute0_lowered;
	s2 =	sadd.s32 s2, s4;
	[dreg:$0x0] =	wrdreg $0x0  }
0xa8: {  	s4 =	sshll.u32 s28, $0x1;
	[dreg:$0x2] =	wrdreg s2  }
0xa9: {  	[dreg:$0x3] =	wrdreg s4  }
0xaa: {  	[dreg:$0x4] =	wrdreg $0xC0  }
0xab: {  	_ =	task [dreg:s6], $0x5FFFF  }
0xac: {  	[dreg:$0x1] =	wrdreg $0xFFFFFFFF  }
0xad: {  	[dreg:$0x0] =	wrdreg $0x60  }
0xae: {  	[dreg:$0x2] =	wrdreg s24  }
0xaf: {  	[dreg:$0x3] =	wrdreg $0x9  }
0xb0: {  	_ =	task.clear_ibuf [dreg:s6], $0x4FFFF;
	_ =	strace $0x90000046  }
0xb1: {  	s29 =	simm.s32 $0x9;
	_ =	strace $0x80000048  }
0xb2: {  	_ =	swait.ge [sflag:s29], $0x1  }
0xb3: {  	[sflag:s29] =	ssyncadd.s32 $0xFFFFFFFF  }
0xb4: {  	_ =	strace $0x90000048  }
0xb5: {  	_ =	sfence  }
0xb6: {  	s30 =	sld [smem:$0x0];
	_ =	sdelay $0x2  }
0xb7: {  	s31 =	sshll.u32 s1, $0xD;
	s1 =	sshrl.u32 s1, $0x2  }
0xb8: {  	s3 =	sand.u32 $0x4000, s31;
	s1 =	sadd.s32 s1, s30  }
0xb9: {  	s0 =	sor.u32 s3, s0;
	s1 =	sshll.u32 s1, $0x11  }
0xba: {  	s0 =	sor.u32 s1, s0  }
0xbb: {  	s0 =	sadd.s32 $0x8F2B, s0  }
0xbc: {  	[sflag:s0] =	ssyncadd.remote.s32 $0x1  }
0xbd: {  	_ =	sfence.sel $0xFFFF  }
0xbe: {  	[dreg:$0x0] =	wrdreg $0xFFFFFFFF;
	(pc) =	sbr.abs _section_cstart, $3  }
0xbf: {  	[dreg:$0x1] =	wrdreg $0xFFFFFFFF  }
0xc0: {  	_ =	task.clear_ibuf [dreg:s6], $0x2FFFF;
	_ =	strace $0x9FFFFFFF  }
0xc1: {  	(tm) =	ssettm $0x7FFFFFFF  }
tec
execute0_lowered:
.L_overlay_start_1:
0x0: {  	(tag) =	ssettag $0x1  }
0x1: {  	s1 =	srdreg.scid;
	s0 =	stileid.u32  }
0x2: {  	s5 =	rddreg [dreg:$0x0];
	s2 =	simm.s32 $0x0;
	s9 =	simm.s32 $0x27  }
0x3: {  	s21 =	simm.s32 $0x5000;
	s22 =	simm.s32 $0x6400;
	s23 =	simm.s32 $0x1  }
0x4: {  	s28 =	simm.s32 $0x0;
	s12 =	sand.u32 $0x1, s1;
	s24 =	sshll.u32 s0, $0x1  }
0x5: {  	[smem:$0x7FF] =	sst s2;
	s14 =	sadd.s32 $0x131E00, s5;
	s15 =	sadd.s32 $0x6E800, s5  }
0x6: {  	p0 =	seq.s32 s0, $0x0;
	s17 =	smul.u32 $0xC300, s0;
	s3 =	sor.u32 s12, s24  }
0x7: {  	_ =	strace $0x80000047;
	s25 =	ssub.s32 $0x2, s12;
	s18 =	smul.u32 $0x6180, s12  }
0x8: {  	s9 =	simm.s32 @!p0 $0x26;
	s24 =	simm.s32 $0x2;
	s4 =	smul.u32 $0x27, s3  }
0x9: {  	s13 =	smin.u32 s3, $0x2;
	s3 =	sadd.s32 $0x58400, s5;
	s8 =	sshrl.u32 s25, $0x1  }
0xa: {  	s19 =	sadd.s32 s17, s14;
	s30 =	sadd.s32 s17, s15;
	s8 =	ssub.s32 s25, s8  }
0xb: {  	s20 =	smul.u32 $0x280, s13;
	s31 =	sadd.s32 s18, s19;
	s17 =	sadd.s32 s18, s30  }
0xc: {  	s18 =	simm.s32 $0x2800;
	s19 =	simm.s32 $0x3C00;
	s7 =	sadd.s32 s13, s4  }
0xd: {  	s25 =	simm.s32 $0x3;
	s4 =	sadd.s32 $0x4C000, s5;
	s6 =	sshll.u32 s7, $0x4  }
0xe: {  	s10 =	smul.u32 $0x280, s7;
	s11 =	sadd.s32 s7, s9;
	s7 =	smax.u32 s8, $0x1  }
0xf: {  	s8 =	sshll.u32 s9, $0x7;
	s6 =	sadd.s32 s6, s5;
	s16 =	smul.u32 $0x280, s11  }
0x10: {  	s9 =	sadd.s32 $0x1400, s8;
	s26 =	sadd.s32 $0x64800, s6;
	s29 =	sadd.s32 $0x5F00, s10  }
0x11: {  	s6 =	sadd.s32 $0x69800, s6;
	[dreg:$0x2] =	wrdreg s26;
	s10 =	sadd.s32 s14, s29  }
0x12: {  	s11 =	sadd.s32 s15, s29;
	s12 =	sadd.s32 s14, s16;
	s13 =	sadd.s32 s15, s16  }
0x13: {  	s14 =	sadd.s32 s20, s31;
	s15 =	sadd.s32 s20, s17;
	s16 =	simm.s32 $0x5  }
0x14: {  	s17 =	simm.s32 $0x1400;
	s20 =	simm.s32 $0x80;
	s26 =	simm.s32 $0x4  }
.LBB2_1:
0x15: {  	s0 =	rddreg [dreg:$0x2]  }
0x16: {  	[tilespmem:s2], [sflag:$0x5] =	stream.linear.gather [hbm4b:s0+s2], $0x1400, $0x38;
	[tilespmem:$0x7800] =	vst v63  }
0x17: {  	_ =	swait.ge [sflag:s16], $0x1400  }
0x18: {  	[sflag:s16] =	ssyncset.done $0x0  }
0x19: {  	[sflag:s16] =	ssyncadd.s32 $0xFFFFEC00  }
0x1a: {  	[tilespmem:s17], [sflag:$0x5] =	stream.linear.gather [hbm4b:s6+s2], $0x1400, $0x38;
	[tilespmem:$0x7800] =	vst v63  }
0x1b: {  	_ =	swait.ge [sflag:s16], $0x1400  }
0x1c: {  	[sflag:s16] =	ssyncset.done $0x0  }
0x1d: {  	[sflag:s16] =	ssyncadd.s32 $0xFFFFEC00  }
0x1e: {  	[tilespmem:s18], [sflag:$0x1] =	stream.indirect.gather [hbm4b:s3+s20], $0x28, s2, s20, $0xb8;
	[tilespmem:$0x7800] =	vst v63  }
0x1f: {  	_ = 	snop  }
0x20: {  	[tilespmem:s19], [sflag:$0x2] =	stream.indirect.gather [hbm4b:s4+s20], $0x28, s17, s20, $0xb8;
	[tilespmem:$0x7800] =	vst v63  }
0x21: {  	_ = 	snop  }
0x22: {  	[tilespmem:s21], [sflag:$0x3] =	stream.indirect.gather [hbm4b:s3+s20], $0x28, s20, s20, $0xb8;
	[tilespmem:$0x7800] =	vst v63  }
0x23: {  	s29 =	simm.s32 $0x1480  }
0x24: {  	[tilespmem:s22], [sflag:$0x4] =	stream.indirect.gather [hbm4b:s4+s20], $0x28, s29, s20, $0xb8;
	[tilespmem:$0x7800] =	vst v63  }
0x25: {  	_ =	swait.ge [sflag:s23], $0x1400  }
0x26: {  	[sflag:s23] =	ssyncset.done $0x0  }
0x27: {  	[sflag:s23] =	ssyncadd.s32 $0xFFFFEC00  }
0x28: {  	_ =	swait.ge [sflag:s24], $0x1400  }
0x29: {  	[sflag:s24] =	ssyncset.done $0x0  }
0x2a: {  	s30 =	sadd.s32 $0x0, s14;
	[sflag:s24] =	ssyncadd.s32 $0xFFFFEC00  }
0x2b: {  	[hbm4b:s30+s2] =	stream.linear.scatter [tilespmem:s18], [sflag:$0x5], $0x1400, $0x38;
	[tilespmem:$0x7800] =	vst v63  }
0x2c: {  	_ =	swait.ge [sflag:s16], $0x1400  }
0x2d: {  	[sflag:s16] =	ssyncset.done $0x0  }
0x2e: {  	s31 =	sadd.s32 $0x0, s15;
	[sflag:s16] =	ssyncadd.s32 $0xFFFFEC00  }
0x2f: {  	[hbm4b:s31+s2] =	stream.linear.scatter [tilespmem:s19], [sflag:$0x5], $0x1400, $0x38;
	[tilespmem:$0x7800] =	vst v63  }
0x30: {  	_ =	swait.ge [sflag:s16], $0x1400  }
0x31: {  	[sflag:s16] =	ssyncset.done $0x0  }
0x32: {  	s1 =	simm.s32 $0x100;
	[sflag:s16] =	ssyncadd.s32 $0xFFFFEC00  }
0x33: {  	[tilespmem:s18], [sflag:$0x1] =	stream.indirect.gather [hbm4b:s3+s20], $0x28, s1, s20, $0xb8;
	[tilespmem:$0x7800] =	vst v63  }
0x34: {  	s5 =	simm.s32 $0x1500  }
0x35: {  	[tilespmem:s19], [sflag:$0x2] =	stream.indirect.gather [hbm4b:s4+s20], $0x28, s5, s20, $0xb8;
	[tilespmem:$0x7800] =	vst v63  }
0x36: {  	_ =	swait.ge [sflag:s25], $0x1400  }
0x37: {  	[sflag:s25] =	ssyncset.done $0x0  }
0x38: {  	[sflag:s25] =	ssyncadd.s32 $0xFFFFEC00  }
0x39: {  	_ =	swait.ge [sflag:s26], $0x1400  }
0x3a: {  	[sflag:s26] =	ssyncset.done $0x0  }
0x3b: {  	s0 =	sadd.s32 $0x280, s30;
	[sflag:s26] =	ssyncadd.s32 $0xFFFFEC00  }
0x3c: {  	[hbm4b:s0+s2] =	stream.linear.scatter [tilespmem:s21], [sflag:$0x5], $0x1400, $0x38;
	[tilespmem:$0x7800] =	vst v63  }
0x3d: {  	_ =	swait.ge [sflag:s16], $0x1400  }
0x3e: {  	[sflag:s16] =	ssyncset.done $0x0  }
0x3f: {  	s5 =	sadd.s32 $0x280, s31;
	[sflag:s16] =	ssyncadd.s32 $0xFFFFEC00  }
0x40: {  	[hbm4b:s5+s2] =	stream.linear.scatter [tilespmem:s22], [sflag:$0x5], $0x1400, $0x38;
	[tilespmem:$0x7800] =	vst v63  }
0x41: {  	_ =	swait.ge [sflag:s16], $0x1400  }
0x42: {  	s30 =	simm.s32 $0x500;
	s31 =	simm.s32 $0x80;
	[sflag:s16] =	ssyncset.done $0x0  }
.LBB2_2:
0x43: {  	[sflag:s16] =	ssyncadd.s32 $0xFFFFEC00;
	s31 =	sadd.s32 $0x100, s31;
	s29 =	sadd.s32 $0x100, s29  }
0x44: {  	[tilespmem:s21], [sflag:$0x3] =	stream.indirect.gather [hbm4b:s3+s20], $0x28, s31, s20, $0xb8;
	[tilespmem:$0x7800] =	vst v63  }
0x45: {  	p0 =	sne.s32 s30, $0x5A00;
	s1 =	smov.u32 s30;
	s30 =	sadd.s32 $0x500, s30  }
0x46: {  	[tilespmem:s22], [sflag:$0x4] =	stream.indirect.gather [hbm4b:s4+s20], $0x28, s29, s20, $0xb8;
	[tilespmem:$0x7800] =	vst v63  }
0x47: {  	_ =	swait.ge [sflag:s23], $0x1400  }
0x48: {  	[sflag:s23] =	ssyncset.done $0x0  }
0x49: {  	[sflag:s23] =	ssyncadd.s32 $0xFFFFEC00  }
0x4a: {  	_ =	swait.ge [sflag:s24], $0x1400  }
0x4b: {  	[sflag:s24] =	ssyncset.done $0x0  }
0x4c: {  	s0 =	sadd.s32 s1, s14;
	[sflag:s24] =	ssyncadd.s32 $0xFFFFEC00  }
0x4d: {  	[hbm4b:s0+s2] =	stream.linear.scatter [tilespmem:s18], [sflag:$0x5], $0x1400, $0x38;
	[tilespmem:$0x7800] =	vst v63  }
0x4e: {  	_ =	swait.ge [sflag:s16], $0x1400  }
0x4f: {  	[sflag:s16] =	ssyncset.done $0x0  }
0x50: {  	s1 =	sadd.s32 s1, s15;
	[sflag:s16] =	ssyncadd.s32 $0xFFFFEC00  }
0x51: {  	[hbm4b:s1+s2] =	stream.linear.scatter [tilespmem:s19], [sflag:$0x5], $0x1400, $0x38;
	[tilespmem:$0x7800] =	vst v63  }
0x52: {  	_ =	swait.ge [sflag:s16], $0x1400  }
0x53: {  	[sflag:s16] =	ssyncset.done $0x0  }
0x54: {  	s5 =	sadd.s32 $0x80, s31;
	[sflag:s16] =	ssyncadd.s32 $0xFFFFEC00  }
0x55: {  	[tilespmem:s18], [sflag:$0x1] =	stream.indirect.gather [hbm4b:s3+s20], $0x28, s5, s20, $0xb8;
	[tilespmem:$0x7800] =	vst v63  }
0x56: {  	s5 =	sadd.s32 $0x80, s29  }
0x57: {  	[tilespmem:s19], [sflag:$0x2] =	stream.indirect.gather [hbm4b:s4+s20], $0x28, s5, s20, $0xb8;
	[tilespmem:$0x7800] =	vst v63  }
0x58: {  	_ =	swait.ge [sflag:s25], $0x1400  }
0x59: {  	[sflag:s25] =	ssyncset.done $0x0  }
0x5a: {  	[sflag:s25] =	ssyncadd.s32 $0xFFFFEC00  }
0x5b: {  	_ =	swait.ge [sflag:s26], $0x1400  }
0x5c: {  	[sflag:s26] =	ssyncset.done $0x0  }
0x5d: {  	s0 =	sadd.s32 $0x280, s0;
	[sflag:s26] =	ssyncadd.s32 $0xFFFFEC00  }
0x5e: {  	[hbm4b:s0+s2] =	stream.linear.scatter [tilespmem:s21], [sflag:$0x5], $0x1400, $0x38;
	[tilespmem:$0x7800] =	vst v63  }
0x5f: {  	_ =	swait.ge [sflag:s16], $0x1400  }
.Ltmp0:
0x60: {  	[sflag:s16] =	ssyncset.done $0x0;
	(pc) =	sbr.rel @p0 .LBB2_2-.Ltmp0, $4  }
0x61: {  	s0 =	sadd.s32 $0x280, s1;
	[sflag:s16] =	ssyncadd.s32 $0xFFFFEC00  }
0x62: {  	[hbm4b:s0+s2] =	stream.linear.scatter [tilespmem:s22], [sflag:$0x5], $0x1400, $0x38;
	[tilespmem:$0x7800] =	vst v63  }
0x63: {  	_ =	swait.ge [sflag:s16], $0x1400  }
0x64: {  	[sflag:s16] =	ssyncset.done $0x0  }
0x65: {  	[sflag:s16] =	ssyncadd.s32 $0xFFFFEC00  }
0x66: {  	[tilespmem:s21], [sflag:$0x3] =	stream.indirect.gather [hbm4b:s3+s20], $0x28, s8, s20, $0xb8;
	[tilespmem:$0x7800] =	vst v63  }
0x67: {  	_ = 	snop  }
0x68: {  	[tilespmem:s22], [sflag:$0x4] =	stream.indirect.gather [hbm4b:s4+s20], $0x28, s9, s20, $0xb8;
	[tilespmem:$0x7800] =	vst v63  }
0x69: {  	_ =	swait.ge [sflag:s23], $0x1400  }
0x6a: {  	[sflag:s23] =	ssyncset.done $0x0  }
0x6b: {  	[sflag:s23] =	ssyncadd.s32 $0xFFFFEC00  }
0x6c: {  	_ =	swait.ge [sflag:s24], $0x1400  }
0x6d: {  	[sflag:s24] =	ssyncset.done $0x0  }
0x6e: {  	[sflag:s24] =	ssyncadd.s32 $0xFFFFEC00  }
0x6f: {  	[hbm4b:s10+s2] =	stream.linear.scatter [tilespmem:s18], [sflag:$0x5], $0x1400, $0x38;
	[tilespmem:$0x7800] =	vst v63  }
0x70: {  	_ =	swait.ge [sflag:s16], $0x1400  }
0x71: {  	[sflag:s16] =	ssyncset.done $0x0  }
0x72: {  	[sflag:s16] =	ssyncadd.s32 $0xFFFFEC00  }
0x73: {  	[hbm4b:s11+s2] =	stream.linear.scatter [tilespmem:s19], [sflag:$0x5], $0x1400, $0x38;
	[tilespmem:$0x7800] =	vst v63  }
0x74: {  	_ =	swait.ge [sflag:s16], $0x1400  }
0x75: {  	[sflag:s16] =	ssyncset.done $0x0  }
0x76: {  	[sflag:s16] =	ssyncadd.s32 $0xFFFFEC00  }
0x77: {  	_ =	swait.ge [sflag:s25], $0x1400  }
0x78: {  	[sflag:s25] =	ssyncset.done $0x0  }
0x79: {  	[sflag:s25] =	ssyncadd.s32 $0xFFFFEC00  }
0x7a: {  	_ =	swait.ge [sflag:s26], $0x1400  }
0x7b: {  	[sflag:s26] =	ssyncset.done $0x0  }
0x7c: {  	[sflag:s26] =	ssyncadd.s32 $0xFFFFEC00  }
0x7d: {  	[hbm4b:s12+s2] =	stream.linear.scatter [tilespmem:s21], [sflag:$0x5], $0x1400, $0x38;
	[tilespmem:$0x7800] =	vst v63  }
0x7e: {  	s28 =	sadd.s32 $0x1, s28;
	_ =	swait.ge [sflag:s16], $0x1400  }
0x7f: {  	p0 =	sne.s32 s28, s7;
	[sflag:s16] =	ssyncset.done $0x0  }
.Ltmp1:
0x80: {  	[sflag:s16] =	ssyncadd.s32 $0xFFFFEC00;
	(pc) =	sbr.rel @p0 .LBB2_1-.Ltmp1, $4  }
0x81: {  	[hbm4b:s13+s2] =	stream.linear.scatter [tilespmem:s22], [sflag:$0x5], $0x1400, $0x38;
	[tilespmem:$0x7800] =	vst v63  }
0x82: {  	_ =	swait.ge [sflag:s16], $0x1400  }
0x83: {  	[sflag:s16] =	ssyncset.done $0x0  }
0x84: {  	[sflag:s16] =	ssyncadd.s32 $0xFFFFEC00  }
0x85: {  	_ =	sfence.sel $0x180000  }
0x86: {  	[bflag:$0x0] =	sbarrier.arrive $0xFFFF  }
0x87: {  	_ =	strace $0x90000047  }
0x88: {  	s0 =	stileid.u32;
	[bflag:$0x2] =	sbarrier.arrive $0xFFFF  }
0x89: {  	p0 =	sne.s32 s0, $0x0;
	s0 =	rddreg [dreg:$0x1]  }
0x8a: {  	s0 =	sadd.s32 @!p0 $0x100000, s0  }
0x8b: {  	[sflag:s0] =	ssyncadd.tile.s32 @!p0 $0x1;
	_ =	shalt  }
.Lfunc_end2:
_tile_overlayer_lowered:
.L_overlay_start_2:
0x8c: {  	(tag) =	ssettag $0x2  }
0x8d: {  	s0 =	rddreg [dreg:$0x0];
	s2 =	stileid.u32  }
0x8e: {  	s1 =	rddreg [dreg:$0x1];
	p0 =	sne.s32 s2, $0x0  }
0x8f: {  	s3 =	rddreg [dreg:$0x2];
	[bflag:$0x3] =	sbarrier.arrive $0xFFFF;
	s2 =	simm.s32 @!p0 $0x1C05  }
0x90: {  	[timem:s3], [sflag:s2] =	dma.local @!p0 [hbm:s0], s1  }
0x91: {  	s0 =	simm.s32 @!p0 $0x5  }
0x92: {  	_ =	swait.ge @!p0 [sflag:s0], s1  }
0x93: {  	s1 =	ssub.s32 @!p0 $0x0, s1;
	[sflag:s0] =	ssyncset.done @!p0 $0x0  }
0x94: {  	[sflag:s0] =	ssyncadd.s32 @!p0 s1  }
0x95: {  	[bflag:$0x3] =	sbarrier.arrive $0xFFFF  }
0x96: {  	_ =	shalt  }

// kernel: kernel.17.cloned.1.call-start
scs
__scs_entry_jumppad:
0x0: {  	(pc) =	sbr.rel $0x88, $3  }
0x1: {  	(tag) =	ssettag $0x0;
	lr =	simm.s32 $0x1  }
0x2: {  	[smem:$0x3F5B] =	sst lr;
	_ =	strace $0xD0000000  }
0x3: {  	_ = 	snop  }
0x4: {  	_ = 	snop  }
0x5: {  	_ = 	snop  }
0x6: {  	_ = 	snop  }
0x7: {  	_ = 	snop  }
__scs_overlays_trampoline_lowered:
0x8: {  	[smem:$0x3F6A] =	sst s0  }
0x9: {  	[smem:$0x3F6B] =	sst s1  }
0xa: {  	[smem:$0x3F6C] =	sst s2  }
0xb: {  	[smem:$0x3F6D] =	sst s3  }
0xc: {  	[smem:$0x3F6E] =	sst s4  }
0xd: {  	[smem:$0x3F6F] =	sst s5  }
0xe: {  	[smem:$0x3F70] =	sst s6  }
0xf: {  	[smem:$0x3F71] =	sst s7  }
0x10: {  	[smem:$0x3F72] =	sst s8  }
0x11: {  	[smem:$0x3F73] =	sst s9;
	s0 =	simm.s32 @!p0 $0x0  }
0x12: {  	s1 =	sld [smem:$0x3F59];
	s0 =	simm.s32 @p0 $0x1  }
0x13: {  	[smem:$0x3F74] =	sst s0;
	s0 =	simm.s32 @!p1 $0x0  }
0x14: {  	s2 =	sld [smem:$0x3F58];
	s0 =	simm.s32 @p1 $0x1  }
0x15: {  	[smem:$0x3F75] =	sst s0;
	s0 =	simm.s32 @!p2 $0x0  }
0x16: {  	s3 =	sld [smem:$0x3FDB];
	s0 =	simm.s32 @p2 $0x1  }
0x17: {  	s4 =	simm.s32 $0x1BF5;
	[smem:$0x3F77] =	sst s0  }
0x18: {  	s0 =	sld [smem:$0x3F5A];
	_ =	swait.ge [sflag:s4], $0x0  }
0x19: {  	s7 =	sld [smem:$0x3F5B]  }
0x1a: {  	s8 =	sadd.s32 $0xFFFFE003, lr  }
0x1b: {  	s9 =	sadd.s32 $0xFFFFFEF7, lr;
	s5 =	simm.s32 $0xFFFFFFFF;
	p2 =	slt.u32 s8, $0xFFFFF086  }
0x1c: {  	p1 =	slt.u32 s9, $0xF7A;
	s5 =	simm.s32 @!p2 $0x0  }
0x1d: {  	s5 =	simm.s32 @p1 $0x1;
	p0 =	seq.s32 s7, s2  }
0x1e: {  	s7 =	smul.u32 @!p0 $0xF7A, s2;
	p2 =	seq.s32 @!p0 s5, $0x0  }
0x1f: {  	s9 =	smul.u32 $0xF7A, s1;
	s8 =	simm.s32 @!p0 $0x1BF5;
	p2 =	por !p2, p0  }
0x20: {  	[sflag:s8] =	ssyncset.s32 @!p0 $0xFFFFF086;
	s6 =	sadd.s32 @!p0 s3, s7;
	s7 =	simm.s32 @!p0 $0x108  }
0x21: {  	s3 =	sadd.s32 s3, s9;
	s6 =	sadd.s32 @!p0 $0x88, s6;
	s7 =	simm.s32 @p2 $0x1082  }
0x22: {  	[simem:s7], [sflag:s8] =	dma.local @!p0 [hbm:s6], $0xF7A  }
0x23: {  	s9 =	sor.u32 $0xD0000000, s2;
	s6 =	simm.s32 $0x108;
	_ =	swait.ge @!p0 [sflag:s8], $0x0  }
0x24: {  	s3 =	sadd.s32 $0x88, s3;
	s6 =	simm.s32 @!p1 $0x1082;
	[sflag:s4] =	ssyncset.s32 $0xFFFFF086  }
0x25: {  	[simem:s6], [sflag:s4] =	dma.local [hbm:s3], $0xF7A  }
0x26: {  	[smem:$0x3F5B] =	sst s1;
	(tag) =	ssettag s2;
	_ =	strace s9  }
0x27: {  	s1 =	sld [smem:$0x3F6B]  }
0x28: {  	s2 =	sld [smem:$0x3F6C]  }
0x29: {  	s4 =	sld [smem:$0x3F6E]  }
0x2a: {  	p0 =	seq.s32 s5, $0x0;
	s5 =	sld [smem:$0x3F6F]  }
0x2b: {  	s6 =	sld [smem:$0x3F70]  }
0x2c: {  	s7 =	sld [smem:$0x3F71]  }
0x2d: {  	s3 =	simm.s32 $0x108;
	s8 =	sld [smem:$0x3F72]  }
0x2e: {  	s3 =	simm.s32 @!p0 $0x1082;
	s9 =	sld [smem:$0x3F73]  }
0x2f: {  	lr =	sadd.s32 s0, s3;
	s0 =	sld [smem:$0x3F6A]  }
0x30: {  	s3 =	sld [smem:$0x3F6D]  }
0x31: {  	[smem:$0x3F76] =	sst s10  }
0x32: {  	s10 =	sld [smem:$0x3F74];
	_ =	sdelay $0x3  }
0x33: {  	p0 =	seq.s32 s10, $0x1;
	s10 =	sld [smem:$0x3F76];
	_ =	sdelay $0x3  }
0x34: {  	[smem:$0x3F76] =	sst s10  }
0x35: {  	s10 =	sld [smem:$0x3F75];
	_ =	sdelay $0x3  }
0x36: {  	p1 =	seq.s32 s10, $0x1;
	s10 =	sld [smem:$0x3F76];
	_ =	sdelay $0x3  }
0x37: {  	[smem:$0x3F76] =	sst s10  }
0x38: {  	s10 =	sld [smem:$0x3F77]  }
0x39: {  	_ = 	snop;
	(pc) =	sbr.ind lr, $3  }
0x3a: {  	_ = 	snop  }
0x3b: {  	_ = 	snop  }
0x3c: {  	p2 =	seq.s32 s10, $0x1;
	s10 =	sld [smem:$0x3F76]  }
0x3d: {  	_ =	shalt  }
0x3e: {  	_ =	shalt  }
0x3f: {  	_ =	shalt  }
0x40: {  	_ =	shalt  }
0x41: {  	_ =	shalt  }
0x42: {  	_ =	shalt  }
0x43: {  	_ =	shalt  }
0x44: {  	_ =	shalt  }
0x45: {  	_ =	shalt  }
0x46: {  	_ =	shalt  }
0x47: {  	_ =	shalt  }
0x48: {  	_ =	shalt  }
0x49: {  	_ =	shalt  }
0x4a: {  	_ =	shalt  }
0x4b: {  	_ =	shalt  }
0x4c: {  	_ =	shalt  }
0x4d: {  	_ =	shalt  }
0x4e: {  	_ =	shalt  }
0x4f: {  	_ =	shalt  }
0x50: {  	_ =	shalt  }
0x51: {  	_ =	shalt  }
0x52: {  	_ =	shalt  }
0x53: {  	_ =	shalt  }
0x54: {  	_ =	shalt  }
0x55: {  	_ =	shalt  }
0x56: {  	_ =	shalt  }
0x57: {  	_ =	shalt  }
0x58: {  	_ =	shalt  }
0x59: {  	_ =	shalt  }
0x5a: {  	_ =	shalt  }
0x5b: {  	_ =	shalt  }
0x5c: {  	_ =	shalt  }
0x5d: {  	_ =	shalt  }
0x5e: {  	_ =	shalt  }
0x5f: {  	_ =	shalt  }
0x60: {  	_ =	shalt  }
0x61: {  	_ =	shalt  }
0x62: {  	_ =	shalt  }
0x63: {  	_ =	shalt  }
0x64: {  	_ =	shalt  }
0x65: {  	_ =	shalt  }
0x66: {  	_ =	shalt  }
0x67: {  	_ =	shalt  }
0x68: {  	_ =	shalt  }
0x69: {  	_ =	shalt  }
0x6a: {  	_ =	shalt  }
0x6b: {  	_ =	shalt  }
0x6c: {  	_ =	shalt  }
0x6d: {  	_ =	shalt  }
0x6e: {  	_ =	shalt  }
0x6f: {  	_ =	shalt  }
0x70: {  	_ =	shalt  }
0x71: {  	_ =	shalt  }
0x72: {  	_ =	shalt  }
0x73: {  	_ =	shalt  }
0x74: {  	_ =	shalt  }
0x75: {  	_ =	shalt  }
0x76: {  	_ =	shalt  }
0x77: {  	_ =	shalt  }
0x78: {  	_ =	shalt  }
0x79: {  	_ =	shalt  }
0x7a: {  	_ =	shalt  }
0x7b: {  	_ =	shalt  }
0x7c: {  	_ =	shalt  }
0x7d: {  	_ =	shalt  }
0x7e: {  	_ =	shalt  }
0x7f: {  	_ =	shalt  }
0x80: {  	_ =	shalt  }
0x81: {  	_ =	shalt  }
0x82: {  	_ =	shalt  }
0x83: {  	_ =	shalt  }
0x84: {  	_ =	shalt  }
0x85: {  	_ =	shalt  }
0x86: {  	_ =	shalt  }
0x87: {  	_ =	shalt  }
.Lfunc_end0:
.L_simem_size_0:
called_computation.1_lowered:
.L_overlay_start_0:
0x88: {  	s2 =	sld [smem:$0x3FD9]  }
0x89: {  	s3 =	sld [smem:$0x3FFE];
	_ =	sdelay $0x1  }
0x8a: {  	s1 =	srdreg.scid  }
0x8b: {  	s0 =	sand.u32 $0x1, s1  }
0x8c: {  	s16 =	sshll.u32 s0, $0xA;
	s2 =	sadd.s32 s3, s2  }
0x8d: {  	s2 =	sadd.s32 s2, s16  }
0x8e: {  	[smem:$0x3F82] =	sst s2  }
0x8f: {  	_ = 	snop  }
0x90: {  	(tm) =	ssettm $0x1  }
0x91: {  	s17 =	sld [smem:$0x3FFB];
	_ =	sdelay $0x3  }
0x92: {  	_ =	strace s17  }
0x93: {  	s2 =	sld [smem:$0x3FFC];
	_ =	sdelay $0x3  }
0x94: {  	_ =	strace s2  }
0x95: {  	s2 =	sld [smem:$0x3FFD];
	_ =	sdelay $0x3  }
0x96: {  	_ =	strace s2  }
0x97: {  	_ =	strace $0x8FFFFFFF  }
0x98: {  	s18 =	sld [smem:$0x3FDB];
	_ =	sdelay $0x1  }
0x99: {  	s19 =	simm.s32 $_scs_section_size  }
0x9a: {  	s4 =	simm.s32 $_size__tile_overlayer_lowered;
	s5 =	simm.s32 $_tile_overlayer_lowered  }
0x9b: {  	s22 =	simm.s32 $0x1BFF;
	s21 =	sshll.u32 s5, $0x1;
	s2 =	sadd.s32 s19, s18  }
0x9c: {  	s6 =	simm.s32 $0x0;
	s20 =	sshll.u32 s4, $0x1;
	s4 =	sadd.s32 s21, s2  }
0x9d: {  	[timem:s6], [sflag:s22] =	dma.local [hbm:s4], s20  }
0x9e: {  	_ =	swait.ge [sflag:s22], s20  }
0x9f: {  	s3 =	ssub.s32 $0x0, s20;
	[sflag:s22] =	ssyncset.done $0x0  }
0xa0: {  	[sflag:s22] =	ssyncadd.s32 s3;
	_ =	sdelay $0x1  }
0xa1: {  	s23 =	simm.s32 $0x1B8B  }
0xa2: {  	_ =	swait.ge [sflag:s23], $0x1  }
0xa3: {  	[sflag:s23] =	ssyncset.done $0x0  }
0xa4: {  	s25 =	simm.s32 $0x1B8E;
	s24 =	sld [smem:$0x3FFE];
	[sflag:s23] =	ssyncadd.s32 $0xFFFFFFFF  }
0xa5: {  	s26 =	simm.s32 $execute0_lowered;
	[smem:$0x3FD2] =	sst s25  }
0xa6: {  	s4 =	sshll.u32 s26, $0x1;
	_ =	strace $0x80000049;
	[dreg:$0x1] =	wrdreg $0xFFFFFFFF  }
0xa7: {  	s28 =	simm.s32 $_size_execute0_lowered;
	s2 =	sadd.s32 s2, s4;
	[dreg:$0x0] =	wrdreg $0x0  }
0xa8: {  	s4 =	sshll.u32 s28, $0x1;
	[dreg:$0x2] =	wrdreg s2  }
0xa9: {  	[dreg:$0x3] =	wrdreg s4  }
0xaa: {  	[dreg:$0x4] =	wrdreg $0xC0  }
0xab: {  	_ =	task [dreg:s6], $0x5FFFF  }
0xac: {  	[dreg:$0x1] =	wrdreg $0xFFFFFFFF  }
0xad: {  	[dreg:$0x0] =	wrdreg $0x60  }
0xae: {  	[dreg:$0x2] =	wrdreg s24  }
0xaf: {  	[dreg:$0x3] =	wrdreg $0x80000  }
0xb0: {  	[dreg:$0x4] =	wrdreg $0x9  }
0xb1: {  	_ =	task.clear_ibuf [dreg:s6], $0x5FFFF;
	_ =	strace $0x90000049  }
0xb2: {  	s29 =	simm.s32 $0x9;
	_ =	strace $0x8000004B  }
0xb3: {  	_ =	swait.ge [sflag:s29], $0x1  }
0xb4: {  	[sflag:s29] =	ssyncadd.s32 $0xFFFFFFFF  }
0xb5: {  	_ =	strace $0x9000004B  }
0xb6: {  	_ =	sfence  }
0xb7: {  	s30 =	sld [smem:$0x0];
	_ =	sdelay $0x2  }
0xb8: {  	s31 =	sshll.u32 s1, $0xD;
	s1 =	sshrl.u32 s1, $0x2  }
0xb9: {  	s3 =	sand.u32 $0x4000, s31;
	s1 =	sadd.s32 s1, s30  }
0xba: {  	s0 =	sor.u32 s3, s0;
	s1 =	sshll.u32 s1, $0x11  }
0xbb: {  	s0 =	sor.u32 s1, s0  }
0xbc: {  	s0 =	sadd.s32 $0x8F2B, s0  }
0xbd: {  	[sflag:s0] =	ssyncadd.remote.s32 $0x1  }
0xbe: {  	_ =	sfence.sel $0xFFFF  }
0xbf: {  	[dreg:$0x0] =	wrdreg $0xFFFFFFFF;
	(pc) =	sbr.abs _section_cstart, $3  }
0xc0: {  	[dreg:$0x1] =	wrdreg $0xFFFFFFFF  }
0xc1: {  	_ =	task.clear_ibuf [dreg:s6], $0x2FFFF;
	_ =	strace $0x9FFFFFFF  }
0xc2: {  	(tm) =	ssettm $0x7FFFFFFF  }
0xc3: {  	_ =	shalt  }
tec
execute0_lowered:
.L_overlay_start_1:
0x0: {  	(tag) =	ssettag $0x1  }
0x1: {  	s0 =	srdreg.scid;
	s1 =	rddreg [dreg:$0x0]  }
0x2: {  	s26 =	stileid.u32;
	s2 =	rddreg [dreg:$0x1]  }
0x3: {  	s22 =	simm.s32 $0x27;
	s29 =	simm.s32 $0x4;
	s30 =	simm.s32 $0x0  }
0x4: {  	s0 =	sand.u32 $0x1, s0;
	s3 =	sshll.u32 s26, $0x1;
	s10 =	smul.u32 $0xB400, s26  }
0x5: {  	s18 =	sadd.s32 $0x6E800, s1;
	p0 =	seq.s32 s26, $0x0;
	s28 =	smul.u32 $0x15F00, s26  }
0x6: {  	s4 =	sor.u32 s0, s3;
	s3 =	simm.s32 $0x0;
	s21 =	smul.u32 $0xB4000, s0  }
0x7: {  	s8 =	ssub.s32 $0x2, s0;
	s22 =	simm.s32 @!p0 $0x26;
	s0 =	smul.u32 $0xAF80, s0  }
0x8: {  	s5 =	smul.u32 $0x27, s4;
	[smem:$0x7FF] =	sst s3;
	s15 =	smin.u32 s4, $0x2  }
0x9: {  	s9 =	sshrl.u32 s8, $0x1;
	s14 =	sadd.s32 $0x2400, s10;
	s4 =	sadd.s32 s10, s2  }
0xa: {  	s16 =	sadd.s32 $0x4800, s10;
	s19 =	sadd.s32 $0x6C00, s10;
	s20 =	sadd.s32 $0x9000, s10  }
0xb: {  	_ =	strace $0x8000004A;
	s17 =	ssub.s32 s8, s9;
	s6 =	sadd.s32 s16, s2  }
0xc: {  	s8 =	sadd.s32 s19, s2;
	s9 =	sadd.s32 s20, s2;
	s23 =	sadd.s32 s10, s21  }
0xd: {  	s16 =	sadd.s32 s21, s16;
	s25 =	sadd.s32 s21, s19;
	s20 =	sadd.s32 s21, s20  }
0xe: {  	s19 =	sadd.s32 s28, s18;
	s31 =	smul.u32 $0x480, s15;
	s13 =	sadd.s32 s15, s5  }
0xf: {  	s5 =	sadd.s32 s14, s2;
	s23 =	sshrl.u32 s23, $0x3;
	s14 =	sadd.s32 s21, s14  }
0x10: {  	s24 =	sshrl.u32 s16, $0x3;
	s16 =	sshrl.u32 s25, $0x3;
	s20 =	sshrl.u32 s20, $0x3  }
0x11: {  	s0 =	sadd.s32 s0, s19;
	s17 =	smax.u32 s17, $0x1;
	s21 =	simm.s32 $0x3  }
0x12: {  	s25 =	simm.s32 $0x2;
	s7 =	sshll.u32 s13, $0x4;
	s12 =	smul.u32 $0x480, s13  }
0x13: {  	s14 =	sshrl.u32 s14, $0x3;
	s22 =	sadd.s32 s13, s22;
	s0 =	sadd.s32 s31, s0  }
0x14: {  	s11 =	sadd.s32 s7, s1;
	s1 =	sadd.s32 $0x466400, s1;
	s7 =	simm.s32 $0x28  }
0x15: {  	s22 =	smul.u32 $0x480, s22;
	s19 =	sadd.s32 $0x480, s0;
	s7 =	simm.s32 @!p0 $0x27  }
0x16: {  	s11 =	sadd.s32 $0x64800, s11;
	s12 =	sadd.s32 s18, s12;
	s13 =	sadd.s32 s1, s14  }
0x17: {  	s14 =	sadd.s32 s1, s24;
	s15 =	sadd.s32 s1, s16;
	s16 =	sadd.s32 s1, s20  }
0x18: {  	s20 =	simm.s32 $0x5C00;
	s24 =	simm.s32 $0x1;
	[dreg:$0x3] =	wrdreg s11  }
0x19: {  	p0 =	sne.s32 s26, $0x0;
	[dreg:$0x4] =	wrdreg s12;
	s12 =	sadd.s32 s1, s23  }
0x1a: {  	v0 =	vimm.f32 $0.0e+00;
	s18 =	sadd.s32 s18, s22;
	s22 =	simm.s32 $0x1400;
	s23 =	simm.s32 $0x3800  }
.LBB2_1:
0x1b: {  	s1 =	simm.s32 $0x120;
	s0 =	simm.s32 $0x0  }
.LBB2_2:
0x1c: {  	p1 =	sne.s32 s1, $0x8EE0;
	[tilespmem:s0+$0x5C30] =	vst v0;
	s26 =	smov.u32 s1;
	s1 =	sadd.s32 $0x120, s1  }
.Ltmp0:
0x1d: {  	[tilespmem:s0+$0x5C20] =	vst v0;
	(pc) =	sbr.rel @p1 .LBB2_2-.Ltmp0, $3  }
0x1e: {  	[tilespmem:s0+$0x5C00] =	vst v0  }
0x1f: {  	[tilespmem:s0+$0x5C10] =	vst v0;
	_ =	sdelay $0x1  }
0x20: {  	s0 =	sshra.s32 s26, $0x2  }
0x21: {  	[tilespmem:s0+$0x5C30] =	vst v0  }
0x22: {  	[tilespmem:s0+$0x5C20] =	vst v0  }
0x23: {  	[tilespmem:s0+$0x5C00] =	vst v0  }
0x24: {  	[tilespmem:s0+$0x5C10] =	vst v0  }
0x25: {  	[spmem:s4] =	stream.linear.scatter [tilespmem:s20], [sflag:$0x3], $0x2400, $0x38;
	[tilespmem:$0x13400] =	vst v63  }
0x26: {  	_ =	swait.ge [sflag:s21], $0x2400  }
0x27: {  	[sflag:s21] =	ssyncset.done $0x0  }
0x28: {  	[sflag:s21] =	ssyncadd.s32 $0xFFFFDC00  }
0x29: {  	[spmem:s5] =	stream.linear.scatter [tilespmem:s20], [sflag:$0x3], $0x2400, $0x38;
	[tilespmem:$0x13400] =	vst v63  }
0x2a: {  	_ =	swait.ge [sflag:s21], $0x2400  }
0x2b: {  	[sflag:s21] =	ssyncset.done $0x0  }
0x2c: {  	[sflag:s21] =	ssyncadd.s32 $0xFFFFDC00  }
0x2d: {  	[spmem:s6] =	stream.linear.scatter [tilespmem:s20], [sflag:$0x3], $0x2400, $0x38;
	[tilespmem:$0x13400] =	vst v63  }
0x2e: {  	_ =	swait.ge [sflag:s21], $0x2400  }
0x2f: {  	[sflag:s21] =	ssyncset.done $0x0  }
0x30: {  	[sflag:s21] =	ssyncadd.s32 $0xFFFFDC00  }
0x31: {  	[spmem:s8] =	stream.linear.scatter [tilespmem:s20], [sflag:$0x3], $0x2400, $0x38;
	[tilespmem:$0x13400] =	vst v63  }
0x32: {  	_ =	swait.ge [sflag:s21], $0x2400  }
0x33: {  	[sflag:s21] =	ssyncset.done $0x0  }
0x34: {  	[sflag:s21] =	ssyncadd.s32 $0xFFFFDC00  }
0x35: {  	[spmem:s9] =	stream.linear.scatter [tilespmem:s20], [sflag:$0x3], $0x2400, $0x38;
	[tilespmem:$0x13400] =	vst v63  }
0x36: {  	_ =	swait.ge [sflag:s21], $0x2400  }
0x37: {  	[sflag:s21] =	ssyncset.done $0x0  }
0x38: {  	[sflag:s21] =	ssyncadd.s32 $0xFFFFDC00  }
0x39: {  	[bflag:$0x0] =	sbarrier.arrive $0xFFFF  }
0x3a: {  	s31 =	simm.s32 $0x0;
	s11 =	rddreg [dreg:$0x3]  }
0x3b: {  	[tilespmem:s31], [sflag:$0x3] =	stream.linear.gather [hbm4b:s11+s31], $0x1400, $0x38;
	[tilespmem:$0x13400] =	vst v63  }
0x3c: {  	_ =	swait.ge [sflag:s21], $0x1400  }
0x3d: {  	[sflag:s21] =	ssyncset.done $0x0  }
0x3e: {  	s26 =	rddreg [dreg:$0x4];
	[sflag:s21] =	ssyncadd.s32 $0xFFFFEC00  }
0x3f: {  	[tilespmem:s22], [sflag:$0x1] =	stream.linear.gather [hbm4b:s26+s31], $0x2400, $0x38;
	[tilespmem:$0x13400] =	vst v63  }
0x40: {  	_ = 	snop  }
0x41: {  	[tilespmem:s23], [sflag:$0x2] =	stream.linear.gather [hbm4b:s19+s3], $0x2400, $0x38;
	[tilespmem:$0x13400] =	vst v63  }
0x42: {  	p1 =	sle.u32 s7, $0x0;
	_ =	swait.ge [sflag:s24], $0x2400  }
0x43: {  	s0 =	simm.s32 @!p1 $0x80;
	[sflag:s24] =	ssyncset.done $0x0  }
0x44: {  	s1 =	simm.s32 @!p1 $0x1400;
	s26 =	simm.s32 @!p1 $0x4;
	[sflag:s24] =	ssyncadd.s32 $0xFFFFDC00  }
0x45: {  	[spmem:s2] =	stream.indirect.scatter.add.f32 @!p1 [tilespmem:s1], [sflag:$0x4], $0x48, s31, s0, $0xb8;
	[tilespmem:$0x13400] =	vst v63  }
0x46: {  	_ =	swait.ge @!p1 [sflag:s26], $0x2400  }
0x47: {  	[sflag:s26] =	ssyncset.done @!p1 $0x0  }
0x48: {  	s28 =	sadd.s32 $0x480, s19;
	[sflag:s26] =	ssyncadd.s32 @!p1 $0xFFFFDC00  }
0x49: {  	[tilespmem:s22], [sflag:$0x1] =	stream.linear.gather [hbm4b:s28+s3], $0x2400, $0x38;
	[tilespmem:$0x13400] =	vst v63  }
0x4a: {  	p2 =	sle.u32 s7, $0x1;
	_ =	swait.ge [sflag:s25], $0x2400  }
0x4b: {  	s0 =	simm.s32 @!p2 $0x80;
	[sflag:s25] =	ssyncset.done $0x0  }
0x4c: {  	s1 =	simm.s32 @!p2 $0x3800;
	s26 =	simm.s32 @!p2 $0x80;
	[sflag:s25] =	ssyncadd.s32 $0xFFFFDC00  }
0x4d: {  	[spmem:s2] =	stream.indirect.scatter.add.f32 @!p2 [tilespmem:s1], [sflag:$0x3], $0x48, s0, s26, $0xb8;
	[tilespmem:$0x13400] =	vst v63  }
0x4e: {  	s26 =	simm.s32 @!p2 $0x3  }
0x4f: {  	s1 =	simm.s32 $0x3;
	s0 =	sadd.s32 $0x900, s19;
	_ =	swait.ge @!p2 [sflag:s26], $0x2400  }
.LBB2_4:
0x50: {  	[sflag:s26] =	ssyncset.done @!p2 $0x0  }
0x51: {  	s31 =	sadd.s32 $0x100, s31;
	s28 =	smov.u32 s1;
	s1 =	sadd.s32 $0x2, s1  }
0x52: {  	s10 =	sadd.s32 $0xFFFFFFFF, s28;
	p1 =	sne.s32 s1, $0x27;
	[sflag:s26] =	ssyncadd.s32 @!p2 $0xFFFFDC00  }
0x53: {  	[tilespmem:s23], [sflag:$0x2] =	stream.linear.gather [hbm4b:s0+s3], $0x2400, $0x38;
	[tilespmem:$0x13400] =	vst v63  }
0x54: {  	p2 =	sge.u32 s10, s7;
	_ =	swait.ge [sflag:s24], $0x2400  }
0x55: {  	s10 =	simm.s32 @!p2 $0x80;
	s26 =	simm.s32 @!p2 $0x1400;
	[sflag:s24] =	ssyncset.done $0x0  }
0x56: {  	s11 =	simm.s32 @!p2 $0x4;
	[sflag:s24] =	ssyncadd.s32 $0xFFFFDC00  }
0x57: {  	[spmem:s2] =	stream.indirect.scatter.add.f32 @!p2 [tilespmem:s26], [sflag:$0x4], $0x48, s31, s10, $0xb8;
	[tilespmem:$0x13400] =	vst v63  }
0x58: {  	_ =	swait.ge @!p2 [sflag:s11], $0x2400  }
0x59: {  	s10 =	sadd.s32 $0x480, s0;
	[sflag:s11] =	ssyncset.done @!p2 $0x0  }
0x5a: {  	[sflag:s11] =	ssyncadd.s32 @!p2 $0xFFFFDC00  }
0x5b: {  	[tilespmem:s22], [sflag:$0x1] =	stream.linear.gather [hbm4b:s10+s3], $0x2400, $0x38;
	[tilespmem:$0x13400] =	vst v63  }
.Ltmp1:
0x5c: {  	p2 =	sge.u32 s28, s7;
	_ =	swait.ge [sflag:s25], $0x2400;
	(pc) =	sbr.rel @p1 .LBB2_4-.Ltmp1, $4  }
0x5d: {  	s10 =	sadd.s32 @!p2 $0x80, s31;
	s11 =	simm.s32 @!p2 $0x3800;
	[sflag:s25] =	ssyncset.done $0x0  }
0x5e: {  	s28 =	simm.s32 @!p2 $0x80;
	s26 =	simm.s32 @!p2 $0x3;
	[sflag:s25] =	ssyncadd.s32 $0xFFFFDC00  }
0x5f: {  	[spmem:s2] =	stream.indirect.scatter.add.f32 @!p2 [tilespmem:s11], [sflag:$0x3], $0x48, s10, s28, $0xb8;
	[tilespmem:$0x13400] =	vst v63  }
0x60: {  	s0 =	sadd.s32 $0x900, s0;
	_ =	swait.ge @!p2 [sflag:s26], $0x2400  }
0x61: {  	[sflag:s26] =	ssyncset.done @!p2 $0x0  }
0x62: {  	[sflag:s26] =	ssyncadd.s32 @!p2 $0xFFFFDC00  }
0x63: {  	[tilespmem:s23], [sflag:$0x2] =	stream.linear.gather [hbm4b:s18+s3], $0x2400, $0x38;
	[tilespmem:$0x13400] =	vst v63  }
0x64: {  	_ =	swait.ge [sflag:s24], $0x2400  }
0x65: {  	[sflag:s24] =	ssyncset.done $0x0  }
0x66: {  	s0 =	simm.s32 $0x80;
	s1 =	simm.s32 $0x1300;
	[sflag:s24] =	ssyncadd.s32 $0xFFFFDC00  }
0x67: {  	[spmem:s2] =	stream.indirect.scatter.add.f32 [tilespmem:s22], [sflag:$0x4], $0x48, s1, s0, $0xb8;
	[tilespmem:$0x13400] =	vst v63  }
0x68: {  	_ =	swait.ge [sflag:s29], $0x2400  }
0x69: {  	[sflag:s29] =	ssyncset.done $0x0  }
0x6a: {  	[sflag:s29] =	ssyncadd.s32 $0xFFFFDC00  }
0x6b: {  	_ =	swait.ge [sflag:s25], $0x2400  }
0x6c: {  	s10 =	simm.s32 @!p0 $0x3800;
	[sflag:s25] =	ssyncset.done $0x0  }
0x6d: {  	s0 =	simm.s32 @!p0 $0x80;
	s1 =	simm.s32 @!p0 $0x1380;
	[sflag:s25] =	ssyncadd.s32 $0xFFFFDC00  }
0x6e: {  	[spmem:s2] =	stream.indirect.scatter.add.f32 @!p0 [tilespmem:s10], [sflag:$0x3], $0x48, s1, s0, $0xb8;
	[tilespmem:$0x13400] =	vst v63  }
0x6f: {  	s0 =	simm.s32 @!p0 $0x3  }
0x70: {  	_ =	swait.ge @!p0 [sflag:s0], $0x2400  }
0x71: {  	s1 =	stileid.u32;
	[sflag:s0] =	ssyncset.done @!p0 $0x0  }
0x72: {  	[sflag:s0] =	ssyncadd.s32 @!p0 $0xFFFFDC00;
	s0 =	sshll.u32 s1, $0x6  }
0x73: {  	s10 =	sshrl.u32 s4, $0x3;
	[bflag:$0x0] =	sbarrier.arrive $0xFFFF;
	s0 =	sor.u32 $0x1C03, s0  }
0x74: {  	[hbm:s12], [sflag:s0] =	dma.local [spmem:s10], $0x480  }
0x75: {  	_ =	swait.ge [sflag:s21], $0x480  }
0x76: {  	[sflag:s21] =	ssyncset.done $0x0  }
0x77: {  	s11 =	sshrl.u32 s5, $0x3;
	[sflag:s21] =	ssyncadd.s32 $0xFFFFFB80  }
0x78: {  	[hbm:s13], [sflag:s0] =	dma.local [spmem:s11], $0x480  }
0x79: {  	_ =	swait.ge [sflag:s21], $0x480  }
0x7a: {  	[sflag:s21] =	ssyncset.done $0x0  }
0x7b: {  	s26 =	sshrl.u32 s6, $0x3;
	[sflag:s21] =	ssyncadd.s32 $0xFFFFFB80  }
0x7c: {  	[hbm:s14], [sflag:s0] =	dma.local [spmem:s26], $0x480  }
0x7d: {  	_ =	swait.ge [sflag:s21], $0x480  }
0x7e: {  	[sflag:s21] =	ssyncset.done $0x0  }
0x7f: {  	s28 =	sshrl.u32 s8, $0x3;
	[sflag:s21] =	ssyncadd.s32 $0xFFFFFB80  }
0x80: {  	[hbm:s15], [sflag:s0] =	dma.local [spmem:s28], $0x480  }
0x81: {  	s30 =	sadd.s32 $0x1, s30;
	_ =	swait.ge [sflag:s21], $0x480  }
0x82: {  	p1 =	sne.s32 s30, s17;
	[sflag:s21] =	ssyncset.done $0x0  }
.Ltmp2:
0x83: {  	s31 =	sshrl.u32 s9, $0x3;
	[sflag:s21] =	ssyncadd.s32 $0xFFFFFB80;
	(pc) =	sbr.rel @p1 .LBB2_1-.Ltmp2, $4  }
0x84: {  	[hbm:s16], [sflag:s0] =	dma.local [spmem:s31], $0x480  }
0x85: {  	_ =	swait.ge [sflag:s21], $0x480  }
0x86: {  	[sflag:s21] =	ssyncset.done $0x0  }
0x87: {  	[sflag:s21] =	ssyncadd.s32 $0xFFFFFB80  }
0x88: {  	_ =	sfence.sel $0x180000  }
0x89: {  	[bflag:$0x0] =	sbarrier.arrive $0xFFFF  }
0x8a: {  	_ =	strace $0x9000004A  }
0x8b: {  	[bflag:$0x2] =	sbarrier.arrive $0xFFFF  }
0x8c: {  	s0 =	rddreg [dreg:$0x2]  }
0x8d: {  	s0 =	sadd.s32 @!p0 $0x100000, s0  }
0x8e: {  	[sflag:s0] =	ssyncadd.tile.s32 @!p0 $0x1;
	_ =	shalt  }
.Lfunc_end2:
_tile_overlayer_lowered:
.L_overlay_start_2:
0x8f: {  	(tag) =	ssettag $0x2  }
0x90: {  	s0 =	rddreg [dreg:$0x0];
	s2 =	stileid.u32  }
0x91: {  	s1 =	rddreg [dreg:$0x1];
	p0 =	sne.s32 s2, $0x0  }
0x92: {  	s3 =	rddreg [dreg:$0x2];
	[bflag:$0x3] =	sbarrier.arrive $0xFFFF;
	s2 =	simm.s32 @!p0 $0x1C03  }
0x93: {  	[timem:s3], [sflag:s2] =	dma.local @!p0 [hbm:s0], s1  }
0x94: {  	s0 =	simm.s32 @!p0 $0x3  }
0x95: {  	_ =	swait.ge @!p0 [sflag:s0], s1  }
0x96: {  	s1 =	ssub.s32 @!p0 $0x0, s1;
	[sflag:s0] =	ssyncset.done @!p0 $0x0  }
0x97: {  	[sflag:s0] =	ssyncadd.s32 @!p0 s1  }
0x98: {  	[bflag:$0x3] =	sbarrier.arrive $0xFFFF  }
0x99: {  	_ =	shalt  }

// kernel: kernel.20.cloned.1.call-start
scs
__scs_entry_jumppad:
0x0: {  	(pc) =	sbr.rel $0x88, $3  }
0x1: {  	(tag) =	ssettag $0x0;
	lr =	simm.s32 $0x1  }
0x2: {  	[smem:$0x3F5B] =	sst lr;
	_ =	strace $0xD0000000  }
0x3: {  	_ = 	snop  }
0x4: {  	_ = 	snop  }
0x5: {  	_ = 	snop  }
0x6: {  	_ = 	snop  }
0x7: {  	_ = 	snop  }
__scs_overlays_trampoline_lowered:
0x8: {  	[smem:$0x3F6A] =	sst s0  }
0x9: {  	[smem:$0x3F6B] =	sst s1  }
0xa: {  	[smem:$0x3F6C] =	sst s2  }
0xb: {  	[smem:$0x3F6D] =	sst s3  }
0xc: {  	[smem:$0x3F6E] =	sst s4  }
0xd: {  	[smem:$0x3F6F] =	sst s5  }
0xe: {  	[smem:$0x3F70] =	sst s6  }
0xf: {  	[smem:$0x3F71] =	sst s7  }
0x10: {  	[smem:$0x3F72] =	sst s8  }
0x11: {  	[smem:$0x3F73] =	sst s9;
	s0 =	simm.s32 @!p0 $0x0  }
0x12: {  	s1 =	sld [smem:$0x3F59];
	s0 =	simm.s32 @p0 $0x1  }
0x13: {  	[smem:$0x3F74] =	sst s0;
	s0 =	simm.s32 @!p1 $0x0  }
0x14: {  	s2 =	sld [smem:$0x3F58];
	s0 =	simm.s32 @p1 $0x1  }
0x15: {  	[smem:$0x3F75] =	sst s0;
	s0 =	simm.s32 @!p2 $0x0  }
0x16: {  	s3 =	sld [smem:$0x3FDB];
	s0 =	simm.s32 @p2 $0x1  }
0x17: {  	s4 =	simm.s32 $0x1BF5;
	[smem:$0x3F77] =	sst s0  }
0x18: {  	s0 =	sld [smem:$0x3F5A];
	_ =	swait.ge [sflag:s4], $0x0  }
0x19: {  	s7 =	sld [smem:$0x3F5B]  }
0x1a: {  	s8 =	sadd.s32 $0xFFFFE003, lr  }
0x1b: {  	s9 =	sadd.s32 $0xFFFFFEF7, lr;
	s5 =	simm.s32 $0xFFFFFFFF;
	p2 =	slt.u32 s8, $0xFFFFF086  }
0x1c: {  	p1 =	slt.u32 s9, $0xF7A;
	s5 =	simm.s32 @!p2 $0x0  }
0x1d: {  	s5 =	simm.s32 @p1 $0x1;
	p0 =	seq.s32 s7, s2  }
0x1e: {  	s7 =	smul.u32 @!p0 $0xF7A, s2;
	p2 =	seq.s32 @!p0 s5, $0x0  }
0x1f: {  	s9 =	smul.u32 $0xF7A, s1;
	s8 =	simm.s32 @!p0 $0x1BF5;
	p2 =	por !p2, p0  }
0x20: {  	[sflag:s8] =	ssyncset.s32 @!p0 $0xFFFFF086;
	s6 =	sadd.s32 @!p0 s3, s7;
	s7 =	simm.s32 @!p0 $0x108  }
0x21: {  	s3 =	sadd.s32 s3, s9;
	s6 =	sadd.s32 @!p0 $0x88, s6;
	s7 =	simm.s32 @p2 $0x1082  }
0x22: {  	[simem:s7], [sflag:s8] =	dma.local @!p0 [hbm:s6], $0xF7A  }
0x23: {  	s9 =	sor.u32 $0xD0000000, s2;
	s6 =	simm.s32 $0x108;
	_ =	swait.ge @!p0 [sflag:s8], $0x0  }
0x24: {  	s3 =	sadd.s32 $0x88, s3;
	s6 =	simm.s32 @!p1 $0x1082;
	[sflag:s4] =	ssyncset.s32 $0xFFFFF086  }
0x25: {  	[simem:s6], [sflag:s4] =	dma.local [hbm:s3], $0xF7A  }
0x26: {  	[smem:$0x3F5B] =	sst s1;
	(tag) =	ssettag s2;
	_ =	strace s9  }
0x27: {  	s1 =	sld [smem:$0x3F6B]  }
0x28: {  	s2 =	sld [smem:$0x3F6C]  }
0x29: {  	s4 =	sld [smem:$0x3F6E]  }
0x2a: {  	p0 =	seq.s32 s5, $0x0;
	s5 =	sld [smem:$0x3F6F]  }
0x2b: {  	s6 =	sld [smem:$0x3F70]  }
0x2c: {  	s7 =	sld [smem:$0x3F71]  }
0x2d: {  	s3 =	simm.s32 $0x108;
	s8 =	sld [smem:$0x3F72]  }
0x2e: {  	s3 =	simm.s32 @!p0 $0x1082;
	s9 =	sld [smem:$0x3F73]  }
0x2f: {  	lr =	sadd.s32 s0, s3;
	s0 =	sld [smem:$0x3F6A]  }
0x30: {  	s3 =	sld [smem:$0x3F6D]  }
0x31: {  	[smem:$0x3F76] =	sst s10  }
0x32: {  	s10 =	sld [smem:$0x3F74];
	_ =	sdelay $0x3  }
0x33: {  	p0 =	seq.s32 s10, $0x1;
	s10 =	sld [smem:$0x3F76];
	_ =	sdelay $0x3  }
0x34: {  	[smem:$0x3F76] =	sst s10  }
0x35: {  	s10 =	sld [smem:$0x3F75];
	_ =	sdelay $0x3  }
0x36: {  	p1 =	seq.s32 s10, $0x1;
	s10 =	sld [smem:$0x3F76];
	_ =	sdelay $0x3  }
0x37: {  	[smem:$0x3F76] =	sst s10  }
0x38: {  	s10 =	sld [smem:$0x3F77]  }
0x39: {  	_ = 	snop;
	(pc) =	sbr.ind lr, $3  }
0x3a: {  	_ = 	snop  }
0x3b: {  	_ = 	snop  }
0x3c: {  	p2 =	seq.s32 s10, $0x1;
	s10 =	sld [smem:$0x3F76]  }
0x3d: {  	_ =	shalt  }
0x3e: {  	_ =	shalt  }
0x3f: {  	_ =	shalt  }
0x40: {  	_ =	shalt  }
0x41: {  	_ =	shalt  }
0x42: {  	_ =	shalt  }
0x43: {  	_ =	shalt  }
0x44: {  	_ =	shalt  }
0x45: {  	_ =	shalt  }
0x46: {  	_ =	shalt  }
0x47: {  	_ =	shalt  }
0x48: {  	_ =	shalt  }
0x49: {  	_ =	shalt  }
0x4a: {  	_ =	shalt  }
0x4b: {  	_ =	shalt  }
0x4c: {  	_ =	shalt  }
0x4d: {  	_ =	shalt  }
0x4e: {  	_ =	shalt  }
0x4f: {  	_ =	shalt  }
0x50: {  	_ =	shalt  }
0x51: {  	_ =	shalt  }
0x52: {  	_ =	shalt  }
0x53: {  	_ =	shalt  }
0x54: {  	_ =	shalt  }
0x55: {  	_ =	shalt  }
0x56: {  	_ =	shalt  }
0x57: {  	_ =	shalt  }
0x58: {  	_ =	shalt  }
0x59: {  	_ =	shalt  }
0x5a: {  	_ =	shalt  }
0x5b: {  	_ =	shalt  }
0x5c: {  	_ =	shalt  }
0x5d: {  	_ =	shalt  }
0x5e: {  	_ =	shalt  }
0x5f: {  	_ =	shalt  }
0x60: {  	_ =	shalt  }
0x61: {  	_ =	shalt  }
0x62: {  	_ =	shalt  }
0x63: {  	_ =	shalt  }
0x64: {  	_ =	shalt  }
0x65: {  	_ =	shalt  }
0x66: {  	_ =	shalt  }
0x67: {  	_ =	shalt  }
0x68: {  	_ =	shalt  }
0x69: {  	_ =	shalt  }
0x6a: {  	_ =	shalt  }
0x6b: {  	_ =	shalt  }
0x6c: {  	_ =	shalt  }
0x6d: {  	_ =	shalt  }
0x6e: {  	_ =	shalt  }
0x6f: {  	_ =	shalt  }
0x70: {  	_ =	shalt  }
0x71: {  	_ =	shalt  }
0x72: {  	_ =	shalt  }
0x73: {  	_ =	shalt  }
0x74: {  	_ =	shalt  }
0x75: {  	_ =	shalt  }
0x76: {  	_ =	shalt  }
0x77: {  	_ =	shalt  }
0x78: {  	_ =	shalt  }
0x79: {  	_ =	shalt  }
0x7a: {  	_ =	shalt  }
0x7b: {  	_ =	shalt  }
0x7c: {  	_ =	shalt  }
0x7d: {  	_ =	shalt  }
0x7e: {  	_ =	shalt  }
0x7f: {  	_ =	shalt  }
0x80: {  	_ =	shalt  }
0x81: {  	_ =	shalt  }
0x82: {  	_ =	shalt  }
0x83: {  	_ =	shalt  }
0x84: {  	_ =	shalt  }
0x85: {  	_ =	shalt  }
0x86: {  	_ =	shalt  }
0x87: {  	_ =	shalt  }
.Lfunc_end0:
.L_simem_size_0:
called_computation.2_lowered:
.L_overlay_start_0:
0x88: {  	s2 =	sld [smem:$0x3FD9]  }
0x89: {  	s3 =	sld [smem:$0x3FFE];
	_ =	sdelay $0x1  }
0x8a: {  	s1 =	srdreg.scid  }
0x8b: {  	s0 =	sand.u32 $0x1, s1  }
0x8c: {  	s16 =	sshll.u32 s0, $0xA;
	s2 =	sadd.s32 s3, s2  }
0x8d: {  	s2 =	sadd.s32 s2, s16  }
0x8e: {  	[smem:$0x3F82] =	sst s2  }
0x8f: {  	_ = 	snop  }
0x90: {  	(tm) =	ssettm $0x1  }
0x91: {  	s17 =	sld [smem:$0x3FFB];
	_ =	sdelay $0x3  }
0x92: {  	_ =	strace s17  }
0x93: {  	s2 =	sld [smem:$0x3FFC];
	_ =	sdelay $0x3  }
0x94: {  	_ =	strace s2  }
0x95: {  	s2 =	sld [smem:$0x3FFD];
	_ =	sdelay $0x3  }
0x96: {  	_ =	strace s2  }
0x97: {  	_ =	strace $0x8FFFFFFF  }
0x98: {  	s18 =	sld [smem:$0x3FDB];
	_ =	sdelay $0x1  }
0x99: {  	s19 =	simm.s32 $_scs_section_size  }
0x9a: {  	s4 =	simm.s32 $_size__tile_overlayer_lowered;
	s5 =	simm.s32 $_tile_overlayer_lowered  }
0x9b: {  	s22 =	simm.s32 $0x1BFF;
	s21 =	sshll.u32 s5, $0x1;
	s2 =	sadd.s32 s19, s18  }
0x9c: {  	s6 =	simm.s32 $0x0;
	s20 =	sshll.u32 s4, $0x1;
	s4 =	sadd.s32 s21, s2  }
0x9d: {  	[timem:s6], [sflag:s22] =	dma.local [hbm:s4], s20  }
0x9e: {  	_ =	swait.ge [sflag:s22], s20  }
0x9f: {  	s3 =	ssub.s32 $0x0, s20;
	[sflag:s22] =	ssyncset.done $0x0  }
0xa0: {  	[sflag:s22] =	ssyncadd.s32 s3;
	_ =	sdelay $0x1  }
0xa1: {  	s23 =	simm.s32 $0x1B8B  }
0xa2: {  	_ =	swait.ge [sflag:s23], $0x1  }
0xa3: {  	[sflag:s23] =	ssyncset.done $0x0  }
0xa4: {  	s25 =	simm.s32 $0x1B8E;
	s24 =	sld [smem:$0x3FFE];
	[sflag:s23] =	ssyncadd.s32 $0xFFFFFFFF  }
0xa5: {  	s26 =	simm.s32 $execute0_lowered;
	[smem:$0x3FD2] =	sst s25  }
0xa6: {  	s4 =	sshll.u32 s26, $0x1;
	_ =	strace $0x8000004C;
	[dreg:$0x1] =	wrdreg $0xFFFFFFFF  }
0xa7: {  	s28 =	simm.s32 $_size_execute0_lowered;
	s2 =	sadd.s32 s2, s4;
	[dreg:$0x0] =	wrdreg $0x0  }
0xa8: {  	s4 =	sshll.u32 s28, $0x1;
	[dreg:$0x2] =	wrdreg s2  }
0xa9: {  	[dreg:$0x3] =	wrdreg s4  }
0xaa: {  	[dreg:$0x4] =	wrdreg $0xC0  }
0xab: {  	_ =	task [dreg:s6], $0x5FFFF  }
0xac: {  	[dreg:$0x1] =	wrdreg $0xFFFFFFFF  }
0xad: {  	[dreg:$0x0] =	wrdreg $0x60  }
0xae: {  	[dreg:$0x2] =	wrdreg s24  }
0xaf: {  	[dreg:$0x3] =	wrdreg $0x9  }
0xb0: {  	_ =	task.clear_ibuf [dreg:s6], $0x4FFFF;
	_ =	strace $0x9000004C  }
0xb1: {  	s29 =	simm.s32 $0x9;
	_ =	strace $0x8000004E  }
0xb2: {  	_ =	swait.ge [sflag:s29], $0x1  }
0xb3: {  	[sflag:s29] =	ssyncadd.s32 $0xFFFFFFFF  }
0xb4: {  	_ =	strace $0x9000004E  }
0xb5: {  	_ =	sfence  }
0xb6: {  	s30 =	sld [smem:$0x0];
	_ =	sdelay $0x2  }
0xb7: {  	s31 =	sshll.u32 s1, $0xD;
	s1 =	sshrl.u32 s1, $0x2  }
0xb8: {  	s3 =	sand.u32 $0x4000, s31;
	s1 =	sadd.s32 s1, s30  }
0xb9: {  	s0 =	sor.u32 s3, s0;
	s1 =	sshll.u32 s1, $0x11  }
0xba: {  	s0 =	sor.u32 s1, s0  }
0xbb: {  	s0 =	sadd.s32 $0x8F2B, s0  }
0xbc: {  	[sflag:s0] =	ssyncadd.remote.s32 $0x1  }
0xbd: {  	_ =	sfence.sel $0xFFFF  }
0xbe: {  	[dreg:$0x0] =	wrdreg $0xFFFFFFFF;
	(pc) =	sbr.abs _section_cstart, $3  }
0xbf: {  	[dreg:$0x1] =	wrdreg $0xFFFFFFFF  }
0xc0: {  	_ =	task.clear_ibuf [dreg:s6], $0x2FFFF;
	_ =	strace $0x9FFFFFFF  }
0xc1: {  	(tm) =	ssettm $0x7FFFFFFF  }
tec
execute0_lowered:
.L_overlay_start_1:
0x0: {  	(tag) =	ssettag $0x1  }
0x1: {  	s1 =	srdreg.scid;
	s0 =	stileid.u32  }
0x2: {  	s5 =	rddreg [dreg:$0x0];
	s2 =	simm.s32 $0x0;
	s9 =	simm.s32 $0x27  }
0x3: {  	s21 =	simm.s32 $0x5000;
	s22 =	simm.s32 $0x6400;
	s23 =	simm.s32 $0x1  }
0x4: {  	s28 =	simm.s32 $0x0;
	s12 =	sand.u32 $0x1, s1;
	s24 =	sshll.u32 s0, $0x1  }
0x5: {  	[smem:$0x7FF] =	sst s2;
	s14 =	sadd.s32 $0x131E00, s5;
	s15 =	sadd.s32 $0x6E800, s5  }
0x6: {  	p0 =	seq.s32 s0, $0x0;
	s17 =	smul.u32 $0xC300, s0;
	s3 =	sor.u32 s12, s24  }
0x7: {  	_ =	strace $0x8000004D;
	s25 =	ssub.s32 $0x2, s12;
	s18 =	smul.u32 $0x6180, s12  }
0x8: {  	s9 =	simm.s32 @!p0 $0x26;
	s24 =	simm.s32 $0x2;
	s4 =	smul.u32 $0x27, s3  }
0x9: {  	s13 =	smin.u32 s3, $0x2;
	s3 =	sadd.s32 $0x58400, s5;
	s8 =	sshrl.u32 s25, $0x1  }
0xa: {  	s19 =	sadd.s32 s17, s14;
	s30 =	sadd.s32 s17, s15;
	s8 =	ssub.s32 s25, s8  }
0xb: {  	s20 =	smul.u32 $0x280, s13;
	s31 =	sadd.s32 s18, s19;
	s17 =	sadd.s32 s18, s30  }
0xc: {  	s18 =	simm.s32 $0x2800;
	s19 =	simm.s32 $0x3C00;
	s7 =	sadd.s32 s13, s4  }
0xd: {  	s25 =	simm.s32 $0x3;
	s4 =	sadd.s32 $0x4C000, s5;
	s6 =	sshll.u32 s7, $0x4  }
0xe: {  	s10 =	smul.u32 $0x280, s7;
	s11 =	sadd.s32 s7, s9;
	s7 =	smax.u32 s8, $0x1  }
0xf: {  	s8 =	sshll.u32 s9, $0x7;
	s6 =	sadd.s32 s6, s5;
	s16 =	smul.u32 $0x280, s11  }
0x10: {  	s9 =	sadd.s32 $0x1400, s8;
	s26 =	sadd.s32 $0x64800, s6;
	s29 =	sadd.s32 $0x5F00, s10  }
0x11: {  	s6 =	sadd.s32 $0x69800, s6;
	[dreg:$0x2] =	wrdreg s26;
	s10 =	sadd.s32 s14, s29  }
0x12: {  	s11 =	sadd.s32 s15, s29;
	s12 =	sadd.s32 s14, s16;
	s13 =	sadd.s32 s15, s16  }
0x13: {  	s14 =	sadd.s32 s20, s31;
	s15 =	sadd.s32 s20, s17;
	s16 =	simm.s32 $0x5  }
0x14: {  	s17 =	simm.s32 $0x1400;
	s20 =	simm.s32 $0x80;
	s26 =	simm.s32 $0x4  }
.LBB2_1:
0x15: {  	s0 =	rddreg [dreg:$0x2]  }
0x16: {  	[tilespmem:s2], [sflag:$0x5] =	stream.linear.gather [hbm4b:s0+s2], $0x1400, $0x38;
	[tilespmem:$0x7800] =	vst v63  }
0x17: {  	_ =	swait.ge [sflag:s16], $0x1400  }
0x18: {  	[sflag:s16] =	ssyncset.done $0x0  }
0x19: {  	[sflag:s16] =	ssyncadd.s32 $0xFFFFEC00  }
0x1a: {  	[tilespmem:s17], [sflag:$0x5] =	stream.linear.gather [hbm4b:s6+s2], $0x1400, $0x38;
	[tilespmem:$0x7800] =	vst v63  }
0x1b: {  	_ =	swait.ge [sflag:s16], $0x1400  }
0x1c: {  	[sflag:s16] =	ssyncset.done $0x0  }
0x1d: {  	[sflag:s16] =	ssyncadd.s32 $0xFFFFEC00  }
0x1e: {  	[tilespmem:s18], [sflag:$0x1] =	stream.indirect.gather [hbm4b:s3+s20], $0x28, s2, s20, $0xb8;
	[tilespmem:$0x7800] =	vst v63  }
0x1f: {  	_ = 	snop  }
0x20: {  	[tilespmem:s19], [sflag:$0x2] =	stream.indirect.gather [hbm4b:s4+s20], $0x28, s17, s20, $0xb8;
	[tilespmem:$0x7800] =	vst v63  }
0x21: {  	_ = 	snop  }
0x22: {  	[tilespmem:s21], [sflag:$0x3] =	stream.indirect.gather [hbm4b:s3+s20], $0x28, s20, s20, $0xb8;
	[tilespmem:$0x7800] =	vst v63  }
0x23: {  	s29 =	simm.s32 $0x1480  }
0x24: {  	[tilespmem:s22], [sflag:$0x4] =	stream.indirect.gather [hbm4b:s4+s20], $0x28, s29, s20, $0xb8;
	[tilespmem:$0x7800] =	vst v63  }
0x25: {  	_ =	swait.ge [sflag:s23], $0x1400  }
0x26: {  	[sflag:s23] =	ssyncset.done $0x0  }
0x27: {  	[sflag:s23] =	ssyncadd.s32 $0xFFFFEC00  }
0x28: {  	_ =	swait.ge [sflag:s24], $0x1400  }
0x29: {  	[sflag:s24] =	ssyncset.done $0x0  }
0x2a: {  	s30 =	sadd.s32 $0x0, s14;
	[sflag:s24] =	ssyncadd.s32 $0xFFFFEC00  }
0x2b: {  	[hbm4b:s30+s2] =	stream.linear.scatter [tilespmem:s18], [sflag:$0x5], $0x1400, $0x38;
	[tilespmem:$0x7800] =	vst v63  }
0x2c: {  	_ =	swait.ge [sflag:s16], $0x1400  }
0x2d: {  	[sflag:s16] =	ssyncset.done $0x0  }
0x2e: {  	s31 =	sadd.s32 $0x0, s15;
	[sflag:s16] =	ssyncadd.s32 $0xFFFFEC00  }
0x2f: {  	[hbm4b:s31+s2] =	stream.linear.scatter [tilespmem:s19], [sflag:$0x5], $0x1400, $0x38;
	[tilespmem:$0x7800] =	vst v63  }
0x30: {  	_ =	swait.ge [sflag:s16], $0x1400  }
0x31: {  	[sflag:s16] =	ssyncset.done $0x0  }
0x32: {  	s1 =	simm.s32 $0x100;
	[sflag:s16] =	ssyncadd.s32 $0xFFFFEC00  }
0x33: {  	[tilespmem:s18], [sflag:$0x1] =	stream.indirect.gather [hbm4b:s3+s20], $0x28, s1, s20, $0xb8;
	[tilespmem:$0x7800] =	vst v63  }
0x34: {  	s5 =	simm.s32 $0x1500  }
0x35: {  	[tilespmem:s19], [sflag:$0x2] =	stream.indirect.gather [hbm4b:s4+s20], $0x28, s5, s20, $0xb8;
	[tilespmem:$0x7800] =	vst v63  }
0x36: {  	_ =	swait.ge [sflag:s25], $0x1400  }
0x37: {  	[sflag:s25] =	ssyncset.done $0x0  }
0x38: {  	[sflag:s25] =	ssyncadd.s32 $0xFFFFEC00  }
0x39: {  	_ =	swait.ge [sflag:s26], $0x1400  }
0x3a: {  	[sflag:s26] =	ssyncset.done $0x0  }
0x3b: {  	s0 =	sadd.s32 $0x280, s30;
	[sflag:s26] =	ssyncadd.s32 $0xFFFFEC00  }
0x3c: {  	[hbm4b:s0+s2] =	stream.linear.scatter [tilespmem:s21], [sflag:$0x5], $0x1400, $0x38;
	[tilespmem:$0x7800] =	vst v63  }
0x3d: {  	_ =	swait.ge [sflag:s16], $0x1400  }
0x3e: {  	[sflag:s16] =	ssyncset.done $0x0  }
0x3f: {  	s5 =	sadd.s32 $0x280, s31;
	[sflag:s16] =	ssyncadd.s32 $0xFFFFEC00  }
0x40: {  	[hbm4b:s5+s2] =	stream.linear.scatter [tilespmem:s22], [sflag:$0x5], $0x1400, $0x38;
	[tilespmem:$0x7800] =	vst v63  }
0x41: {  	_ =	swait.ge [sflag:s16], $0x1400  }
0x42: {  	s30 =	simm.s32 $0x500;
	s31 =	simm.s32 $0x80;
	[sflag:s16] =	ssyncset.done $0x0  }
.LBB2_2:
0x43: {  	[sflag:s16] =	ssyncadd.s32 $0xFFFFEC00;
	s31 =	sadd.s32 $0x100, s31;
	s29 =	sadd.s32 $0x100, s29  }
0x44: {  	[tilespmem:s21], [sflag:$0x3] =	stream.indirect.gather [hbm4b:s3+s20], $0x28, s31, s20, $0xb8;
	[tilespmem:$0x7800] =	vst v63  }
0x45: {  	p0 =	sne.s32 s30, $0x5A00;
	s1 =	smov.u32 s30;
	s30 =	sadd.s32 $0x500, s30  }
0x46: {  	[tilespmem:s22], [sflag:$0x4] =	stream.indirect.gather [hbm4b:s4+s20], $0x28, s29, s20, $0xb8;
	[tilespmem:$0x7800] =	vst v63  }
0x47: {  	_ =	swait.ge [sflag:s23], $0x1400  }
0x48: {  	[sflag:s23] =	ssyncset.done $0x0  }
0x49: {  	[sflag:s23] =	ssyncadd.s32 $0xFFFFEC00  }
0x4a: {  	_ =	swait.ge [sflag:s24], $0x1400  }
0x4b: {  	[sflag:s24] =	ssyncset.done $0x0  }
0x4c: {  	s0 =	sadd.s32 s1, s14;
	[sflag:s24] =	ssyncadd.s32 $0xFFFFEC00  }
0x4d: {  	[hbm4b:s0+s2] =	stream.linear.scatter [tilespmem:s18], [sflag:$0x5], $0x1400, $0x38;
	[tilespmem:$0x7800] =	vst v63  }
0x4e: {  	_ =	swait.ge [sflag:s16], $0x1400  }
0x4f: {  	[sflag:s16] =	ssyncset.done $0x0  }
0x50: {  	s1 =	sadd.s32 s1, s15;
	[sflag:s16] =	ssyncadd.s32 $0xFFFFEC00  }
0x51: {  	[hbm4b:s1+s2] =	stream.linear.scatter [tilespmem:s19], [sflag:$0x5], $0x1400, $0x38;
	[tilespmem:$0x7800] =	vst v63  }
0x52: {  	_ =	swait.ge [sflag:s16], $0x1400  }
0x53: {  	[sflag:s16] =	ssyncset.done $0x0  }
0x54: {  	s5 =	sadd.s32 $0x80, s31;
	[sflag:s16] =	ssyncadd.s32 $0xFFFFEC00  }
0x55: {  	[tilespmem:s18], [sflag:$0x1] =	stream.indirect.gather [hbm4b:s3+s20], $0x28, s5, s20, $0xb8;
	[tilespmem:$0x7800] =	vst v63  }
0x56: {  	s5 =	sadd.s32 $0x80, s29  }
0x57: {  	[tilespmem:s19], [sflag:$0x2] =	stream.indirect.gather [hbm4b:s4+s20], $0x28, s5, s20, $0xb8;
	[tilespmem:$0x7800] =	vst v63  }
0x58: {  	_ =	swait.ge [sflag:s25], $0x1400  }
0x59: {  	[sflag:s25] =	ssyncset.done $0x0  }
0x5a: {  	[sflag:s25] =	ssyncadd.s32 $0xFFFFEC00  }
0x5b: {  	_ =	swait.ge [sflag:s26], $0x1400  }
0x5c: {  	[sflag:s26] =	ssyncset.done $0x0  }
0x5d: {  	s0 =	sadd.s32 $0x280, s0;
	[sflag:s26] =	ssyncadd.s32 $0xFFFFEC00  }
0x5e: {  	[hbm4b:s0+s2] =	stream.linear.scatter [tilespmem:s21], [sflag:$0x5], $0x1400, $0x38;
	[tilespmem:$0x7800] =	vst v63  }
0x5f: {  	_ =	swait.ge [sflag:s16], $0x1400  }
.Ltmp0:
0x60: {  	[sflag:s16] =	ssyncset.done $0x0;
	(pc) =	sbr.rel @p0 .LBB2_2-.Ltmp0, $4  }
0x61: {  	s0 =	sadd.s32 $0x280, s1;
	[sflag:s16] =	ssyncadd.s32 $0xFFFFEC00  }
0x62: {  	[hbm4b:s0+s2] =	stream.linear.scatter [tilespmem:s22], [sflag:$0x5], $0x1400, $0x38;
	[tilespmem:$0x7800] =	vst v63  }
0x63: {  	_ =	swait.ge [sflag:s16], $0x1400  }
0x64: {  	[sflag:s16] =	ssyncset.done $0x0  }
0x65: {  	[sflag:s16] =	ssyncadd.s32 $0xFFFFEC00  }
0x66: {  	[tilespmem:s21], [sflag:$0x3] =	stream.indirect.gather [hbm4b:s3+s20], $0x28, s8, s20, $0xb8;
	[tilespmem:$0x7800] =	vst v63  }
0x67: {  	_ = 	snop  }
0x68: {  	[tilespmem:s22], [sflag:$0x4] =	stream.indirect.gather [hbm4b:s4+s20], $0x28, s9, s20, $0xb8;
	[tilespmem:$0x7800] =	vst v63  }
0x69: {  	_ =	swait.ge [sflag:s23], $0x1400  }
0x6a: {  	[sflag:s23] =	ssyncset.done $0x0  }
0x6b: {  	[sflag:s23] =	ssyncadd.s32 $0xFFFFEC00  }
0x6c: {  	_ =	swait.ge [sflag:s24], $0x1400  }
0x6d: {  	[sflag:s24] =	ssyncset.done $0x0  }
0x6e: {  	[sflag:s24] =	ssyncadd.s32 $0xFFFFEC00  }
0x6f: {  	[hbm4b:s10+s2] =	stream.linear.scatter [tilespmem:s18], [sflag:$0x5], $0x1400, $0x38;
	[tilespmem:$0x7800] =	vst v63  }
0x70: {  	_ =	swait.ge [sflag:s16], $0x1400  }
0x71: {  	[sflag:s16] =	ssyncset.done $0x0  }
0x72: {  	[sflag:s16] =	ssyncadd.s32 $0xFFFFEC00  }
0x73: {  	[hbm4b:s11+s2] =	stream.linear.scatter [tilespmem:s19], [sflag:$0x5], $0x1400, $0x38;
	[tilespmem:$0x7800] =	vst v63  }
0x74: {  	_ =	swait.ge [sflag:s16], $0x1400  }
0x75: {  	[sflag:s16] =	ssyncset.done $0x0  }
0x76: {  	[sflag:s16] =	ssyncadd.s32 $0xFFFFEC00  }
0x77: {  	_ =	swait.ge [sflag:s25], $0x1400  }
0x78: {  	[sflag:s25] =	ssyncset.done $0x0  }
0x79: {  	[sflag:s25] =	ssyncadd.s32 $0xFFFFEC00  }
0x7a: {  	_ =	swait.ge [sflag:s26], $0x1400  }
0x7b: {  	[sflag:s26] =	ssyncset.done $0x0  }
0x7c: {  	[sflag:s26] =	ssyncadd.s32 $0xFFFFEC00  }
0x7d: {  	[hbm4b:s12+s2] =	stream.linear.scatter [tilespmem:s21], [sflag:$0x5], $0x1400, $0x38;
	[tilespmem:$0x7800] =	vst v63  }
0x7e: {  	s28 =	sadd.s32 $0x1, s28;
	_ =	swait.ge [sflag:s16], $0x1400  }
0x7f: {  	p0 =	sne.s32 s28, s7;
	[sflag:s16] =	ssyncset.done $0x0  }
.Ltmp1:
0x80: {  	[sflag:s16] =	ssyncadd.s32 $0xFFFFEC00;
	(pc) =	sbr.rel @p0 .LBB2_1-.Ltmp1, $4  }
0x81: {  	[hbm4b:s13+s2] =	stream.linear.scatter [tilespmem:s22], [sflag:$0x5], $0x1400, $0x38;
	[tilespmem:$0x7800] =	vst v63  }
0x82: {  	_ =	swait.ge [sflag:s16], $0x1400  }
0x83: {  	[sflag:s16] =	ssyncset.done $0x0  }
0x84: {  	[sflag:s16] =	ssyncadd.s32 $0xFFFFEC00  }
0x85: {  	_ =	sfence.sel $0x180000  }
0x86: {  	[bflag:$0x0] =	sbarrier.arrive $0xFFFF  }
0x87: {  	_ =	strace $0x9000004D  }
0x88: {  	s0 =	stileid.u32;
	[bflag:$0x2] =	sbarrier.arrive $0xFFFF  }
0x89: {  	p0 =	sne.s32 s0, $0x0;
	s0 =	rddreg [dreg:$0x1]  }
0x8a: {  	s0 =	sadd.s32 @!p0 $0x100000, s0  }
0x8b: {  	[sflag:s0] =	ssyncadd.tile.s32 @!p0 $0x1;
	_ =	shalt  }
.Lfunc_end2:
_tile_overlayer_lowered:
.L_overlay_start_2:
0x8c: {  	(tag) =	ssettag $0x2  }
0x8d: {  	s0 =	rddreg [dreg:$0x0];
	s2 =	stileid.u32  }
0x8e: {  	s1 =	rddreg [dreg:$0x1];
	p0 =	sne.s32 s2, $0x0  }
0x8f: {  	s3 =	rddreg [dreg:$0x2];
	[bflag:$0x3] =	sbarrier.arrive $0xFFFF;
	s2 =	simm.s32 @!p0 $0x1C05  }
0x90: {  	[timem:s3], [sflag:s2] =	dma.local @!p0 [hbm:s0], s1  }
0x91: {  	s0 =	simm.s32 @!p0 $0x5  }
0x92: {  	_ =	swait.ge @!p0 [sflag:s0], s1  }
0x93: {  	s1 =	ssub.s32 @!p0 $0x0, s1;
	[sflag:s0] =	ssyncset.done @!p0 $0x0  }
0x94: {  	[sflag:s0] =	ssyncadd.s32 @!p0 s1  }
0x95: {  	[bflag:$0x3] =	sbarrier.arrive $0xFFFF  }
0x96: {  	_ =	shalt  }

// kernel: kernel.23.cloned.1.call-start
scs
__scs_entry_jumppad:
0x0: {  	(pc) =	sbr.rel $0x88, $3  }
0x1: {  	(tag) =	ssettag $0x0;
	lr =	simm.s32 $0x1  }
0x2: {  	[smem:$0x3F5B] =	sst lr;
	_ =	strace $0xD0000000  }
0x3: {  	_ = 	snop  }
0x4: {  	_ = 	snop  }
0x5: {  	_ = 	snop  }
0x6: {  	_ = 	snop  }
0x7: {  	_ = 	snop  }
__scs_overlays_trampoline_lowered:
0x8: {  	[smem:$0x3F6A] =	sst s0  }
0x9: {  	[smem:$0x3F6B] =	sst s1  }
0xa: {  	[smem:$0x3F6C] =	sst s2  }
0xb: {  	[smem:$0x3F6D] =	sst s3  }
0xc: {  	[smem:$0x3F6E] =	sst s4  }
0xd: {  	[smem:$0x3F6F] =	sst s5  }
0xe: {  	[smem:$0x3F70] =	sst s6  }
0xf: {  	[smem:$0x3F71] =	sst s7  }
0x10: {  	[smem:$0x3F72] =	sst s8  }
0x11: {  	[smem:$0x3F73] =	sst s9;
	s0 =	simm.s32 @!p0 $0x0  }
0x12: {  	s1 =	sld [smem:$0x3F59];
	s0 =	simm.s32 @p0 $0x1  }
0x13: {  	[smem:$0x3F74] =	sst s0;
	s0 =	simm.s32 @!p1 $0x0  }
0x14: {  	s2 =	sld [smem:$0x3F58];
	s0 =	simm.s32 @p1 $0x1  }
0x15: {  	[smem:$0x3F75] =	sst s0;
	s0 =	simm.s32 @!p2 $0x0  }
0x16: {  	s3 =	sld [smem:$0x3FDB];
	s0 =	simm.s32 @p2 $0x1  }
0x17: {  	s4 =	simm.s32 $0x1BF5;
	[smem:$0x3F77] =	sst s0  }
0x18: {  	s0 =	sld [smem:$0x3F5A];
	_ =	swait.ge [sflag:s4], $0x0  }
0x19: {  	s7 =	sld [smem:$0x3F5B]  }
0x1a: {  	s8 =	sadd.s32 $0xFFFFE003, lr  }
0x1b: {  	s9 =	sadd.s32 $0xFFFFFEF7, lr;
	s5 =	simm.s32 $0xFFFFFFFF;
	p2 =	slt.u32 s8, $0xFFFFF086  }
0x1c: {  	p1 =	slt.u32 s9, $0xF7A;
	s5 =	simm.s32 @!p2 $0x0  }
0x1d: {  	s5 =	simm.s32 @p1 $0x1;
	p0 =	seq.s32 s7, s2  }
0x1e: {  	s7 =	smul.u32 @!p0 $0xF7A, s2;
	p2 =	seq.s32 @!p0 s5, $0x0  }
0x1f: {  	s9 =	smul.u32 $0xF7A, s1;
	s8 =	simm.s32 @!p0 $0x1BF5;
	p2 =	por !p2, p0  }
0x20: {  	[sflag:s8] =	ssyncset.s32 @!p0 $0xFFFFF086;
	s6 =	sadd.s32 @!p0 s3, s7;
	s7 =	simm.s32 @!p0 $0x108  }
0x21: {  	s3 =	sadd.s32 s3, s9;
	s6 =	sadd.s32 @!p0 $0x88, s6;
	s7 =	simm.s32 @p2 $0x1082  }
0x22: {  	[simem:s7], [sflag:s8] =	dma.local @!p0 [hbm:s6], $0xF7A  }
0x23: {  	s9 =	sor.u32 $0xD0000000, s2;
	s6 =	simm.s32 $0x108;
	_ =	swait.ge @!p0 [sflag:s8], $0x0  }
0x24: {  	s3 =	sadd.s32 $0x88, s3;
	s6 =	simm.s32 @!p1 $0x1082;
	[sflag:s4] =	ssyncset.s32 $0xFFFFF086  }
0x25: {  	[simem:s6], [sflag:s4] =	dma.local [hbm:s3], $0xF7A  }
0x26: {  	[smem:$0x3F5B] =	sst s1;
	(tag) =	ssettag s2;
	_ =	strace s9  }
0x27: {  	s1 =	sld [smem:$0x3F6B]  }
0x28: {  	s2 =	sld [smem:$0x3F6C]  }
0x29: {  	s4 =	sld [smem:$0x3F6E]  }
0x2a: {  	p0 =	seq.s32 s5, $0x0;
	s5 =	sld [smem:$0x3F6F]  }
0x2b: {  	s6 =	sld [smem:$0x3F70]  }
0x2c: {  	s7 =	sld [smem:$0x3F71]  }
0x2d: {  	s3 =	simm.s32 $0x108;
	s8 =	sld [smem:$0x3F72]  }
0x2e: {  	s3 =	simm.s32 @!p0 $0x1082;
	s9 =	sld [smem:$0x3F73]  }
0x2f: {  	lr =	sadd.s32 s0, s3;
	s0 =	sld [smem:$0x3F6A]  }
0x30: {  	s3 =	sld [smem:$0x3F6D]  }
0x31: {  	[smem:$0x3F76] =	sst s10  }
0x32: {  	s10 =	sld [smem:$0x3F74];
	_ =	sdelay $0x3  }
0x33: {  	p0 =	seq.s32 s10, $0x1;
	s10 =	sld [smem:$0x3F76];
	_ =	sdelay $0x3  }
0x34: {  	[smem:$0x3F76] =	sst s10  }
0x35: {  	s10 =	sld [smem:$0x3F75];
	_ =	sdelay $0x3  }
0x36: {  	p1 =	seq.s32 s10, $0x1;
	s10 =	sld [smem:$0x3F76];
	_ =	sdelay $0x3  }
0x37: {  	[smem:$0x3F76] =	sst s10  }
0x38: {  	s10 =	sld [smem:$0x3F77]  }
0x39: {  	_ = 	snop;
	(pc) =	sbr.ind lr, $3  }
0x3a: {  	_ = 	snop  }
0x3b: {  	_ = 	snop  }
0x3c: {  	p2 =	seq.s32 s10, $0x1;
	s10 =	sld [smem:$0x3F76]  }
0x3d: {  	_ =	shalt  }
0x3e: {  	_ =	shalt  }
0x3f: {  	_ =	shalt  }
0x40: {  	_ =	shalt  }
0x41: {  	_ =	shalt  }
0x42: {  	_ =	shalt  }
0x43: {  	_ =	shalt  }
0x44: {  	_ =	shalt  }
0x45: {  	_ =	shalt  }
0x46: {  	_ =	shalt  }
0x47: {  	_ =	shalt  }
0x48: {  	_ =	shalt  }
0x49: {  	_ =	shalt  }
0x4a: {  	_ =	shalt  }
0x4b: {  	_ =	shalt  }
0x4c: {  	_ =	shalt  }
0x4d: {  	_ =	shalt  }
0x4e: {  	_ =	shalt  }
0x4f: {  	_ =	shalt  }
0x50: {  	_ =	shalt  }
0x51: {  	_ =	shalt  }
0x52: {  	_ =	shalt  }
0x53: {  	_ =	shalt  }
0x54: {  	_ =	shalt  }
0x55: {  	_ =	shalt  }
0x56: {  	_ =	shalt  }
0x57: {  	_ =	shalt  }
0x58: {  	_ =	shalt  }
0x59: {  	_ =	shalt  }
0x5a: {  	_ =	shalt  }
0x5b: {  	_ =	shalt  }
0x5c: {  	_ =	shalt  }
0x5d: {  	_ =	shalt  }
0x5e: {  	_ =	shalt  }
0x5f: {  	_ =	shalt  }
0x60: {  	_ =	shalt  }
0x61: {  	_ =	shalt  }
0x62: {  	_ =	shalt  }
0x63: {  	_ =	shalt  }
0x64: {  	_ =	shalt  }
0x65: {  	_ =	shalt  }
0x66: {  	_ =	shalt  }
0x67: {  	_ =	shalt  }
0x68: {  	_ =	shalt  }
0x69: {  	_ =	shalt  }
0x6a: {  	_ =	shalt  }
0x6b: {  	_ =	shalt  }
0x6c: {  	_ =	shalt  }
0x6d: {  	_ =	shalt  }
0x6e: {  	_ =	shalt  }
0x6f: {  	_ =	shalt  }
0x70: {  	_ =	shalt  }
0x71: {  	_ =	shalt  }
0x72: {  	_ =	shalt  }
0x73: {  	_ =	shalt  }
0x74: {  	_ =	shalt  }
0x75: {  	_ =	shalt  }
0x76: {  	_ =	shalt  }
0x77: {  	_ =	shalt  }
0x78: {  	_ =	shalt  }
0x79: {  	_ =	shalt  }
0x7a: {  	_ =	shalt  }
0x7b: {  	_ =	shalt  }
0x7c: {  	_ =	shalt  }
0x7d: {  	_ =	shalt  }
0x7e: {  	_ =	shalt  }
0x7f: {  	_ =	shalt  }
0x80: {  	_ =	shalt  }
0x81: {  	_ =	shalt  }
0x82: {  	_ =	shalt  }
0x83: {  	_ =	shalt  }
0x84: {  	_ =	shalt  }
0x85: {  	_ =	shalt  }
0x86: {  	_ =	shalt  }
0x87: {  	_ =	shalt  }
.Lfunc_end0:
.L_simem_size_0:
called_computation.3_lowered:
.L_overlay_start_0:
0x88: {  	s2 =	sld [smem:$0x3FD9]  }
0x89: {  	s3 =	sld [smem:$0x3FFE];
	_ =	sdelay $0x1  }
0x8a: {  	s1 =	srdreg.scid  }
0x8b: {  	s0 =	sand.u32 $0x1, s1  }
0x8c: {  	s16 =	sshll.u32 s0, $0xA;
	s2 =	sadd.s32 s3, s2  }
0x8d: {  	s2 =	sadd.s32 s2, s16  }
0x8e: {  	[smem:$0x3F82] =	sst s2  }
0x8f: {  	_ = 	snop  }
0x90: {  	(tm) =	ssettm $0x1  }
0x91: {  	s17 =	sld [smem:$0x3FFB];
	_ =	sdelay $0x3  }
0x92: {  	_ =	strace s17  }
0x93: {  	s2 =	sld [smem:$0x3FFC];
	_ =	sdelay $0x3  }
0x94: {  	_ =	strace s2  }
0x95: {  	s2 =	sld [smem:$0x3FFD];
	_ =	sdelay $0x3  }
0x96: {  	_ =	strace s2  }
0x97: {  	_ =	strace $0x8FFFFFFF  }
0x98: {  	s18 =	sld [smem:$0x3FDB];
	_ =	sdelay $0x1  }
0x99: {  	s19 =	simm.s32 $_scs_section_size  }
0x9a: {  	s4 =	simm.s32 $_size__tile_overlayer_lowered;
	s5 =	simm.s32 $_tile_overlayer_lowered  }
0x9b: {  	s22 =	simm.s32 $0x1BFF;
	s21 =	sshll.u32 s5, $0x1;
	s2 =	sadd.s32 s19, s18  }
0x9c: {  	s6 =	simm.s32 $0x0;
	s20 =	sshll.u32 s4, $0x1;
	s4 =	sadd.s32 s21, s2  }
0x9d: {  	[timem:s6], [sflag:s22] =	dma.local [hbm:s4], s20  }
0x9e: {  	_ =	swait.ge [sflag:s22], s20  }
0x9f: {  	s3 =	ssub.s32 $0x0, s20;
	[sflag:s22] =	ssyncset.done $0x0  }
0xa0: {  	[sflag:s22] =	ssyncadd.s32 s3;
	_ =	sdelay $0x1  }
0xa1: {  	s23 =	simm.s32 $0x1B8B  }
0xa2: {  	_ =	swait.ge [sflag:s23], $0x1  }
0xa3: {  	[sflag:s23] =	ssyncset.done $0x0  }
0xa4: {  	s25 =	simm.s32 $0x1B8E;
	s24 =	sld [smem:$0x3FFE];
	[sflag:s23] =	ssyncadd.s32 $0xFFFFFFFF  }
0xa5: {  	s26 =	simm.s32 $execute0_lowered;
	[smem:$0x3FD2] =	sst s25  }
0xa6: {  	s4 =	sshll.u32 s26, $0x1;
	_ =	strace $0x8000004F;
	[dreg:$0x1] =	wrdreg $0xFFFFFFFF  }
0xa7: {  	s28 =	simm.s32 $_size_execute0_lowered;
	s2 =	sadd.s32 s2, s4;
	[dreg:$0x0] =	wrdreg $0x0  }
0xa8: {  	s4 =	sshll.u32 s28, $0x1;
	[dreg:$0x2] =	wrdreg s2  }
0xa9: {  	[dreg:$0x3] =	wrdreg s4  }
0xaa: {  	[dreg:$0x4] =	wrdreg $0xC0  }
0xab: {  	_ =	task [dreg:s6], $0x5FFFF  }
0xac: {  	[dreg:$0x1] =	wrdreg $0xFFFFFFFF  }
0xad: {  	[dreg:$0x0] =	wrdreg $0x60  }
0xae: {  	[dreg:$0x2] =	wrdreg s24  }
0xaf: {  	[dreg:$0x3] =	wrdreg $0x80000  }
0xb0: {  	[dreg:$0x4] =	wrdreg $0x9  }
0xb1: {  	_ =	task.clear_ibuf [dreg:s6], $0x5FFFF;
	_ =	strace $0x9000004F  }
0xb2: {  	s29 =	simm.s32 $0x9;
	_ =	strace $0x80000051  }
0xb3: {  	_ =	swait.ge [sflag:s29], $0x1  }
0xb4: {  	[sflag:s29] =	ssyncadd.s32 $0xFFFFFFFF  }
0xb5: {  	_ =	strace $0x90000051  }
0xb6: {  	_ =	sfence  }
0xb7: {  	s30 =	sld [smem:$0x0];
	_ =	sdelay $0x2  }
0xb8: {  	s31 =	sshll.u32 s1, $0xD;
	s1 =	sshrl.u32 s1, $0x2  }
0xb9: {  	s3 =	sand.u32 $0x4000, s31;
	s1 =	sadd.s32 s1, s30  }
0xba: {  	s0 =	sor.u32 s3, s0;
	s1 =	sshll.u32 s1, $0x11  }
0xbb: {  	s0 =	sor.u32 s1, s0  }
0xbc: {  	s0 =	sadd.s32 $0x8F2B, s0  }
0xbd: {  	[sflag:s0] =	ssyncadd.remote.s32 $0x1  }
0xbe: {  	_ =	sfence.sel $0xFFFF  }
0xbf: {  	[dreg:$0x0] =	wrdreg $0xFFFFFFFF;
	(pc) =	sbr.abs _section_cstart, $3  }
0xc0: {  	[dreg:$0x1] =	wrdreg $0xFFFFFFFF  }
0xc1: {  	_ =	task.clear_ibuf [dreg:s6], $0x2FFFF;
	_ =	strace $0x9FFFFFFF  }
0xc2: {  	(tm) =	ssettm $0x7FFFFFFF  }
0xc3: {  	_ =	shalt  }
tec
execute0_lowered:
.L_overlay_start_1:
0x0: {  	(tag) =	ssettag $0x1  }
0x1: {  	s0 =	srdreg.scid;
	s1 =	rddreg [dreg:$0x0]  }
0x2: {  	s26 =	stileid.u32;
	s2 =	rddreg [dreg:$0x1]  }
0x3: {  	s22 =	simm.s32 $0x27;
	s29 =	simm.s32 $0x4;
	s30 =	simm.s32 $0x0  }
0x4: {  	s0 =	sand.u32 $0x1, s0;
	s3 =	sshll.u32 s26, $0x1;
	s10 =	smul.u32 $0xB400, s26  }
0x5: {  	s18 =	sadd.s32 $0x6E800, s1;
	p0 =	seq.s32 s26, $0x0;
	s28 =	smul.u32 $0x15F00, s26  }
0x6: {  	s4 =	sor.u32 s0, s3;
	s3 =	simm.s32 $0x0;
	s21 =	smul.u32 $0xB4000, s0  }
0x7: {  	s8 =	ssub.s32 $0x2, s0;
	s22 =	simm.s32 @!p0 $0x26;
	s0 =	smul.u32 $0xAF80, s0  }
0x8: {  	s5 =	smul.u32 $0x27, s4;
	[smem:$0x7FF] =	sst s3;
	s15 =	smin.u32 s4, $0x2  }
0x9: {  	s9 =	sshrl.u32 s8, $0x1;
	s14 =	sadd.s32 $0x2400, s10;
	s4 =	sadd.s32 s10, s2  }
0xa: {  	s16 =	sadd.s32 $0x4800, s10;
	s19 =	sadd.s32 $0x6C00, s10;
	s20 =	sadd.s32 $0x9000, s10  }
0xb: {  	_ =	strace $0x80000050;
	s17 =	ssub.s32 s8, s9;
	s6 =	sadd.s32 s16, s2  }
0xc: {  	s8 =	sadd.s32 s19, s2;
	s9 =	sadd.s32 s20, s2;
	s23 =	sadd.s32 s10, s21  }
0xd: {  	s16 =	sadd.s32 s21, s16;
	s25 =	sadd.s32 s21, s19;
	s20 =	sadd.s32 s21, s20  }
0xe: {  	s19 =	sadd.s32 s28, s18;
	s31 =	smul.u32 $0x480, s15;
	s13 =	sadd.s32 s15, s5  }
0xf: {  	s5 =	sadd.s32 s14, s2;
	s23 =	sshrl.u32 s23, $0x3;
	s14 =	sadd.s32 s21, s14  }
0x10: {  	s24 =	sshrl.u32 s16, $0x3;
	s16 =	sshrl.u32 s25, $0x3;
	s20 =	sshrl.u32 s20, $0x3  }
0x11: {  	s0 =	sadd.s32 s0, s19;
	s17 =	smax.u32 s17, $0x1;
	s21 =	simm.s32 $0x3  }
0x12: {  	s25 =	simm.s32 $0x2;
	s7 =	sshll.u32 s13, $0x4;
	s12 =	smul.u32 $0x480, s13  }
0x13: {  	s14 =	sshrl.u32 s14, $0x3;
	s22 =	sadd.s32 s13, s22;
	s0 =	sadd.s32 s31, s0  }
0x14: {  	s11 =	sadd.s32 s7, s1;
	s1 =	sadd.s32 $0x466400, s1;
	s7 =	simm.s32 $0x28  }
0x15: {  	s22 =	smul.u32 $0x480, s22;
	s19 =	sadd.s32 $0x480, s0;
	s7 =	simm.s32 @!p0 $0x27  }
0x16: {  	s11 =	sadd.s32 $0x64800, s11;
	s12 =	sadd.s32 s18, s12;
	s13 =	sadd.s32 s1, s14  }
0x17: {  	s14 =	sadd.s32 s1, s24;
	s15 =	sadd.s32 s1, s16;
	s16 =	sadd.s32 s1, s20  }
0x18: {  	s20 =	simm.s32 $0x5C00;
	s24 =	simm.s32 $0x1;
	[dreg:$0x3] =	wrdreg s11  }
0x19: {  	p0 =	sne.s32 s26, $0x0;
	[dreg:$0x4] =	wrdreg s12;
	s12 =	sadd.s32 s1, s23  }
0x1a: {  	v0 =	vimm.f32 $0.0e+00;
	s18 =	sadd.s32 s18, s22;
	s22 =	simm.s32 $0x1400;
	s23 =	simm.s32 $0x3800  }
.LBB2_1:
0x1b: {  	s1 =	simm.s32 $0x120;
	s0 =	simm.s32 $0x0  }
.LBB2_2:
0x1c: {  	p1 =	sne.s32 s1, $0x8EE0;
	[tilespmem:s0+$0x5C30] =	vst v0;
	s26 =	smov.u32 s1;
	s1 =	sadd.s32 $0x120, s1  }
.Ltmp0:
0x1d: {  	[tilespmem:s0+$0x5C20] =	vst v0;
	(pc) =	sbr.rel @p1 .LBB2_2-.Ltmp0, $3  }
0x1e: {  	[tilespmem:s0+$0x5C00] =	vst v0  }
0x1f: {  	[tilespmem:s0+$0x5C10] =	vst v0;
	_ =	sdelay $0x1  }
0x20: {  	s0 =	sshra.s32 s26, $0x2  }
0x21: {  	[tilespmem:s0+$0x5C30] =	vst v0  }
0x22: {  	[tilespmem:s0+$0x5C20] =	vst v0  }
0x23: {  	[tilespmem:s0+$0x5C00] =	vst v0  }
0x24: {  	[tilespmem:s0+$0x5C10] =	vst v0  }
0x25: {  	[spmem:s4] =	stream.linear.scatter [tilespmem:s20], [sflag:$0x3], $0x2400, $0x38;
	[tilespmem:$0x13400] =	vst v63  }
0x26: {  	_ =	swait.ge [sflag:s21], $0x2400  }
0x27: {  	[sflag:s21] =	ssyncset.done $0x0  }
0x28: {  	[sflag:s21] =	ssyncadd.s32 $0xFFFFDC00  }
0x29: {  	[spmem:s5] =	stream.linear.scatter [tilespmem:s20], [sflag:$0x3], $0x2400, $0x38;
	[tilespmem:$0x13400] =	vst v63  }
0x2a: {  	_ =	swait.ge [sflag:s21], $0x2400  }
0x2b: {  	[sflag:s21] =	ssyncset.done $0x0  }
0x2c: {  	[sflag:s21] =	ssyncadd.s32 $0xFFFFDC00  }
0x2d: {  	[spmem:s6] =	stream.linear.scatter [tilespmem:s20], [sflag:$0x3], $0x2400, $0x38;
	[tilespmem:$0x13400] =	vst v63  }
0x2e: {  	_ =	swait.ge [sflag:s21], $0x2400  }
0x2f: {  	[sflag:s21] =	ssyncset.done $0x0  }
0x30: {  	[sflag:s21] =	ssyncadd.s32 $0xFFFFDC00  }
0x31: {  	[spmem:s8] =	stream.linear.scatter [tilespmem:s20], [sflag:$0x3], $0x2400, $0x38;
	[tilespmem:$0x13400] =	vst v63  }
0x32: {  	_ =	swait.ge [sflag:s21], $0x2400  }
0x33: {  	[sflag:s21] =	ssyncset.done $0x0  }
0x34: {  	[sflag:s21] =	ssyncadd.s32 $0xFFFFDC00  }
0x35: {  	[spmem:s9] =	stream.linear.scatter [tilespmem:s20], [sflag:$0x3], $0x2400, $0x38;
	[tilespmem:$0x13400] =	vst v63  }
0x36: {  	_ =	swait.ge [sflag:s21], $0x2400  }
0x37: {  	[sflag:s21] =	ssyncset.done $0x0  }
0x38: {  	[sflag:s21] =	ssyncadd.s32 $0xFFFFDC00  }
0x39: {  	[bflag:$0x0] =	sbarrier.arrive $0xFFFF  }
0x3a: {  	s31 =	simm.s32 $0x0;
	s11 =	rddreg [dreg:$0x3]  }
0x3b: {  	[tilespmem:s31], [sflag:$0x3] =	stream.linear.gather [hbm4b:s11+s31], $0x1400, $0x38;
	[tilespmem:$0x13400] =	vst v63  }
0x3c: {  	_ =	swait.ge [sflag:s21], $0x1400  }
0x3d: {  	[sflag:s21] =	ssyncset.done $0x0  }
0x3e: {  	s26 =	rddreg [dreg:$0x4];
	[sflag:s21] =	ssyncadd.s32 $0xFFFFEC00  }
0x3f: {  	[tilespmem:s22], [sflag:$0x1] =	stream.linear.gather [hbm4b:s26+s31], $0x2400, $0x38;
	[tilespmem:$0x13400] =	vst v63  }
0x40: {  	_ = 	snop  }
0x41: {  	[tilespmem:s23], [sflag:$0x2] =	stream.linear.gather [hbm4b:s19+s3], $0x2400, $0x38;
	[tilespmem:$0x13400] =	vst v63  }
0x42: {  	p1 =	sle.u32 s7, $0x0;
	_ =	swait.ge [sflag:s24], $0x2400  }
0x43: {  	s0 =	simm.s32 @!p1 $0x80;
	[sflag:s24] =	ssyncset.done $0x0  }
0x44: {  	s1 =	simm.s32 @!p1 $0x1400;
	s26 =	simm.s32 @!p1 $0x4;
	[sflag:s24] =	ssyncadd.s32 $0xFFFFDC00  }
0x45: {  	[spmem:s2] =	stream.indirect.scatter.add.f32 @!p1 [tilespmem:s1], [sflag:$0x4], $0x48, s31, s0, $0xb8;
	[tilespmem:$0x13400] =	vst v63  }
0x46: {  	_ =	swait.ge @!p1 [sflag:s26], $0x2400  }
0x47: {  	[sflag:s26] =	ssyncset.done @!p1 $0x0  }
0x48: {  	s28 =	sadd.s32 $0x480, s19;
	[sflag:s26] =	ssyncadd.s32 @!p1 $0xFFFFDC00  }
0x49: {  	[tilespmem:s22], [sflag:$0x1] =	stream.linear.gather [hbm4b:s28+s3], $0x2400, $0x38;
	[tilespmem:$0x13400] =	vst v63  }
0x4a: {  	p2 =	sle.u32 s7, $0x1;
	_ =	swait.ge [sflag:s25], $0x2400  }
0x4b: {  	s0 =	simm.s32 @!p2 $0x80;
	[sflag:s25] =	ssyncset.done $0x0  }
0x4c: {  	s1 =	simm.s32 @!p2 $0x3800;
	s26 =	simm.s32 @!p2 $0x80;
	[sflag:s25] =	ssyncadd.s32 $0xFFFFDC00  }
0x4d: {  	[spmem:s2] =	stream.indirect.scatter.add.f32 @!p2 [tilespmem:s1], [sflag:$0x3], $0x48, s0, s26, $0xb8;
	[tilespmem:$0x13400] =	vst v63  }
0x4e: {  	s26 =	simm.s32 @!p2 $0x3  }
0x4f: {  	s1 =	simm.s32 $0x3;
	s0 =	sadd.s32 $0x900, s19;
	_ =	swait.ge @!p2 [sflag:s26], $0x2400  }
.LBB2_4:
0x50: {  	[sflag:s26] =	ssyncset.done @!p2 $0x0  }
0x51: {  	s31 =	sadd.s32 $0x100, s31;
	s28 =	smov.u32 s1;
	s1 =	sadd.s32 $0x2, s1  }
0x52: {  	s10 =	sadd.s32 $0xFFFFFFFF, s28;
	p1 =	sne.s32 s1, $0x27;
	[sflag:s26] =	ssyncadd.s32 @!p2 $0xFFFFDC00  }
0x53: {  	[tilespmem:s23], [sflag:$0x2] =	stream.linear.gather [hbm4b:s0+s3], $0x2400, $0x38;
	[tilespmem:$0x13400] =	vst v63  }
0x54: {  	p2 =	sge.u32 s10, s7;
	_ =	swait.ge [sflag:s24], $0x2400  }
0x55: {  	s10 =	simm.s32 @!p2 $0x80;
	s26 =	simm.s32 @!p2 $0x1400;
	[sflag:s24] =	ssyncset.done $0x0  }
0x56: {  	s11 =	simm.s32 @!p2 $0x4;
	[sflag:s24] =	ssyncadd.s32 $0xFFFFDC00  }
0x57: {  	[spmem:s2] =	stream.indirect.scatter.add.f32 @!p2 [tilespmem:s26], [sflag:$0x4], $0x48, s31, s10, $0xb8;
	[tilespmem:$0x13400] =	vst v63  }
0x58: {  	_ =	swait.ge @!p2 [sflag:s11], $0x2400  }
0x59: {  	s10 =	sadd.s32 $0x480, s0;
	[sflag:s11] =	ssyncset.done @!p2 $0x0  }
0x5a: {  	[sflag:s11] =	ssyncadd.s32 @!p2 $0xFFFFDC00  }
0x5b: {  	[tilespmem:s22], [sflag:$0x1] =	stream.linear.gather [hbm4b:s10+s3], $0x2400, $0x38;
	[tilespmem:$0x13400] =	vst v63  }
.Ltmp1:
0x5c: {  	p2 =	sge.u32 s28, s7;
	_ =	swait.ge [sflag:s25], $0x2400;
	(pc) =	sbr.rel @p1 .LBB2_4-.Ltmp1, $4  }
0x5d: {  	s10 =	sadd.s32 @!p2 $0x80, s31;
	s11 =	simm.s32 @!p2 $0x3800;
	[sflag:s25] =	ssyncset.done $0x0  }
0x5e: {  	s28 =	simm.s32 @!p2 $0x80;
	s26 =	simm.s32 @!p2 $0x3;
	[sflag:s25] =	ssyncadd.s32 $0xFFFFDC00  }
0x5f: {  	[spmem:s2] =	stream.indirect.scatter.add.f32 @!p2 [tilespmem:s11], [sflag:$0x3], $0x48, s10, s28, $0xb8;
	[tilespmem:$0x13400] =	vst v63  }
0x60: {  	s0 =	sadd.s32 $0x900, s0;
	_ =	swait.ge @!p2 [sflag:s26], $0x2400  }
0x61: {  	[sflag:s26] =	ssyncset.done @!p2 $0x0  }
0x62: {  	[sflag:s26] =	ssyncadd.s32 @!p2 $0xFFFFDC00  }
0x63: {  	[tilespmem:s23], [sflag:$0x2] =	stream.linear.gather [hbm4b:s18+s3], $0x2400, $0x38;
	[tilespmem:$0x13400] =	vst v63  }
0x64: {  	_ =	swait.ge [sflag:s24], $0x2400  }
0x65: {  	[sflag:s24] =	ssyncset.done $0x0  }
0x66: {  	s0 =	simm.s32 $0x80;
	s1 =	simm.s32 $0x1300;
	[sflag:s24] =	ssyncadd.s32 $0xFFFFDC00  }
0x67: {  	[spmem:s2] =	stream.indirect.scatter.add.f32 [tilespmem:s22], [sflag:$0x4], $0x48, s1, s0, $0xb8;
	[tilespmem:$0x13400] =	vst v63  }
0x68: {  	_ =	swait.ge [sflag:s29], $0x2400  }
0x69: {  	[sflag:s29] =	ssyncset.done $0x0  }
0x6a: {  	[sflag:s29] =	ssyncadd.s32 $0xFFFFDC00  }
0x6b: {  	_ =	swait.ge [sflag:s25], $0x2400  }
0x6c: {  	s10 =	simm.s32 @!p0 $0x3800;
	[sflag:s25] =	ssyncset.done $0x0  }
0x6d: {  	s0 =	simm.s32 @!p0 $0x80;
	s1 =	simm.s32 @!p0 $0x1380;
	[sflag:s25] =	ssyncadd.s32 $0xFFFFDC00  }
0x6e: {  	[spmem:s2] =	stream.indirect.scatter.add.f32 @!p0 [tilespmem:s10], [sflag:$0x3], $0x48, s1, s0, $0xb8;
	[tilespmem:$0x13400] =	vst v63  }
0x6f: {  	s0 =	simm.s32 @!p0 $0x3  }
0x70: {  	_ =	swait.ge @!p0 [sflag:s0], $0x2400  }
0x71: {  	s1 =	stileid.u32;
	[sflag:s0] =	ssyncset.done @!p0 $0x0  }
0x72: {  	[sflag:s0] =	ssyncadd.s32 @!p0 $0xFFFFDC00;
	s0 =	sshll.u32 s1, $0x6  }
0x73: {  	s10 =	sshrl.u32 s4, $0x3;
	[bflag:$0x0] =	sbarrier.arrive $0xFFFF;
	s0 =	sor.u32 $0x1C03, s0  }
0x74: {  	[hbm:s12], [sflag:s0] =	dma.local [spmem:s10], $0x480  }
0x75: {  	_ =	swait.ge [sflag:s21], $0x480  }
0x76: {  	[sflag:s21] =	ssyncset.done $0x0  }
0x77: {  	s11 =	sshrl.u32 s5, $0x3;
	[sflag:s21] =	ssyncadd.s32 $0xFFFFFB80  }
0x78: {  	[hbm:s13], [sflag:s0] =	dma.local [spmem:s11], $0x480  }
0x79: {  	_ =	swait.ge [sflag:s21], $0x480  }
0x7a: {  	[sflag:s21] =	ssyncset.done $0x0  }
0x7b: {  	s26 =	sshrl.u32 s6, $0x3;
	[sflag:s21] =	ssyncadd.s32 $0xFFFFFB80  }
0x7c: {  	[hbm:s14], [sflag:s0] =	dma.local [spmem:s26], $0x480  }
0x7d: {  	_ =	swait.ge [sflag:s21], $0x480  }
0x7e: {  	[sflag:s21] =	ssyncset.done $0x0  }
0x7f: {  	s28 =	sshrl.u32 s8, $0x3;
	[sflag:s21] =	ssyncadd.s32 $0xFFFFFB80  }
0x80: {  	[hbm:s15], [sflag:s0] =	dma.local [spmem:s28], $0x480  }
0x81: {  	s30 =	sadd.s32 $0x1, s30;
	_ =	swait.ge [sflag:s21], $0x480  }
0x82: {  	p1 =	sne.s32 s30, s17;
	[sflag:s21] =	ssyncset.done $0x0  }
.Ltmp2:
0x83: {  	s31 =	sshrl.u32 s9, $0x3;
	[sflag:s21] =	ssyncadd.s32 $0xFFFFFB80;
	(pc) =	sbr.rel @p1 .LBB2_1-.Ltmp2, $4  }
0x84: {  	[hbm:s16], [sflag:s0] =	dma.local [spmem:s31], $0x480  }
0x85: {  	_ =	swait.ge [sflag:s21], $0x480  }
0x86: {  	[sflag:s21] =	ssyncset.done $0x0  }
0x87: {  	[sflag:s21] =	ssyncadd.s32 $0xFFFFFB80  }
0x88: {  	_ =	sfence.sel $0x180000  }
0x89: {  	[bflag:$0x0] =	sbarrier.arrive $0xFFFF  }
0x8a: {  	_ =	strace $0x90000050  }
0x8b: {  	[bflag:$0x2] =	sbarrier.arrive $0xFFFF  }
0x8c: {  	s0 =	rddreg [dreg:$0x2]  }
0x8d: {  	s0 =	sadd.s32 @!p0 $0x100000, s0  }
0x8e: {  	[sflag:s0] =	ssyncadd.tile.s32 @!p0 $0x1;
	_ =	shalt  }
.Lfunc_end2:
_tile_overlayer_lowered:
.L_overlay_start_2:
0x8f: {  	(tag) =	ssettag $0x2  }
0x90: {  	s0 =	rddreg [dreg:$0x0];
	s2 =	stileid.u32  }
0x91: {  	s1 =	rddreg [dreg:$0x1];
	p0 =	sne.s32 s2, $0x0  }
0x92: {  	s3 =	rddreg [dreg:$0x2];
	[bflag:$0x3] =	sbarrier.arrive $0xFFFF;
	s2 =	simm.s32 @!p0 $0x1C03  }
0x93: {  	[timem:s3], [sflag:s2] =	dma.local @!p0 [hbm:s0], s1  }
0x94: {  	s0 =	simm.s32 @!p0 $0x3  }
0x95: {  	_ =	swait.ge @!p0 [sflag:s0], s1  }
0x96: {  	s1 =	ssub.s32 @!p0 $0x0, s1;
	[sflag:s0] =	ssyncset.done @!p0 $0x0  }
0x97: {  	[sflag:s0] =	ssyncadd.s32 @!p0 s1  }
0x98: {  	[bflag:$0x3] =	sbarrier.arrive $0xFFFF  }
0x99: {  	_ =	shalt  }

// kernel: kernel.26.cloned.1.call-start
scs
__scs_entry_jumppad:
0x0: {  	(pc) =	sbr.rel $0x88, $3  }
0x1: {  	(tag) =	ssettag $0x0;
	lr =	simm.s32 $0x1  }
0x2: {  	[smem:$0x3F5B] =	sst lr;
	_ =	strace $0xD0000000  }
0x3: {  	_ = 	snop  }
0x4: {  	_ = 	snop  }
0x5: {  	_ = 	snop  }
0x6: {  	_ = 	snop  }
0x7: {  	_ = 	snop  }
__scs_overlays_trampoline_lowered:
0x8: {  	[smem:$0x3F6A] =	sst s0  }
0x9: {  	[smem:$0x3F6B] =	sst s1  }
0xa: {  	[smem:$0x3F6C] =	sst s2  }
0xb: {  	[smem:$0x3F6D] =	sst s3  }
0xc: {  	[smem:$0x3F6E] =	sst s4  }
0xd: {  	[smem:$0x3F6F] =	sst s5  }
0xe: {  	[smem:$0x3F70] =	sst s6  }
0xf: {  	[smem:$0x3F71] =	sst s7  }
0x10: {  	[smem:$0x3F72] =	sst s8  }
0x11: {  	[smem:$0x3F73] =	sst s9;
	s0 =	simm.s32 @!p0 $0x0  }
0x12: {  	s1 =	sld [smem:$0x3F59];
	s0 =	simm.s32 @p0 $0x1  }
0x13: {  	[smem:$0x3F74] =	sst s0;
	s0 =	simm.s32 @!p1 $0x0  }
0x14: {  	s2 =	sld [smem:$0x3F58];
	s0 =	simm.s32 @p1 $0x1  }
0x15: {  	[smem:$0x3F75] =	sst s0;
	s0 =	simm.s32 @!p2 $0x0  }
0x16: {  	s3 =	sld [smem:$0x3FDB];
	s0 =	simm.s32 @p2 $0x1  }
0x17: {  	s4 =	simm.s32 $0x1BF5;
	[smem:$0x3F77] =	sst s0  }
0x18: {  	s0 =	sld [smem:$0x3F5A];
	_ =	swait.ge [sflag:s4], $0x0  }
0x19: {  	s7 =	sld [smem:$0x3F5B]  }
0x1a: {  	s8 =	sadd.s32 $0xFFFFE003, lr  }
0x1b: {  	s9 =	sadd.s32 $0xFFFFFEF7, lr;
	s5 =	simm.s32 $0xFFFFFFFF;
	p2 =	slt.u32 s8, $0xFFFFF086  }
0x1c: {  	p1 =	slt.u32 s9, $0xF7A;
	s5 =	simm.s32 @!p2 $0x0  }
0x1d: {  	s5 =	simm.s32 @p1 $0x1;
	p0 =	seq.s32 s7, s2  }
0x1e: {  	s7 =	smul.u32 @!p0 $0xF7A, s2;
	p2 =	seq.s32 @!p0 s5, $0x0  }
0x1f: {  	s9 =	smul.u32 $0xF7A, s1;
	s8 =	simm.s32 @!p0 $0x1BF5;
	p2 =	por !p2, p0  }
0x20: {  	[sflag:s8] =	ssyncset.s32 @!p0 $0xFFFFF086;
	s6 =	sadd.s32 @!p0 s3, s7;
	s7 =	simm.s32 @!p0 $0x108  }
0x21: {  	s3 =	sadd.s32 s3, s9;
	s6 =	sadd.s32 @!p0 $0x88, s6;
	s7 =	simm.s32 @p2 $0x1082  }
0x22: {  	[simem:s7], [sflag:s8] =	dma.local @!p0 [hbm:s6], $0xF7A  }
0x23: {  	s9 =	sor.u32 $0xD0000000, s2;
	s6 =	simm.s32 $0x108;
	_ =	swait.ge @!p0 [sflag:s8], $0x0  }
0x24: {  	s3 =	sadd.s32 $0x88, s3;
	s6 =	simm.s32 @!p1 $0x1082;
	[sflag:s4] =	ssyncset.s32 $0xFFFFF086  }
0x25: {  	[simem:s6], [sflag:s4] =	dma.local [hbm:s3], $0xF7A  }
0x26: {  	[smem:$0x3F5B] =	sst s1;
	(tag) =	ssettag s2;
	_ =	strace s9  }
0x27: {  	s1 =	sld [smem:$0x3F6B]  }
0x28: {  	s2 =	sld [smem:$0x3F6C]  }
0x29: {  	s4 =	sld [smem:$0x3F6E]  }
0x2a: {  	p0 =	seq.s32 s5, $0x0;
	s5 =	sld [smem:$0x3F6F]  }
0x2b: {  	s6 =	sld [smem:$0x3F70]  }
0x2c: {  	s7 =	sld [smem:$0x3F71]  }
0x2d: {  	s3 =	simm.s32 $0x108;
	s8 =	sld [smem:$0x3F72]  }
0x2e: {  	s3 =	simm.s32 @!p0 $0x1082;
	s9 =	sld [smem:$0x3F73]  }
0x2f: {  	lr =	sadd.s32 s0, s3;
	s0 =	sld [smem:$0x3F6A]  }
0x30: {  	s3 =	sld [smem:$0x3F6D]  }
0x31: {  	[smem:$0x3F76] =	sst s10  }
0x32: {  	s10 =	sld [smem:$0x3F74];
	_ =	sdelay $0x3  }
0x33: {  	p0 =	seq.s32 s10, $0x1;
	s10 =	sld [smem:$0x3F76];
	_ =	sdelay $0x3  }
0x34: {  	[smem:$0x3F76] =	sst s10  }
0x35: {  	s10 =	sld [smem:$0x3F75];
	_ =	sdelay $0x3  }
0x36: {  	p1 =	seq.s32 s10, $0x1;
	s10 =	sld [smem:$0x3F76];
	_ =	sdelay $0x3  }
0x37: {  	[smem:$0x3F76] =	sst s10  }
0x38: {  	s10 =	sld [smem:$0x3F77]  }
0x39: {  	_ = 	snop;
	(pc) =	sbr.ind lr, $3  }
0x3a: {  	_ = 	snop  }
0x3b: {  	_ = 	snop  }
0x3c: {  	p2 =	seq.s32 s10, $0x1;
	s10 =	sld [smem:$0x3F76]  }
0x3d: {  	_ =	shalt  }
0x3e: {  	_ =	shalt  }
0x3f: {  	_ =	shalt  }
0x40: {  	_ =	shalt  }
0x41: {  	_ =	shalt  }
0x42: {  	_ =	shalt  }
0x43: {  	_ =	shalt  }
0x44: {  	_ =	shalt  }
0x45: {  	_ =	shalt  }
0x46: {  	_ =	shalt  }
0x47: {  	_ =	shalt  }
0x48: {  	_ =	shalt  }
0x49: {  	_ =	shalt  }
0x4a: {  	_ =	shalt  }
0x4b: {  	_ =	shalt  }
0x4c: {  	_ =	shalt  }
0x4d: {  	_ =	shalt  }
0x4e: {  	_ =	shalt  }
0x4f: {  	_ =	shalt  }
0x50: {  	_ =	shalt  }
0x51: {  	_ =	shalt  }
0x52: {  	_ =	shalt  }
0x53: {  	_ =	shalt  }
0x54: {  	_ =	shalt  }
0x55: {  	_ =	shalt  }
0x56: {  	_ =	shalt  }
0x57: {  	_ =	shalt  }
0x58: {  	_ =	shalt  }
0x59: {  	_ =	shalt  }
0x5a: {  	_ =	shalt  }
0x5b: {  	_ =	shalt  }
0x5c: {  	_ =	shalt  }
0x5d: {  	_ =	shalt  }
0x5e: {  	_ =	shalt  }
0x5f: {  	_ =	shalt  }
0x60: {  	_ =	shalt  }
0x61: {  	_ =	shalt  }
0x62: {  	_ =	shalt  }
0x63: {  	_ =	shalt  }
0x64: {  	_ =	shalt  }
0x65: {  	_ =	shalt  }
0x66: {  	_ =	shalt  }
0x67: {  	_ =	shalt  }
0x68: {  	_ =	shalt  }
0x69: {  	_ =	shalt  }
0x6a: {  	_ =	shalt  }
0x6b: {  	_ =	shalt  }
0x6c: {  	_ =	shalt  }
0x6d: {  	_ =	shalt  }
0x6e: {  	_ =	shalt  }
0x6f: {  	_ =	shalt  }
0x70: {  	_ =	shalt  }
0x71: {  	_ =	shalt  }
0x72: {  	_ =	shalt  }
0x73: {  	_ =	shalt  }
0x74: {  	_ =	shalt  }
0x75: {  	_ =	shalt  }
0x76: {  	_ =	shalt  }
0x77: {  	_ =	shalt  }
0x78: {  	_ =	shalt  }
0x79: {  	_ =	shalt  }
0x7a: {  	_ =	shalt  }
0x7b: {  	_ =	shalt  }
0x7c: {  	_ =	shalt  }
0x7d: {  	_ =	shalt  }
0x7e: {  	_ =	shalt  }
0x7f: {  	_ =	shalt  }
0x80: {  	_ =	shalt  }
0x81: {  	_ =	shalt  }
0x82: {  	_ =	shalt  }
0x83: {  	_ =	shalt  }
0x84: {  	_ =	shalt  }
0x85: {  	_ =	shalt  }
0x86: {  	_ =	shalt  }
0x87: {  	_ =	shalt  }
.Lfunc_end0:
.L_simem_size_0:
called_computation.4_lowered:
.L_overlay_start_0:
0x88: {  	s2 =	sld [smem:$0x3FD9]  }
0x89: {  	s3 =	sld [smem:$0x3FFE];
	_ =	sdelay $0x1  }
0x8a: {  	s1 =	srdreg.scid  }
0x8b: {  	s0 =	sand.u32 $0x1, s1  }
0x8c: {  	s16 =	sshll.u32 s0, $0xA;
	s2 =	sadd.s32 s3, s2  }
0x8d: {  	s2 =	sadd.s32 s2, s16  }
0x8e: {  	[smem:$0x3F82] =	sst s2  }
0x8f: {  	_ = 	snop  }
0x90: {  	(tm) =	ssettm $0x1  }
0x91: {  	s17 =	sld [smem:$0x3FFB];
	_ =	sdelay $0x3  }
0x92: {  	_ =	strace s17  }
0x93: {  	s2 =	sld [smem:$0x3FFC];
	_ =	sdelay $0x3  }
0x94: {  	_ =	strace s2  }
0x95: {  	s2 =	sld [smem:$0x3FFD];
	_ =	sdelay $0x3  }
0x96: {  	_ =	strace s2  }
0x97: {  	_ =	strace $0x8FFFFFFF  }
0x98: {  	s18 =	sld [smem:$0x3FDB];
	_ =	sdelay $0x1  }
0x99: {  	s19 =	simm.s32 $_scs_section_size  }
0x9a: {  	s4 =	simm.s32 $_size__tile_overlayer_lowered;
	s5 =	simm.s32 $_tile_overlayer_lowered  }
0x9b: {  	s22 =	simm.s32 $0x1BFF;
	s21 =	sshll.u32 s5, $0x1;
	s2 =	sadd.s32 s19, s18  }
0x9c: {  	s6 =	simm.s32 $0x0;
	s20 =	sshll.u32 s4, $0x1;
	s4 =	sadd.s32 s21, s2  }
0x9d: {  	[timem:s6], [sflag:s22] =	dma.local [hbm:s4], s20  }
0x9e: {  	_ =	swait.ge [sflag:s22], s20  }
0x9f: {  	s3 =	ssub.s32 $0x0, s20;
	[sflag:s22] =	ssyncset.done $0x0  }
0xa0: {  	[sflag:s22] =	ssyncadd.s32 s3;
	_ =	sdelay $0x1  }
0xa1: {  	s23 =	simm.s32 $0x1B8B  }
0xa2: {  	_ =	swait.ge [sflag:s23], $0x1  }
0xa3: {  	[sflag:s23] =	ssyncset.done $0x0  }
0xa4: {  	s25 =	simm.s32 $0x1B8E;
	s24 =	sld [smem:$0x3FFE];
	[sflag:s23] =	ssyncadd.s32 $0xFFFFFFFF  }
0xa5: {  	s26 =	simm.s32 $execute0_lowered;
	[smem:$0x3FD2] =	sst s25  }
0xa6: {  	s4 =	sshll.u32 s26, $0x1;
	_ =	strace $0x80000052;
	[dreg:$0x1] =	wrdreg $0xFFFFFFFF  }
0xa7: {  	s28 =	simm.s32 $_size_execute0_lowered;
	s2 =	sadd.s32 s2, s4;
	[dreg:$0x0] =	wrdreg $0x0  }
0xa8: {  	s4 =	sshll.u32 s28, $0x1;
	[dreg:$0x2] =	wrdreg s2  }
0xa9: {  	[dreg:$0x3] =	wrdreg s4  }
0xaa: {  	[dreg:$0x4] =	wrdreg $0xC0  }
0xab: {  	_ =	task [dreg:s6], $0x5FFFF  }
0xac: {  	[dreg:$0x1] =	wrdreg $0xFFFFFFFF  }
0xad: {  	[dreg:$0x0] =	wrdreg $0x60  }
0xae: {  	[dreg:$0x2] =	wrdreg s24  }
0xaf: {  	[dreg:$0x3] =	wrdreg $0x9  }
0xb0: {  	_ =	task.clear_ibuf [dreg:s6], $0x4FFFF;
	_ =	strace $0x90000052  }
0xb1: {  	s29 =	simm.s32 $0x9;
	_ =	strace $0x80000054  }
0xb2: {  	_ =	swait.ge [sflag:s29], $0x1  }
0xb3: {  	[sflag:s29] =	ssyncadd.s32 $0xFFFFFFFF  }
0xb4: {  	_ =	strace $0x90000054  }
0xb5: {  	_ =	sfence  }
0xb6: {  	s30 =	sld [smem:$0x0];
	_ =	sdelay $0x2  }
0xb7: {  	s31 =	sshll.u32 s1, $0xD;
	s1 =	sshrl.u32 s1, $0x2  }
0xb8: {  	s3 =	sand.u32 $0x4000, s31;
	s1 =	sadd.s32 s1, s30  }
0xb9: {  	s0 =	sor.u32 s3, s0;
	s1 =	sshll.u32 s1, $0x11  }
0xba: {  	s0 =	sor.u32 s1, s0  }
0xbb: {  	s0 =	sadd.s32 $0x8F2B, s0  }
0xbc: {  	[sflag:s0] =	ssyncadd.remote.s32 $0x1  }
0xbd: {  	_ =	sfence.sel $0xFFFF  }
0xbe: {  	[dreg:$0x0] =	wrdreg $0xFFFFFFFF;
	(pc) =	sbr.abs _section_cstart, $3  }
0xbf: {  	[dreg:$0x1] =	wrdreg $0xFFFFFFFF  }
0xc0: {  	_ =	task.clear_ibuf [dreg:s6], $0x2FFFF;
	_ =	strace $0x9FFFFFFF  }
0xc1: {  	(tm) =	ssettm $0x7FFFFFFF  }
tec
execute0_lowered:
.L_overlay_start_1:
0x0: {  	(tag) =	ssettag $0x1  }
0x1: {  	s1 =	srdreg.scid;
	s0 =	stileid.u32  }
0x2: {  	s5 =	rddreg [dreg:$0x0];
	s2 =	simm.s32 $0x0;
	s9 =	simm.s32 $0x27  }
0x3: {  	s21 =	simm.s32 $0x5000;
	s22 =	simm.s32 $0x6400;
	s23 =	simm.s32 $0x1  }
0x4: {  	s28 =	simm.s32 $0x0;
	s12 =	sand.u32 $0x1, s1;
	s24 =	sshll.u32 s0, $0x1  }
0x5: {  	[smem:$0x7FF] =	sst s2;
	s14 =	sadd.s32 $0x131E00, s5;
	s15 =	sadd.s32 $0x6E800, s5  }
0x6: {  	p0 =	seq.s32 s0, $0x0;
	s17 =	smul.u32 $0xC300, s0;
	s3 =	sor.u32 s12, s24  }
0x7: {  	_ =	strace $0x80000053;
	s25 =	ssub.s32 $0x2, s12;
	s18 =	smul.u32 $0x6180, s12  }
0x8: {  	s9 =	simm.s32 @!p0 $0x26;
	s24 =	simm.s32 $0x2;
	s4 =	smul.u32 $0x27, s3  }
0x9: {  	s13 =	smin.u32 s3, $0x2;
	s3 =	sadd.s32 $0x58400, s5;
	s8 =	sshrl.u32 s25, $0x1  }
0xa: {  	s19 =	sadd.s32 s17, s14;
	s30 =	sadd.s32 s17, s15;
	s8 =	ssub.s32 s25, s8  }
0xb: {  	s20 =	smul.u32 $0x280, s13;
	s31 =	sadd.s32 s18, s19;
	s17 =	sadd.s32 s18, s30  }
0xc: {  	s18 =	simm.s32 $0x2800;
	s19 =	simm.s32 $0x3C00;
	s7 =	sadd.s32 s13, s4  }
0xd: {  	s25 =	simm.s32 $0x3;
	s4 =	sadd.s32 $0x4C000, s5;
	s6 =	sshll.u32 s7, $0x4  }
0xe: {  	s10 =	smul.u32 $0x280, s7;
	s11 =	sadd.s32 s7, s9;
	s7 =	smax.u32 s8, $0x1  }
0xf: {  	s8 =	sshll.u32 s9, $0x7;
	s6 =	sadd.s32 s6, s5;
	s16 =	smul.u32 $0x280, s11  }
0x10: {  	s9 =	sadd.s32 $0x1400, s8;
	s26 =	sadd.s32 $0x64800, s6;
	s29 =	sadd.s32 $0x5F00, s10  }
0x11: {  	s6 =	sadd.s32 $0x69800, s6;
	[dreg:$0x2] =	wrdreg s26;
	s10 =	sadd.s32 s14, s29  }
0x12: {  	s11 =	sadd.s32 s15, s29;
	s12 =	sadd.s32 s14, s16;
	s13 =	sadd.s32 s15, s16  }
0x13: {  	s14 =	sadd.s32 s20, s31;
	s15 =	sadd.s32 s20, s17;
	s16 =	simm.s32 $0x5  }
0x14: {  	s17 =	simm.s32 $0x1400;
	s20 =	simm.s32 $0x80;
	s26 =	simm.s32 $0x4  }
.LBB2_1:
0x15: {  	s0 =	rddreg [dreg:$0x2]  }
0x16: {  	[tilespmem:s2], [sflag:$0x5] =	stream.linear.gather [hbm4b:s0+s2], $0x1400, $0x38;
	[tilespmem:$0x7800] =	vst v63  }
0x17: {  	_ =	swait.ge [sflag:s16], $0x1400  }
0x18: {  	[sflag:s16] =	ssyncset.done $0x0  }
0x19: {  	[sflag:s16] =	ssyncadd.s32 $0xFFFFEC00  }
0x1a: {  	[tilespmem:s17], [sflag:$0x5] =	stream.linear.gather [hbm4b:s6+s2], $0x1400, $0x38;
	[tilespmem:$0x7800] =	vst v63  }
0x1b: {  	_ =	swait.ge [sflag:s16], $0x1400  }
0x1c: {  	[sflag:s16] =	ssyncset.done $0x0  }
0x1d: {  	[sflag:s16] =	ssyncadd.s32 $0xFFFFEC00  }
0x1e: {  	[tilespmem:s18], [sflag:$0x1] =	stream.indirect.gather [hbm4b:s3+s20], $0x28, s2, s20, $0xb8;
	[tilespmem:$0x7800] =	vst v63  }
0x1f: {  	_ = 	snop  }
0x20: {  	[tilespmem:s19], [sflag:$0x2] =	stream.indirect.gather [hbm4b:s4+s20], $0x28, s17, s20, $0xb8;
	[tilespmem:$0x7800] =	vst v63  }
0x21: {  	_ = 	snop  }
0x22: {  	[tilespmem:s21], [sflag:$0x3] =	stream.indirect.gather [hbm4b:s3+s20], $0x28, s20, s20, $0xb8;
	[tilespmem:$0x7800] =	vst v63  }
0x23: {  	s29 =	simm.s32 $0x1480  }
0x24: {  	[tilespmem:s22], [sflag:$0x4] =	stream.indirect.gather [hbm4b:s4+s20], $0x28, s29, s20, $0xb8;
	[tilespmem:$0x7800] =	vst v63  }
0x25: {  	_ =	swait.ge [sflag:s23], $0x1400  }
0x26: {  	[sflag:s23] =	ssyncset.done $0x0  }
0x27: {  	[sflag:s23] =	ssyncadd.s32 $0xFFFFEC00  }
0x28: {  	_ =	swait.ge [sflag:s24], $0x1400  }
0x29: {  	[sflag:s24] =	ssyncset.done $0x0  }
0x2a: {  	s30 =	sadd.s32 $0x0, s14;
	[sflag:s24] =	ssyncadd.s32 $0xFFFFEC00  }
0x2b: {  	[hbm4b:s30+s2] =	stream.linear.scatter [tilespmem:s18], [sflag:$0x5], $0x1400, $0x38;
	[tilespmem:$0x7800] =	vst v63  }
0x2c: {  	_ =	swait.ge [sflag:s16], $0x1400  }
0x2d: {  	[sflag:s16] =	ssyncset.done $0x0  }
0x2e: {  	s31 =	sadd.s32 $0x0, s15;
	[sflag:s16] =	ssyncadd.s32 $0xFFFFEC00  }
0x2f: {  	[hbm4b:s31+s2] =	stream.linear.scatter [tilespmem:s19], [sflag:$0x5], $0x1400, $0x38;
	[tilespmem:$0x7800] =	vst v63  }
0x30: {  	_ =	swait.ge [sflag:s16], $0x1400  }
0x31: {  	[sflag:s16] =	ssyncset.done $0x0  }
0x32: {  	s1 =	simm.s32 $0x100;
	[sflag:s16] =	ssyncadd.s32 $0xFFFFEC00  }
0x33: {  	[tilespmem:s18], [sflag:$0x1] =	stream.indirect.gather [hbm4b:s3+s20], $0x28, s1, s20, $0xb8;
	[tilespmem:$0x7800] =	vst v63  }
0x34: {  	s5 =	simm.s32 $0x1500  }
0x35: {  	[tilespmem:s19], [sflag:$0x2] =	stream.indirect.gather [hbm4b:s4+s20], $0x28, s5, s20, $0xb8;
	[tilespmem:$0x7800] =	vst v63  }
0x36: {  	_ =	swait.ge [sflag:s25], $0x1400  }
0x37: {  	[sflag:s25] =	ssyncset.done $0x0  }
0x38: {  	[sflag:s25] =	ssyncadd.s32 $0xFFFFEC00  }
0x39: {  	_ =	swait.ge [sflag:s26], $0x1400  }
0x3a: {  	[sflag:s26] =	ssyncset.done $0x0  }
0x3b: {  	s0 =	sadd.s32 $0x280, s30;
	[sflag:s26] =	ssyncadd.s32 $0xFFFFEC00  }
0x3c: {  	[hbm4b:s0+s2] =	stream.linear.scatter [tilespmem:s21], [sflag:$0x5], $0x1400, $0x38;
	[tilespmem:$0x7800] =	vst v63  }
0x3d: {  	_ =	swait.ge [sflag:s16], $0x1400  }
0x3e: {  	[sflag:s16] =	ssyncset.done $0x0  }
0x3f: {  	s5 =	sadd.s32 $0x280, s31;
	[sflag:s16] =	ssyncadd.s32 $0xFFFFEC00  }
0x40: {  	[hbm4b:s5+s2] =	stream.linear.scatter [tilespmem:s22], [sflag:$0x5], $0x1400, $0x38;
	[tilespmem:$0x7800] =	vst v63  }
0x41: {  	_ =	swait.ge [sflag:s16], $0x1400  }
0x42: {  	s30 =	simm.s32 $0x500;
	s31 =	simm.s32 $0x80;
	[sflag:s16] =	ssyncset.done $0x0  }
.LBB2_2:
0x43: {  	[sflag:s16] =	ssyncadd.s32 $0xFFFFEC00;
	s31 =	sadd.s32 $0x100, s31;
	s29 =	sadd.s32 $0x100, s29  }
0x44: {  	[tilespmem:s21], [sflag:$0x3] =	stream.indirect.gather [hbm4b:s3+s20], $0x28, s31, s20, $0xb8;
	[tilespmem:$0x7800] =	vst v63  }
0x45: {  	p0 =	sne.s32 s30, $0x5A00;
	s1 =	smov.u32 s30;
	s30 =	sadd.s32 $0x500, s30  }
0x46: {  	[tilespmem:s22], [sflag:$0x4] =	stream.indirect.gather [hbm4b:s4+s20], $0x28, s29, s20, $0xb8;
	[tilespmem:$0x7800] =	vst v63  }
0x47: {  	_ =	swait.ge [sflag:s23], $0x1400  }
0x48: {  	[sflag:s23] =	ssyncset.done $0x0  }
0x49: {  	[sflag:s23] =	ssyncadd.s32 $0xFFFFEC00  }
0x4a: {  	_ =	swait.ge [sflag:s24], $0x1400  }
0x4b: {  	[sflag:s24] =	ssyncset.done $0x0  }
0x4c: {  	s0 =	sadd.s32 s1, s14;
	[sflag:s24] =	ssyncadd.s32 $0xFFFFEC00  }
0x4d: {  	[hbm4b:s0+s2] =	stream.linear.scatter [tilespmem:s18], [sflag:$0x5], $0x1400, $0x38;
	[tilespmem:$0x7800] =	vst v63  }
0x4e: {  	_ =	swait.ge [sflag:s16], $0x1400  }
0x4f: {  	[sflag:s16] =	ssyncset.done $0x0  }
0x50: {  	s1 =	sadd.s32 s1, s15;
	[sflag:s16] =	ssyncadd.s32 $0xFFFFEC00  }
0x51: {  	[hbm4b:s1+s2] =	stream.linear.scatter [tilespmem:s19], [sflag:$0x5], $0x1400, $0x38;
	[tilespmem:$0x7800] =	vst v63  }
0x52: {  	_ =	swait.ge [sflag:s16], $0x1400  }
0x53: {  	[sflag:s16] =	ssyncset.done $0x0  }
0x54: {  	s5 =	sadd.s32 $0x80, s31;
	[sflag:s16] =	ssyncadd.s32 $0xFFFFEC00  }
0x55: {  	[tilespmem:s18], [sflag:$0x1] =	stream.indirect.gather [hbm4b:s3+s20], $0x28, s5, s20, $0xb8;
	[tilespmem:$0x7800] =	vst v63  }
0x56: {  	s5 =	sadd.s32 $0x80, s29  }
0x57: {  	[tilespmem:s19], [sflag:$0x2] =	stream.indirect.gather [hbm4b:s4+s20], $0x28, s5, s20, $0xb8;
	[tilespmem:$0x7800] =	vst v63  }
0x58: {  	_ =	swait.ge [sflag:s25], $0x1400  }
0x59: {  	[sflag:s25] =	ssyncset.done $0x0  }
0x5a: {  	[sflag:s25] =	ssyncadd.s32 $0xFFFFEC00  }
0x5b: {  	_ =	swait.ge [sflag:s26], $0x1400  }
0x5c: {  	[sflag:s26] =	ssyncset.done $0x0  }
0x5d: {  	s0 =	sadd.s32 $0x280, s0;
	[sflag:s26] =	ssyncadd.s32 $0xFFFFEC00  }
0x5e: {  	[hbm4b:s0+s2] =	stream.linear.scatter [tilespmem:s21], [sflag:$0x5], $0x1400, $0x38;
	[tilespmem:$0x7800] =	vst v63  }
0x5f: {  	_ =	swait.ge [sflag:s16], $0x1400  }
.Ltmp0:
0x60: {  	[sflag:s16] =	ssyncset.done $0x0;
	(pc) =	sbr.rel @p0 .LBB2_2-.Ltmp0, $4  }
0x61: {  	s0 =	sadd.s32 $0x280, s1;
	[sflag:s16] =	ssyncadd.s32 $0xFFFFEC00  }
0x62: {  	[hbm4b:s0+s2] =	stream.linear.scatter [tilespmem:s22], [sflag:$0x5], $0x1400, $0x38;
	[tilespmem:$0x7800] =	vst v63  }
0x63: {  	_ =	swait.ge [sflag:s16], $0x1400  }
0x64: {  	[sflag:s16] =	ssyncset.done $0x0  }
0x65: {  	[sflag:s16] =	ssyncadd.s32 $0xFFFFEC00  }
0x66: {  	[tilespmem:s21], [sflag:$0x3] =	stream.indirect.gather [hbm4b:s3+s20], $0x28, s8, s20, $0xb8;
	[tilespmem:$0x7800] =	vst v63  }
0x67: {  	_ = 	snop  }
0x68: {  	[tilespmem:s22], [sflag:$0x4] =	stream.indirect.gather [hbm4b:s4+s20], $0x28, s9, s20, $0xb8;
	[tilespmem:$0x7800] =	vst v63  }
0x69: {  	_ =	swait.ge [sflag:s23], $0x1400  }
0x6a: {  	[sflag:s23] =	ssyncset.done $0x0  }
0x6b: {  	[sflag:s23] =	ssyncadd.s32 $0xFFFFEC00  }
0x6c: {  	_ =	swait.ge [sflag:s24], $0x1400  }
0x6d: {  	[sflag:s24] =	ssyncset.done $0x0  }
0x6e: {  	[sflag:s24] =	ssyncadd.s32 $0xFFFFEC00  }
0x6f: {  	[hbm4b:s10+s2] =	stream.linear.scatter [tilespmem:s18], [sflag:$0x5], $0x1400, $0x38;
	[tilespmem:$0x7800] =	vst v63  }
0x70: {  	_ =	swait.ge [sflag:s16], $0x1400  }
0x71: {  	[sflag:s16] =	ssyncset.done $0x0  }
0x72: {  	[sflag:s16] =	ssyncadd.s32 $0xFFFFEC00  }
0x73: {  	[hbm4b:s11+s2] =	stream.linear.scatter [tilespmem:s19], [sflag:$0x5], $0x1400, $0x38;
	[tilespmem:$0x7800] =	vst v63  }
0x74: {  	_ =	swait.ge [sflag:s16], $0x1400  }
0x75: {  	[sflag:s16] =	ssyncset.done $0x0  }
0x76: {  	[sflag:s16] =	ssyncadd.s32 $0xFFFFEC00  }
0x77: {  	_ =	swait.ge [sflag:s25], $0x1400  }
0x78: {  	[sflag:s25] =	ssyncset.done $0x0  }
0x79: {  	[sflag:s25] =	ssyncadd.s32 $0xFFFFEC00  }
0x7a: {  	_ =	swait.ge [sflag:s26], $0x1400  }
0x7b: {  	[sflag:s26] =	ssyncset.done $0x0  }
0x7c: {  	[sflag:s26] =	ssyncadd.s32 $0xFFFFEC00  }
0x7d: {  	[hbm4b:s12+s2] =	stream.linear.scatter [tilespmem:s21], [sflag:$0x5], $0x1400, $0x38;
	[tilespmem:$0x7800] =	vst v63  }
0x7e: {  	s28 =	sadd.s32 $0x1, s28;
	_ =	swait.ge [sflag:s16], $0x1400  }
0x7f: {  	p0 =	sne.s32 s28, s7;
	[sflag:s16] =	ssyncset.done $0x0  }
.Ltmp1:
0x80: {  	[sflag:s16] =	ssyncadd.s32 $0xFFFFEC00;
	(pc) =	sbr.rel @p0 .LBB2_1-.Ltmp1, $4  }
0x81: {  	[hbm4b:s13+s2] =	stream.linear.scatter [tilespmem:s22], [sflag:$0x5], $0x1400, $0x38;
	[tilespmem:$0x7800] =	vst v63  }
0x82: {  	_ =	swait.ge [sflag:s16], $0x1400  }
0x83: {  	[sflag:s16] =	ssyncset.done $0x0  }
0x84: {  	[sflag:s16] =	ssyncadd.s32 $0xFFFFEC00  }
0x85: {  	_ =	sfence.sel $0x180000  }
0x86: {  	[bflag:$0x0] =	sbarrier.arrive $0xFFFF  }
0x87: {  	_ =	strace $0x90000053  }
0x88: {  	s0 =	stileid.u32;
	[bflag:$0x2] =	sbarrier.arrive $0xFFFF  }
0x89: {  	p0 =	sne.s32 s0, $0x0;
	s0 =	rddreg [dreg:$0x1]  }
0x8a: {  	s0 =	sadd.s32 @!p0 $0x100000, s0  }
0x8b: {  	[sflag:s0] =	ssyncadd.tile.s32 @!p0 $0x1;
	_ =	shalt  }
.Lfunc_end2:
_tile_overlayer_lowered:
.L_overlay_start_2:
0x8c: {  	(tag) =	ssettag $0x2  }
0x8d: {  	s0 =	rddreg [dreg:$0x0];
	s2 =	stileid.u32  }
0x8e: {  	s1 =	rddreg [dreg:$0x1];
	p0 =	sne.s32 s2, $0x0  }
0x8f: {  	s3 =	rddreg [dreg:$0x2];
	[bflag:$0x3] =	sbarrier.arrive $0xFFFF;
	s2 =	simm.s32 @!p0 $0x1C05  }
0x90: {  	[timem:s3], [sflag:s2] =	dma.local @!p0 [hbm:s0], s1  }
0x91: {  	s0 =	simm.s32 @!p0 $0x5  }
0x92: {  	_ =	swait.ge @!p0 [sflag:s0], s1  }
0x93: {  	s1 =	ssub.s32 @!p0 $0x0, s1;
	[sflag:s0] =	ssyncset.done @!p0 $0x0  }
0x94: {  	[sflag:s0] =	ssyncadd.s32 @!p0 s1  }
0x95: {  	[bflag:$0x3] =	sbarrier.arrive $0xFFFF  }
0x96: {  	_ =	shalt  }

// kernel: kernel.29.cloned.1.call-start
scs
__scs_entry_jumppad:
0x0: {  	(pc) =	sbr.rel $0x88, $3  }
0x1: {  	(tag) =	ssettag $0x0;
	lr =	simm.s32 $0x1  }
0x2: {  	[smem:$0x3F5B] =	sst lr;
	_ =	strace $0xD0000000  }
0x3: {  	_ = 	snop  }
0x4: {  	_ = 	snop  }
0x5: {  	_ = 	snop  }
0x6: {  	_ = 	snop  }
0x7: {  	_ = 	snop  }
__scs_overlays_trampoline_lowered:
0x8: {  	[smem:$0x3F6A] =	sst s0  }
0x9: {  	[smem:$0x3F6B] =	sst s1  }
0xa: {  	[smem:$0x3F6C] =	sst s2  }
0xb: {  	[smem:$0x3F6D] =	sst s3  }
0xc: {  	[smem:$0x3F6E] =	sst s4  }
0xd: {  	[smem:$0x3F6F] =	sst s5  }
0xe: {  	[smem:$0x3F70] =	sst s6  }
0xf: {  	[smem:$0x3F71] =	sst s7  }
0x10: {  	[smem:$0x3F72] =	sst s8  }
0x11: {  	[smem:$0x3F73] =	sst s9;
	s0 =	simm.s32 @!p0 $0x0  }
0x12: {  	s1 =	sld [smem:$0x3F59];
	s0 =	simm.s32 @p0 $0x1  }
0x13: {  	[smem:$0x3F74] =	sst s0;
	s0 =	simm.s32 @!p1 $0x0  }
0x14: {  	s2 =	sld [smem:$0x3F58];
	s0 =	simm.s32 @p1 $0x1  }
0x15: {  	[smem:$0x3F75] =	sst s0;
	s0 =	simm.s32 @!p2 $0x0  }
0x16: {  	s3 =	sld [smem:$0x3FDB];
	s0 =	simm.s32 @p2 $0x1  }
0x17: {  	s4 =	simm.s32 $0x1BF5;
	[smem:$0x3F77] =	sst s0  }
0x18: {  	s0 =	sld [smem:$0x3F5A];
	_ =	swait.ge [sflag:s4], $0x0  }
0x19: {  	s7 =	sld [smem:$0x3F5B]  }
0x1a: {  	s8 =	sadd.s32 $0xFFFFE003, lr  }
0x1b: {  	s9 =	sadd.s32 $0xFFFFFEF7, lr;
	s5 =	simm.s32 $0xFFFFFFFF;
	p2 =	slt.u32 s8, $0xFFFFF086  }
0x1c: {  	p1 =	slt.u32 s9, $0xF7A;
	s5 =	simm.s32 @!p2 $0x0  }
0x1d: {  	s5 =	simm.s32 @p1 $0x1;
	p0 =	seq.s32 s7, s2  }
0x1e: {  	s7 =	smul.u32 @!p0 $0xF7A, s2;
	p2 =	seq.s32 @!p0 s5, $0x0  }
0x1f: {  	s9 =	smul.u32 $0xF7A, s1;
	s8 =	simm.s32 @!p0 $0x1BF5;
	p2 =	por !p2, p0  }
0x20: {  	[sflag:s8] =	ssyncset.s32 @!p0 $0xFFFFF086;
	s6 =	sadd.s32 @!p0 s3, s7;
	s7 =	simm.s32 @!p0 $0x108  }
0x21: {  	s3 =	sadd.s32 s3, s9;
	s6 =	sadd.s32 @!p0 $0x88, s6;
	s7 =	simm.s32 @p2 $0x1082  }
0x22: {  	[simem:s7], [sflag:s8] =	dma.local @!p0 [hbm:s6], $0xF7A  }
0x23: {  	s9 =	sor.u32 $0xD0000000, s2;
	s6 =	simm.s32 $0x108;
	_ =	swait.ge @!p0 [sflag:s8], $0x0  }
0x24: {  	s3 =	sadd.s32 $0x88, s3;
	s6 =	simm.s32 @!p1 $0x1082;
	[sflag:s4] =	ssyncset.s32 $0xFFFFF086  }
0x25: {  	[simem:s6], [sflag:s4] =	dma.local [hbm:s3], $0xF7A  }
0x26: {  	[smem:$0x3F5B] =	sst s1;
	(tag) =	ssettag s2;
	_ =	strace s9  }
0x27: {  	s1 =	sld [smem:$0x3F6B]  }
0x28: {  	s2 =	sld [smem:$0x3F6C]  }
0x29: {  	s4 =	sld [smem:$0x3F6E]  }
0x2a: {  	p0 =	seq.s32 s5, $0x0;
	s5 =	sld [smem:$0x3F6F]  }
0x2b: {  	s6 =	sld [smem:$0x3F70]  }
0x2c: {  	s7 =	sld [smem:$0x3F71]  }
0x2d: {  	s3 =	simm.s32 $0x108;
	s8 =	sld [smem:$0x3F72]  }
0x2e: {  	s3 =	simm.s32 @!p0 $0x1082;
	s9 =	sld [smem:$0x3F73]  }
0x2f: {  	lr =	sadd.s32 s0, s3;
	s0 =	sld [smem:$0x3F6A]  }
0x30: {  	s3 =	sld [smem:$0x3F6D]  }
0x31: {  	[smem:$0x3F76] =	sst s10  }
0x32: {  	s10 =	sld [smem:$0x3F74];
	_ =	sdelay $0x3  }
0x33: {  	p0 =	seq.s32 s10, $0x1;
	s10 =	sld [smem:$0x3F76];
	_ =	sdelay $0x3  }
0x34: {  	[smem:$0x3F76] =	sst s10  }
0x35: {  	s10 =	sld [smem:$0x3F75];
	_ =	sdelay $0x3  }
0x36: {  	p1 =	seq.s32 s10, $0x1;
	s10 =	sld [smem:$0x3F76];
	_ =	sdelay $0x3  }
0x37: {  	[smem:$0x3F76] =	sst s10  }
0x38: {  	s10 =	sld [smem:$0x3F77]  }
0x39: {  	_ = 	snop;
	(pc) =	sbr.ind lr, $3  }
0x3a: {  	_ = 	snop  }
0x3b: {  	_ = 	snop  }
0x3c: {  	p2 =	seq.s32 s10, $0x1;
	s10 =	sld [smem:$0x3F76]  }
0x3d: {  	_ =	shalt  }
0x3e: {  	_ =	shalt  }
0x3f: {  	_ =	shalt  }
0x40: {  	_ =	shalt  }
0x41: {  	_ =	shalt  }
0x42: {  	_ =	shalt  }
0x43: {  	_ =	shalt  }
0x44: {  	_ =	shalt  }
0x45: {  	_ =	shalt  }
0x46: {  	_ =	shalt  }
0x47: {  	_ =	shalt  }
0x48: {  	_ =	shalt  }
0x49: {  	_ =	shalt  }
0x4a: {  	_ =	shalt  }
0x4b: {  	_ =	shalt  }
0x4c: {  	_ =	shalt  }
0x4d: {  	_ =	shalt  }
0x4e: {  	_ =	shalt  }
0x4f: {  	_ =	shalt  }
0x50: {  	_ =	shalt  }
0x51: {  	_ =	shalt  }
0x52: {  	_ =	shalt  }
0x53: {  	_ =	shalt  }
0x54: {  	_ =	shalt  }
0x55: {  	_ =	shalt  }
0x56: {  	_ =	shalt  }
0x57: {  	_ =	shalt  }
0x58: {  	_ =	shalt  }
0x59: {  	_ =	shalt  }
0x5a: {  	_ =	shalt  }
0x5b: {  	_ =	shalt  }
0x5c: {  	_ =	shalt  }
0x5d: {  	_ =	shalt  }
0x5e: {  	_ =	shalt  }
0x5f: {  	_ =	shalt  }
0x60: {  	_ =	shalt  }
0x61: {  	_ =	shalt  }
0x62: {  	_ =	shalt  }
0x63: {  	_ =	shalt  }
0x64: {  	_ =	shalt  }
0x65: {  	_ =	shalt  }
0x66: {  	_ =	shalt  }
0x67: {  	_ =	shalt  }
0x68: {  	_ =	shalt  }
0x69: {  	_ =	shalt  }
0x6a: {  	_ =	shalt  }
0x6b: {  	_ =	shalt  }
0x6c: {  	_ =	shalt  }
0x6d: {  	_ =	shalt  }
0x6e: {  	_ =	shalt  }
0x6f: {  	_ =	shalt  }
0x70: {  	_ =	shalt  }
0x71: {  	_ =	shalt  }
0x72: {  	_ =	shalt  }
0x73: {  	_ =	shalt  }
0x74: {  	_ =	shalt  }
0x75: {  	_ =	shalt  }
0x76: {  	_ =	shalt  }
0x77: {  	_ =	shalt  }
0x78: {  	_ =	shalt  }
0x79: {  	_ =	shalt  }
0x7a: {  	_ =	shalt  }
0x7b: {  	_ =	shalt  }
0x7c: {  	_ =	shalt  }
0x7d: {  	_ =	shalt  }
0x7e: {  	_ =	shalt  }
0x7f: {  	_ =	shalt  }
0x80: {  	_ =	shalt  }
0x81: {  	_ =	shalt  }
0x82: {  	_ =	shalt  }
0x83: {  	_ =	shalt  }
0x84: {  	_ =	shalt  }
0x85: {  	_ =	shalt  }
0x86: {  	_ =	shalt  }
0x87: {  	_ =	shalt  }
.Lfunc_end0:
.L_simem_size_0:
called_computation.5_lowered:
.L_overlay_start_0:
0x88: {  	s2 =	sld [smem:$0x3FD9]  }
0x89: {  	s3 =	sld [smem:$0x3FFE];
	_ =	sdelay $0x1  }
0x8a: {  	s1 =	srdreg.scid  }
0x8b: {  	s0 =	sand.u32 $0x1, s1  }
0x8c: {  	s16 =	sshll.u32 s0, $0xA;
	s2 =	sadd.s32 s3, s2  }
0x8d: {  	s2 =	sadd.s32 s2, s16  }
0x8e: {  	[smem:$0x3F82] =	sst s2  }
0x8f: {  	_ = 	snop  }
0x90: {  	(tm) =	ssettm $0x1  }
0x91: {  	s17 =	sld [smem:$0x3FFB];
	_ =	sdelay $0x3  }
0x92: {  	_ =	strace s17  }
0x93: {  	s2 =	sld [smem:$0x3FFC];
	_ =	sdelay $0x3  }
0x94: {  	_ =	strace s2  }
0x95: {  	s2 =	sld [smem:$0x3FFD];
	_ =	sdelay $0x3  }
0x96: {  	_ =	strace s2  }
0x97: {  	_ =	strace $0x8FFFFFFF  }
0x98: {  	s18 =	sld [smem:$0x3FDB];
	_ =	sdelay $0x1  }
0x99: {  	s19 =	simm.s32 $_scs_section_size  }
0x9a: {  	s4 =	simm.s32 $_size__tile_overlayer_lowered;
	s5 =	simm.s32 $_tile_overlayer_lowered  }
0x9b: {  	s22 =	simm.s32 $0x1BFF;
	s21 =	sshll.u32 s5, $0x1;
	s2 =	sadd.s32 s19, s18  }
0x9c: {  	s6 =	simm.s32 $0x0;
	s20 =	sshll.u32 s4, $0x1;
	s4 =	sadd.s32 s21, s2  }
0x9d: {  	[timem:s6], [sflag:s22] =	dma.local [hbm:s4], s20  }
0x9e: {  	_ =	swait.ge [sflag:s22], s20  }
0x9f: {  	s3 =	ssub.s32 $0x0, s20;
	[sflag:s22] =	ssyncset.done $0x0  }
0xa0: {  	[sflag:s22] =	ssyncadd.s32 s3;
	_ =	sdelay $0x1  }
0xa1: {  	s23 =	simm.s32 $0x1B8B  }
0xa2: {  	_ =	swait.ge [sflag:s23], $0x1  }
0xa3: {  	[sflag:s23] =	ssyncset.done $0x0  }
0xa4: {  	s25 =	simm.s32 $0x1B8E;
	s24 =	sld [smem:$0x3FFE];
	[sflag:s23] =	ssyncadd.s32 $0xFFFFFFFF  }
0xa5: {  	s26 =	simm.s32 $execute0_lowered;
	[smem:$0x3FD2] =	sst s25  }
0xa6: {  	s4 =	sshll.u32 s26, $0x1;
	_ =	strace $0x80000055;
	[dreg:$0x1] =	wrdreg $0xFFFFFFFF  }
0xa7: {  	s28 =	simm.s32 $_size_execute0_lowered;
	s2 =	sadd.s32 s2, s4;
	[dreg:$0x0] =	wrdreg $0x0  }
0xa8: {  	s4 =	sshll.u32 s28, $0x1;
	[dreg:$0x2] =	wrdreg s2  }
0xa9: {  	[dreg:$0x3] =	wrdreg s4  }
0xaa: {  	[dreg:$0x4] =	wrdreg $0xC0  }
0xab: {  	_ =	task [dreg:s6], $0x5FFFF  }
0xac: {  	[dreg:$0x1] =	wrdreg $0xFFFFFFFF  }
0xad: {  	[dreg:$0x0] =	wrdreg $0x60  }
0xae: {  	[dreg:$0x2] =	wrdreg s24  }
0xaf: {  	[dreg:$0x3] =	wrdreg $0x80000  }
0xb0: {  	[dreg:$0x4] =	wrdreg $0x9  }
0xb1: {  	_ =	task.clear_ibuf [dreg:s6], $0x5FFFF;
	_ =	strace $0x90000055  }
0xb2: {  	s29 =	simm.s32 $0x9;
	_ =	strace $0x80000057  }
0xb3: {  	_ =	swait.ge [sflag:s29], $0x1  }
0xb4: {  	[sflag:s29] =	ssyncadd.s32 $0xFFFFFFFF  }
0xb5: {  	_ =	strace $0x90000057  }
0xb6: {  	_ =	sfence  }
0xb7: {  	s30 =	sld [smem:$0x0];
	_ =	sdelay $0x2  }
0xb8: {  	s31 =	sshll.u32 s1, $0xD;
	s1 =	sshrl.u32 s1, $0x2  }
0xb9: {  	s3 =	sand.u32 $0x4000, s31;
	s1 =	sadd.s32 s1, s30  }
0xba: {  	s0 =	sor.u32 s3, s0;
	s1 =	sshll.u32 s1, $0x11  }
0xbb: {  	s0 =	sor.u32 s1, s0  }
0xbc: {  	s0 =	sadd.s32 $0x8F2B, s0  }
0xbd: {  	[sflag:s0] =	ssyncadd.remote.s32 $0x1  }
0xbe: {  	_ =	sfence.sel $0xFFFF  }
0xbf: {  	[dreg:$0x0] =	wrdreg $0xFFFFFFFF;
	(pc) =	sbr.abs _section_cstart, $3  }
0xc0: {  	[dreg:$0x1] =	wrdreg $0xFFFFFFFF  }
0xc1: {  	_ =	task.clear_ibuf [dreg:s6], $0x2FFFF;
	_ =	strace $0x9FFFFFFF  }
0xc2: {  	(tm) =	ssettm $0x7FFFFFFF  }
0xc3: {  	_ =	shalt  }
tec
execute0_lowered:
.L_overlay_start_1:
0x0: {  	(tag) =	ssettag $0x1  }
0x1: {  	s0 =	srdreg.scid;
	s1 =	rddreg [dreg:$0x0]  }
0x2: {  	s26 =	stileid.u32;
	s2 =	rddreg [dreg:$0x1]  }
0x3: {  	s22 =	simm.s32 $0x27;
	s29 =	simm.s32 $0x4;
	s30 =	simm.s32 $0x0  }
0x4: {  	s0 =	sand.u32 $0x1, s0;
	s3 =	sshll.u32 s26, $0x1;
	s10 =	smul.u32 $0xB400, s26  }
0x5: {  	s18 =	sadd.s32 $0x6E800, s1;
	p0 =	seq.s32 s26, $0x0;
	s28 =	smul.u32 $0x15F00, s26  }
0x6: {  	s4 =	sor.u32 s0, s3;
	s3 =	simm.s32 $0x0;
	s21 =	smul.u32 $0xB4000, s0  }
0x7: {  	s8 =	ssub.s32 $0x2, s0;
	s22 =	simm.s32 @!p0 $0x26;
	s0 =	smul.u32 $0xAF80, s0  }
0x8: {  	s5 =	smul.u32 $0x27, s4;
	[smem:$0x7FF] =	sst s3;
	s15 =	smin.u32 s4, $0x2  }
0x9: {  	s9 =	sshrl.u32 s8, $0x1;
	s14 =	sadd.s32 $0x2400, s10;
	s4 =	sadd.s32 s10, s2  }
0xa: {  	s16 =	sadd.s32 $0x4800, s10;
	s19 =	sadd.s32 $0x6C00, s10;
	s20 =	sadd.s32 $0x9000, s10  }
0xb: {  	_ =	strace $0x80000056;
	s17 =	ssub.s32 s8, s9;
	s6 =	sadd.s32 s16, s2  }
0xc: {  	s8 =	sadd.s32 s19, s2;
	s9 =	sadd.s32 s20, s2;
	s23 =	sadd.s32 s10, s21  }
0xd: {  	s16 =	sadd.s32 s21, s16;
	s25 =	sadd.s32 s21, s19;
	s20 =	sadd.s32 s21, s20  }
0xe: {  	s19 =	sadd.s32 s28, s18;
	s31 =	smul.u32 $0x480, s15;
	s13 =	sadd.s32 s15, s5  }
0xf: {  	s5 =	sadd.s32 s14, s2;
	s23 =	sshrl.u32 s23, $0x3;
	s14 =	sadd.s32 s21, s14  }
0x10: {  	s24 =	sshrl.u32 s16, $0x3;
	s16 =	sshrl.u32 s25, $0x3;
	s20 =	sshrl.u32 s20, $0x3  }
0x11: {  	s0 =	sadd.s32 s0, s19;
	s17 =	smax.u32 s17, $0x1;
	s21 =	simm.s32 $0x3  }
0x12: {  	s25 =	simm.s32 $0x2;
	s7 =	sshll.u32 s13, $0x4;
	s12 =	smul.u32 $0x480, s13  }
0x13: {  	s14 =	sshrl.u32 s14, $0x3;
	s22 =	sadd.s32 s13, s22;
	s0 =	sadd.s32 s31, s0  }
0x14: {  	s11 =	sadd.s32 s7, s1;
	s1 =	sadd.s32 $0x466400, s1;
	s7 =	simm.s32 $0x28  }
0x15: {  	s22 =	smul.u32 $0x480, s22;
	s19 =	sadd.s32 $0x480, s0;
	s7 =	simm.s32 @!p0 $0x27  }
0x16: {  	s11 =	sadd.s32 $0x64800, s11;
	s12 =	sadd.s32 s18, s12;
	s13 =	sadd.s32 s1, s14  }
0x17: {  	s14 =	sadd.s32 s1, s24;
	s15 =	sadd.s32 s1, s16;
	s16 =	sadd.s32 s1, s20  }
0x18: {  	s20 =	simm.s32 $0x5C00;
	s24 =	simm.s32 $0x1;
	[dreg:$0x3] =	wrdreg s11  }
0x19: {  	p0 =	sne.s32 s26, $0x0;
	[dreg:$0x4] =	wrdreg s12;
	s12 =	sadd.s32 s1, s23  }
0x1a: {  	v0 =	vimm.f32 $0.0e+00;
	s18 =	sadd.s32 s18, s22;
	s22 =	simm.s32 $0x1400;
	s23 =	simm.s32 $0x3800  }
.LBB2_1:
0x1b: {  	s1 =	simm.s32 $0x120;
	s0 =	simm.s32 $0x0  }
.LBB2_2:
0x1c: {  	p1 =	sne.s32 s1, $0x8EE0;
	[tilespmem:s0+$0x5C30] =	vst v0;
	s26 =	smov.u32 s1;
	s1 =	sadd.s32 $0x120, s1  }
.Ltmp0:
0x1d: {  	[tilespmem:s0+$0x5C20] =	vst v0;
	(pc) =	sbr.rel @p1 .LBB2_2-.Ltmp0, $3  }
0x1e: {  	[tilespmem:s0+$0x5C00] =	vst v0  }
0x1f: {  	[tilespmem:s0+$0x5C10] =	vst v0;
	_ =	sdelay $0x1  }
0x20: {  	s0 =	sshra.s32 s26, $0x2  }
0x21: {  	[tilespmem:s0+$0x5C30] =	vst v0  }
0x22: {  	[tilespmem:s0+$0x5C20] =	vst v0  }
0x23: {  	[tilespmem:s0+$0x5C00] =	vst v0  }
0x24: {  	[tilespmem:s0+$0x5C10] =	vst v0  }
0x25: {  	[spmem:s4] =	stream.linear.scatter [tilespmem:s20], [sflag:$0x3], $0x2400, $0x38;
	[tilespmem:$0x13400] =	vst v63  }
0x26: {  	_ =	swait.ge [sflag:s21], $0x2400  }
0x27: {  	[sflag:s21] =	ssyncset.done $0x0  }
0x28: {  	[sflag:s21] =	ssyncadd.s32 $0xFFFFDC00  }
0x29: {  	[spmem:s5] =	stream.linear.scatter [tilespmem:s20], [sflag:$0x3], $0x2400, $0x38;
	[tilespmem:$0x13400] =	vst v63  }
0x2a: {  	_ =	swait.ge [sflag:s21], $0x2400  }
0x2b: {  	[sflag:s21] =	ssyncset.done $0x0  }
0x2c: {  	[sflag:s21] =	ssyncadd.s32 $0xFFFFDC00  }
0x2d: {  	[spmem:s6] =	stream.linear.scatter [tilespmem:s20], [sflag:$0x3], $0x2400, $0x38;
	[tilespmem:$0x13400] =	vst v63  }
0x2e: {  	_ =	swait.ge [sflag:s21], $0x2400  }
0x2f: {  	[sflag:s21] =	ssyncset.done $0x0  }
0x30: {  	[sflag:s21] =	ssyncadd.s32 $0xFFFFDC00  }
0x31: {  	[spmem:s8] =	stream.linear.scatter [tilespmem:s20], [sflag:$0x3], $0x2400, $0x38;
	[tilespmem:$0x13400] =	vst v63  }
0x32: {  	_ =	swait.ge [sflag:s21], $0x2400  }
0x33: {  	[sflag:s21] =	ssyncset.done $0x0  }
0x34: {  	[sflag:s21] =	ssyncadd.s32 $0xFFFFDC00  }
0x35: {  	[spmem:s9] =	stream.linear.scatter [tilespmem:s20], [sflag:$0x3], $0x2400, $0x38;
	[tilespmem:$0x13400] =	vst v63  }
0x36: {  	_ =	swait.ge [sflag:s21], $0x2400  }
0x37: {  	[sflag:s21] =	ssyncset.done $0x0  }
0x38: {  	[sflag:s21] =	ssyncadd.s32 $0xFFFFDC00  }
0x39: {  	[bflag:$0x0] =	sbarrier.arrive $0xFFFF  }
0x3a: {  	s31 =	simm.s32 $0x0;
	s11 =	rddreg [dreg:$0x3]  }
0x3b: {  	[tilespmem:s31], [sflag:$0x3] =	stream.linear.gather [hbm4b:s11+s31], $0x1400, $0x38;
	[tilespmem:$0x13400] =	vst v63  }
0x3c: {  	_ =	swait.ge [sflag:s21], $0x1400  }
0x3d: {  	[sflag:s21] =	ssyncset.done $0x0  }
0x3e: {  	s26 =	rddreg [dreg:$0x4];
	[sflag:s21] =	ssyncadd.s32 $0xFFFFEC00  }
0x3f: {  	[tilespmem:s22], [sflag:$0x1] =	stream.linear.gather [hbm4b:s26+s31], $0x2400, $0x38;
	[tilespmem:$0x13400] =	vst v63  }
0x40: {  	_ = 	snop  }
0x41: {  	[tilespmem:s23], [sflag:$0x2] =	stream.linear.gather [hbm4b:s19+s3], $0x2400, $0x38;
	[tilespmem:$0x13400] =	vst v63  }
0x42: {  	p1 =	sle.u32 s7, $0x0;
	_ =	swait.ge [sflag:s24], $0x2400  }
0x43: {  	s0 =	simm.s32 @!p1 $0x80;
	[sflag:s24] =	ssyncset.done $0x0  }
0x44: {  	s1 =	simm.s32 @!p1 $0x1400;
	s26 =	simm.s32 @!p1 $0x4;
	[sflag:s24] =	ssyncadd.s32 $0xFFFFDC00  }
0x45: {  	[spmem:s2] =	stream.indirect.scatter.add.f32 @!p1 [tilespmem:s1], [sflag:$0x4], $0x48, s31, s0, $0xb8;
	[tilespmem:$0x13400] =	vst v63  }
0x46: {  	_ =	swait.ge @!p1 [sflag:s26], $0x2400  }
0x47: {  	[sflag:s26] =	ssyncset.done @!p1 $0x0  }
0x48: {  	s28 =	sadd.s32 $0x480, s19;
	[sflag:s26] =	ssyncadd.s32 @!p1 $0xFFFFDC00  }
0x49: {  	[tilespmem:s22], [sflag:$0x1] =	stream.linear.gather [hbm4b:s28+s3], $0x2400, $0x38;
	[tilespmem:$0x13400] =	vst v63  }
0x4a: {  	p2 =	sle.u32 s7, $0x1;
	_ =	swait.ge [sflag:s25], $0x2400  }
0x4b: {  	s0 =	simm.s32 @!p2 $0x80;
	[sflag:s25] =	ssyncset.done $0x0  }
0x4c: {  	s1 =	simm.s32 @!p2 $0x3800;
	s26 =	simm.s32 @!p2 $0x80;
	[sflag:s25] =	ssyncadd.s32 $0xFFFFDC00  }
0x4d: {  	[spmem:s2] =	stream.indirect.scatter.add.f32 @!p2 [tilespmem:s1], [sflag:$0x3], $0x48, s0, s26, $0xb8;
	[tilespmem:$0x13400] =	vst v63  }
0x4e: {  	s26 =	simm.s32 @!p2 $0x3  }
0x4f: {  	s1 =	simm.s32 $0x3;
	s0 =	sadd.s32 $0x900, s19;
	_ =	swait.ge @!p2 [sflag:s26], $0x2400  }
.LBB2_4:
0x50: {  	[sflag:s26] =	ssyncset.done @!p2 $0x0  }
0x51: {  	s31 =	sadd.s32 $0x100, s31;
	s28 =	smov.u32 s1;
	s1 =	sadd.s32 $0x2, s1  }
0x52: {  	s10 =	sadd.s32 $0xFFFFFFFF, s28;
	p1 =	sne.s32 s1, $0x27;
	[sflag:s26] =	ssyncadd.s32 @!p2 $0xFFFFDC00  }
0x53: {  	[tilespmem:s23], [sflag:$0x2] =	stream.linear.gather [hbm4b:s0+s3], $0x2400, $0x38;
	[tilespmem:$0x13400] =	vst v63  }
0x54: {  	p2 =	sge.u32 s10, s7;
	_ =	swait.ge [sflag:s24], $0x2400  }
0x55: {  	s10 =	simm.s32 @!p2 $0x80;
	s26 =	simm.s32 @!p2 $0x1400;
	[sflag:s24] =	ssyncset.done $0x0  }
0x56: {  	s11 =	simm.s32 @!p2 $0x4;
	[sflag:s24] =	ssyncadd.s32 $0xFFFFDC00  }
0x57: {  	[spmem:s2] =	stream.indirect.scatter.add.f32 @!p2 [tilespmem:s26], [sflag:$0x4], $0x48, s31, s10, $0xb8;
	[tilespmem:$0x13400] =	vst v63  }
0x58: {  	_ =	swait.ge @!p2 [sflag:s11], $0x2400  }
0x59: {  	s10 =	sadd.s32 $0x480, s0;
	[sflag:s11] =	ssyncset.done @!p2 $0x0  }
0x5a: {  	[sflag:s11] =	ssyncadd.s32 @!p2 $0xFFFFDC00  }
0x5b: {  	[tilespmem:s22], [sflag:$0x1] =	stream.linear.gather [hbm4b:s10+s3], $0x2400, $0x38;
	[tilespmem:$0x13400] =	vst v63  }
.Ltmp1:
0x5c: {  	p2 =	sge.u32 s28, s7;
	_ =	swait.ge [sflag:s25], $0x2400;
	(pc) =	sbr.rel @p1 .LBB2_4-.Ltmp1, $4  }
0x5d: {  	s10 =	sadd.s32 @!p2 $0x80, s31;
	s11 =	simm.s32 @!p2 $0x3800;
	[sflag:s25] =	ssyncset.done $0x0  }
0x5e: {  	s28 =	simm.s32 @!p2 $0x80;
	s26 =	simm.s32 @!p2 $0x3;
	[sflag:s25] =	ssyncadd.s32 $0xFFFFDC00  }
0x5f: {  	[spmem:s2] =	stream.indirect.scatter.add.f32 @!p2 [tilespmem:s11], [sflag:$0x3], $0x48, s10, s28, $0xb8;
	[tilespmem:$0x13400] =	vst v63  }
0x60: {  	s0 =	sadd.s32 $0x900, s0;
	_ =	swait.ge @!p2 [sflag:s26], $0x2400  }
0x61: {  	[sflag:s26] =	ssyncset.done @!p2 $0x0  }
0x62: {  	[sflag:s26] =	ssyncadd.s32 @!p2 $0xFFFFDC00  }
0x63: {  	[tilespmem:s23], [sflag:$0x2] =	stream.linear.gather [hbm4b:s18+s3], $0x2400, $0x38;
	[tilespmem:$0x13400] =	vst v63  }
0x64: {  	_ =	swait.ge [sflag:s24], $0x2400  }
0x65: {  	[sflag:s24] =	ssyncset.done $0x0  }
0x66: {  	s0 =	simm.s32 $0x80;
	s1 =	simm.s32 $0x1300;
	[sflag:s24] =	ssyncadd.s32 $0xFFFFDC00  }
0x67: {  	[spmem:s2] =	stream.indirect.scatter.add.f32 [tilespmem:s22], [sflag:$0x4], $0x48, s1, s0, $0xb8;
	[tilespmem:$0x13400] =	vst v63  }
0x68: {  	_ =	swait.ge [sflag:s29], $0x2400  }
0x69: {  	[sflag:s29] =	ssyncset.done $0x0  }
0x6a: {  	[sflag:s29] =	ssyncadd.s32 $0xFFFFDC00  }
0x6b: {  	_ =	swait.ge [sflag:s25], $0x2400  }
0x6c: {  	s10 =	simm.s32 @!p0 $0x3800;
	[sflag:s25] =	ssyncset.done $0x0  }
0x6d: {  	s0 =	simm.s32 @!p0 $0x80;
	s1 =	simm.s32 @!p0 $0x1380;
	[sflag:s25] =	ssyncadd.s32 $0xFFFFDC00  }
0x6e: {  	[spmem:s2] =	stream.indirect.scatter.add.f32 @!p0 [tilespmem:s10], [sflag:$0x3], $0x48, s1, s0, $0xb8;
	[tilespmem:$0x13400] =	vst v63  }
0x6f: {  	s0 =	simm.s32 @!p0 $0x3  }
0x70: {  	_ =	swait.ge @!p0 [sflag:s0], $0x2400  }
0x71: {  	s1 =	stileid.u32;
	[sflag:s0] =	ssyncset.done @!p0 $0x0  }
0x72: {  	[sflag:s0] =	ssyncadd.s32 @!p0 $0xFFFFDC00;
	s0 =	sshll.u32 s1, $0x6  }
0x73: {  	s10 =	sshrl.u32 s4, $0x3;
	[bflag:$0x0] =	sbarrier.arrive $0xFFFF;
	s0 =	sor.u32 $0x1C03, s0  }
0x74: {  	[hbm:s12], [sflag:s0] =	dma.local [spmem:s10], $0x480  }
0x75: {  	_ =	swait.ge [sflag:s21], $0x480  }
0x76: {  	[sflag:s21] =	ssyncset.done $0x0  }
0x77: {  	s11 =	sshrl.u32 s5, $0x3;
	[sflag:s21] =	ssyncadd.s32 $0xFFFFFB80  }
0x78: {  	[hbm:s13], [sflag:s0] =	dma.local [spmem:s11], $0x480  }
0x79: {  	_ =	swait.ge [sflag:s21], $0x480  }
0x7a: {  	[sflag:s21] =	ssyncset.done $0x0  }
0x7b: {  	s26 =	sshrl.u32 s6, $0x3;
	[sflag:s21] =	ssyncadd.s32 $0xFFFFFB80  }
0x7c: {  	[hbm:s14], [sflag:s0] =	dma.local [spmem:s26], $0x480  }
0x7d: {  	_ =	swait.ge [sflag:s21], $0x480  }
0x7e: {  	[sflag:s21] =	ssyncset.done $0x0  }
0x7f: {  	s28 =	sshrl.u32 s8, $0x3;
	[sflag:s21] =	ssyncadd.s32 $0xFFFFFB80  }
0x80: {  	[hbm:s15], [sflag:s0] =	dma.local [spmem:s28], $0x480  }
0x81: {  	s30 =	sadd.s32 $0x1, s30;
	_ =	swait.ge [sflag:s21], $0x480  }
0x82: {  	p1 =	sne.s32 s30, s17;
	[sflag:s21] =	ssyncset.done $0x0  }
.Ltmp2:
0x83: {  	s31 =	sshrl.u32 s9, $0x3;
	[sflag:s21] =	ssyncadd.s32 $0xFFFFFB80;
	(pc) =	sbr.rel @p1 .LBB2_1-.Ltmp2, $4  }
0x84: {  	[hbm:s16], [sflag:s0] =	dma.local [spmem:s31], $0x480  }
0x85: {  	_ =	swait.ge [sflag:s21], $0x480  }
0x86: {  	[sflag:s21] =	ssyncset.done $0x0  }
0x87: {  	[sflag:s21] =	ssyncadd.s32 $0xFFFFFB80  }
0x88: {  	_ =	sfence.sel $0x180000  }
0x89: {  	[bflag:$0x0] =	sbarrier.arrive $0xFFFF  }
0x8a: {  	_ =	strace $0x90000056  }
0x8b: {  	[bflag:$0x2] =	sbarrier.arrive $0xFFFF  }
0x8c: {  	s0 =	rddreg [dreg:$0x2]  }
0x8d: {  	s0 =	sadd.s32 @!p0 $0x100000, s0  }
0x8e: {  	[sflag:s0] =	ssyncadd.tile.s32 @!p0 $0x1;
	_ =	shalt  }
.Lfunc_end2:
_tile_overlayer_lowered:
.L_overlay_start_2:
0x8f: {  	(tag) =	ssettag $0x2  }
0x90: {  	s0 =	rddreg [dreg:$0x0];
	s2 =	stileid.u32  }
0x91: {  	s1 =	rddreg [dreg:$0x1];
	p0 =	sne.s32 s2, $0x0  }
0x92: {  	s3 =	rddreg [dreg:$0x2];
	[bflag:$0x3] =	sbarrier.arrive $0xFFFF;
	s2 =	simm.s32 @!p0 $0x1C03  }
0x93: {  	[timem:s3], [sflag:s2] =	dma.local @!p0 [hbm:s0], s1  }
0x94: {  	s0 =	simm.s32 @!p0 $0x3  }
0x95: {  	_ =	swait.ge @!p0 [sflag:s0], s1  }
0x96: {  	s1 =	ssub.s32 @!p0 $0x0, s1;
	[sflag:s0] =	ssyncset.done @!p0 $0x0  }
0x97: {  	[sflag:s0] =	ssyncadd.s32 @!p0 s1  }
0x98: {  	[bflag:$0x3] =	sbarrier.arrive $0xFFFF  }
0x99: {  	_ =	shalt  }

// kernel: kernel.32.cloned.1.call-start
scs
__scs_entry_jumppad:
0x0: {  	(pc) =	sbr.rel $0x88, $3  }
0x1: {  	(tag) =	ssettag $0x0;
	lr =	simm.s32 $0x1  }
0x2: {  	[smem:$0x3F5B] =	sst lr;
	_ =	strace $0xD0000000  }
0x3: {  	_ = 	snop  }
0x4: {  	_ = 	snop  }
0x5: {  	_ = 	snop  }
0x6: {  	_ = 	snop  }
0x7: {  	_ = 	snop  }
__scs_overlays_trampoline_lowered:
0x8: {  	[smem:$0x3F6A] =	sst s0  }
0x9: {  	[smem:$0x3F6B] =	sst s1  }
0xa: {  	[smem:$0x3F6C] =	sst s2  }
0xb: {  	[smem:$0x3F6D] =	sst s3  }
0xc: {  	[smem:$0x3F6E] =	sst s4  }
0xd: {  	[smem:$0x3F6F] =	sst s5  }
0xe: {  	[smem:$0x3F70] =	sst s6  }
0xf: {  	[smem:$0x3F71] =	sst s7  }
0x10: {  	[smem:$0x3F72] =	sst s8  }
0x11: {  	[smem:$0x3F73] =	sst s9;
	s0 =	simm.s32 @!p0 $0x0  }
0x12: {  	s1 =	sld [smem:$0x3F59];
	s0 =	simm.s32 @p0 $0x1  }
0x13: {  	[smem:$0x3F74] =	sst s0;
	s0 =	simm.s32 @!p1 $0x0  }
0x14: {  	s2 =	sld [smem:$0x3F58];
	s0 =	simm.s32 @p1 $0x1  }
0x15: {  	[smem:$0x3F75] =	sst s0;
	s0 =	simm.s32 @!p2 $0x0  }
0x16: {  	s3 =	sld [smem:$0x3FDB];
	s0 =	simm.s32 @p2 $0x1  }
0x17: {  	s4 =	simm.s32 $0x1BF5;
	[smem:$0x3F77] =	sst s0  }
0x18: {  	s0 =	sld [smem:$0x3F5A];
	_ =	swait.ge [sflag:s4], $0x0  }
0x19: {  	s7 =	sld [smem:$0x3F5B]  }
0x1a: {  	s8 =	sadd.s32 $0xFFFFE003, lr  }
0x1b: {  	s9 =	sadd.s32 $0xFFFFFEF7, lr;
	s5 =	simm.s32 $0xFFFFFFFF;
	p2 =	slt.u32 s8, $0xFFFFF086  }
0x1c: {  	p1 =	slt.u32 s9, $0xF7A;
	s5 =	simm.s32 @!p2 $0x0  }
0x1d: {  	s5 =	simm.s32 @p1 $0x1;
	p0 =	seq.s32 s7, s2  }
0x1e: {  	s7 =	smul.u32 @!p0 $0xF7A, s2;
	p2 =	seq.s32 @!p0 s5, $0x0  }
0x1f: {  	s9 =	smul.u32 $0xF7A, s1;
	s8 =	simm.s32 @!p0 $0x1BF5;
	p2 =	por !p2, p0  }
0x20: {  	[sflag:s8] =	ssyncset.s32 @!p0 $0xFFFFF086;
	s6 =	sadd.s32 @!p0 s3, s7;
	s7 =	simm.s32 @!p0 $0x108  }
0x21: {  	s3 =	sadd.s32 s3, s9;
	s6 =	sadd.s32 @!p0 $0x88, s6;
	s7 =	simm.s32 @p2 $0x1082  }
0x22: {  	[simem:s7], [sflag:s8] =	dma.local @!p0 [hbm:s6], $0xF7A  }
0x23: {  	s9 =	sor.u32 $0xD0000000, s2;
	s6 =	simm.s32 $0x108;
	_ =	swait.ge @!p0 [sflag:s8], $0x0  }
0x24: {  	s3 =	sadd.s32 $0x88, s3;
	s6 =	simm.s32 @!p1 $0x1082;
	[sflag:s4] =	ssyncset.s32 $0xFFFFF086  }
0x25: {  	[simem:s6], [sflag:s4] =	dma.local [hbm:s3], $0xF7A  }
0x26: {  	[smem:$0x3F5B] =	sst s1;
	(tag) =	ssettag s2;
	_ =	strace s9  }
0x27: {  	s1 =	sld [smem:$0x3F6B]  }
0x28: {  	s2 =	sld [smem:$0x3F6C]  }
0x29: {  	s4 =	sld [smem:$0x3F6E]  }
0x2a: {  	p0 =	seq.s32 s5, $0x0;
	s5 =	sld [smem:$0x3F6F]  }
0x2b: {  	s6 =	sld [smem:$0x3F70]  }
0x2c: {  	s7 =	sld [smem:$0x3F71]  }
0x2d: {  	s3 =	simm.s32 $0x108;
	s8 =	sld [smem:$0x3F72]  }
0x2e: {  	s3 =	simm.s32 @!p0 $0x1082;
	s9 =	sld [smem:$0x3F73]  }
0x2f: {  	lr =	sadd.s32 s0, s3;
	s0 =	sld [smem:$0x3F6A]  }
0x30: {  	s3 =	sld [smem:$0x3F6D]  }
0x31: {  	[smem:$0x3F76] =	sst s10  }
0x32: {  	s10 =	sld [smem:$0x3F74];
	_ =	sdelay $0x3  }
0x33: {  	p0 =	seq.s32 s10, $0x1;
	s10 =	sld [smem:$0x3F76];
	_ =	sdelay $0x3  }
0x34: {  	[smem:$0x3F76] =	sst s10  }
0x35: {  	s10 =	sld [smem:$0x3F75];
	_ =	sdelay $0x3  }
0x36: {  	p1 =	seq.s32 s10, $0x1;
	s10 =	sld [smem:$0x3F76];
	_ =	sdelay $0x3  }
0x37: {  	[smem:$0x3F76] =	sst s10  }
0x38: {  	s10 =	sld [smem:$0x3F77]  }
0x39: {  	_ = 	snop;
	(pc) =	sbr.ind lr, $3  }
0x3a: {  	_ = 	snop  }
0x3b: {  	_ = 	snop  }
0x3c: {  	p2 =	seq.s32 s10, $0x1;
	s10 =	sld [smem:$0x3F76]  }
0x3d: {  	_ =	shalt  }
0x3e: {  	_ =	shalt  }
0x3f: {  	_ =	shalt  }
0x40: {  	_ =	shalt  }
0x41: {  	_ =	shalt  }
0x42: {  	_ =	shalt  }
0x43: {  	_ =	shalt  }
0x44: {  	_ =	shalt  }
0x45: {  	_ =	shalt  }
0x46: {  	_ =	shalt  }
0x47: {  	_ =	shalt  }
0x48: {  	_ =	shalt  }
0x49: {  	_ =	shalt  }
0x4a: {  	_ =	shalt  }
0x4b: {  	_ =	shalt  }
0x4c: {  	_ =	shalt  }
0x4d: {  	_ =	shalt  }
0x4e: {  	_ =	shalt  }
0x4f: {  	_ =	shalt  }
0x50: {  	_ =	shalt  }
0x51: {  	_ =	shalt  }
0x52: {  	_ =	shalt  }
0x53: {  	_ =	shalt  }
0x54: {  	_ =	shalt  }
0x55: {  	_ =	shalt  }
0x56: {  	_ =	shalt  }
0x57: {  	_ =	shalt  }
0x58: {  	_ =	shalt  }
0x59: {  	_ =	shalt  }
0x5a: {  	_ =	shalt  }
0x5b: {  	_ =	shalt  }
0x5c: {  	_ =	shalt  }
0x5d: {  	_ =	shalt  }
0x5e: {  	_ =	shalt  }
0x5f: {  	_ =	shalt  }
0x60: {  	_ =	shalt  }
0x61: {  	_ =	shalt  }
0x62: {  	_ =	shalt  }
0x63: {  	_ =	shalt  }
0x64: {  	_ =	shalt  }
0x65: {  	_ =	shalt  }
0x66: {  	_ =	shalt  }
0x67: {  	_ =	shalt  }
0x68: {  	_ =	shalt  }
0x69: {  	_ =	shalt  }
0x6a: {  	_ =	shalt  }
0x6b: {  	_ =	shalt  }
0x6c: {  	_ =	shalt  }
0x6d: {  	_ =	shalt  }
0x6e: {  	_ =	shalt  }
0x6f: {  	_ =	shalt  }
0x70: {  	_ =	shalt  }
0x71: {  	_ =	shalt  }
0x72: {  	_ =	shalt  }
0x73: {  	_ =	shalt  }
0x74: {  	_ =	shalt  }
0x75: {  	_ =	shalt  }
0x76: {  	_ =	shalt  }
0x77: {  	_ =	shalt  }
0x78: {  	_ =	shalt  }
0x79: {  	_ =	shalt  }
0x7a: {  	_ =	shalt  }
0x7b: {  	_ =	shalt  }
0x7c: {  	_ =	shalt  }
0x7d: {  	_ =	shalt  }
0x7e: {  	_ =	shalt  }
0x7f: {  	_ =	shalt  }
0x80: {  	_ =	shalt  }
0x81: {  	_ =	shalt  }
0x82: {  	_ =	shalt  }
0x83: {  	_ =	shalt  }
0x84: {  	_ =	shalt  }
0x85: {  	_ =	shalt  }
0x86: {  	_ =	shalt  }
0x87: {  	_ =	shalt  }
.Lfunc_end0:
.L_simem_size_0:
called_computation.6_lowered:
.L_overlay_start_0:
0x88: {  	s2 =	sld [smem:$0x3FD9]  }
0x89: {  	s3 =	sld [smem:$0x3FFE];
	_ =	sdelay $0x1  }
0x8a: {  	s1 =	srdreg.scid  }
0x8b: {  	s0 =	sand.u32 $0x1, s1  }
0x8c: {  	s16 =	sshll.u32 s0, $0xA;
	s2 =	sadd.s32 s3, s2  }
0x8d: {  	s2 =	sadd.s32 s2, s16  }
0x8e: {  	[smem:$0x3F82] =	sst s2  }
0x8f: {  	_ = 	snop  }
0x90: {  	(tm) =	ssettm $0x1  }
0x91: {  	s17 =	sld [smem:$0x3FFB];
	_ =	sdelay $0x3  }
0x92: {  	_ =	strace s17  }
0x93: {  	s2 =	sld [smem:$0x3FFC];
	_ =	sdelay $0x3  }
0x94: {  	_ =	strace s2  }
0x95: {  	s2 =	sld [smem:$0x3FFD];
	_ =	sdelay $0x3  }
0x96: {  	_ =	strace s2  }
0x97: {  	_ =	strace $0x8FFFFFFF  }
0x98: {  	s18 =	sld [smem:$0x3FDB];
	_ =	sdelay $0x1  }
0x99: {  	s19 =	simm.s32 $_scs_section_size  }
0x9a: {  	s4 =	simm.s32 $_size__tile_overlayer_lowered;
	s5 =	simm.s32 $_tile_overlayer_lowered  }
0x9b: {  	s22 =	simm.s32 $0x1BFF;
	s21 =	sshll.u32 s5, $0x1;
	s2 =	sadd.s32 s19, s18  }
0x9c: {  	s6 =	simm.s32 $0x0;
	s20 =	sshll.u32 s4, $0x1;
	s4 =	sadd.s32 s21, s2  }
0x9d: {  	[timem:s6], [sflag:s22] =	dma.local [hbm:s4], s20  }
0x9e: {  	_ =	swait.ge [sflag:s22], s20  }
0x9f: {  	s3 =	ssub.s32 $0x0, s20;
	[sflag:s22] =	ssyncset.done $0x0  }
0xa0: {  	[sflag:s22] =	ssyncadd.s32 s3;
	_ =	sdelay $0x1  }
0xa1: {  	s23 =	simm.s32 $0x1B8B  }
0xa2: {  	_ =	swait.ge [sflag:s23], $0x1  }
0xa3: {  	[sflag:s23] =	ssyncset.done $0x0  }
0xa4: {  	s25 =	simm.s32 $0x1B8E;
	s24 =	sld [smem:$0x3FFE];
	[sflag:s23] =	ssyncadd.s32 $0xFFFFFFFF  }
0xa5: {  	s26 =	simm.s32 $execute0_lowered;
	[smem:$0x3FD2] =	sst s25  }
0xa6: {  	s4 =	sshll.u32 s26, $0x1;
	_ =	strace $0x80000058;
	[dreg:$0x1] =	wrdreg $0xFFFFFFFF  }
0xa7: {  	s28 =	simm.s32 $_size_execute0_lowered;
	s2 =	sadd.s32 s2, s4;
	[dreg:$0x0] =	wrdreg $0x0  }
0xa8: {  	s4 =	sshll.u32 s28, $0x1;
	[dreg:$0x2] =	wrdreg s2  }
0xa9: {  	[dreg:$0x3] =	wrdreg s4  }
0xaa: {  	[dreg:$0x4] =	wrdreg $0xC0  }
0xab: {  	_ =	task [dreg:s6], $0x5FFFF  }
0xac: {  	[dreg:$0x1] =	wrdreg $0xFFFFFFFF  }
0xad: {  	[dreg:$0x0] =	wrdreg $0x60  }
0xae: {  	[dreg:$0x2] =	wrdreg s24  }
0xaf: {  	[dreg:$0x3] =	wrdreg $0x9  }
0xb0: {  	_ =	task.clear_ibuf [dreg:s6], $0x4FFFF;
	_ =	strace $0x90000058  }
0xb1: {  	s29 =	simm.s32 $0x9;
	_ =	strace $0x8000005A  }
0xb2: {  	_ =	swait.ge [sflag:s29], $0x1  }
0xb3: {  	[sflag:s29] =	ssyncadd.s32 $0xFFFFFFFF  }
0xb4: {  	_ =	strace $0x9000005A  }
0xb5: {  	_ =	sfence  }
0xb6: {  	s30 =	sld [smem:$0x0];
	_ =	sdelay $0x2  }
0xb7: {  	s31 =	sshll.u32 s1, $0xD;
	s1 =	sshrl.u32 s1, $0x2  }
0xb8: {  	s3 =	sand.u32 $0x4000, s31;
	s1 =	sadd.s32 s1, s30  }
0xb9: {  	s0 =	sor.u32 s3, s0;
	s1 =	sshll.u32 s1, $0x11  }
0xba: {  	s0 =	sor.u32 s1, s0  }
0xbb: {  	s0 =	sadd.s32 $0x8F2B, s0  }
0xbc: {  	[sflag:s0] =	ssyncadd.remote.s32 $0x1  }
0xbd: {  	_ =	sfence.sel $0xFFFF  }
0xbe: {  	[dreg:$0x0] =	wrdreg $0xFFFFFFFF;
	(pc) =	sbr.abs _section_cstart, $3  }
0xbf: {  	[dreg:$0x1] =	wrdreg $0xFFFFFFFF  }
0xc0: {  	_ =	task.clear_ibuf [dreg:s6], $0x2FFFF;
	_ =	strace $0x9FFFFFFF  }
0xc1: {  	(tm) =	ssettm $0x7FFFFFFF  }
tec
execute0_lowered:
.L_overlay_start_1:
0x0: {  	(tag) =	ssettag $0x1  }
0x1: {  	s1 =	srdreg.scid;
	s0 =	stileid.u32  }
0x2: {  	s5 =	rddreg [dreg:$0x0];
	s2 =	simm.s32 $0x0;
	s9 =	simm.s32 $0x27  }
0x3: {  	s21 =	simm.s32 $0x5000;
	s22 =	simm.s32 $0x6400;
	s23 =	simm.s32 $0x1  }
0x4: {  	s28 =	simm.s32 $0x0;
	s12 =	sand.u32 $0x1, s1;
	s24 =	sshll.u32 s0, $0x1  }
0x5: {  	[smem:$0x7FF] =	sst s2;
	s14 =	sadd.s32 $0x131E00, s5;
	s15 =	sadd.s32 $0x6E800, s5  }
0x6: {  	p0 =	seq.s32 s0, $0x0;
	s17 =	smul.u32 $0xC300, s0;
	s3 =	sor.u32 s12, s24  }
0x7: {  	_ =	strace $0x80000059;
	s25 =	ssub.s32 $0x2, s12;
	s18 =	smul.u32 $0x6180, s12  }
0x8: {  	s9 =	simm.s32 @!p0 $0x26;
	s24 =	simm.s32 $0x2;
	s4 =	smul.u32 $0x27, s3  }
0x9: {  	s13 =	smin.u32 s3, $0x2;
	s3 =	sadd.s32 $0x31000, s5;
	s8 =	sshrl.u32 s25, $0x1  }
0xa: {  	s19 =	sadd.s32 s17, s14;
	s30 =	sadd.s32 s17, s15;
	s8 =	ssub.s32 s25, s8  }
0xb: {  	s20 =	smul.u32 $0x280, s13;
	s31 =	sadd.s32 s18, s19;
	s17 =	sadd.s32 s18, s30  }
0xc: {  	s18 =	simm.s32 $0x2800;
	s19 =	simm.s32 $0x3C00;
	s7 =	sadd.s32 s13, s4  }
0xd: {  	s25 =	simm.s32 $0x3;
	s4 =	sadd.s32 $0x24C00, s5;
	s6 =	sshll.u32 s7, $0x4  }
0xe: {  	s10 =	smul.u32 $0x280, s7;
	s11 =	sadd.s32 s7, s9;
	s7 =	smax.u32 s8, $0x1  }
0xf: {  	s8 =	sshll.u32 s9, $0x7;
	s6 =	sadd.s32 s6, s5;
	s16 =	smul.u32 $0x280, s11  }
0x10: {  	s9 =	sadd.s32 $0x1400, s8;
	s26 =	sadd.s32 $0x64800, s6;
	s29 =	sadd.s32 $0x5F00, s10  }
0x11: {  	s6 =	sadd.s32 $0x69800, s6;
	[dreg:$0x2] =	wrdreg s26;
	s10 =	sadd.s32 s14, s29  }
0x12: {  	s11 =	sadd.s32 s15, s29;
	s12 =	sadd.s32 s14, s16;
	s13 =	sadd.s32 s15, s16  }
0x13: {  	s14 =	sadd.s32 s20, s31;
	s15 =	sadd.s32 s20, s17;
	s16 =	simm.s32 $0x5  }
0x14: {  	s17 =	simm.s32 $0x1400;
	s20 =	simm.s32 $0x80;
	s26 =	simm.s32 $0x4  }
.LBB2_1:
0x15: {  	s0 =	rddreg [dreg:$0x2]  }
0x16: {  	[tilespmem:s2], [sflag:$0x5] =	stream.linear.gather [hbm4b:s0+s2], $0x1400, $0x38;
	[tilespmem:$0x7800] =	vst v63  }
0x17: {  	_ =	swait.ge [sflag:s16], $0x1400  }
0x18: {  	[sflag:s16] =	ssyncset.done $0x0  }
0x19: {  	[sflag:s16] =	ssyncadd.s32 $0xFFFFEC00  }
0x1a: {  	[tilespmem:s17], [sflag:$0x5] =	stream.linear.gather [hbm4b:s6+s2], $0x1400, $0x38;
	[tilespmem:$0x7800] =	vst v63  }
0x1b: {  	_ =	swait.ge [sflag:s16], $0x1400  }
0x1c: {  	[sflag:s16] =	ssyncset.done $0x0  }
0x1d: {  	[sflag:s16] =	ssyncadd.s32 $0xFFFFEC00  }
0x1e: {  	[tilespmem:s18], [sflag:$0x1] =	stream.indirect.gather [hbm4b:s3+s20], $0x28, s2, s20, $0xb8;
	[tilespmem:$0x7800] =	vst v63  }
0x1f: {  	_ = 	snop  }
0x20: {  	[tilespmem:s19], [sflag:$0x2] =	stream.indirect.gather [hbm4b:s4+s20], $0x28, s17, s20, $0xb8;
	[tilespmem:$0x7800] =	vst v63  }
0x21: {  	_ = 	snop  }
0x22: {  	[tilespmem:s21], [sflag:$0x3] =	stream.indirect.gather [hbm4b:s3+s20], $0x28, s20, s20, $0xb8;
	[tilespmem:$0x7800] =	vst v63  }
0x23: {  	s29 =	simm.s32 $0x1480  }
0x24: {  	[tilespmem:s22], [sflag:$0x4] =	stream.indirect.gather [hbm4b:s4+s20], $0x28, s29, s20, $0xb8;
	[tilespmem:$0x7800] =	vst v63  }
0x25: {  	_ =	swait.ge [sflag:s23], $0x1400  }
0x26: {  	[sflag:s23] =	ssyncset.done $0x0  }
0x27: {  	[sflag:s23] =	ssyncadd.s32 $0xFFFFEC00  }
0x28: {  	_ =	swait.ge [sflag:s24], $0x1400  }
0x29: {  	[sflag:s24] =	ssyncset.done $0x0  }
0x2a: {  	s30 =	sadd.s32 $0x0, s14;
	[sflag:s24] =	ssyncadd.s32 $0xFFFFEC00  }
0x2b: {  	[hbm4b:s30+s2] =	stream.linear.scatter [tilespmem:s18], [sflag:$0x5], $0x1400, $0x38;
	[tilespmem:$0x7800] =	vst v63  }
0x2c: {  	_ =	swait.ge [sflag:s16], $0x1400  }
0x2d: {  	[sflag:s16] =	ssyncset.done $0x0  }
0x2e: {  	s31 =	sadd.s32 $0x0, s15;
	[sflag:s16] =	ssyncadd.s32 $0xFFFFEC00  }
0x2f: {  	[hbm4b:s31+s2] =	stream.linear.scatter [tilespmem:s19], [sflag:$0x5], $0x1400, $0x38;
	[tilespmem:$0x7800] =	vst v63  }
0x30: {  	_ =	swait.ge [sflag:s16], $0x1400  }
0x31: {  	[sflag:s16] =	ssyncset.done $0x0  }
0x32: {  	s1 =	simm.s32 $0x100;
	[sflag:s16] =	ssyncadd.s32 $0xFFFFEC00  }
0x33: {  	[tilespmem:s18], [sflag:$0x1] =	stream.indirect.gather [hbm4b:s3+s20], $0x28, s1, s20, $0xb8;
	[tilespmem:$0x7800] =	vst v63  }
0x34: {  	s5 =	simm.s32 $0x1500  }
0x35: {  	[tilespmem:s19], [sflag:$0x2] =	stream.indirect.gather [hbm4b:s4+s20], $0x28, s5, s20, $0xb8;
	[tilespmem:$0x7800] =	vst v63  }
0x36: {  	_ =	swait.ge [sflag:s25], $0x1400  }
0x37: {  	[sflag:s25] =	ssyncset.done $0x0  }
0x38: {  	[sflag:s25] =	ssyncadd.s32 $0xFFFFEC00  }
0x39: {  	_ =	swait.ge [sflag:s26], $0x1400  }
0x3a: {  	[sflag:s26] =	ssyncset.done $0x0  }
0x3b: {  	s0 =	sadd.s32 $0x280, s30;
	[sflag:s26] =	ssyncadd.s32 $0xFFFFEC00  }
0x3c: {  	[hbm4b:s0+s2] =	stream.linear.scatter [tilespmem:s21], [sflag:$0x5], $0x1400, $0x38;
	[tilespmem:$0x7800] =	vst v63  }
0x3d: {  	_ =	swait.ge [sflag:s16], $0x1400  }
0x3e: {  	[sflag:s16] =	ssyncset.done $0x0  }
0x3f: {  	s5 =	sadd.s32 $0x280, s31;
	[sflag:s16] =	ssyncadd.s32 $0xFFFFEC00  }
0x40: {  	[hbm4b:s5+s2] =	stream.linear.scatter [tilespmem:s22], [sflag:$0x5], $0x1400, $0x38;
	[tilespmem:$0x7800] =	vst v63  }
0x41: {  	_ =	swait.ge [sflag:s16], $0x1400  }
0x42: {  	s30 =	simm.s32 $0x500;
	s31 =	simm.s32 $0x80;
	[sflag:s16] =	ssyncset.done $0x0  }
.LBB2_2:
0x43: {  	[sflag:s16] =	ssyncadd.s32 $0xFFFFEC00;
	s31 =	sadd.s32 $0x100, s31;
	s29 =	sadd.s32 $0x100, s29  }
0x44: {  	[tilespmem:s21], [sflag:$0x3] =	stream.indirect.gather [hbm4b:s3+s20], $0x28, s31, s20, $0xb8;
	[tilespmem:$0x7800] =	vst v63  }
0x45: {  	p0 =	sne.s32 s30, $0x5A00;
	s1 =	smov.u32 s30;
	s30 =	sadd.s32 $0x500, s30  }
0x46: {  	[tilespmem:s22], [sflag:$0x4] =	stream.indirect.gather [hbm4b:s4+s20], $0x28, s29, s20, $0xb8;
	[tilespmem:$0x7800] =	vst v63  }
0x47: {  	_ =	swait.ge [sflag:s23], $0x1400  }
0x48: {  	[sflag:s23] =	ssyncset.done $0x0  }
0x49: {  	[sflag:s23] =	ssyncadd.s32 $0xFFFFEC00  }
0x4a: {  	_ =	swait.ge [sflag:s24], $0x1400  }
0x4b: {  	[sflag:s24] =	ssyncset.done $0x0  }
0x4c: {  	s0 =	sadd.s32 s1, s14;
	[sflag:s24] =	ssyncadd.s32 $0xFFFFEC00  }
0x4d: {  	[hbm4b:s0+s2] =	stream.linear.scatter [tilespmem:s18], [sflag:$0x5], $0x1400, $0x38;
	[tilespmem:$0x7800] =	vst v63  }
0x4e: {  	_ =	swait.ge [sflag:s16], $0x1400  }
0x4f: {  	[sflag:s16] =	ssyncset.done $0x0  }
0x50: {  	s1 =	sadd.s32 s1, s15;
	[sflag:s16] =	ssyncadd.s32 $0xFFFFEC00  }
0x51: {  	[hbm4b:s1+s2] =	stream.linear.scatter [tilespmem:s19], [sflag:$0x5], $0x1400, $0x38;
	[tilespmem:$0x7800] =	vst v63  }
0x52: {  	_ =	swait.ge [sflag:s16], $0x1400  }
0x53: {  	[sflag:s16] =	ssyncset.done $0x0  }
0x54: {  	s5 =	sadd.s32 $0x80, s31;
	[sflag:s16] =	ssyncadd.s32 $0xFFFFEC00  }
0x55: {  	[tilespmem:s18], [sflag:$0x1] =	stream.indirect.gather [hbm4b:s3+s20], $0x28, s5, s20, $0xb8;
	[tilespmem:$0x7800] =	vst v63  }
0x56: {  	s5 =	sadd.s32 $0x80, s29  }
0x57: {  	[tilespmem:s19], [sflag:$0x2] =	stream.indirect.gather [hbm4b:s4+s20], $0x28, s5, s20, $0xb8;
	[tilespmem:$0x7800] =	vst v63  }
0x58: {  	_ =	swait.ge [sflag:s25], $0x1400  }
0x59: {  	[sflag:s25] =	ssyncset.done $0x0  }
0x5a: {  	[sflag:s25] =	ssyncadd.s32 $0xFFFFEC00  }
0x5b: {  	_ =	swait.ge [sflag:s26], $0x1400  }
0x5c: {  	[sflag:s26] =	ssyncset.done $0x0  }
0x5d: {  	s0 =	sadd.s32 $0x280, s0;
	[sflag:s26] =	ssyncadd.s32 $0xFFFFEC00  }
0x5e: {  	[hbm4b:s0+s2] =	stream.linear.scatter [tilespmem:s21], [sflag:$0x5], $0x1400, $0x38;
	[tilespmem:$0x7800] =	vst v63  }
0x5f: {  	_ =	swait.ge [sflag:s16], $0x1400  }
.Ltmp0:
0x60: {  	[sflag:s16] =	ssyncset.done $0x0;
	(pc) =	sbr.rel @p0 .LBB2_2-.Ltmp0, $4  }
0x61: {  	s0 =	sadd.s32 $0x280, s1;
	[sflag:s16] =	ssyncadd.s32 $0xFFFFEC00  }
0x62: {  	[hbm4b:s0+s2] =	stream.linear.scatter [tilespmem:s22], [sflag:$0x5], $0x1400, $0x38;
	[tilespmem:$0x7800] =	vst v63  }
0x63: {  	_ =	swait.ge [sflag:s16], $0x1400  }
0x64: {  	[sflag:s16] =	ssyncset.done $0x0  }
0x65: {  	[sflag:s16] =	ssyncadd.s32 $0xFFFFEC00  }
0x66: {  	[tilespmem:s21], [sflag:$0x3] =	stream.indirect.gather [hbm4b:s3+s20], $0x28, s8, s20, $0xb8;
	[tilespmem:$0x7800] =	vst v63  }
0x67: {  	_ = 	snop  }
0x68: {  	[tilespmem:s22], [sflag:$0x4] =	stream.indirect.gather [hbm4b:s4+s20], $0x28, s9, s20, $0xb8;
	[tilespmem:$0x7800] =	vst v63  }
0x69: {  	_ =	swait.ge [sflag:s23], $0x1400  }
0x6a: {  	[sflag:s23] =	ssyncset.done $0x0  }
0x6b: {  	[sflag:s23] =	ssyncadd.s32 $0xFFFFEC00  }
0x6c: {  	_ =	swait.ge [sflag:s24], $0x1400  }
0x6d: {  	[sflag:s24] =	ssyncset.done $0x0  }
0x6e: {  	[sflag:s24] =	ssyncadd.s32 $0xFFFFEC00  }
0x6f: {  	[hbm4b:s10+s2] =	stream.linear.scatter [tilespmem:s18], [sflag:$0x5], $0x1400, $0x38;
	[tilespmem:$0x7800] =	vst v63  }
0x70: {  	_ =	swait.ge [sflag:s16], $0x1400  }
0x71: {  	[sflag:s16] =	ssyncset.done $0x0  }
0x72: {  	[sflag:s16] =	ssyncadd.s32 $0xFFFFEC00  }
0x73: {  	[hbm4b:s11+s2] =	stream.linear.scatter [tilespmem:s19], [sflag:$0x5], $0x1400, $0x38;
	[tilespmem:$0x7800] =	vst v63  }
0x74: {  	_ =	swait.ge [sflag:s16], $0x1400  }
0x75: {  	[sflag:s16] =	ssyncset.done $0x0  }
0x76: {  	[sflag:s16] =	ssyncadd.s32 $0xFFFFEC00  }
0x77: {  	_ =	swait.ge [sflag:s25], $0x1400  }
0x78: {  	[sflag:s25] =	ssyncset.done $0x0  }
0x79: {  	[sflag:s25] =	ssyncadd.s32 $0xFFFFEC00  }
0x7a: {  	_ =	swait.ge [sflag:s26], $0x1400  }
0x7b: {  	[sflag:s26] =	ssyncset.done $0x0  }
0x7c: {  	[sflag:s26] =	ssyncadd.s32 $0xFFFFEC00  }
0x7d: {  	[hbm4b:s12+s2] =	stream.linear.scatter [tilespmem:s21], [sflag:$0x5], $0x1400, $0x38;
	[tilespmem:$0x7800] =	vst v63  }
0x7e: {  	s28 =	sadd.s32 $0x1, s28;
	_ =	swait.ge [sflag:s16], $0x1400  }
0x7f: {  	p0 =	sne.s32 s28, s7;
	[sflag:s16] =	ssyncset.done $0x0  }
.Ltmp1:
0x80: {  	[sflag:s16] =	ssyncadd.s32 $0xFFFFEC00;
	(pc) =	sbr.rel @p0 .LBB2_1-.Ltmp1, $4  }
0x81: {  	[hbm4b:s13+s2] =	stream.linear.scatter [tilespmem:s22], [sflag:$0x5], $0x1400, $0x38;
	[tilespmem:$0x7800] =	vst v63  }
0x82: {  	_ =	swait.ge [sflag:s16], $0x1400  }
0x83: {  	[sflag:s16] =	ssyncset.done $0x0  }
0x84: {  	[sflag:s16] =	ssyncadd.s32 $0xFFFFEC00  }
0x85: {  	_ =	sfence.sel $0x180000  }
0x86: {  	[bflag:$0x0] =	sbarrier.arrive $0xFFFF  }
0x87: {  	_ =	strace $0x90000059  }
0x88: {  	s0 =	stileid.u32;
	[bflag:$0x2] =	sbarrier.arrive $0xFFFF  }
0x89: {  	p0 =	sne.s32 s0, $0x0;
	s0 =	rddreg [dreg:$0x1]  }
0x8a: {  	s0 =	sadd.s32 @!p0 $0x100000, s0  }
0x8b: {  	[sflag:s0] =	ssyncadd.tile.s32 @!p0 $0x1;
	_ =	shalt  }
.Lfunc_end2:
_tile_overlayer_lowered:
.L_overlay_start_2:
0x8c: {  	(tag) =	ssettag $0x2  }
0x8d: {  	s0 =	rddreg [dreg:$0x0];
	s2 =	stileid.u32  }
0x8e: {  	s1 =	rddreg [dreg:$0x1];
	p0 =	sne.s32 s2, $0x0  }
0x8f: {  	s3 =	rddreg [dreg:$0x2];
	[bflag:$0x3] =	sbarrier.arrive $0xFFFF;
	s2 =	simm.s32 @!p0 $0x1C05  }
0x90: {  	[timem:s3], [sflag:s2] =	dma.local @!p0 [hbm:s0], s1  }
0x91: {  	s0 =	simm.s32 @!p0 $0x5  }
0x92: {  	_ =	swait.ge @!p0 [sflag:s0], s1  }
0x93: {  	s1 =	ssub.s32 @!p0 $0x0, s1;
	[sflag:s0] =	ssyncset.done @!p0 $0x0  }
0x94: {  	[sflag:s0] =	ssyncadd.s32 @!p0 s1  }
0x95: {  	[bflag:$0x3] =	sbarrier.arrive $0xFFFF  }
0x96: {  	_ =	shalt  }

// kernel: kernel.35.cloned.1.call-start
scs
__scs_entry_jumppad:
0x0: {  	(pc) =	sbr.rel $0x88, $3  }
0x1: {  	(tag) =	ssettag $0x0;
	lr =	simm.s32 $0x1  }
0x2: {  	[smem:$0x3F5B] =	sst lr;
	_ =	strace $0xD0000000  }
0x3: {  	_ = 	snop  }
0x4: {  	_ = 	snop  }
0x5: {  	_ = 	snop  }
0x6: {  	_ = 	snop  }
0x7: {  	_ = 	snop  }
__scs_overlays_trampoline_lowered:
0x8: {  	[smem:$0x3F6A] =	sst s0  }
0x9: {  	[smem:$0x3F6B] =	sst s1  }
0xa: {  	[smem:$0x3F6C] =	sst s2  }
0xb: {  	[smem:$0x3F6D] =	sst s3  }
0xc: {  	[smem:$0x3F6E] =	sst s4  }
0xd: {  	[smem:$0x3F6F] =	sst s5  }
0xe: {  	[smem:$0x3F70] =	sst s6  }
0xf: {  	[smem:$0x3F71] =	sst s7  }
0x10: {  	[smem:$0x3F72] =	sst s8  }
0x11: {  	[smem:$0x3F73] =	sst s9;
	s0 =	simm.s32 @!p0 $0x0  }
0x12: {  	s1 =	sld [smem:$0x3F59];
	s0 =	simm.s32 @p0 $0x1  }
0x13: {  	[smem:$0x3F74] =	sst s0;
	s0 =	simm.s32 @!p1 $0x0  }
0x14: {  	s2 =	sld [smem:$0x3F58];
	s0 =	simm.s32 @p1 $0x1  }
0x15: {  	[smem:$0x3F75] =	sst s0;
	s0 =	simm.s32 @!p2 $0x0  }
0x16: {  	s3 =	sld [smem:$0x3FDB];
	s0 =	simm.s32 @p2 $0x1  }
0x17: {  	s4 =	simm.s32 $0x1BF5;
	[smem:$0x3F77] =	sst s0  }
0x18: {  	s0 =	sld [smem:$0x3F5A];
	_ =	swait.ge [sflag:s4], $0x0  }
0x19: {  	s7 =	sld [smem:$0x3F5B]  }
0x1a: {  	s8 =	sadd.s32 $0xFFFFE003, lr  }
0x1b: {  	s9 =	sadd.s32 $0xFFFFFEF7, lr;
	s5 =	simm.s32 $0xFFFFFFFF;
	p2 =	slt.u32 s8, $0xFFFFF086  }
0x1c: {  	p1 =	slt.u32 s9, $0xF7A;
	s5 =	simm.s32 @!p2 $0x0  }
0x1d: {  	s5 =	simm.s32 @p1 $0x1;
	p0 =	seq.s32 s7, s2  }
0x1e: {  	s7 =	smul.u32 @!p0 $0xF7A, s2;
	p2 =	seq.s32 @!p0 s5, $0x0  }
0x1f: {  	s9 =	smul.u32 $0xF7A, s1;
	s8 =	simm.s32 @!p0 $0x1BF5;
	p2 =	por !p2, p0  }
0x20: {  	[sflag:s8] =	ssyncset.s32 @!p0 $0xFFFFF086;
	s6 =	sadd.s32 @!p0 s3, s7;
	s7 =	simm.s32 @!p0 $0x108  }
0x21: {  	s3 =	sadd.s32 s3, s9;
	s6 =	sadd.s32 @!p0 $0x88, s6;
	s7 =	simm.s32 @p2 $0x1082  }
0x22: {  	[simem:s7], [sflag:s8] =	dma.local @!p0 [hbm:s6], $0xF7A  }
0x23: {  	s9 =	sor.u32 $0xD0000000, s2;
	s6 =	simm.s32 $0x108;
	_ =	swait.ge @!p0 [sflag:s8], $0x0  }
0x24: {  	s3 =	sadd.s32 $0x88, s3;
	s6 =	simm.s32 @!p1 $0x1082;
	[sflag:s4] =	ssyncset.s32 $0xFFFFF086  }
0x25: {  	[simem:s6], [sflag:s4] =	dma.local [hbm:s3], $0xF7A  }
0x26: {  	[smem:$0x3F5B] =	sst s1;
	(tag) =	ssettag s2;
	_ =	strace s9  }
0x27: {  	s1 =	sld [smem:$0x3F6B]  }
0x28: {  	s2 =	sld [smem:$0x3F6C]  }
0x29: {  	s4 =	sld [smem:$0x3F6E]  }
0x2a: {  	p0 =	seq.s32 s5, $0x0;
	s5 =	sld [smem:$0x3F6F]  }
0x2b: {  	s6 =	sld [smem:$0x3F70]  }
0x2c: {  	s7 =	sld [smem:$0x3F71]  }
0x2d: {  	s3 =	simm.s32 $0x108;
	s8 =	sld [smem:$0x3F72]  }
0x2e: {  	s3 =	simm.s32 @!p0 $0x1082;
	s9 =	sld [smem:$0x3F73]  }
0x2f: {  	lr =	sadd.s32 s0, s3;
	s0 =	sld [smem:$0x3F6A]  }
0x30: {  	s3 =	sld [smem:$0x3F6D]  }
0x31: {  	[smem:$0x3F76] =	sst s10  }
0x32: {  	s10 =	sld [smem:$0x3F74];
	_ =	sdelay $0x3  }
0x33: {  	p0 =	seq.s32 s10, $0x1;
	s10 =	sld [smem:$0x3F76];
	_ =	sdelay $0x3  }
0x34: {  	[smem:$0x3F76] =	sst s10  }
0x35: {  	s10 =	sld [smem:$0x3F75];
	_ =	sdelay $0x3  }
0x36: {  	p1 =	seq.s32 s10, $0x1;
	s10 =	sld [smem:$0x3F76];
	_ =	sdelay $0x3  }
0x37: {  	[smem:$0x3F76] =	sst s10  }
0x38: {  	s10 =	sld [smem:$0x3F77]  }
0x39: {  	_ = 	snop;
	(pc) =	sbr.ind lr, $3  }
0x3a: {  	_ = 	snop  }
0x3b: {  	_ = 	snop  }
0x3c: {  	p2 =	seq.s32 s10, $0x1;
	s10 =	sld [smem:$0x3F76]  }
0x3d: {  	_ =	shalt  }
0x3e: {  	_ =	shalt  }
0x3f: {  	_ =	shalt  }
0x40: {  	_ =	shalt  }
0x41: {  	_ =	shalt  }
0x42: {  	_ =	shalt  }
0x43: {  	_ =	shalt  }
0x44: {  	_ =	shalt  }
0x45: {  	_ =	shalt  }
0x46: {  	_ =	shalt  }
0x47: {  	_ =	shalt  }
0x48: {  	_ =	shalt  }
0x49: {  	_ =	shalt  }
0x4a: {  	_ =	shalt  }
0x4b: {  	_ =	shalt  }
0x4c: {  	_ =	shalt  }
0x4d: {  	_ =	shalt  }
0x4e: {  	_ =	shalt  }
0x4f: {  	_ =	shalt  }
0x50: {  	_ =	shalt  }
0x51: {  	_ =	shalt  }
0x52: {  	_ =	shalt  }
0x53: {  	_ =	shalt  }
0x54: {  	_ =	shalt  }
0x55: {  	_ =	shalt  }
0x56: {  	_ =	shalt  }
0x57: {  	_ =	shalt  }
0x58: {  	_ =	shalt  }
0x59: {  	_ =	shalt  }
0x5a: {  	_ =	shalt  }
0x5b: {  	_ =	shalt  }
0x5c: {  	_ =	shalt  }
0x5d: {  	_ =	shalt  }
0x5e: {  	_ =	shalt  }
0x5f: {  	_ =	shalt  }
0x60: {  	_ =	shalt  }
0x61: {  	_ =	shalt  }
0x62: {  	_ =	shalt  }
0x63: {  	_ =	shalt  }
0x64: {  	_ =	shalt  }
0x65: {  	_ =	shalt  }
0x66: {  	_ =	shalt  }
0x67: {  	_ =	shalt  }
0x68: {  	_ =	shalt  }
0x69: {  	_ =	shalt  }
0x6a: {  	_ =	shalt  }
0x6b: {  	_ =	shalt  }
0x6c: {  	_ =	shalt  }
0x6d: {  	_ =	shalt  }
0x6e: {  	_ =	shalt  }
0x6f: {  	_ =	shalt  }
0x70: {  	_ =	shalt  }
0x71: {  	_ =	shalt  }
0x72: {  	_ =	shalt  }
0x73: {  	_ =	shalt  }
0x74: {  	_ =	shalt  }
0x75: {  	_ =	shalt  }
0x76: {  	_ =	shalt  }
0x77: {  	_ =	shalt  }
0x78: {  	_ =	shalt  }
0x79: {  	_ =	shalt  }
0x7a: {  	_ =	shalt  }
0x7b: {  	_ =	shalt  }
0x7c: {  	_ =	shalt  }
0x7d: {  	_ =	shalt  }
0x7e: {  	_ =	shalt  }
0x7f: {  	_ =	shalt  }
0x80: {  	_ =	shalt  }
0x81: {  	_ =	shalt  }
0x82: {  	_ =	shalt  }
0x83: {  	_ =	shalt  }
0x84: {  	_ =	shalt  }
0x85: {  	_ =	shalt  }
0x86: {  	_ =	shalt  }
0x87: {  	_ =	shalt  }
.Lfunc_end0:
.L_simem_size_0:
called_computation.7_lowered:
.L_overlay_start_0:
0x88: {  	s2 =	sld [smem:$0x3FD9]  }
0x89: {  	s3 =	sld [smem:$0x3FFE];
	_ =	sdelay $0x1  }
0x8a: {  	s1 =	srdreg.scid  }
0x8b: {  	s0 =	sand.u32 $0x1, s1  }
0x8c: {  	s16 =	sshll.u32 s0, $0xA;
	s2 =	sadd.s32 s3, s2  }
0x8d: {  	s2 =	sadd.s32 s2, s16  }
0x8e: {  	[smem:$0x3F82] =	sst s2  }
0x8f: {  	_ = 	snop  }
0x90: {  	(tm) =	ssettm $0x1  }
0x91: {  	s17 =	sld [smem:$0x3FFB];
	_ =	sdelay $0x3  }
0x92: {  	_ =	strace s17  }
0x93: {  	s2 =	sld [smem:$0x3FFC];
	_ =	sdelay $0x3  }
0x94: {  	_ =	strace s2  }
0x95: {  	s2 =	sld [smem:$0x3FFD];
	_ =	sdelay $0x3  }
0x96: {  	_ =	strace s2  }
0x97: {  	_ =	strace $0x8FFFFFFF  }
0x98: {  	s18 =	sld [smem:$0x3FDB];
	_ =	sdelay $0x1  }
0x99: {  	s19 =	simm.s32 $_scs_section_size  }
0x9a: {  	s4 =	simm.s32 $_size__tile_overlayer_lowered;
	s5 =	simm.s32 $_tile_overlayer_lowered  }
0x9b: {  	s22 =	simm.s32 $0x1BFF;
	s21 =	sshll.u32 s5, $0x1;
	s2 =	sadd.s32 s19, s18  }
0x9c: {  	s6 =	simm.s32 $0x0;
	s20 =	sshll.u32 s4, $0x1;
	s4 =	sadd.s32 s21, s2  }
0x9d: {  	[timem:s6], [sflag:s22] =	dma.local [hbm:s4], s20  }
0x9e: {  	_ =	swait.ge [sflag:s22], s20  }
0x9f: {  	s3 =	ssub.s32 $0x0, s20;
	[sflag:s22] =	ssyncset.done $0x0  }
0xa0: {  	[sflag:s22] =	ssyncadd.s32 s3;
	_ =	sdelay $0x1  }
0xa1: {  	s23 =	simm.s32 $0x1B8B  }
0xa2: {  	_ =	swait.ge [sflag:s23], $0x1  }
0xa3: {  	[sflag:s23] =	ssyncset.done $0x0  }
0xa4: {  	s25 =	simm.s32 $0x1B8E;
	s24 =	sld [smem:$0x3FFE];
	[sflag:s23] =	ssyncadd.s32 $0xFFFFFFFF  }
0xa5: {  	s26 =	simm.s32 $execute0_lowered;
	[smem:$0x3FD2] =	sst s25  }
0xa6: {  	s4 =	sshll.u32 s26, $0x1;
	_ =	strace $0x8000005B;
	[dreg:$0x1] =	wrdreg $0xFFFFFFFF  }
0xa7: {  	s28 =	simm.s32 $_size_execute0_lowered;
	s2 =	sadd.s32 s2, s4;
	[dreg:$0x0] =	wrdreg $0x0  }
0xa8: {  	s4 =	sshll.u32 s28, $0x1;
	[dreg:$0x2] =	wrdreg s2  }
0xa9: {  	[dreg:$0x3] =	wrdreg s4  }
0xaa: {  	[dreg:$0x4] =	wrdreg $0xC0  }
0xab: {  	_ =	task [dreg:s6], $0x5FFFF  }
0xac: {  	[dreg:$0x1] =	wrdreg $0xFFFFFFFF  }
0xad: {  	[dreg:$0x0] =	wrdreg $0x60  }
0xae: {  	[dreg:$0x2] =	wrdreg s24  }
0xaf: {  	[dreg:$0x3] =	wrdreg $0x80000  }
0xb0: {  	[dreg:$0x4] =	wrdreg $0x9  }
0xb1: {  	_ =	task.clear_ibuf [dreg:s6], $0x5FFFF;
	_ =	strace $0x9000005B  }
0xb2: {  	s29 =	simm.s32 $0x9;
	_ =	strace $0x8000005D  }
0xb3: {  	_ =	swait.ge [sflag:s29], $0x1  }
0xb4: {  	[sflag:s29] =	ssyncadd.s32 $0xFFFFFFFF  }
0xb5: {  	_ =	strace $0x9000005D  }
0xb6: {  	_ =	sfence  }
0xb7: {  	s30 =	sld [smem:$0x0];
	_ =	sdelay $0x2  }
0xb8: {  	s31 =	sshll.u32 s1, $0xD;
	s1 =	sshrl.u32 s1, $0x2  }
0xb9: {  	s3 =	sand.u32 $0x4000, s31;
	s1 =	sadd.s32 s1, s30  }
0xba: {  	s0 =	sor.u32 s3, s0;
	s1 =	sshll.u32 s1, $0x11  }
0xbb: {  	s0 =	sor.u32 s1, s0  }
0xbc: {  	s0 =	sadd.s32 $0x8F2B, s0  }
0xbd: {  	[sflag:s0] =	ssyncadd.remote.s32 $0x1  }
0xbe: {  	_ =	sfence.sel $0xFFFF  }
0xbf: {  	[dreg:$0x0] =	wrdreg $0xFFFFFFFF;
	(pc) =	sbr.abs _section_cstart, $3  }
0xc0: {  	[dreg:$0x1] =	wrdreg $0xFFFFFFFF  }
0xc1: {  	_ =	task.clear_ibuf [dreg:s6], $0x2FFFF;
	_ =	strace $0x9FFFFFFF  }
0xc2: {  	(tm) =	ssettm $0x7FFFFFFF  }
0xc3: {  	_ =	shalt  }
tec
execute0_lowered:
.L_overlay_start_1:
0x0: {  	(tag) =	ssettag $0x1  }
0x1: {  	s0 =	srdreg.scid;
	s1 =	rddreg [dreg:$0x0]  }
0x2: {  	s26 =	stileid.u32;
	s2 =	rddreg [dreg:$0x1]  }
0x3: {  	s22 =	simm.s32 $0x27;
	s29 =	simm.s32 $0x4;
	s30 =	simm.s32 $0x0  }
0x4: {  	s0 =	sand.u32 $0x1, s0;
	s3 =	sshll.u32 s26, $0x1;
	s10 =	smul.u32 $0xB400, s26  }
0x5: {  	s18 =	sadd.s32 $0x69800, s1;
	p0 =	seq.s32 s26, $0x0;
	s28 =	smul.u32 $0x15F00, s26  }
0x6: {  	s4 =	sor.u32 s0, s3;
	s3 =	simm.s32 $0x0;
	s21 =	smul.u32 $0xB4000, s0  }
0x7: {  	s8 =	ssub.s32 $0x2, s0;
	s22 =	simm.s32 @!p0 $0x26;
	s0 =	smul.u32 $0xAF80, s0  }
0x8: {  	s5 =	smul.u32 $0x27, s4;
	[smem:$0x7FF] =	sst s3;
	s15 =	smin.u32 s4, $0x2  }
0x9: {  	s9 =	sshrl.u32 s8, $0x1;
	s14 =	sadd.s32 $0x2400, s10;
	s4 =	sadd.s32 s10, s2  }
0xa: {  	s16 =	sadd.s32 $0x4800, s10;
	s19 =	sadd.s32 $0x6C00, s10;
	s20 =	sadd.s32 $0x9000, s10  }
0xb: {  	_ =	strace $0x8000005C;
	s17 =	ssub.s32 s8, s9;
	s6 =	sadd.s32 s16, s2  }
0xc: {  	s8 =	sadd.s32 s19, s2;
	s9 =	sadd.s32 s20, s2;
	s23 =	sadd.s32 s10, s21  }
0xd: {  	s16 =	sadd.s32 s21, s16;
	s25 =	sadd.s32 s21, s19;
	s20 =	sadd.s32 s21, s20  }
0xe: {  	s19 =	sadd.s32 s28, s18;
	s31 =	smul.u32 $0x480, s15;
	s13 =	sadd.s32 s15, s5  }
0xf: {  	s5 =	sadd.s32 s14, s2;
	s23 =	sshrl.u32 s23, $0x3;
	s14 =	sadd.s32 s21, s14  }
0x10: {  	s24 =	sshrl.u32 s16, $0x3;
	s16 =	sshrl.u32 s25, $0x3;
	s20 =	sshrl.u32 s20, $0x3  }
0x11: {  	s0 =	sadd.s32 s0, s19;
	s17 =	smax.u32 s17, $0x1;
	s21 =	simm.s32 $0x3  }
0x12: {  	s25 =	simm.s32 $0x2;
	s7 =	sshll.u32 s13, $0x4;
	s12 =	smul.u32 $0x480, s13  }
0x13: {  	s14 =	sshrl.u32 s14, $0x3;
	s22 =	sadd.s32 s13, s22;
	s0 =	sadd.s32 s31, s0  }
0x14: {  	s11 =	sadd.s32 s7, s1;
	s1 =	sadd.s32 $0x24C00, s1;
	s7 =	simm.s32 $0x28  }
0x15: {  	s22 =	smul.u32 $0x480, s22;
	s19 =	sadd.s32 $0x480, s0;
	s7 =	simm.s32 @!p0 $0x27  }
0x16: {  	s11 =	sadd.s32 $0x64800, s11;
	s12 =	sadd.s32 s18, s12;
	s13 =	sadd.s32 s1, s14  }
0x17: {  	s14 =	sadd.s32 s1, s24;
	s15 =	sadd.s32 s1, s16;
	s16 =	sadd.s32 s1, s20  }
0x18: {  	s20 =	simm.s32 $0x5C00;
	s24 =	simm.s32 $0x1;
	[dreg:$0x3] =	wrdreg s11  }
0x19: {  	p0 =	sne.s32 s26, $0x0;
	[dreg:$0x4] =	wrdreg s12;
	s12 =	sadd.s32 s1, s23  }
0x1a: {  	v0 =	vimm.f32 $0.0e+00;
	s18 =	sadd.s32 s18, s22;
	s22 =	simm.s32 $0x1400;
	s23 =	simm.s32 $0x3800  }
.LBB2_1:
0x1b: {  	s1 =	simm.s32 $0x120;
	s0 =	simm.s32 $0x0  }
.LBB2_2:
0x1c: {  	p1 =	sne.s32 s1, $0x8EE0;
	[tilespmem:s0+$0x5C30] =	vst v0;
	s26 =	smov.u32 s1;
	s1 =	sadd.s32 $0x120, s1  }
.Ltmp0:
0x1d: {  	[tilespmem:s0+$0x5C20] =	vst v0;
	(pc) =	sbr.rel @p1 .LBB2_2-.Ltmp0, $3  }
0x1e: {  	[tilespmem:s0+$0x5C00] =	vst v0  }
0x1f: {  	[tilespmem:s0+$0x5C10] =	vst v0;
	_ =	sdelay $0x1  }
0x20: {  	s0 =	sshra.s32 s26, $0x2  }
0x21: {  	[tilespmem:s0+$0x5C30] =	vst v0  }
0x22: {  	[tilespmem:s0+$0x5C20] =	vst v0  }
0x23: {  	[tilespmem:s0+$0x5C00] =	vst v0  }
0x24: {  	[tilespmem:s0+$0x5C10] =	vst v0  }
0x25: {  	[spmem:s4] =	stream.linear.scatter [tilespmem:s20], [sflag:$0x3], $0x2400, $0x38;
	[tilespmem:$0x13400] =	vst v63  }
0x26: {  	_ =	swait.ge [sflag:s21], $0x2400  }
0x27: {  	[sflag:s21] =	ssyncset.done $0x0  }
0x28: {  	[sflag:s21] =	ssyncadd.s32 $0xFFFFDC00  }
0x29: {  	[spmem:s5] =	stream.linear.scatter [tilespmem:s20], [sflag:$0x3], $0x2400, $0x38;
	[tilespmem:$0x13400] =	vst v63  }
0x2a: {  	_ =	swait.ge [sflag:s21], $0x2400  }
0x2b: {  	[sflag:s21] =	ssyncset.done $0x0  }
0x2c: {  	[sflag:s21] =	ssyncadd.s32 $0xFFFFDC00  }
0x2d: {  	[spmem:s6] =	stream.linear.scatter [tilespmem:s20], [sflag:$0x3], $0x2400, $0x38;
	[tilespmem:$0x13400] =	vst v63  }
0x2e: {  	_ =	swait.ge [sflag:s21], $0x2400  }
0x2f: {  	[sflag:s21] =	ssyncset.done $0x0  }
0x30: {  	[sflag:s21] =	ssyncadd.s32 $0xFFFFDC00  }
0x31: {  	[spmem:s8] =	stream.linear.scatter [tilespmem:s20], [sflag:$0x3], $0x2400, $0x38;
	[tilespmem:$0x13400] =	vst v63  }
0x32: {  	_ =	swait.ge [sflag:s21], $0x2400  }
0x33: {  	[sflag:s21] =	ssyncset.done $0x0  }
0x34: {  	[sflag:s21] =	ssyncadd.s32 $0xFFFFDC00  }
0x35: {  	[spmem:s9] =	stream.linear.scatter [tilespmem:s20], [sflag:$0x3], $0x2400, $0x38;
	[tilespmem:$0x13400] =	vst v63  }
0x36: {  	_ =	swait.ge [sflag:s21], $0x2400  }
0x37: {  	[sflag:s21] =	ssyncset.done $0x0  }
0x38: {  	[sflag:s21] =	ssyncadd.s32 $0xFFFFDC00  }
0x39: {  	[bflag:$0x0] =	sbarrier.arrive $0xFFFF  }
0x3a: {  	s31 =	simm.s32 $0x0;
	s11 =	rddreg [dreg:$0x3]  }
0x3b: {  	[tilespmem:s31], [sflag:$0x3] =	stream.linear.gather [hbm4b:s11+s31], $0x1400, $0x38;
	[tilespmem:$0x13400] =	vst v63  }
0x3c: {  	_ =	swait.ge [sflag:s21], $0x1400  }
0x3d: {  	[sflag:s21] =	ssyncset.done $0x0  }
0x3e: {  	s26 =	rddreg [dreg:$0x4];
	[sflag:s21] =	ssyncadd.s32 $0xFFFFEC00  }
0x3f: {  	[tilespmem:s22], [sflag:$0x1] =	stream.linear.gather [hbm4b:s26+s31], $0x2400, $0x38;
	[tilespmem:$0x13400] =	vst v63  }
0x40: {  	_ = 	snop  }
0x41: {  	[tilespmem:s23], [sflag:$0x2] =	stream.linear.gather [hbm4b:s19+s3], $0x2400, $0x38;
	[tilespmem:$0x13400] =	vst v63  }
0x42: {  	p1 =	sle.u32 s7, $0x0;
	_ =	swait.ge [sflag:s24], $0x2400  }
0x43: {  	s0 =	simm.s32 @!p1 $0x80;
	[sflag:s24] =	ssyncset.done $0x0  }
0x44: {  	s1 =	simm.s32 @!p1 $0x1400;
	s26 =	simm.s32 @!p1 $0x4;
	[sflag:s24] =	ssyncadd.s32 $0xFFFFDC00  }
0x45: {  	[spmem:s2] =	stream.indirect.scatter.add.f32 @!p1 [tilespmem:s1], [sflag:$0x4], $0x48, s31, s0, $0xb8;
	[tilespmem:$0x13400] =	vst v63  }
0x46: {  	_ =	swait.ge @!p1 [sflag:s26], $0x2400  }
0x47: {  	[sflag:s26] =	ssyncset.done @!p1 $0x0  }
0x48: {  	s28 =	sadd.s32 $0x480, s19;
	[sflag:s26] =	ssyncadd.s32 @!p1 $0xFFFFDC00  }
0x49: {  	[tilespmem:s22], [sflag:$0x1] =	stream.linear.gather [hbm4b:s28+s3], $0x2400, $0x38;
	[tilespmem:$0x13400] =	vst v63  }
0x4a: {  	p2 =	sle.u32 s7, $0x1;
	_ =	swait.ge [sflag:s25], $0x2400  }
0x4b: {  	s0 =	simm.s32 @!p2 $0x80;
	[sflag:s25] =	ssyncset.done $0x0  }
0x4c: {  	s1 =	simm.s32 @!p2 $0x3800;
	s26 =	simm.s32 @!p2 $0x80;
	[sflag:s25] =	ssyncadd.s32 $0xFFFFDC00  }
0x4d: {  	[spmem:s2] =	stream.indirect.scatter.add.f32 @!p2 [tilespmem:s1], [sflag:$0x3], $0x48, s0, s26, $0xb8;
	[tilespmem:$0x13400] =	vst v63  }
0x4e: {  	s26 =	simm.s32 @!p2 $0x3  }
0x4f: {  	s1 =	simm.s32 $0x3;
	s0 =	sadd.s32 $0x900, s19;
	_ =	swait.ge @!p2 [sflag:s26], $0x2400  }
.LBB2_4:
0x50: {  	[sflag:s26] =	ssyncset.done @!p2 $0x0  }
0x51: {  	s31 =	sadd.s32 $0x100, s31;
	s28 =	smov.u32 s1;
	s1 =	sadd.s32 $0x2, s1  }
0x52: {  	s10 =	sadd.s32 $0xFFFFFFFF, s28;
	p1 =	sne.s32 s1, $0x27;
	[sflag:s26] =	ssyncadd.s32 @!p2 $0xFFFFDC00  }
0x53: {  	[tilespmem:s23], [sflag:$0x2] =	stream.linear.gather [hbm4b:s0+s3], $0x2400, $0x38;
	[tilespmem:$0x13400] =	vst v63  }
0x54: {  	p2 =	sge.u32 s10, s7;
	_ =	swait.ge [sflag:s24], $0x2400  }
0x55: {  	s10 =	simm.s32 @!p2 $0x80;
	s26 =	simm.s32 @!p2 $0x1400;
	[sflag:s24] =	ssyncset.done $0x0  }
0x56: {  	s11 =	simm.s32 @!p2 $0x4;
	[sflag:s24] =	ssyncadd.s32 $0xFFFFDC00  }
0x57: {  	[spmem:s2] =	stream.indirect.scatter.add.f32 @!p2 [tilespmem:s26], [sflag:$0x4], $0x48, s31, s10, $0xb8;
	[tilespmem:$0x13400] =	vst v63  }
0x58: {  	_ =	swait.ge @!p2 [sflag:s11], $0x2400  }
0x59: {  	s10 =	sadd.s32 $0x480, s0;
	[sflag:s11] =	ssyncset.done @!p2 $0x0  }
0x5a: {  	[sflag:s11] =	ssyncadd.s32 @!p2 $0xFFFFDC00  }
0x5b: {  	[tilespmem:s22], [sflag:$0x1] =	stream.linear.gather [hbm4b:s10+s3], $0x2400, $0x38;
	[tilespmem:$0x13400] =	vst v63  }
.Ltmp1:
0x5c: {  	p2 =	sge.u32 s28, s7;
	_ =	swait.ge [sflag:s25], $0x2400;
	(pc) =	sbr.rel @p1 .LBB2_4-.Ltmp1, $4  }
0x5d: {  	s10 =	sadd.s32 @!p2 $0x80, s31;
	s11 =	simm.s32 @!p2 $0x3800;
	[sflag:s25] =	ssyncset.done $0x0  }
0x5e: {  	s28 =	simm.s32 @!p2 $0x80;
	s26 =	simm.s32 @!p2 $0x3;
	[sflag:s25] =	ssyncadd.s32 $0xFFFFDC00  }
0x5f: {  	[spmem:s2] =	stream.indirect.scatter.add.f32 @!p2 [tilespmem:s11], [sflag:$0x3], $0x48, s10, s28, $0xb8;
	[tilespmem:$0x13400] =	vst v63  }
0x60: {  	s0 =	sadd.s32 $0x900, s0;
	_ =	swait.ge @!p2 [sflag:s26], $0x2400  }
0x61: {  	[sflag:s26] =	ssyncset.done @!p2 $0x0  }
0x62: {  	[sflag:s26] =	ssyncadd.s32 @!p2 $0xFFFFDC00  }
0x63: {  	[tilespmem:s23], [sflag:$0x2] =	stream.linear.gather [hbm4b:s18+s3], $0x2400, $0x38;
	[tilespmem:$0x13400] =	vst v63  }
0x64: {  	_ =	swait.ge [sflag:s24], $0x2400  }
0x65: {  	[sflag:s24] =	ssyncset.done $0x0  }
0x66: {  	s0 =	simm.s32 $0x80;
	s1 =	simm.s32 $0x1300;
	[sflag:s24] =	ssyncadd.s32 $0xFFFFDC00  }
0x67: {  	[spmem:s2] =	stream.indirect.scatter.add.f32 [tilespmem:s22], [sflag:$0x4], $0x48, s1, s0, $0xb8;
	[tilespmem:$0x13400] =	vst v63  }
0x68: {  	_ =	swait.ge [sflag:s29], $0x2400  }
0x69: {  	[sflag:s29] =	ssyncset.done $0x0  }
0x6a: {  	[sflag:s29] =	ssyncadd.s32 $0xFFFFDC00  }
0x6b: {  	_ =	swait.ge [sflag:s25], $0x2400  }
0x6c: {  	s10 =	simm.s32 @!p0 $0x3800;
	[sflag:s25] =	ssyncset.done $0x0  }
0x6d: {  	s0 =	simm.s32 @!p0 $0x80;
	s1 =	simm.s32 @!p0 $0x1380;
	[sflag:s25] =	ssyncadd.s32 $0xFFFFDC00  }
0x6e: {  	[spmem:s2] =	stream.indirect.scatter.add.f32 @!p0 [tilespmem:s10], [sflag:$0x3], $0x48, s1, s0, $0xb8;
	[tilespmem:$0x13400] =	vst v63  }
0x6f: {  	s0 =	simm.s32 @!p0 $0x3  }
0x70: {  	_ =	swait.ge @!p0 [sflag:s0], $0x2400  }
0x71: {  	s1 =	stileid.u32;
	[sflag:s0] =	ssyncset.done @!p0 $0x0  }
0x72: {  	[sflag:s0] =	ssyncadd.s32 @!p0 $0xFFFFDC00;
	s0 =	sshll.u32 s1, $0x6  }
0x73: {  	s10 =	sshrl.u32 s4, $0x3;
	[bflag:$0x0] =	sbarrier.arrive $0xFFFF;
	s0 =	sor.u32 $0x1C03, s0  }
0x74: {  	[hbm:s12], [sflag:s0] =	dma.local [spmem:s10], $0x480  }
0x75: {  	_ =	swait.ge [sflag:s21], $0x480  }
0x76: {  	[sflag:s21] =	ssyncset.done $0x0  }
0x77: {  	s11 =	sshrl.u32 s5, $0x3;
	[sflag:s21] =	ssyncadd.s32 $0xFFFFFB80  }
0x78: {  	[hbm:s13], [sflag:s0] =	dma.local [spmem:s11], $0x480  }
0x79: {  	_ =	swait.ge [sflag:s21], $0x480  }
0x7a: {  	[sflag:s21] =	ssyncset.done $0x0  }
0x7b: {  	s26 =	sshrl.u32 s6, $0x3;
	[sflag:s21] =	ssyncadd.s32 $0xFFFFFB80  }
0x7c: {  	[hbm:s14], [sflag:s0] =	dma.local [spmem:s26], $0x480  }
0x7d: {  	_ =	swait.ge [sflag:s21], $0x480  }
0x7e: {  	[sflag:s21] =	ssyncset.done $0x0  }
0x7f: {  	s28 =	sshrl.u32 s8, $0x3;
	[sflag:s21] =	ssyncadd.s32 $0xFFFFFB80  }
0x80: {  	[hbm:s15], [sflag:s0] =	dma.local [spmem:s28], $0x480  }
0x81: {  	s30 =	sadd.s32 $0x1, s30;
	_ =	swait.ge [sflag:s21], $0x480  }
0x82: {  	p1 =	sne.s32 s30, s17;
	[sflag:s21] =	ssyncset.done $0x0  }
.Ltmp2:
0x83: {  	s31 =	sshrl.u32 s9, $0x3;
	[sflag:s21] =	ssyncadd.s32 $0xFFFFFB80;
	(pc) =	sbr.rel @p1 .LBB2_1-.Ltmp2, $4  }
0x84: {  	[hbm:s16], [sflag:s0] =	dma.local [spmem:s31], $0x480  }
0x85: {  	_ =	swait.ge [sflag:s21], $0x480  }
0x86: {  	[sflag:s21] =	ssyncset.done $0x0  }
0x87: {  	[sflag:s21] =	ssyncadd.s32 $0xFFFFFB80  }
0x88: {  	_ =	sfence.sel $0x180000  }
0x89: {  	[bflag:$0x0] =	sbarrier.arrive $0xFFFF  }
0x8a: {  	_ =	strace $0x9000005C  }
0x8b: {  	[bflag:$0x2] =	sbarrier.arrive $0xFFFF  }
0x8c: {  	s0 =	rddreg [dreg:$0x2]  }
0x8d: {  	s0 =	sadd.s32 @!p0 $0x100000, s0  }
0x8e: {  	[sflag:s0] =	ssyncadd.tile.s32 @!p0 $0x1;
	_ =	shalt  }
.Lfunc_end2:
_tile_overlayer_lowered:
.L_overlay_start_2:
0x8f: {  	(tag) =	ssettag $0x2  }
0x90: {  	s0 =	rddreg [dreg:$0x0];
	s2 =	stileid.u32  }
0x91: {  	s1 =	rddreg [dreg:$0x1];
	p0 =	sne.s32 s2, $0x0  }
0x92: {  	s3 =	rddreg [dreg:$0x2];
	[bflag:$0x3] =	sbarrier.arrive $0xFFFF;
	s2 =	simm.s32 @!p0 $0x1C03  }
0x93: {  	[timem:s3], [sflag:s2] =	dma.local @!p0 [hbm:s0], s1  }
0x94: {  	s0 =	simm.s32 @!p0 $0x3  }
0x95: {  	_ =	swait.ge @!p0 [sflag:s0], s1  }
0x96: {  	s1 =	ssub.s32 @!p0 $0x0, s1;
	[sflag:s0] =	ssyncset.done @!p0 $0x0  }
0x97: {  	[sflag:s0] =	ssyncadd.s32 @!p0 s1  }
0x98: {  	[bflag:$0x3] =	sbarrier.arrive $0xFFFF  }
0x99: {  	_ =	shalt  }

</sc_bundles>
